<compile_context>
chip_gen: v7x
topology: tpu7x:2x2x1
jax: 0.10.2.dev20260603
libtpu: 0.0.44.dev20260713+nightly
codegen_flags: <defaults>
</compile_context>

<pallas_src>
import functools

import jax
import jax.numpy as jnp
from jax import lax
from jax.experimental import pallas as pl
from jax.experimental.pallas import tpu as pltpu
from jax.experimental.pallas import tpu_sc as plsc

NUM_BUCKETS = 1000
EMBED_DIM = 64
BATCH = 4096
L = 26

NCU = 2
NS = 16
ROWS = BATCH // (NCU * NS)
CHUNK = 64
NCHUNK = ROWS // CHUNK
NGRP = CHUNK // 16
TS = EMBED_DIM // 2 + 1
TW = NUM_BUCKETS * TS


def _qr_body(xf_hbm, wcat_hbm, out_hbm, wq_v, wr_v, xs_bufs, qb_v, rb_v,
             out_bufs, sem_q, sem_r, sems_x, sems_o):
    c = lax.axis_index("c")
    s = lax.axis_index("s")
    rbase = (c * NS + s) * ROWS

    cq = pltpu.make_async_copy(wcat_hbm.at[pl.ds(0, TW)], wq_v, sem_q)
    cr = pltpu.make_async_copy(wcat_hbm.at[pl.ds(TW, TW)], wr_v, sem_r)
    cq.start()
    cr.start()
    xcopies = []
    for ch in range(NCHUNK):
        h = pltpu.make_async_copy(
            xf_hbm.at[pl.ds((rbase + ch * CHUNK) * L, CHUNK * L)],
            xs_bufs[ch], sems_x[ch])
        h.start()
        xcopies.append(h)
    cq.wait()
    cr.wait()

    iota = lax.iota(jnp.int32, 16)
    iota_l = iota * L

    ocopies = []
    for ch in range(NCHUNK):
        row0 = rbase + ch * CHUNK
        xs_v = xs_bufs[ch]
        out_v2 = out_bufs[ch]
        xcopies[ch].wait()

        def grp_body(g, _):
            goff = g * 16
            xbase = iota_l + g * (16 * L)

            @plsc.parallel_loop(0, L, unroll=2)
            def _prepass(l):
                xv = plsc.load_gather(xs_v, [xbase + l])
                xf32 = xv.astype(jnp.float32)
                qv = (xf32 * jnp.float32(0.001)).astype(jnp.int32)
                rv = xv - qv * NUM_BUCKETS
                qb_v[pl.ds(l * 16, 16)] = qv * TS
                rb_v[pl.ds(l * 16, 16)] = rv * TS

            for sub in range(4):
                zeros = tuple(jnp.zeros((16,), jnp.float32) for _ in range(16))

                @plsc.parallel_loop(0, L, unroll=2, carry=zeros)
                def _gather(l, accs):
                    qb = qb_v[pl.ds(l * 16, 16)]
                    rb = rb_v[pl.ds(l * 16, 16)]
                    new = list(accs)
                    for rr in range(4):
                        lane = jnp.full((16,), sub * 4 + rr, jnp.int32)
                        qs = jnp.take_along_axis(
                            qb, lane, axis=0, mode="promise_in_bounds") + iota
                        rs = jnp.take_along_axis(
                            rb, lane, axis=0, mode="promise_in_bounds") + iota
                        for h in range(2):
                            wq_h = wq_v.at[pl.ds(16 * h, TW - 16 * h)]
                            wr_h = wr_v.at[pl.ds(16 * h, TW - 16 * h)]
                            gq = plsc.load_gather(wq_h, [qs])
                            gr = plsc.load_gather(wr_h, [rs])
                            prod = plsc.bitcast(gq, jnp.bfloat16) * \
                                plsc.bitcast(gr, jnp.bfloat16)
                            pa, pb = plsc.unpack(
                                prod, format=plsc.PackFormat.INTERLEAVED)
                            k = rr * 4 + 2 * h
                            new[k] = new[k] + pa
                            new[k + 1] = new[k + 1] + pb
                    return tuple(new)

                for rr in range(4):
                    row = goff + sub * 4 + rr
                    out_v2[row, pl.ds(0, 16)] = _gather[rr * 4 + 0]
                    out_v2[row, pl.ds(32, 16)] = _gather[rr * 4 + 1]
                    out_v2[row, pl.ds(16, 16)] = _gather[rr * 4 + 2]
                    out_v2[row, pl.ds(48, 16)] = _gather[rr * 4 + 3]
            return 0

        lax.fori_loop(0, NGRP, grp_body, 0, unroll=False)
        h = pltpu.make_async_copy(
            out_v2, out_hbm.at[pl.ds(row0, CHUNK), :], sems_o[ch])
        h.start()
        ocopies.append(h)

    for h in ocopies:
        h.wait()


@jax.jit
def _qr_embedding(x, Wq, Wr):
    def _pack(W):
        b = W.astype(jnp.bfloat16)
        pair = jnp.stack([b[:, :32], b[:, 32:]], axis=-1)
        w = jax.lax.bitcast_convert_type(pair, jnp.int32)
        return jnp.pad(w, ((0, 0), (0, TS - 32))).ravel()

    wcat = jnp.concatenate([_pack(Wq), _pack(Wr)])
    xf = x.ravel()
    mesh = plsc.VectorSubcoreMesh(
        core_axis_name="c", subcore_axis_name="s", num_cores=NCU)
    kern = functools.partial(
        pl.kernel,
        out_type=jax.ShapeDtypeStruct((BATCH, EMBED_DIM), jnp.float32),
        mesh=mesh,
        compiler_params=pltpu.CompilerParams(
            use_tc_tiling_on_sc=False, needs_layout_passes=False,
            skip_device_barrier=True
        ),
        scratch_types=[
            pltpu.VMEM((TW,), jnp.int32),
            pltpu.VMEM((TW,), jnp.int32),
            [pltpu.VMEM((CHUNK * L,), jnp.int32) for _ in range(NCHUNK)],
            pltpu.VMEM((L * 16,), jnp.int32),
            pltpu.VMEM((L * 16,), jnp.int32),
            [pltpu.VMEM((CHUNK, EMBED_DIM), jnp.float32)
             for _ in range(NCHUNK)],
            pltpu.SemaphoreType.DMA,
            pltpu.SemaphoreType.DMA,
            [pltpu.SemaphoreType.DMA for _ in range(NCHUNK)],
            [pltpu.SemaphoreType.DMA for _ in range(NCHUNK)],
        ],
    )(_qr_body)
    return kern(xf, wcat)


def kernel(x, Wq, Wr):
    return _qr_embedding(x.astype(jnp.int32), Wq, Wr)

# --- scband reference (transcript-rebuilt; emitter-appended) ---
"""Pipeline reference for scband-qrembedding-47957604827397 (READ-ONLY COPY).

The authoritative reference and input builder live on the scoring server;
editing this copy changes nothing except your own understanding.
"""

import jax, jax.numpy as jnp
import numpy as np

NUM_BUCKETS = 1000
EMBED_DIM = 64
BATCH = 4096
L = 26

def setup_inputs(seed: int = 0) -> dict:
    key = jax.random.key(seed)
    k1, k2, k3 = jax.random.split(key, 3)
    x = jax.random.randint(k1, (BATCH, L), 0, 1000000, dtype=jnp.int64) if jax.config.jax_enable_x64 else jax.random.randint(k1, (BATCH, L), 0, 1000000, dtype=jnp.int32)
    # xavier_uniform bound for (num_buckets, embed_dim)
    bound = float(np.sqrt(6.0 / (NUM_BUCKETS + EMBED_DIM)))
    Wq = jax.random.uniform(k2, (NUM_BUCKETS, EMBED_DIM), dtype=jnp.float32, minval=-bound, maxval=bound)
    Wr = jax.random.uniform(k3, (NUM_BUCKETS, EMBED_DIM), dtype=jnp.float32, minval=-bound, maxval=bound)
    return {"x": x, "Wq": Wq, "Wr": Wr}

def reference(x, Wq, Wr):
    quotient_index = jnp.floor_divide(x, NUM_BUCKETS)
    remainder_index = jnp.remainder(x, NUM_BUCKETS)
    quotient_embedding = jnp.take(Wq, quotient_index, axis=0)
    remainder_embedding = jnp.take(Wr, remainder_index, axis=0)
    return jnp.sum(quotient_embedding * remainder_embedding, axis=1)

if __name__ == "__main__":
    import jax
    _d = setup_inputs()
    print(jax.jit(kernel)(*tuple(_d.values())))

</pallas_src>

<mosaic_0001>
#map = affine_map<(d0, d1) -> (0)>
#map1 = affine_map<(d0, d1) -> (0, 0)>
module attributes {stable_mosaic.version = 14 : i64} {
  func.func @_qr_body(%arg0: i32, %arg1: i32, %arg2: memref<106496xi32, #tpu.memory_space<hbm>>, %arg3: memref<66000xi32, #tpu.memory_space<hbm>>, %arg4: memref<4096x64xf32, #tpu.memory_space<hbm>>, %arg5: memref<33000xi32, #tpu.memory_space<vmem>>, %arg6: memref<33000xi32, #tpu.memory_space<vmem>>, %arg7: memref<1664xi32, #tpu.memory_space<vmem>>, %arg8: memref<1664xi32, #tpu.memory_space<vmem>>, %arg9: memref<416xi32, #tpu.memory_space<vmem>>, %arg10: memref<416xi32, #tpu.memory_space<vmem>>, %arg11: memref<64x64xf32, #tpu.memory_space<vmem>>, %arg12: memref<64x64xf32, #tpu.memory_space<vmem>>, %arg13: memref<!tpu.dma_semaphore, #tpu.memory_space<semaphore_mem>>, %arg14: memref<!tpu.dma_semaphore, #tpu.memory_space<semaphore_mem>>, %arg15: memref<!tpu.dma_semaphore, #tpu.memory_space<semaphore_mem>>, %arg16: memref<!tpu.dma_semaphore, #tpu.memory_space<semaphore_mem>>, %arg17: memref<!tpu.dma_semaphore, #tpu.memory_space<semaphore_mem>>, %arg18: memref<!tpu.dma_semaphore, #tpu.memory_space<semaphore_mem>>) attributes {dimension_semantics = [#tpu.dimension_semantics<core_parallel>, #tpu.dimension_semantics<subcore_parallel>], iteration_bounds = array<i64: 2, 16>, scalar_prefetch = 0 : i64, scratch_operands = 14 : i64, tpu.core_type = #tpu.core_type<sc_vector_subcore>, window_params = [{transform_indices = #map}, {transform_indices = #map}, {transform_indices = #map1}]} {
    %mul3A = arith.constant 16 : i32
    %mul3A_0 = arith.muli %arg0, %mul3A : i32
    %add3A = arith.addi %mul3A_0, %arg1 : i32
    %mul3A_1 = arith.constant 128 : i32
    %mul3A_2 = arith.muli %add3A, %mul3A_1 : i32
    %dma_start3A = arith.constant 0 : i32
    %dma_start3A_3 = tpu.memref_slice %arg3[%dma_start3A] : memref<66000xi32, #tpu.memory_space<hbm>> -> memref<33000xi32, #tpu.memory_space<hbm>>
    %dma_start3A_4 = arith.constant 0 : i32
    %dma_start3A_5 = tpu.memref_slice %arg3[%dma_start3A_4] : memref<66000xi32, #tpu.memory_space<hbm>> -> memref<33000xi32, #tpu.memory_space<hbm>>
    tpu.enqueue_dma source(%dma_start3A_5 : memref<33000xi32, #tpu.memory_space<hbm>>) target(%arg5 : memref<33000xi32, #tpu.memory_space<vmem>>) target_semaphore(%arg13 : memref<!tpu.dma_semaphore, #tpu.memory_space<semaphore_mem>>)
    %dma_start3A_6 = arith.constant 33000 : i32
    %dma_start3A_7 = tpu.memref_slice %arg3[%dma_start3A_6] : memref<66000xi32, #tpu.memory_space<hbm>> -> memref<33000xi32, #tpu.memory_space<hbm>>
    %dma_start3A_8 = arith.constant 33000 : i32
    %dma_start3A_9 = tpu.memref_slice %arg3[%dma_start3A_8] : memref<66000xi32, #tpu.memory_space<hbm>> -> memref<33000xi32, #tpu.memory_space<hbm>>
    tpu.enqueue_dma source(%dma_start3A_9 : memref<33000xi32, #tpu.memory_space<hbm>>) target(%arg6 : memref<33000xi32, #tpu.memory_space<vmem>>) target_semaphore(%arg14 : memref<!tpu.dma_semaphore, #tpu.memory_space<semaphore_mem>>)
    %add3A_10 = arith.constant 0 : i32
    %add3A_11 = arith.addi %mul3A_2, %add3A_10 : i32
    %mul3A_12 = arith.constant 26 : i32
    %mul3A_13 = arith.muli %add3A_11, %mul3A_12 : i32
    %dma_start3A_14 = tpu.memref_slice %arg2[%mul3A_13] : memref<106496xi32, #tpu.memory_space<hbm>> -> memref<1664xi32, #tpu.memory_space<hbm>>
    %dma_start3A_15 = tpu.memref_slice %arg2[%mul3A_13] : memref<106496xi32, #tpu.memory_space<hbm>> -> memref<1664xi32, #tpu.memory_space<hbm>>
    tpu.enqueue_dma source(%dma_start3A_15 : memref<1664xi32, #tpu.memory_space<hbm>>) target(%arg7 : memref<1664xi32, #tpu.memory_space<vmem>>) target_semaphore(%arg15 : memref<!tpu.dma_semaphore, #tpu.memory_space<semaphore_mem>>)
    %add3A_16 = arith.constant 64 : i32
    %add3A_17 = arith.addi %mul3A_2, %add3A_16 : i32
    %mul3A_18 = arith.constant 26 : i32
    %mul3A_19 = arith.muli %add3A_17, %mul3A_18 : i32
    %dma_start3A_20 = tpu.memref_slice %arg2[%mul3A_19] : memref<106496xi32, #tpu.memory_space<hbm>> -> memref<1664xi32, #tpu.memory_space<hbm>>
    %dma_start3A_21 = tpu.memref_slice %arg2[%mul3A_19] : memref<106496xi32, #tpu.memory_space<hbm>> -> memref<1664xi32, #tpu.memory_space<hbm>>
    tpu.enqueue_dma source(%dma_start3A_21 : memref<1664xi32, #tpu.memory_space<hbm>>) target(%arg8 : memref<1664xi32, #tpu.memory_space<vmem>>) target_semaphore(%arg16 : memref<!tpu.dma_semaphore, #tpu.memory_space<semaphore_mem>>)
    %dma_wait3A = arith.constant 0 : i32
    %dma_wait3A_22 = tpu.memref_slice %arg3[%dma_wait3A] : memref<66000xi32, #tpu.memory_space<hbm>> -> memref<33000xi32, #tpu.memory_space<hbm>>
    %dma_wait3A_23 = arith.constant 0 : i32
    %dma_wait3A_24 = tpu.memref_slice %arg3[%dma_wait3A_23] : memref<66000xi32, #tpu.memory_space<hbm>> -> memref<33000xi32, #tpu.memory_space<hbm>>
    tpu.wait_dma2 semaphore(%arg13 : memref<!tpu.dma_semaphore, #tpu.memory_space<semaphore_mem>>) src(%dma_wait3A_24 : memref<33000xi32, #tpu.memory_space<hbm>>) dst(%arg5 : memref<33000xi32, #tpu.memory_space<vmem>>)
    %dma_wait3A_25 = arith.constant 33000 : i32
    %dma_wait3A_26 = tpu.memref_slice %arg3[%dma_wait3A_25] : memref<66000xi32, #tpu.memory_space<hbm>> -> memref<33000xi32, #tpu.memory_space<hbm>>
    %dma_wait3A_27 = arith.constant 33000 : i32
    %dma_wait3A_28 = tpu.memref_slice %arg3[%dma_wait3A_27] : memref<66000xi32, #tpu.memory_space<hbm>> -> memref<33000xi32, #tpu.memory_space<hbm>>
    tpu.wait_dma2 semaphore(%arg14 : memref<!tpu.dma_semaphore, #tpu.memory_space<semaphore_mem>>) src(%dma_wait3A_28 : memref<33000xi32, #tpu.memory_space<hbm>>) dst(%arg6 : memref<33000xi32, #tpu.memory_space<vmem>>)
    %iota3A = tpu.iota {dimensions = array<i32: 0>} : vector<16xi32>
    %mul3A_29 = arith.constant 26 : i32
    %mul3A_30 = vector.broadcast %mul3A_29 : i32 to vector<16xi32>
    %mul3A_31 = arith.muli %iota3A, %mul3A_30 : vector<16xi32>
    %add3A_32 = arith.constant 0 : i32
    %add3A_33 = arith.addi %mul3A_2, %add3A_32 : i32
    %dma_wait3A_34 = tpu.memref_slice %arg2[%mul3A_13] : memref<106496xi32, #tpu.memory_space<hbm>> -> memref<1664xi32, #tpu.memory_space<hbm>>
    %dma_wait3A_35 = tpu.memref_slice %arg2[%mul3A_13] : memref<106496xi32, #tpu.memory_space<hbm>> -> memref<1664xi32, #tpu.memory_space<hbm>>
    tpu.wait_dma2 semaphore(%arg15 : memref<!tpu.dma_semaphore, #tpu.memory_space<semaphore_mem>>) src(%dma_wait3A_35 : memref<1664xi32, #tpu.memory_space<hbm>>) dst(%arg7 : memref<1664xi32, #tpu.memory_space<vmem>>)
    %scan3A = arith.constant 0 : i32
    %scan3A_36 = arith.constant 0 : i32
    %scan3A_37 = arith.constant 4 : i32
    %scan3A_38 = arith.addi %scan3A_36, %scan3A_37 : i32
    %scan3A_39 = arith.constant 1 : i32
    %scan3A_40 = scf.for %scan3A_69 = %scan3A_36 to %scan3A_38 step %scan3A_39 iter_args(%scan3A_70 = %scan3A) -> (i32)  : i32 {
      %mul3A_71 = arith.constant 16 : i32
      %mul3A_72 = arith.muli %scan3A_69, %mul3A_71 : i32
      %mul3A_73 = arith.constant 416 : i32
      %mul3A_74 = arith.muli %scan3A_69, %mul3A_73 : i32
      %add3A_75 = vector.broadcast %mul3A_74 : i32 to vector<16xi32>
      %add3A_76 = arith.addi %mul3A_31, %add3A_75 : vector<16xi32>
      %parallel_loop3A = arith.constant 0 : i32
      %parallel_loop3A_77 = arith.constant 26 : i32
      %parallel_loop3A_78 = arith.constant 1 : i32
      scf.for %parallel_loop3A_478 = %parallel_loop3A to %parallel_loop3A_77 step %parallel_loop3A_78  : i32 {
        %parallel_loop3A_479 = vector.broadcast %parallel_loop3A_478 : i32 to vector<16xi32>
        %parallel_loop3A_480 = arith.addi %add3A_76, %parallel_loop3A_479 : vector<16xi32>
        %parallel_loop3A_481 = tpu.vector_load_idx %arg7[%parallel_loop3A_480] : memref<1664xi32, #tpu.memory_space<vmem>>[vector<16xi32>], vector<16xi32>,
        %parallel_loop3A_482 = arith.sitofp %parallel_loop3A_481 : vector<16xi32> to vector<16xf32>
        %parallel_loop3A_483 = arith.constant 1.000000e-03 : f32
        %parallel_loop3A_484 = vector.broadcast %parallel_loop3A_483 : f32 to vector<16xf32>
        %parallel_loop3A_485 = arith.mulf %parallel_loop3A_482, %parallel_loop3A_484 : vector<16xf32>
        %parallel_loop3A_486 = arith.fptosi %parallel_loop3A_485 : vector<16xf32> to vector<16xi32>
        %parallel_loop3A_487 = arith.constant 1000 : i32
        %parallel_loop3A_488 = vector.broadcast %parallel_loop3A_487 : i32 to vector<16xi32>
        %parallel_loop3A_489 = arith.muli %parallel_loop3A_486, %parallel_loop3A_488 : vector<16xi32>
        %parallel_loop3A_490 = arith.subi %parallel_loop3A_481, %parallel_loop3A_489 : vector<16xi32>
        %parallel_loop3A_491 = arith.constant 33 : i32
        %parallel_loop3A_492 = vector.broadcast %parallel_loop3A_491 : i32 to vector<16xi32>
        %parallel_loop3A_493 = arith.muli %parallel_loop3A_486, %parallel_loop3A_492 : vector<16xi32>
        %parallel_loop3A_494 = arith.constant 16 : i32
        %parallel_loop3A_495 = arith.muli %parallel_loop3A_478, %parallel_loop3A_494 : i32
        %parallel_loop3A_496 = arith.index_cast %parallel_loop3A_495 : i32 to index
        %parallel_loop3A_497 = tpu.vector_load %arg9[%parallel_loop3A_496] {strides = array<i32>} : memref<416xi32, #tpu.memory_space<vmem>>, vector<16xi32>,
        tpu.vector_store %arg9[%parallel_loop3A_496], %parallel_loop3A_493 {strides = array<i32>} : memref<416xi32, #tpu.memory_space<vmem>>, vector<16xi32>,
        %parallel_loop3A_498 = arith.constant 33 : i32
        %parallel_loop3A_499 = vector.broadcast %parallel_loop3A_498 : i32 to vector<16xi32>
        %parallel_loop3A_500 = arith.muli %parallel_loop3A_490, %parallel_loop3A_499 : vector<16xi32>
        %parallel_loop3A_501 = arith.constant 16 : i32
        %parallel_loop3A_502 = arith.muli %parallel_loop3A_478, %parallel_loop3A_501 : i32
        %parallel_loop3A_503 = arith.index_cast %parallel_loop3A_502 : i32 to index
        %parallel_loop3A_504 = tpu.vector_load %arg10[%parallel_loop3A_503] {strides = array<i32>} : memref<416xi32, #tpu.memory_space<vmem>>, vector<16xi32>,
        tpu.vector_store %arg10[%parallel_loop3A_503], %parallel_loop3A_500 {strides = array<i32>} : memref<416xi32, #tpu.memory_space<vmem>>, vector<16xi32>,
      } {sc.loop_unroll_factor = 2 : i64, sc.parallel_access}
      %broadcast_in_dim3A = arith.constant 0.000000e+00 : f32
      %broadcast_in_dim3A_79 = vector.broadcast %broadcast_in_dim3A : f32 to vector<16xf32>
      %broadcast_in_dim3A_80 = arith.constant 0.000000e+00 : f32
      %broadcast_in_dim3A_81 = vector.broadcast %broadcast_in_dim3A_80 : f32 to vector<16xf32>
      %broadcast_in_dim3A_82 = arith.constant 0.000000e+00 : f32
      %broadcast_in_dim3A_83 = vector.broadcast %broadcast_in_dim3A_82 : f32 to vector<16xf32>
      %broadcast_in_dim3A_84 = arith.constant 0.000000e+00 : f32
      %broadcast_in_dim3A_85 = vector.broadcast %broadcast_in_dim3A_84 : f32 to vector<16xf32>
      %broadcast_in_dim3A_86 = arith.constant 0.000000e+00 : f32
      %broadcast_in_dim3A_87 = vector.broadcast %broadcast_in_dim3A_86 : f32 to vector<16xf32>
      %broadcast_in_dim3A_88 = arith.constant 0.000000e+00 : f32
      %broadcast_in_dim3A_89 = vector.broadcast %broadcast_in_dim3A_88 : f32 to vector<16xf32>
      %broadcast_in_dim3A_90 = arith.constant 0.000000e+00 : f32
      %broadcast_in_dim3A_91 = vector.broadcast %broadcast_in_dim3A_90 : f32 to vector<16xf32>
      %broadcast_in_dim3A_92 = arith.constant 0.000000e+00 : f32
      %broadcast_in_dim3A_93 = vector.broadcast %broadcast_in_dim3A_92 : f32 to vector<16xf32>
      %broadcast_in_dim3A_94 = arith.constant 0.000000e+00 : f32
      %broadcast_in_dim3A_95 = vector.broadcast %broadcast_in_dim3A_94 : f32 to vector<16xf32>
      %broadcast_in_dim3A_96 = arith.constant 0.000000e+00 : f32
      %broadcast_in_dim3A_97 = vector.broadcast %broadcast_in_dim3A_96 : f32 to vector<16xf32>
      %broadcast_in_dim3A_98 = arith.constant 0.000000e+00 : f32
      %broadcast_in_dim3A_99 = vector.broadcast %broadcast_in_dim3A_98 : f32 to vector<16xf32>
      %broadcast_in_dim3A_100 = arith.constant 0.000000e+00 : f32
      %broadcast_in_dim3A_101 = vector.broadcast %broadcast_in_dim3A_100 : f32 to vector<16xf32>
      %broadcast_in_dim3A_102 = arith.constant 0.000000e+00 : f32
      %broadcast_in_dim3A_103 = vector.broadcast %broadcast_in_dim3A_102 : f32 to vector<16xf32>
      %broadcast_in_dim3A_104 = arith.constant 0.000000e+00 : f32
      %broadcast_in_dim3A_105 = vector.broadcast %broadcast_in_dim3A_104 : f32 to vector<16xf32>
      %broadcast_in_dim3A_106 = arith.constant 0.000000e+00 : f32
      %broadcast_in_dim3A_107 = vector.broadcast %broadcast_in_dim3A_106 : f32 to vector<16xf32>
      %broadcast_in_dim3A_108 = arith.constant 0.000000e+00 : f32
      %broadcast_in_dim3A_109 = vector.broadcast %broadcast_in_dim3A_108 : f32 to vector<16xf32>
      %parallel_loop3A_110 = arith.constant 0 : i32
      %parallel_loop3A_111 = arith.constant 26 : i32
      %parallel_loop3A_112 = arith.constant 1 : i32
      %parallel_loop3A_113:16 = scf.for %parallel_loop3A_478 = %parallel_loop3A_110 to %parallel_loop3A_111 step %parallel_loop3A_112 iter_args(%parallel_loop3A_479 = %broadcast_in_dim3A_79, %parallel_loop3A_480 = %broadcast_in_dim3A_81, %parallel_loop3A_481 = %broadcast_in_dim3A_83, %parallel_loop3A_482 = %broadcast_in_dim3A_85, %parallel_loop3A_483 = %broadcast_in_dim3A_87, %parallel_loop3A_484 = %broadcast_in_dim3A_89, %parallel_loop3A_485 = %broadcast_in_dim3A_91, %parallel_loop3A_486 = %broadcast_in_dim3A_93, %parallel_loop3A_487 = %broadcast_in_dim3A_95, %parallel_loop3A_488 = %broadcast_in_dim3A_97, %parallel_loop3A_489 = %broadcast_in_dim3A_99, %parallel_loop3A_490 = %broadcast_in_dim3A_101, %parallel_loop3A_491 = %broadcast_in_dim3A_103, %parallel_loop3A_492 = %broadcast_in_dim3A_105, %parallel_loop3A_493 = %broadcast_in_dim3A_107, %parallel_loop3A_494 = %broadcast_in_dim3A_109) -> (vector<16xf32>, vector<16xf32>, vector<16xf32>, vector<16xf32>, vector<16xf32>, vector<16xf32>, vector<16xf32>, vector<16xf32>, vector<16xf32>, vector<16xf32>, vector<16xf32>, vector<16xf32>, vector<16xf32>, vector<16xf32>, vector<16xf32>, vector<16xf32>)  : i32 {
        %parallel_loop3A_495 = arith.constant 16 : i32
        %parallel_loop3A_496 = arith.muli %parallel_loop3A_478, %parallel_loop3A_495 : i32
        %parallel_loop3A_497 = arith.index_cast %parallel_loop3A_496 : i32 to index
        %parallel_loop3A_498 = tpu.vector_load %arg9[%parallel_loop3A_497] {strides = array<i32>} : memref<416xi32, #tpu.memory_space<vmem>>, vector<16xi32>,
        %parallel_loop3A_499 = arith.constant 16 : i32
        %parallel_loop3A_500 = arith.muli %parallel_loop3A_478, %parallel_loop3A_499 : i32
        %parallel_loop3A_501 = arith.index_cast %parallel_loop3A_500 : i32 to index
        %parallel_loop3A_502 = tpu.vector_load %arg10[%parallel_loop3A_501] {strides = array<i32>} : memref<416xi32, #tpu.memory_space<vmem>>, vector<16xi32>,
        %parallel_loop3A_503 = arith.constant 0 : i32
        %parallel_loop3A_504 = vector.broadcast %parallel_loop3A_503 : i32 to vector<16xi32>
        %parallel_loop3A_505 = vector.shape_cast %parallel_loop3A_504 : vector<16xi32> to vector<16x1xi32>
        %parallel_loop3A_506 = vector.shape_cast %parallel_loop3A_505 : vector<16x1xi32> to vector<16xi32>
        %parallel_loop3A_507 = tpu.dynamic_gather %parallel_loop3A_498[%parallel_loop3A_506] in [0] : vector<16xi32>, vector<16xi32> -> vector<16xi32>
        %parallel_loop3A_508 = arith.addi %parallel_loop3A_507, %iota3A : vector<16xi32>
        %parallel_loop3A_509 = vector.shape_cast %parallel_loop3A_504 : vector<16xi32> to vector<16x1xi32>
        %parallel_loop3A_510 = vector.shape_cast %parallel_loop3A_509 : vector<16x1xi32> to vector<16xi32>
        %parallel_loop3A_511 = tpu.dynamic_gather %parallel_loop3A_502[%parallel_loop3A_510] in [0] : vector<16xi32>, vector<16xi32> -> vector<16xi32>
        %parallel_loop3A_512 = arith.addi %parallel_loop3A_511, %iota3A : vector<16xi32>
        %parallel_loop3A_513 = arith.constant 0 : i32
        %parallel_loop3A_514 = tpu.memref_slice %arg5[%parallel_loop3A_513] : memref<33000xi32, #tpu.memory_space<vmem>> -> memref<33000xi32, #tpu.memory_space<vmem>>
        %parallel_loop3A_515 = tpu.vector_load_idx %parallel_loop3A_514[%parallel_loop3A_508] : memref<33000xi32, #tpu.memory_space<vmem>>[vector<16xi32>], vector<16xi32>,
        %parallel_loop3A_516 = arith.constant 0 : i32
        %parallel_loop3A_517 = tpu.memref_slice %arg6[%parallel_loop3A_516] : memref<33000xi32, #tpu.memory_space<vmem>> -> memref<33000xi32, #tpu.memory_space<vmem>>
        %parallel_loop3A_518 = tpu.vector_load_idx %parallel_loop3A_517[%parallel_loop3A_512] : memref<33000xi32, #tpu.memory_space<vmem>>[vector<16xi32>], vector<16xi32>,
        %parallel_loop3A_519 = vector.bitcast %parallel_loop3A_515 : vector<16xi32> to vector<32xbf16>
        %parallel_loop3A_520 = vector.bitcast %parallel_loop3A_518 : vector<16xi32> to vector<32xbf16>
        %parallel_loop3A_521 = arith.mulf %parallel_loop3A_519, %parallel_loop3A_520 : vector<32xbf16>
        %parallel_loop3A_522 = tpu.unpack_subelements %parallel_loop3A_521, 0 {pack_format = #tpu.pack_format<interleaved>} : vector<32xbf16> -> vector<16xf32>
        %parallel_loop3A_523 = tpu.unpack_subelements %parallel_loop3A_521, 1 {pack_format = #tpu.pack_format<interleaved>} : vector<32xbf16> -> vector<16xf32>
        %parallel_loop3A_524 = arith.addf %parallel_loop3A_479, %parallel_loop3A_522 : vector<16xf32>
        %parallel_loop3A_525 = arith.addf %parallel_loop3A_480, %parallel_loop3A_523 : vector<16xf32>
        %parallel_loop3A_526 = arith.constant 16 : i32
        %parallel_loop3A_527 = tpu.memref_slice %arg5[%parallel_loop3A_526] : memref<33000xi32, #tpu.memory_space<vmem>> -> memref<32984xi32, #tpu.memory_space<vmem>>
        %parallel_loop3A_528 = tpu.vector_load_idx %parallel_loop3A_527[%parallel_loop3A_508] : memref<32984xi32, #tpu.memory_space<vmem>>[vector<16xi32>], vector<16xi32>,
        %parallel_loop3A_529 = arith.constant 16 : i32
        %parallel_loop3A_530 = tpu.memref_slice %arg6[%parallel_loop3A_529] : memref<33000xi32, #tpu.memory_space<vmem>> -> memref<32984xi32, #tpu.memory_space<vmem>>
        %parallel_loop3A_531 = tpu.vector_load_idx %parallel_loop3A_530[%parallel_loop3A_512] : memref<32984xi32, #tpu.memory_space<vmem>>[vector<16xi32>], vector<16xi32>,
        %parallel_loop3A_532 = vector.bitcast %parallel_loop3A_528 : vector<16xi32> to vector<32xbf16>
        %parallel_loop3A_533 = vector.bitcast %parallel_loop3A_531 : vector<16xi32> to vector<32xbf16>
        %parallel_loop3A_534 = arith.mulf %parallel_loop3A_532, %parallel_loop3A_533 : vector<32xbf16>
        %parallel_loop3A_535 = tpu.unpack_subelements %parallel_loop3A_534, 0 {pack_format = #tpu.pack_format<interleaved>} : vector<32xbf16> -> vector<16xf32>
        %parallel_loop3A_536 = tpu.unpack_subelements %parallel_loop3A_534, 1 {pack_format = #tpu.pack_format<interleaved>} : vector<32xbf16> -> vector<16xf32>
        %parallel_loop3A_537 = arith.addf %parallel_loop3A_481, %parallel_loop3A_535 : vector<16xf32>
        %parallel_loop3A_538 = arith.addf %parallel_loop3A_482, %parallel_loop3A_536 : vector<16xf32>
        %parallel_loop3A_539 = arith.constant 1 : i32
        %parallel_loop3A_540 = vector.broadcast %parallel_loop3A_539 : i32 to vector<16xi32>
        %parallel_loop3A_541 = vector.shape_cast %parallel_loop3A_540 : vector<16xi32> to vector<16x1xi32>
        %parallel_loop3A_542 = vector.shape_cast %parallel_loop3A_541 : vector<16x1xi32> to vector<16xi32>
        %parallel_loop3A_543 = tpu.dynamic_gather %parallel_loop3A_498[%parallel_loop3A_542] in [0] : vector<16xi32>, vector<16xi32> -> vector<16xi32>
        %parallel_loop3A_544 = arith.addi %parallel_loop3A_543, %iota3A : vector<16xi32>
        %parallel_loop3A_545 = vector.shape_cast %parallel_loop3A_540 : vector<16xi32> to vector<16x1xi32>
        %parallel_loop3A_546 = vector.shape_cast %parallel_loop3A_545 : vector<16x1xi32> to vector<16xi32>
        %parallel_loop3A_547 = tpu.dynamic_gather %parallel_loop3A_502[%parallel_loop3A_546] in [0] : vector<16xi32>, vector<16xi32> -> vector<16xi32>
        %parallel_loop3A_548 = arith.addi %parallel_loop3A_547, %iota3A : vector<16xi32>
        %parallel_loop3A_549 = arith.constant 0 : i32
        %parallel_loop3A_550 = tpu.memref_slice %arg5[%parallel_loop3A_549] : memref<33000xi32, #tpu.memory_space<vmem>> -> memref<33000xi32, #tpu.memory_space<vmem>>
        %parallel_loop3A_551 = tpu.vector_load_idx %parallel_loop3A_550[%parallel_loop3A_544] : memref<33000xi32, #tpu.memory_space<vmem>>[vector<16xi32>], vector<16xi32>,
        %parallel_loop3A_552 = arith.constant 0 : i32
        %parallel_loop3A_553 = tpu.memref_slice %arg6[%parallel_loop3A_552] : memref<33000xi32, #tpu.memory_space<vmem>> -> memref<33000xi32, #tpu.memory_space<vmem>>
        %parallel_loop3A_554 = tpu.vector_load_idx %parallel_loop3A_553[%parallel_loop3A_548] : memref<33000xi32, #tpu.memory_space<vmem>>[vector<16xi32>], vector<16xi32>,
        %parallel_loop3A_555 = vector.bitcast %parallel_loop3A_551 : vector<16xi32> to vector<32xbf16>
        %parallel_loop3A_556 = vector.bitcast %parallel_loop3A_554 : vector<16xi32> to vector<32xbf16>
        %parallel_loop3A_557 = arith.mulf %parallel_loop3A_555, %parallel_loop3A_556 : vector<32xbf16>
        %parallel_loop3A_558 = tpu.unpack_subelements %parallel_loop3A_557, 0 {pack_format = #tpu.pack_format<interleaved>} : vector<32xbf16> -> vector<16xf32>
        %parallel_loop3A_559 = tpu.unpack_subelements %parallel_loop3A_557, 1 {pack_format = #tpu.pack_format<interleaved>} : vector<32xbf16> -> vector<16xf32>
        %parallel_loop3A_560 = arith.addf %parallel_loop3A_483, %parallel_loop3A_558 : vector<16xf32>
        %parallel_loop3A_561 = arith.addf %parallel_loop3A_484, %parallel_loop3A_559 : vector<16xf32>
        %parallel_loop3A_562 = arith.constant 16 : i32
        %parallel_loop3A_563 = tpu.memref_slice %arg5[%parallel_loop3A_562] : memref<33000xi32, #tpu.memory_space<vmem>> -> memref<32984xi32, #tpu.memory_space<vmem>>
        %parallel_loop3A_564 = tpu.vector_load_idx %parallel_loop3A_563[%parallel_loop3A_544] : memref<32984xi32, #tpu.memory_space<vmem>>[vector<16xi32>], vector<16xi32>,
        %parallel_loop3A_565 = arith.constant 16 : i32
        %parallel_loop3A_566 = tpu.memref_slice %arg6[%parallel_loop3A_565] : memref<33000xi32, #tpu.memory_space<vmem>> -> memref<32984xi32, #tpu.memory_space<vmem>>
        %parallel_loop3A_567 = tpu.vector_load_idx %parallel_loop3A_566[%parallel_loop3A_548] : memref<32984xi32, #tpu.memory_space<vmem>>[vector<16xi32>], vector<16xi32>,
        %parallel_loop3A_568 = vector.bitcast %parallel_loop3A_564 : vector<16xi32> to vector<32xbf16>
        %parallel_loop3A_569 = vector.bitcast %parallel_loop3A_567 : vector<16xi32> to vector<32xbf16>
        %parallel_loop3A_570 = arith.mulf %parallel_loop3A_568, %parallel_loop3A_569 : vector<32xbf16>
        %parallel_loop3A_571 = tpu.unpack_subelements %parallel_loop3A_570, 0 {pack_format = #tpu.pack_format<interleaved>} : vector<32xbf16> -> vector<16xf32>
        %parallel_loop3A_572 = tpu.unpack_subelements %parallel_loop3A_570, 1 {pack_format = #tpu.pack_format<interleaved>} : vector<32xbf16> -> vector<16xf32>
        %parallel_loop3A_573 = arith.addf %parallel_loop3A_485, %parallel_loop3A_571 : vector<16xf32>
        %parallel_loop3A_574 = arith.addf %parallel_loop3A_486, %parallel_loop3A_572 : vector<16xf32>
        %parallel_loop3A_575 = arith.constant 2 : i32
        %parallel_loop3A_576 = vector.broadcast %parallel_loop3A_575 : i32 to vector<16xi32>
        %parallel_loop3A_577 = vector.shape_cast %parallel_loop3A_576 : vector<16xi32> to vector<16x1xi32>
        %parallel_loop3A_578 = vector.shape_cast %parallel_loop3A_577 : vector<16x1xi32> to vector<16xi32>
        %parallel_loop3A_579 = tpu.dynamic_gather %parallel_loop3A_498[%parallel_loop3A_578] in [0] : vector<16xi32>, vector<16xi32> -> vector<16xi32>
        %parallel_loop3A_580 = arith.addi %parallel_loop3A_579, %iota3A : vector<16xi32>
        %parallel_loop3A_581 = vector.shape_cast %parallel_loop3A_576 : vector<16xi32> to vector<16x1xi32>
        %parallel_loop3A_582 = vector.shape_cast %parallel_loop3A_581 : vector<16x1xi32> to vector<16xi32>
        %parallel_loop3A_583 = tpu.dynamic_gather %parallel_loop3A_502[%parallel_loop3A_582] in [0] : vector<16xi32>, vector<16xi32> -> vector<16xi32>
        %parallel_loop3A_584 = arith.addi %parallel_loop3A_583, %iota3A : vector<16xi32>
        %parallel_loop3A_585 = arith.constant 0 : i32
        %parallel_loop3A_586 = tpu.memref_slice %arg5[%parallel_loop3A_585] : memref<33000xi32, #tpu.memory_space<vmem>> -> memref<33000xi32, #tpu.memory_space<vmem>>
        %parallel_loop3A_587 = tpu.vector_load_idx %parallel_loop3A_586[%parallel_loop3A_580] : memref<33000xi32, #tpu.memory_space<vmem>>[vector<16xi32>], vector<16xi32>,
        %parallel_loop3A_588 = arith.constant 0 : i32
        %parallel_loop3A_589 = tpu.memref_slice %arg6[%parallel_loop3A_588] : memref<33000xi32, #tpu.memory_space<vmem>> -> memref<33000xi32, #tpu.memory_space<vmem>>
        %parallel_loop3A_590 = tpu.vector_load_idx %parallel_loop3A_589[%parallel_loop3A_584] : memref<33000xi32, #tpu.memory_space<vmem>>[vector<16xi32>], vector<16xi32>,
        %parallel_loop3A_591 = vector.bitcast %parallel_loop3A_587 : vector<16xi32> to vector<32xbf16>
        %parallel_loop3A_592 = vector.bitcast %parallel_loop3A_590 : vector<16xi32> to vector<32xbf16>
        %parallel_loop3A_593 = arith.mulf %parallel_loop3A_591, %parallel_loop3A_592 : vector<32xbf16>
        %parallel_loop3A_594 = tpu.unpack_subelements %parallel_loop3A_593, 0 {pack_format = #tpu.pack_format<interleaved>} : vector<32xbf16> -> vector<16xf32>
        %parallel_loop3A_595 = tpu.unpack_subelements %parallel_loop3A_593, 1 {pack_format = #tpu.pack_format<interleaved>} : vector<32xbf16> -> vector<16xf32>
        %parallel_loop3A_596 = arith.addf %parallel_loop3A_487, %parallel_loop3A_594 : vector<16xf32>
        %parallel_loop3A_597 = arith.addf %parallel_loop3A_488, %parallel_loop3A_595 : vector<16xf32>
        %parallel_loop3A_598 = arith.constant 16 : i32
        %parallel_loop3A_599 = tpu.memref_slice %arg5[%parallel_loop3A_598] : memref<33000xi32, #tpu.memory_space<vmem>> -> memref<32984xi32, #tpu.memory_space<vmem>>
        %parallel_loop3A_600 = tpu.vector_load_idx %parallel_loop3A_599[%parallel_loop3A_580] : memref<32984xi32, #tpu.memory_space<vmem>>[vector<16xi32>], vector<16xi32>,
        %parallel_loop3A_601 = arith.constant 16 : i32
        %parallel_loop3A_602 = tpu.memref_slice %arg6[%parallel_loop3A_601] : memref<33000xi32, #tpu.memory_space<vmem>> -> memref<32984xi32, #tpu.memory_space<vmem>>
        %parallel_loop3A_603 = tpu.vector_load_idx %parallel_loop3A_602[%parallel_loop3A_584] : memref<32984xi32, #tpu.memory_space<vmem>>[vector<16xi32>], vector<16xi32>,
        %parallel_loop3A_604 = vector.bitcast %parallel_loop3A_600 : vector<16xi32> to vector<32xbf16>
        %parallel_loop3A_605 = vector.bitcast %parallel_loop3A_603 : vector<16xi32> to vector<32xbf16>
        %parallel_loop3A_606 = arith.mulf %parallel_loop3A_604, %parallel_loop3A_605 : vector<32xbf16>
        %parallel_loop3A_607 = tpu.unpack_subelements %parallel_loop3A_606, 0 {pack_format = #tpu.pack_format<interleaved>} : vector<32xbf16> -> vector<16xf32>
        %parallel_loop3A_608 = tpu.unpack_subelements %parallel_loop3A_606, 1 {pack_format = #tpu.pack_format<interleaved>} : vector<32xbf16> -> vector<16xf32>
        %parallel_loop3A_609 = arith.addf %parallel_loop3A_489, %parallel_loop3A_607 : vector<16xf32>
        %parallel_loop3A_610 = arith.addf %parallel_loop3A_490, %parallel_loop3A_608 : vector<16xf32>
        %parallel_loop3A_611 = arith.constant 3 : i32
        %parallel_loop3A_612 = vector.broadcast %parallel_loop3A_611 : i32 to vector<16xi32>
        %parallel_loop3A_613 = vector.shape_cast %parallel_loop3A_612 : vector<16xi32> to vector<16x1xi32>
        %parallel_loop3A_614 = vector.shape_cast %parallel_loop3A_613 : vector<16x1xi32> to vector<16xi32>
        %parallel_loop3A_615 = tpu.dynamic_gather %parallel_loop3A_498[%parallel_loop3A_614] in [0] : vector<16xi32>, vector<16xi32> -> vector<16xi32>
        %parallel_loop3A_616 = arith.addi %parallel_loop3A_615, %iota3A : vector<16xi32>
        %parallel_loop3A_617 = vector.shape_cast %parallel_loop3A_612 : vector<16xi32> to vector<16x1xi32>
        %parallel_loop3A_618 = vector.shape_cast %parallel_loop3A_617 : vector<16x1xi32> to vector<16xi32>
        %parallel_loop3A_619 = tpu.dynamic_gather %parallel_loop3A_502[%parallel_loop3A_618] in [0] : vector<16xi32>, vector<16xi32> -> vector<16xi32>
        %parallel_loop3A_620 = arith.addi %parallel_loop3A_619, %iota3A : vector<16xi32>
        %parallel_loop3A_621 = arith.constant 0 : i32
        %parallel_loop3A_622 = tpu.memref_slice %arg5[%parallel_loop3A_621] : memref<33000xi32, #tpu.memory_space<vmem>> -> memref<33000xi32, #tpu.memory_space<vmem>>
        %parallel_loop3A_623 = tpu.vector_load_idx %parallel_loop3A_622[%parallel_loop3A_616] : memref<33000xi32, #tpu.memory_space<vmem>>[vector<16xi32>], vector<16xi32>,
        %parallel_loop3A_624 = arith.constant 0 : i32
        %parallel_loop3A_625 = tpu.memref_slice %arg6[%parallel_loop3A_624] : memref<33000xi32, #tpu.memory_space<vmem>> -> memref<33000xi32, #tpu.memory_space<vmem>>
        %parallel_loop3A_626 = tpu.vector_load_idx %parallel_loop3A_625[%parallel_loop3A_620] : memref<33000xi32, #tpu.memory_space<vmem>>[vector<16xi32>], vector<16xi32>,
        %parallel_loop3A_627 = vector.bitcast %parallel_loop3A_623 : vector<16xi32> to vector<32xbf16>
        %parallel_loop3A_628 = vector.bitcast %parallel_loop3A_626 : vector<16xi32> to vector<32xbf16>
        %parallel_loop3A_629 = arith.mulf %parallel_loop3A_627, %parallel_loop3A_628 : vector<32xbf16>
        %parallel_loop3A_630 = tpu.unpack_subelements %parallel_loop3A_629, 0 {pack_format = #tpu.pack_format<interleaved>} : vector<32xbf16> -> vector<16xf32>
        %parallel_loop3A_631 = tpu.unpack_subelements %parallel_loop3A_629, 1 {pack_format = #tpu.pack_format<interleaved>} : vector<32xbf16> -> vector<16xf32>
        %parallel_loop3A_632 = arith.addf %parallel_loop3A_491, %parallel_loop3A_630 : vector<16xf32>
        %parallel_loop3A_633 = arith.addf %parallel_loop3A_492, %parallel_loop3A_631 : vector<16xf32>
        %parallel_loop3A_634 = arith.constant 16 : i32
        %parallel_loop3A_635 = tpu.memref_slice %arg5[%parallel_loop3A_634] : memref<33000xi32, #tpu.memory_space<vmem>> -> memref<32984xi32, #tpu.memory_space<vmem>>
        %parallel_loop3A_636 = tpu.vector_load_idx %parallel_loop3A_635[%parallel_loop3A_616] : memref<32984xi32, #tpu.memory_space<vmem>>[vector<16xi32>], vector<16xi32>,
        %parallel_loop3A_637 = arith.constant 16 : i32
        %parallel_loop3A_638 = tpu.memref_slice %arg6[%parallel_loop3A_637] : memref<33000xi32, #tpu.memory_space<vmem>> -> memref<32984xi32, #tpu.memory_space<vmem>>
        %parallel_loop3A_639 = tpu.vector_load_idx %parallel_loop3A_638[%parallel_loop3A_620] : memref<32984xi32, #tpu.memory_space<vmem>>[vector<16xi32>], vector<16xi32>,
        %parallel_loop3A_640 = vector.bitcast %parallel_loop3A_636 : vector<16xi32> to vector<32xbf16>
        %parallel_loop3A_641 = vector.bitcast %parallel_loop3A_639 : vector<16xi32> to vector<32xbf16>
        %parallel_loop3A_642 = arith.mulf %parallel_loop3A_640, %parallel_loop3A_641 : vector<32xbf16>
        %parallel_loop3A_643 = tpu.unpack_subelements %parallel_loop3A_642, 0 {pack_format = #tpu.pack_format<interleaved>} : vector<32xbf16> -> vector<16xf32>
        %parallel_loop3A_644 = tpu.unpack_subelements %parallel_loop3A_642, 1 {pack_format = #tpu.pack_format<interleaved>} : vector<32xbf16> -> vector<16xf32>
        %parallel_loop3A_645 = arith.addf %parallel_loop3A_493, %parallel_loop3A_643 : vector<16xf32>
        %parallel_loop3A_646 = arith.addf %parallel_loop3A_494, %parallel_loop3A_644 : vector<16xf32>
        scf.yield %parallel_loop3A_524, %parallel_loop3A_525, %parallel_loop3A_537, %parallel_loop3A_538, %parallel_loop3A_560, %parallel_loop3A_561, %parallel_loop3A_573, %parallel_loop3A_574, %parallel_loop3A_596, %parallel_loop3A_597, %parallel_loop3A_609, %parallel_loop3A_610, %parallel_loop3A_632, %parallel_loop3A_633, %parallel_loop3A_645, %parallel_loop3A_646 : vector<16xf32>, vector<16xf32>, vector<16xf32>, vector<16xf32>, vector<16xf32>, vector<16xf32>, vector<16xf32>, vector<16xf32>, vector<16xf32>, vector<16xf32>, vector<16xf32>, vector<16xf32>, vector<16xf32>, vector<16xf32>, vector<16xf32>, vector<16xf32>
      } {sc.loop_unroll_factor = 2 : i64, sc.parallel_access}
      %add3A_114 = arith.constant 0 : i32
      %add3A_115 = arith.addi %mul3A_72, %add3A_114 : i32
      %add3A_116 = arith.constant 0 : i32
      %add3A_117 = arith.addi %add3A_115, %add3A_116 : i32
      %swap3A = arith.index_cast %add3A_117 : i32 to index
      %swap3A_118 = arith.constant 0 : index
      %swap3A_119 = tpu.vector_load %arg11[%swap3A, %swap3A_118] {strides = array<i32>} : memref<64x64xf32, #tpu.memory_space<vmem>>, vector<16xf32>,
      tpu.vector_store %arg11[%swap3A, %swap3A_118], %parallel_loop3A_113#0 {strides = array<i32>} : memref<64x64xf32, #tpu.memory_space<vmem>>, vector<16xf32>,
      %swap3A_120 = arith.index_cast %add3A_117 : i32 to index
      %swap3A_121 = arith.constant 32 : index
      %swap3A_122 = tpu.vector_load %arg11[%swap3A_120, %swap3A_121] {strides = array<i32>} : memref<64x64xf32, #tpu.memory_space<vmem>>, vector<16xf32>,
      tpu.vector_store %arg11[%swap3A_120, %swap3A_121], %parallel_loop3A_113#1 {strides = array<i32>} : memref<64x64xf32, #tpu.memory_space<vmem>>, vector<16xf32>,
      %swap3A_123 = arith.index_cast %add3A_117 : i32 to index
      %swap3A_124 = arith.constant 16 : index
      %swap3A_125 = tpu.vector_load %arg11[%swap3A_123, %swap3A_124] {strides = array<i32>} : memref<64x64xf32, #tpu.memory_space<vmem>>, vector<16xf32>,
      tpu.vector_store %arg11[%swap3A_123, %swap3A_124], %parallel_loop3A_113#2 {strides = array<i32>} : memref<64x64xf32, #tpu.memory_space<vmem>>, vector<16xf32>,
      %swap3A_126 = arith.index_cast %add3A_117 : i32 to index
      %swap3A_127 = arith.constant 48 : index
      %swap3A_128 = tpu.vector_load %arg11[%swap3A_126, %swap3A_127] {strides = array<i32>} : memref<64x64xf32, #tpu.memory_space<vmem>>, vector<16xf32>,
      tpu.vector_store %arg11[%swap3A_126, %swap3A_127], %parallel_loop3A_113#3 {strides = array<i32>} : memref<64x64xf32, #tpu.memory_space<vmem>>, vector<16xf32>,
      %add3A_129 = arith.constant 0 : i32
      %add3A_130 = arith.addi %mul3A_72, %add3A_129 : i32
      %add3A_131 = arith.constant 1 : i32
      %add3A_132 = arith.addi %add3A_130, %add3A_131 : i32
      %swap3A_133 = arith.index_cast %add3A_132 : i32 to index
      %swap3A_134 = arith.constant 0 : index
      %swap3A_135 = tpu.vector_load %arg11[%swap3A_133, %swap3A_134] {strides = array<i32>} : memref<64x64xf32, #tpu.memory_space<vmem>>, vector<16xf32>,
      tpu.vector_store %arg11[%swap3A_133, %swap3A_134], %parallel_loop3A_113#4 {strides = array<i32>} : memref<64x64xf32, #tpu.memory_space<vmem>>, vector<16xf32>,
      %swap3A_136 = arith.index_cast %add3A_132 : i32 to index
      %swap3A_137 = arith.constant 32 : index
      %swap3A_138 = tpu.vector_load %arg11[%swap3A_136, %swap3A_137] {strides = array<i32>} : memref<64x64xf32, #tpu.memory_space<vmem>>, vector<16xf32>,
      tpu.vector_store %arg11[%swap3A_136, %swap3A_137], %parallel_loop3A_113#5 {strides = array<i32>} : memref<64x64xf32, #tpu.memory_space<vmem>>, vector<16xf32>,
      %swap3A_139 = arith.index_cast %add3A_132 : i32 to index
      %swap3A_140 = arith.constant 16 : index
      %swap3A_141 = tpu.vector_load %arg11[%swap3A_139, %swap3A_140] {strides = array<i32>} : memref<64x64xf32, #tpu.memory_space<vmem>>, vector<16xf32>,
      tpu.vector_store %arg11[%swap3A_139, %swap3A_140], %parallel_loop3A_113#6 {strides = array<i32>} : memref<64x64xf32, #tpu.memory_space<vmem>>, vector<16xf32>,
      %swap3A_142 = arith.index_cast %add3A_132 : i32 to index
      %swap3A_143 = arith.constant 48 : index
      %swap3A_144 = tpu.vector_load %arg11[%swap3A_142, %swap3A_143] {strides = array<i32>} : memref<64x64xf32, #tpu.memory_space<vmem>>, vector<16xf32>,
      tpu.vector_store %arg11[%swap3A_142, %swap3A_143], %parallel_loop3A_113#7 {strides = array<i32>} : memref<64x64xf32, #tpu.memory_space<vmem>>, vector<16xf32>,
      %add3A_145 = arith.constant 0 : i32
      %add3A_146 = arith.addi %mul3A_72, %add3A_145 : i32
      %add3A_147 = arith.constant 2 : i32
      %add3A_148 = arith.addi %add3A_146, %add3A_147 : i32
      %swap3A_149 = arith.index_cast %add3A_148 : i32 to index
      %swap3A_150 = arith.constant 0 : index
      %swap3A_151 = tpu.vector_load %arg11[%swap3A_149, %swap3A_150] {strides = array<i32>} : memref<64x64xf32, #tpu.memory_space<vmem>>, vector<16xf32>,
      tpu.vector_store %arg11[%swap3A_149, %swap3A_150], %parallel_loop3A_113#8 {strides = array<i32>} : memref<64x64xf32, #tpu.memory_space<vmem>>, vector<16xf32>,
      %swap3A_152 = arith.index_cast %add3A_148 : i32 to index
      %swap3A_153 = arith.constant 32 : index
      %swap3A_154 = tpu.vector_load %arg11[%swap3A_152, %swap3A_153] {strides = array<i32>} : memref<64x64xf32, #tpu.memory_space<vmem>>, vector<16xf32>,
      tpu.vector_store %arg11[%swap3A_152, %swap3A_153], %parallel_loop3A_113#9 {strides = array<i32>} : memref<64x64xf32, #tpu.memory_space<vmem>>, vector<16xf32>,
      %swap3A_155 = arith.index_cast %add3A_148 : i32 to index
      %swap3A_156 = arith.constant 16 : index
      %swap3A_157 = tpu.vector_load %arg11[%swap3A_155, %swap3A_156] {strides = array<i32>} : memref<64x64xf32, #tpu.memory_space<vmem>>, vector<16xf32>,
      tpu.vector_store %arg11[%swap3A_155, %swap3A_156], %parallel_loop3A_113#10 {strides = array<i32>} : memref<64x64xf32, #tpu.memory_space<vmem>>, vector<16xf32>,
      %swap3A_158 = arith.index_cast %add3A_148 : i32 to index
      %swap3A_159 = arith.constant 48 : index
      %swap3A_160 = tpu.vector_load %arg11[%swap3A_158, %swap3A_159] {strides = array<i32>} : memref<64x64xf32, #tpu.memory_space<vmem>>, vector<16xf32>,
      tpu.vector_store %arg11[%swap3A_158, %swap3A_159], %parallel_loop3A_113#11 {strides = array<i32>} : memref<64x64xf32, #tpu.memory_space<vmem>>, vector<16xf32>,
      %add3A_161 = arith.constant 0 : i32
      %add3A_162 = arith.addi %mul3A_72, %add3A_161 : i32
      %add3A_163 = arith.constant 3 : i32
      %add3A_164 = arith.addi %add3A_162, %add3A_163 : i32
      %swap3A_165 = arith.index_cast %add3A_164 : i32 to index
      %swap3A_166 = arith.constant 0 : index
      %swap3A_167 = tpu.vector_load %arg11[%swap3A_165, %swap3A_166] {strides = array<i32>} : memref<64x64xf32, #tpu.memory_space<vmem>>, vector<16xf32>,
      tpu.vector_store %arg11[%swap3A_165, %swap3A_166], %parallel_loop3A_113#12 {strides = array<i32>} : memref<64x64xf32, #tpu.memory_space<vmem>>, vector<16xf32>,
      %swap3A_168 = arith.index_cast %add3A_164 : i32 to index
      %swap3A_169 = arith.constant 32 : index
      %swap3A_170 = tpu.vector_load %arg11[%swap3A_168, %swap3A_169] {strides = array<i32>} : memref<64x64xf32, #tpu.memory_space<vmem>>, vector<16xf32>,
      tpu.vector_store %arg11[%swap3A_168, %swap3A_169], %parallel_loop3A_113#13 {strides = array<i32>} : memref<64x64xf32, #tpu.memory_space<vmem>>, vector<16xf32>,
      %swap3A_171 = arith.index_cast %add3A_164 : i32 to index
      %swap3A_172 = arith.constant 16 : index
      %swap3A_173 = tpu.vector_load %arg11[%swap3A_171, %swap3A_172] {strides = array<i32>} : memref<64x64xf32, #tpu.memory_space<vmem>>, vector<16xf32>,
      tpu.vector_store %arg11[%swap3A_171, %swap3A_172], %parallel_loop3A_113#14 {strides = array<i32>} : memref<64x64xf32, #tpu.memory_space<vmem>>, vector<16xf32>,
      %swap3A_174 = arith.index_cast %add3A_164 : i32 to index
      %swap3A_175 = arith.constant 48 : index
      %swap3A_176 = tpu.vector_load %arg11[%swap3A_174, %swap3A_175] {strides = array<i32>} : memref<64x64xf32, #tpu.memory_space<vmem>>, vector<16xf32>,
      tpu.vector_store %arg11[%swap3A_174, %swap3A_175], %parallel_loop3A_113#15 {strides = array<i32>} : memref<64x64xf32, #tpu.memory_space<vmem>>, vector<16xf32>,
      %broadcast_in_dim3A_177 = arith.constant 0.000000e+00 : f32
      %broadcast_in_dim3A_178 = vector.broadcast %broadcast_in_dim3A_177 : f32 to vector<16xf32>
      %broadcast_in_dim3A_179 = arith.constant 0.000000e+00 : f32
      %broadcast_in_dim3A_180 = vector.broadcast %broadcast_in_dim3A_179 : f32 to vector<16xf32>
      %broadcast_in_dim3A_181 = arith.constant 0.000000e+00 : f32
      %broadcast_in_dim3A_182 = vector.broadcast %broadcast_in_dim3A_181 : f32 to vector<16xf32>
      %broadcast_in_dim3A_183 = arith.constant 0.000000e+00 : f32
      %broadcast_in_dim3A_184 = vector.broadcast %broadcast_in_dim3A_183 : f32 to vector<16xf32>
      %broadcast_in_dim3A_185 = arith.constant 0.000000e+00 : f32
      %broadcast_in_dim3A_186 = vector.broadcast %broadcast_in_dim3A_185 : f32 to vector<16xf32>
      %broadcast_in_dim3A_187 = arith.constant 0.000000e+00 : f32
      %broadcast_in_dim3A_188 = vector.broadcast %broadcast_in_dim3A_187 : f32 to vector<16xf32>
      %broadcast_in_dim3A_189 = arith.constant 0.000000e+00 : f32
      %broadcast_in_dim3A_190 = vector.broadcast %broadcast_in_dim3A_189 : f32 to vector<16xf32>
      %broadcast_in_dim3A_191 = arith.constant 0.000000e+00 : f32
      %broadcast_in_dim3A_192 = vector.broadcast %broadcast_in_dim3A_191 : f32 to vector<16xf32>
      %broadcast_in_dim3A_193 = arith.constant 0.000000e+00 : f32
      %broadcast_in_dim3A_194 = vector.broadcast %broadcast_in_dim3A_193 : f32 to vector<16xf32>
      %broadcast_in_dim3A_195 = arith.constant 0.000000e+00 : f32
      %broadcast_in_dim3A_196 = vector.broadcast %broadcast_in_dim3A_195 : f32 to vector<16xf32>
      %broadcast_in_dim3A_197 = arith.constant 0.000000e+00 : f32
      %broadcast_in_dim3A_198 = vector.broadcast %broadcast_in_dim3A_197 : f32 to vector<16xf32>
      %broadcast_in_dim3A_199 = arith.constant 0.000000e+00 : f32
      %broadcast_in_dim3A_200 = vector.broadcast %broadcast_in_dim3A_199 : f32 to vector<16xf32>
      %broadcast_in_dim3A_201 = arith.constant 0.000000e+00 : f32
      %broadcast_in_dim3A_202 = vector.broadcast %broadcast_in_dim3A_201 : f32 to vector<16xf32>
      %broadcast_in_dim3A_203 = arith.constant 0.000000e+00 : f32
      %broadcast_in_dim3A_204 = vector.broadcast %broadcast_in_dim3A_203 : f32 to vector<16xf32>
      %broadcast_in_dim3A_205 = arith.constant 0.000000e+00 : f32
      %broadcast_in_dim3A_206 = vector.broadcast %broadcast_in_dim3A_205 : f32 to vector<16xf32>
      %broadcast_in_dim3A_207 = arith.constant 0.000000e+00 : f32
      %broadcast_in_dim3A_208 = vector.broadcast %broadcast_in_dim3A_207 : f32 to vector<16xf32>
      %parallel_loop3A_209 = arith.constant 0 : i32
      %parallel_loop3A_210 = arith.constant 26 : i32
      %parallel_loop3A_211 = arith.constant 1 : i32
      %parallel_loop3A_212:16 = scf.for %parallel_loop3A_478 = %parallel_loop3A_209 to %parallel_loop3A_210 step %parallel_loop3A_211 iter_args(%parallel_loop3A_479 = %broadcast_in_dim3A_178, %parallel_loop3A_480 = %broadcast_in_dim3A_180, %parallel_loop3A_481 = %broadcast_in_dim3A_182, %parallel_loop3A_482 = %broadcast_in_dim3A_184, %parallel_loop3A_483 = %broadcast_in_dim3A_186, %parallel_loop3A_484 = %broadcast_in_dim3A_188, %parallel_loop3A_485 = %broadcast_in_dim3A_190, %parallel_loop3A_486 = %broadcast_in_dim3A_192, %parallel_loop3A_487 = %broadcast_in_dim3A_194, %parallel_loop3A_488 = %broadcast_in_dim3A_196, %parallel_loop3A_489 = %broadcast_in_dim3A_198, %parallel_loop3A_490 = %broadcast_in_dim3A_200, %parallel_loop3A_491 = %broadcast_in_dim3A_202, %parallel_loop3A_492 = %broadcast_in_dim3A_204, %parallel_loop3A_493 = %broadcast_in_dim3A_206, %parallel_loop3A_494 = %broadcast_in_dim3A_208) -> (vector<16xf32>, vector<16xf32>, vector<16xf32>, vector<16xf32>, vector<16xf32>, vector<16xf32>, vector<16xf32>, vector<16xf32>, vector<16xf32>, vector<16xf32>, vector<16xf32>, vector<16xf32>, vector<16xf32>, vector<16xf32>, vector<16xf32>, vector<16xf32>)  : i32 {
        %parallel_loop3A_495 = arith.constant 16 : i32
        %parallel_loop3A_496 = arith.muli %parallel_loop3A_478, %parallel_loop3A_495 : i32
        %parallel_loop3A_497 = arith.index_cast %parallel_loop3A_496 : i32 to index
        %parallel_loop3A_498 = tpu.vector_load %arg9[%parallel_loop3A_497] {strides = array<i32>} : memref<416xi32, #tpu.memory_space<vmem>>, vector<16xi32>,
        %parallel_loop3A_499 = arith.constant 16 : i32
        %parallel_loop3A_500 = arith.muli %parallel_loop3A_478, %parallel_loop3A_499 : i32
        %parallel_loop3A_501 = arith.index_cast %parallel_loop3A_500 : i32 to index
        %parallel_loop3A_502 = tpu.vector_load %arg10[%parallel_loop3A_501] {strides = array<i32>} : memref<416xi32, #tpu.memory_space<vmem>>, vector<16xi32>,
        %parallel_loop3A_503 = arith.constant 4 : i32
        %parallel_loop3A_504 = vector.broadcast %parallel_loop3A_503 : i32 to vector<16xi32>
        %parallel_loop3A_505 = vector.shape_cast %parallel_loop3A_504 : vector<16xi32> to vector<16x1xi32>
        %parallel_loop3A_506 = vector.shape_cast %parallel_loop3A_505 : vector<16x1xi32> to vector<16xi32>
        %parallel_loop3A_507 = tpu.dynamic_gather %parallel_loop3A_498[%parallel_loop3A_506] in [0] : vector<16xi32>, vector<16xi32> -> vector<16xi32>
        %parallel_loop3A_508 = arith.addi %parallel_loop3A_507, %iota3A : vector<16xi32>
        %parallel_loop3A_509 = vector.shape_cast %parallel_loop3A_504 : vector<16xi32> to vector<16x1xi32>
        %parallel_loop3A_510 = vector.shape_cast %parallel_loop3A_509 : vector<16x1xi32> to vector<16xi32>
        %parallel_loop3A_511 = tpu.dynamic_gather %parallel_loop3A_502[%parallel_loop3A_510] in [0] : vector<16xi32>, vector<16xi32> -> vector<16xi32>
        %parallel_loop3A_512 = arith.addi %parallel_loop3A_511, %iota3A : vector<16xi32>
        %parallel_loop3A_513 = arith.constant 0 : i32
        %parallel_loop3A_514 = tpu.memref_slice %arg5[%parallel_loop3A_513] : memref<33000xi32, #tpu.memory_space<vmem>> -> memref<33000xi32, #tpu.memory_space<vmem>>
        %parallel_loop3A_515 = tpu.vector_load_idx %parallel_loop3A_514[%parallel_loop3A_508] : memref<33000xi32, #tpu.memory_space<vmem>>[vector<16xi32>], vector<16xi32>,
        %parallel_loop3A_516 = arith.constant 0 : i32
        %parallel_loop3A_517 = tpu.memref_slice %arg6[%parallel_loop3A_516] : memref<33000xi32, #tpu.memory_space<vmem>> -> memref<33000xi32, #tpu.memory_space<vmem>>
        %parallel_loop3A_518 = tpu.vector_load_idx %parallel_loop3A_517[%parallel_loop3A_512] : memref<33000xi32, #tpu.memory_space<vmem>>[vector<16xi32>], vector<16xi32>,
        %parallel_loop3A_519 = vector.bitcast %parallel_loop3A_515 : vector<16xi32> to vector<32xbf16>
        %parallel_loop3A_520 = vector.bitcast %parallel_loop3A_518 : vector<16xi32> to vector<32xbf16>
        %parallel_loop3A_521 = arith.mulf %parallel_loop3A_519, %parallel_loop3A_520 : vector<32xbf16>
        %parallel_loop3A_522 = tpu.unpack_subelements %parallel_loop3A_521, 0 {pack_format = #tpu.pack_format<interleaved>} : vector<32xbf16> -> vector<16xf32>
        %parallel_loop3A_523 = tpu.unpack_subelements %parallel_loop3A_521, 1 {pack_format = #tpu.pack_format<interleaved>} : vector<32xbf16> -> vector<16xf32>
        %parallel_loop3A_524 = arith.addf %parallel_loop3A_479, %parallel_loop3A_522 : vector<16xf32>
        %parallel_loop3A_525 = arith.addf %parallel_loop3A_480, %parallel_loop3A_523 : vector<16xf32>
        %parallel_loop3A_526 = arith.constant 16 : i32
        %parallel_loop3A_527 = tpu.memref_slice %arg5[%parallel_loop3A_526] : memref<33000xi32, #tpu.memory_space<vmem>> -> memref<32984xi32, #tpu.memory_space<vmem>>
        %parallel_loop3A_528 = tpu.vector_load_idx %parallel_loop3A_527[%parallel_loop3A_508] : memref<32984xi32, #tpu.memory_space<vmem>>[vector<16xi32>], vector<16xi32>,
        %parallel_loop3A_529 = arith.constant 16 : i32
        %parallel_loop3A_530 = tpu.memref_slice %arg6[%parallel_loop3A_529] : memref<33000xi32, #tpu.memory_space<vmem>> -> memref<32984xi32, #tpu.memory_space<vmem>>
        %parallel_loop3A_531 = tpu.vector_load_idx %parallel_loop3A_530[%parallel_loop3A_512] : memref<32984xi32, #tpu.memory_space<vmem>>[vector<16xi32>], vector<16xi32>,
        %parallel_loop3A_532 = vector.bitcast %parallel_loop3A_528 : vector<16xi32> to vector<32xbf16>
        %parallel_loop3A_533 = vector.bitcast %parallel_loop3A_531 : vector<16xi32> to vector<32xbf16>
        %parallel_loop3A_534 = arith.mulf %parallel_loop3A_532, %parallel_loop3A_533 : vector<32xbf16>
        %parallel_loop3A_535 = tpu.unpack_subelements %parallel_loop3A_534, 0 {pack_format = #tpu.pack_format<interleaved>} : vector<32xbf16> -> vector<16xf32>
        %parallel_loop3A_536 = tpu.unpack_subelements %parallel_loop3A_534, 1 {pack_format = #tpu.pack_format<interleaved>} : vector<32xbf16> -> vector<16xf32>
        %parallel_loop3A_537 = arith.addf %parallel_loop3A_481, %parallel_loop3A_535 : vector<16xf32>
        %parallel_loop3A_538 = arith.addf %parallel_loop3A_482, %parallel_loop3A_536 : vector<16xf32>
        %parallel_loop3A_539 = arith.constant 5 : i32
        %parallel_loop3A_540 = vector.broadcast %parallel_loop3A_539 : i32 to vector<16xi32>
        %parallel_loop3A_541 = vector.shape_cast %parallel_loop3A_540 : vector<16xi32> to vector<16x1xi32>
        %parallel_loop3A_542 = vector.shape_cast %parallel_loop3A_541 : vector<16x1xi32> to vector<16xi32>
        %parallel_loop3A_543 = tpu.dynamic_gather %parallel_loop3A_498[%parallel_loop3A_542] in [0] : vector<16xi32>, vector<16xi32> -> vector<16xi32>
        %parallel_loop3A_544 = arith.addi %parallel_loop3A_543, %iota3A : vector<16xi32>
        %parallel_loop3A_545 = vector.shape_cast %parallel_loop3A_540 : vector<16xi32> to vector<16x1xi32>
        %parallel_loop3A_546 = vector.shape_cast %parallel_loop3A_545 : vector<16x1xi32> to vector<16xi32>
        %parallel_loop3A_547 = tpu.dynamic_gather %parallel_loop3A_502[%parallel_loop3A_546] in [0] : vector<16xi32>, vector<16xi32> -> vector<16xi32>
        %parallel_loop3A_548 = arith.addi %parallel_loop3A_547, %iota3A : vector<16xi32>
        %parallel_loop3A_549 = arith.constant 0 : i32
        %parallel_loop3A_550 = tpu.memref_slice %arg5[%parallel_loop3A_549] : memref<33000xi32, #tpu.memory_space<vmem>> -> memref<33000xi32, #tpu.memory_space<vmem>>
        %parallel_loop3A_551 = tpu.vector_load_idx %parallel_loop3A_550[%parallel_loop3A_544] : memref<33000xi32, #tpu.memory_space<vmem>>[vector<16xi32>], vector<16xi32>,
        %parallel_loop3A_552 = arith.constant 0 : i32
        %parallel_loop3A_553 = tpu.memref_slice %arg6[%parallel_loop3A_552] : memref<33000xi32, #tpu.memory_space<vmem>> -> memref<33000xi32, #tpu.memory_space<vmem>>
        %parallel_loop3A_554 = tpu.vector_load_idx %parallel_loop3A_553[%parallel_loop3A_548] : memref<33000xi32, #tpu.memory_space<vmem>>[vector<16xi32>], vector<16xi32>,
        %parallel_loop3A_555 = vector.bitcast %parallel_loop3A_551 : vector<16xi32> to vector<32xbf16>
        %parallel_loop3A_556 = vector.bitcast %parallel_loop3A_554 : vector<16xi32> to vector<32xbf16>
        %parallel_loop3A_557 = arith.mulf %parallel_loop3A_555, %parallel_loop3A_556 : vector<32xbf16>
        %parallel_loop3A_558 = tpu.unpack_subelements %parallel_loop3A_557, 0 {pack_format = #tpu.pack_format<interleaved>} : vector<32xbf16> -> vector<16xf32>
        %parallel_loop3A_559 = tpu.unpack_subelements %parallel_loop3A_557, 1 {pack_format = #tpu.pack_format<interleaved>} : vector<32xbf16> -> vector<16xf32>
        %parallel_loop3A_560 = arith.addf %parallel_loop3A_483, %parallel_loop3A_558 : vector<16xf32>
        %parallel_loop3A_561 = arith.addf %parallel_loop3A_484, %parallel_loop3A_559 : vector<16xf32>
        %parallel_loop3A_562 = arith.constant 16 : i32
        %parallel_loop3A_563 = tpu.memref_slice %arg5[%parallel_loop3A_562] : memref<33000xi32, #tpu.memory_space<vmem>> -> memref<32984xi32, #tpu.memory_space<vmem>>
        %parallel_loop3A_564 = tpu.vector_load_idx %parallel_loop3A_563[%parallel_loop3A_544] : memref<32984xi32, #tpu.memory_space<vmem>>[vector<16xi32>], vector<16xi32>,
        %parallel_loop3A_565 = arith.constant 16 : i32
        %parallel_loop3A_566 = tpu.memref_slice %arg6[%parallel_loop3A_565] : memref<33000xi32, #tpu.memory_space<vmem>> -> memref<32984xi32, #tpu.memory_space<vmem>>
        %parallel_loop3A_567 = tpu.vector_load_idx %parallel_loop3A_566[%parallel_loop3A_548] : memref<32984xi32, #tpu.memory_space<vmem>>[vector<16xi32>], vector<16xi32>,
        %parallel_loop3A_568 = vector.bitcast %parallel_loop3A_564 : vector<16xi32> to vector<32xbf16>
        %parallel_loop3A_569 = vector.bitcast %parallel_loop3A_567 : vector<16xi32> to vector<32xbf16>
        %parallel_loop3A_570 = arith.mulf %parallel_loop3A_568, %parallel_loop3A_569 : vector<32xbf16>
        %parallel_loop3A_571 = tpu.unpack_subelements %parallel_loop3A_570, 0 {pack_format = #tpu.pack_format<interleaved>} : vector<32xbf16> -> vector<16xf32>
        %parallel_loop3A_572 = tpu.unpack_subelements %parallel_loop3A_570, 1 {pack_format = #tpu.pack_format<interleaved>} : vector<32xbf16> -> vector<16xf32>
        %parallel_loop3A_573 = arith.addf %parallel_loop3A_485, %parallel_loop3A_571 : vector<16xf32>
        %parallel_loop3A_574 = arith.addf %parallel_loop3A_486, %parallel_loop3A_572 : vector<16xf32>
        %parallel_loop3A_575 = arith.constant 6 : i32
        %parallel_loop3A_576 = vector.broadcast %parallel_loop3A_575 : i32 to vector<16xi32>
        %parallel_loop3A_577 = vector.shape_cast %parallel_loop3A_576 : vector<16xi32> to vector<16x1xi32>
        %parallel_loop3A_578 = vector.shape_cast %parallel_loop3A_577 : vector<16x1xi32> to vector<16xi32>
        %parallel_loop3A_579 = tpu.dynamic_gather %parallel_loop3A_498[%parallel_loop3A_578] in [0] : vector<16xi32>, vector<16xi32> -> vector<16xi32>
        %parallel_loop3A_580 = arith.addi %parallel_loop3A_579, %iota3A : vector<16xi32>
        %parallel_loop3A_581 = vector.shape_cast %parallel_loop3A_576 : vector<16xi32> to vector<16x1xi32>
        %parallel_loop3A_582 = vector.shape_cast %parallel_loop3A_581 : vector<16x1xi32> to vector<16xi32>
        %parallel_loop3A_583 = tpu.dynamic_gather %parallel_loop3A_502[%parallel_loop3A_582] in [0] : vector<16xi32>, vector<16xi32> -> vector<16xi32>
        %parallel_loop3A_584 = arith.addi %parallel_loop3A_583, %iota3A : vector<16xi32>
        %parallel_loop3A_585 = arith.constant 0 : i32
        %parallel_loop3A_586 = tpu.memref_slice %arg5[%parallel_loop3A_585] : memref<33000xi32, #tpu.memory_space<vmem>> -> memref<33000xi32, #tpu.memory_space<vmem>>
        %parallel_loop3A_587 = tpu.vector_load_idx %parallel_loop3A_586[%parallel_loop3A_580] : memref<33000xi32, #tpu.memory_space<vmem>>[vector<16xi32>], vector<16xi32>,
        %parallel_loop3A_588 = arith.constant 0 : i32
        %parallel_loop3A_589 = tpu.memref_slice %arg6[%parallel_loop3A_588] : memref<33000xi32, #tpu.memory_space<vmem>> -> memref<33000xi32, #tpu.memory_space<vmem>>
        %parallel_loop3A_590 = tpu.vector_load_idx %parallel_loop3A_589[%parallel_loop3A_584] : memref<33000xi32, #tpu.memory_space<vmem>>[vector<16xi32>], vector<16xi32>,
        %parallel_loop3A_591 = vector.bitcast %parallel_loop3A_587 : vector<16xi32> to vector<32xbf16>
        %parallel_loop3A_592 = vector.bitcast %parallel_loop3A_590 : vector<16xi32> to vector<32xbf16>
        %parallel_loop3A_593 = arith.mulf %parallel_loop3A_591, %parallel_loop3A_592 : vector<32xbf16>
        %parallel_loop3A_594 = tpu.unpack_subelements %parallel_loop3A_593, 0 {pack_format = #tpu.pack_format<interleaved>} : vector<32xbf16> -> vector<16xf32>
        %parallel_loop3A_595 = tpu.unpack_subelements %parallel_loop3A_593, 1 {pack_format = #tpu.pack_format<interleaved>} : vector<32xbf16> -> vector<16xf32>
        %parallel_loop3A_596 = arith.addf %parallel_loop3A_487, %parallel_loop3A_594 : vector<16xf32>
        %parallel_loop3A_597 = arith.addf %parallel_loop3A_488, %parallel_loop3A_595 : vector<16xf32>
        %parallel_loop3A_598 = arith.constant 16 : i32
        %parallel_loop3A_599 = tpu.memref_slice %arg5[%parallel_loop3A_598] : memref<33000xi32, #tpu.memory_space<vmem>> -> memref<32984xi32, #tpu.memory_space<vmem>>
        %parallel_loop3A_600 = tpu.vector_load_idx %parallel_loop3A_599[%parallel_loop3A_580] : memref<32984xi32, #tpu.memory_space<vmem>>[vector<16xi32>], vector<16xi32>,
        %parallel_loop3A_601 = arith.constant 16 : i32
        %parallel_loop3A_602 = tpu.memref_slice %arg6[%parallel_loop3A_601] : memref<33000xi32, #tpu.memory_space<vmem>> -> memref<32984xi32, #tpu.memory_space<vmem>>
        %parallel_loop3A_603 = tpu.vector_load_idx %parallel_loop3A_602[%parallel_loop3A_584] : memref<32984xi32, #tpu.memory_space<vmem>>[vector<16xi32>], vector<16xi32>,
        %parallel_loop3A_604 = vector.bitcast %parallel_loop3A_600 : vector<16xi32> to vector<32xbf16>
        %parallel_loop3A_605 = vector.bitcast %parallel_loop3A_603 : vector<16xi32> to vector<32xbf16>
        %parallel_loop3A_606 = arith.mulf %parallel_loop3A_604, %parallel_loop3A_605 : vector<32xbf16>
        %parallel_loop3A_607 = tpu.unpack_subelements %parallel_loop3A_606, 0 {pack_format = #tpu.pack_format<interleaved>} : vector<32xbf16> -> vector<16xf32>
        %parallel_loop3A_608 = tpu.unpack_subelements %parallel_loop3A_606, 1 {pack_format = #tpu.pack_format<interleaved>} : vector<32xbf16> -> vector<16xf32>
        %parallel_loop3A_609 = arith.addf %parallel_loop3A_489, %parallel_loop3A_607 : vector<16xf32>
        %parallel_loop3A_610 = arith.addf %parallel_loop3A_490, %parallel_loop3A_608 : vector<16xf32>
        %parallel_loop3A_611 = arith.constant 7 : i32
        %parallel_loop3A_612 = vector.broadcast %parallel_loop3A_611 : i32 to vector<16xi32>
        %parallel_loop3A_613 = vector.shape_cast %parallel_loop3A_612 : vector<16xi32> to vector<16x1xi32>
        %parallel_loop3A_614 = vector.shape_cast %parallel_loop3A_613 : vector<16x1xi32> to vector<16xi32>
        %parallel_loop3A_615 = tpu.dynamic_gather %parallel_loop3A_498[%parallel_loop3A_614] in [0] : vector<16xi32>, vector<16xi32> -> vector<16xi32>
        %parallel_loop3A_616 = arith.addi %parallel_loop3A_615, %iota3A : vector<16xi32>
        %parallel_loop3A_617 = vector.shape_cast %parallel_loop3A_612 : vector<16xi32> to vector<16x1xi32>
        %parallel_loop3A_618 = vector.shape_cast %parallel_loop3A_617 : vector<16x1xi32> to vector<16xi32>
        %parallel_loop3A_619 = tpu.dynamic_gather %parallel_loop3A_502[%parallel_loop3A_618] in [0] : vector<16xi32>, vector<16xi32> -> vector<16xi32>
        %parallel_loop3A_620 = arith.addi %parallel_loop3A_619, %iota3A : vector<16xi32>
        %parallel_loop3A_621 = arith.constant 0 : i32
        %parallel_loop3A_622 = tpu.memref_slice %arg5[%parallel_loop3A_621] : memref<33000xi32, #tpu.memory_space<vmem>> -> memref<33000xi32, #tpu.memory_space<vmem>>
        %parallel_loop3A_623 = tpu.vector_load_idx %parallel_loop3A_622[%parallel_loop3A_616] : memref<33000xi32, #tpu.memory_space<vmem>>[vector<16xi32>], vector<16xi32>,
        %parallel_loop3A_624 = arith.constant 0 : i32
        %parallel_loop3A_625 = tpu.memref_slice %arg6[%parallel_loop3A_624] : memref<33000xi32, #tpu.memory_space<vmem>> -> memref<33000xi32, #tpu.memory_space<vmem>>
        %parallel_loop3A_626 = tpu.vector_load_idx %parallel_loop3A_625[%parallel_loop3A_620] : memref<33000xi32, #tpu.memory_space<vmem>>[vector<16xi32>], vector<16xi32>,
        %parallel_loop3A_627 = vector.bitcast %parallel_loop3A_623 : vector<16xi32> to vector<32xbf16>
        %parallel_loop3A_628 = vector.bitcast %parallel_loop3A_626 : vector<16xi32> to vector<32xbf16>
        %parallel_loop3A_629 = arith.mulf %parallel_loop3A_627, %parallel_loop3A_628 : vector<32xbf16>
        %parallel_loop3A_630 = tpu.unpack_subelements %parallel_loop3A_629, 0 {pack_format = #tpu.pack_format<interleaved>} : vector<32xbf16> -> vector<16xf32>
        %parallel_loop3A_631 = tpu.unpack_subelements %parallel_loop3A_629, 1 {pack_format = #tpu.pack_format<interleaved>} : vector<32xbf16> -> vector<16xf32>
        %parallel_loop3A_632 = arith.addf %parallel_loop3A_491, %parallel_loop3A_630 : vector<16xf32>
        %parallel_loop3A_633 = arith.addf %parallel_loop3A_492, %parallel_loop3A_631 : vector<16xf32>
        %parallel_loop3A_634 = arith.constant 16 : i32
        %parallel_loop3A_635 = tpu.memref_slice %arg5[%parallel_loop3A_634] : memref<33000xi32, #tpu.memory_space<vmem>> -> memref<32984xi32, #tpu.memory_space<vmem>>
        %parallel_loop3A_636 = tpu.vector_load_idx %parallel_loop3A_635[%parallel_loop3A_616] : memref<32984xi32, #tpu.memory_space<vmem>>[vector<16xi32>], vector<16xi32>,
        %parallel_loop3A_637 = arith.constant 16 : i32
        %parallel_loop3A_638 = tpu.memref_slice %arg6[%parallel_loop3A_637] : memref<33000xi32, #tpu.memory_space<vmem>> -> memref<32984xi32, #tpu.memory_space<vmem>>
        %parallel_loop3A_639 = tpu.vector_load_idx %parallel_loop3A_638[%parallel_loop3A_620] : memref<32984xi32, #tpu.memory_space<vmem>>[vector<16xi32>], vector<16xi32>,
        %parallel_loop3A_640 = vector.bitcast %parallel_loop3A_636 : vector<16xi32> to vector<32xbf16>
        %parallel_loop3A_641 = vector.bitcast %parallel_loop3A_639 : vector<16xi32> to vector<32xbf16>
        %parallel_loop3A_642 = arith.mulf %parallel_loop3A_640, %parallel_loop3A_641 : vector<32xbf16>
        %parallel_loop3A_643 = tpu.unpack_subelements %parallel_loop3A_642, 0 {pack_format = #tpu.pack_format<interleaved>} : vector<32xbf16> -> vector<16xf32>
        %parallel_loop3A_644 = tpu.unpack_subelements %parallel_loop3A_642, 1 {pack_format = #tpu.pack_format<interleaved>} : vector<32xbf16> -> vector<16xf32>
        %parallel_loop3A_645 = arith.addf %parallel_loop3A_493, %parallel_loop3A_643 : vector<16xf32>
        %parallel_loop3A_646 = arith.addf %parallel_loop3A_494, %parallel_loop3A_644 : vector<16xf32>
        scf.yield %parallel_loop3A_524, %parallel_loop3A_525, %parallel_loop3A_537, %parallel_loop3A_538, %parallel_loop3A_560, %parallel_loop3A_561, %parallel_loop3A_573, %parallel_loop3A_574, %parallel_loop3A_596, %parallel_loop3A_597, %parallel_loop3A_609, %parallel_loop3A_610, %parallel_loop3A_632, %parallel_loop3A_633, %parallel_loop3A_645, %parallel_loop3A_646 : vector<16xf32>, vector<16xf32>, vector<16xf32>, vector<16xf32>, vector<16xf32>, vector<16xf32>, vector<16xf32>, vector<16xf32>, vector<16xf32>, vector<16xf32>, vector<16xf32>, vector<16xf32>, vector<16xf32>, vector<16xf32>, vector<16xf32>, vector<16xf32>
      } {sc.loop_unroll_factor = 2 : i64, sc.parallel_access}
      %add3A_213 = arith.constant 4 : i32
      %add3A_214 = arith.addi %mul3A_72, %add3A_213 : i32
      %add3A_215 = arith.constant 0 : i32
      %add3A_216 = arith.addi %add3A_214, %add3A_215 : i32
      %swap3A_217 = arith.index_cast %add3A_216 : i32 to index
      %swap3A_218 = arith.constant 0 : index
      %swap3A_219 = tpu.vector_load %arg11[%swap3A_217, %swap3A_218] {strides = array<i32>} : memref<64x64xf32, #tpu.memory_space<vmem>>, vector<16xf32>,
      tpu.vector_store %arg11[%swap3A_217, %swap3A_218], %parallel_loop3A_212#0 {strides = array<i32>} : memref<64x64xf32, #tpu.memory_space<vmem>>, vector<16xf32>,
      %swap3A_220 = arith.index_cast %add3A_216 : i32 to index
      %swap3A_221 = arith.constant 32 : index
      %swap3A_222 = tpu.vector_load %arg11[%swap3A_220, %swap3A_221] {strides = array<i32>} : memref<64x64xf32, #tpu.memory_space<vmem>>, vector<16xf32>,
      tpu.vector_store %arg11[%swap3A_220, %swap3A_221], %parallel_loop3A_212#1 {strides = array<i32>} : memref<64x64xf32, #tpu.memory_space<vmem>>, vector<16xf32>,
      %swap3A_223 = arith.index_cast %add3A_216 : i32 to index
      %swap3A_224 = arith.constant 16 : index
      %swap3A_225 = tpu.vector_load %arg11[%swap3A_223, %swap3A_224] {strides = array<i32>} : memref<64x64xf32, #tpu.memory_space<vmem>>, vector<16xf32>,
      tpu.vector_store %arg11[%swap3A_223, %swap3A_224], %parallel_loop3A_212#2 {strides = array<i32>} : memref<64x64xf32, #tpu.memory_space<vmem>>, vector<16xf32>,
      %swap3A_226 = arith.index_cast %add3A_216 : i32 to index
      %swap3A_227 = arith.constant 48 : index
      %swap3A_228 = tpu.vector_load %arg11[%swap3A_226, %swap3A_227] {strides = array<i32>} : memref<64x64xf32, #tpu.memory_space<vmem>>, vector<16xf32>,
      tpu.vector_store %arg11[%swap3A_226, %swap3A_227], %parallel_loop3A_212#3 {strides = array<i32>} : memref<64x64xf32, #tpu.memory_space<vmem>>, vector<16xf32>,
      %add3A_229 = arith.constant 4 : i32
      %add3A_230 = arith.addi %mul3A_72, %add3A_229 : i32
      %add3A_231 = arith.constant 1 : i32
      %add3A_232 = arith.addi %add3A_230, %add3A_231 : i32
      %swap3A_233 = arith.index_cast %add3A_232 : i32 to index
      %swap3A_234 = arith.constant 0 : index
      %swap3A_235 = tpu.vector_load %arg11[%swap3A_233, %swap3A_234] {strides = array<i32>} : memref<64x64xf32, #tpu.memory_space<vmem>>, vector<16xf32>,
      tpu.vector_store %arg11[%swap3A_233, %swap3A_234], %parallel_loop3A_212#4 {strides = array<i32>} : memref<64x64xf32, #tpu.memory_space<vmem>>, vector<16xf32>,
      %swap3A_236 = arith.index_cast %add3A_232 : i32 to index
      %swap3A_237 = arith.constant 32 : index
      %swap3A_238 = tpu.vector_load %arg11[%swap3A_236, %swap3A_237] {strides = array<i32>} : memref<64x64xf32, #tpu.memory_space<vmem>>, vector<16xf32>,
      tpu.vector_store %arg11[%swap3A_236, %swap3A_237], %parallel_loop3A_212#5 {strides = array<i32>} : memref<64x64xf32, #tpu.memory_space<vmem>>, vector<16xf32>,
      %swap3A_239 = arith.index_cast %add3A_232 : i32 to index
      %swap3A_240 = arith.constant 16 : index
      %swap3A_241 = tpu.vector_load %arg11[%swap3A_239, %swap3A_240] {strides = array<i32>} : memref<64x64xf32, #tpu.memory_space<vmem>>, vector<16xf32>,
      tpu.vector_store %arg11[%swap3A_239, %swap3A_240], %parallel_loop3A_212#6 {strides = array<i32>} : memref<64x64xf32, #tpu.memory_space<vmem>>, vector<16xf32>,
      %swap3A_242 = arith.index_cast %add3A_232 : i32 to index
      %swap3A_243 = arith.constant 48 : index
      %swap3A_244 = tpu.vector_load %arg11[%swap3A_242, %swap3A_243] {strides = array<i32>} : memref<64x64xf32, #tpu.memory_space<vmem>>, vector<16xf32>,
      tpu.vector_store %arg11[%swap3A_242, %swap3A_243], %parallel_loop3A_212#7 {strides = array<i32>} : memref<64x64xf32, #tpu.memory_space<vmem>>, vector<16xf32>,
      %add3A_245 = arith.constant 4 : i32
      %add3A_246 = arith.addi %mul3A_72, %add3A_245 : i32
      %add3A_247 = arith.constant 2 : i32
      %add3A_248 = arith.addi %add3A_246, %add3A_247 : i32
      %swap3A_249 = arith.index_cast %add3A_248 : i32 to index
      %swap3A_250 = arith.constant 0 : index
      %swap3A_251 = tpu.vector_load %arg11[%swap3A_249, %swap3A_250] {strides = array<i32>} : memref<64x64xf32, #tpu.memory_space<vmem>>, vector<16xf32>,
      tpu.vector_store %arg11[%swap3A_249, %swap3A_250], %parallel_loop3A_212#8 {strides = array<i32>} : memref<64x64xf32, #tpu.memory_space<vmem>>, vector<16xf32>,
      %swap3A_252 = arith.index_cast %add3A_248 : i32 to index
      %swap3A_253 = arith.constant 32 : index
      %swap3A_254 = tpu.vector_load %arg11[%swap3A_252, %swap3A_253] {strides = array<i32>} : memref<64x64xf32, #tpu.memory_space<vmem>>, vector<16xf32>,
      tpu.vector_store %arg11[%swap3A_252, %swap3A_253], %parallel_loop3A_212#9 {strides = array<i32>} : memref<64x64xf32, #tpu.memory_space<vmem>>, vector<16xf32>,
      %swap3A_255 = arith.index_cast %add3A_248 : i32 to index
      %swap3A_256 = arith.constant 16 : index
      %swap3A_257 = tpu.vector_load %arg11[%swap3A_255, %swap3A_256] {strides = array<i32>} : memref<64x64xf32, #tpu.memory_space<vmem>>, vector<16xf32>,
      tpu.vector_store %arg11[%swap3A_255, %swap3A_256], %parallel_loop3A_212#10 {strides = array<i32>} : memref<64x64xf32, #tpu.memory_space<vmem>>, vector<16xf32>,
      %swap3A_258 = arith.index_cast %add3A_248 : i32 to index
      %swap3A_259 = arith.constant 48 : index
      %swap3A_260 = tpu.vector_load %arg11[%swap3A_258, %swap3A_259] {strides = array<i32>} : memref<64x64xf32, #tpu.memory_space<vmem>>, vector<16xf32>,
      tpu.vector_store %arg11[%swap3A_258, %swap3A_259], %parallel_loop3A_212#11 {strides = array<i32>} : memref<64x64xf32, #tpu.memory_space<vmem>>, vector<16xf32>,
      %add3A_261 = arith.constant 4 : i32
      %add3A_262 = arith.addi %mul3A_72, %add3A_261 : i32
      %add3A_263 = arith.constant 3 : i32
      %add3A_264 = arith.addi %add3A_262, %add3A_263 : i32
      %swap3A_265 = arith.index_cast %add3A_264 : i32 to index
      %swap3A_266 = arith.constant 0 : index
      %swap3A_267 = tpu.vector_load %arg11[%swap3A_265, %swap3A_266] {strides = array<i32>} : memref<64x64xf32, #tpu.memory_space<vmem>>, vector<16xf32>,
      tpu.vector_store %arg11[%swap3A_265, %swap3A_266], %parallel_loop3A_212#12 {strides = array<i32>} : memref<64x64xf32, #tpu.memory_space<vmem>>, vector<16xf32>,
      %swap3A_268 = arith.index_cast %add3A_264 : i32 to index
      %swap3A_269 = arith.constant 32 : index
      %swap3A_270 = tpu.vector_load %arg11[%swap3A_268, %swap3A_269] {strides = array<i32>} : memref<64x64xf32, #tpu.memory_space<vmem>>, vector<16xf32>,
      tpu.vector_store %arg11[%swap3A_268, %swap3A_269], %parallel_loop3A_212#13 {strides = array<i32>} : memref<64x64xf32, #tpu.memory_space<vmem>>, vector<16xf32>,
      %swap3A_271 = arith.index_cast %add3A_264 : i32 to index
      %swap3A_272 = arith.constant 16 : index
      %swap3A_273 = tpu.vector_load %arg11[%swap3A_271, %swap3A_272] {strides = array<i32>} : memref<64x64xf32, #tpu.memory_space<vmem>>, vector<16xf32>,
      tpu.vector_store %arg11[%swap3A_271, %swap3A_272], %parallel_loop3A_212#14 {strides = array<i32>} : memref<64x64xf32, #tpu.memory_space<vmem>>, vector<16xf32>,
      %swap3A_274 = arith.index_cast %add3A_264 : i32 to index
      %swap3A_275 = arith.constant 48 : index
      %swap3A_276 = tpu.vector_load %arg11[%swap3A_274, %swap3A_275] {strides = array<i32>} : memref<64x64xf32, #tpu.memory_space<vmem>>, vector<16xf32>,
      tpu.vector_store %arg11[%swap3A_274, %swap3A_275], %parallel_loop3A_212#15 {strides = array<i32>} : memref<64x64xf32, #tpu.memory_space<vmem>>, vector<16xf32>,
      %broadcast_in_dim3A_277 = arith.constant 0.000000e+00 : f32
      %broadcast_in_dim3A_278 = vector.broadcast %broadcast_in_dim3A_277 : f32 to vector<16xf32>
      %broadcast_in_dim3A_279 = arith.constant 0.000000e+00 : f32
      %broadcast_in_dim3A_280 = vector.broadcast %broadcast_in_dim3A_279 : f32 to vector<16xf32>
      %broadcast_in_dim3A_281 = arith.constant 0.000000e+00 : f32
      %broadcast_in_dim3A_282 = vector.broadcast %broadcast_in_dim3A_281 : f32 to vector<16xf32>
      %broadcast_in_dim3A_283 = arith.constant 0.000000e+00 : f32
      %broadcast_in_dim3A_284 = vector.broadcast %broadcast_in_dim3A_283 : f32 to vector<16xf32>
      %broadcast_in_dim3A_285 = arith.constant 0.000000e+00 : f32
      %broadcast_in_dim3A_286 = vector.broadcast %broadcast_in_dim3A_285 : f32 to vector<16xf32>
      %broadcast_in_dim3A_287 = arith.constant 0.000000e+00 : f32
      %broadcast_in_dim3A_288 = vector.broadcast %broadcast_in_dim3A_287 : f32 to vector<16xf32>
      %broadcast_in_dim3A_289 = arith.constant 0.000000e+00 : f32
      %broadcast_in_dim3A_290 = vector.broadcast %broadcast_in_dim3A_289 : f32 to vector<16xf32>
      %broadcast_in_dim3A_291 = arith.constant 0.000000e+00 : f32
      %broadcast_in_dim3A_292 = vector.broadcast %broadcast_in_dim3A_291 : f32 to vector<16xf32>
      %broadcast_in_dim3A_293 = arith.constant 0.000000e+00 : f32
      %broadcast_in_dim3A_294 = vector.broadcast %broadcast_in_dim3A_293 : f32 to vector<16xf32>
      %broadcast_in_dim3A_295 = arith.constant 0.000000e+00 : f32
      %broadcast_in_dim3A_296 = vector.broadcast %broadcast_in_dim3A_295 : f32 to vector<16xf32>
      %broadcast_in_dim3A_297 = arith.constant 0.000000e+00 : f32
      %broadcast_in_dim3A_298 = vector.broadcast %broadcast_in_dim3A_297 : f32 to vector<16xf32>
      %broadcast_in_dim3A_299 = arith.constant 0.000000e+00 : f32
      %broadcast_in_dim3A_300 = vector.broadcast %broadcast_in_dim3A_299 : f32 to vector<16xf32>
      %broadcast_in_dim3A_301 = arith.constant 0.000000e+00 : f32
      %broadcast_in_dim3A_302 = vector.broadcast %broadcast_in_dim3A_301 : f32 to vector<16xf32>
      %broadcast_in_dim3A_303 = arith.constant 0.000000e+00 : f32
      %broadcast_in_dim3A_304 = vector.broadcast %broadcast_in_dim3A_303 : f32 to vector<16xf32>
      %broadcast_in_dim3A_305 = arith.constant 0.000000e+00 : f32
      %broadcast_in_dim3A_306 = vector.broadcast %broadcast_in_dim3A_305 : f32 to vector<16xf32>
      %broadcast_in_dim3A_307 = arith.constant 0.000000e+00 : f32
      %broadcast_in_dim3A_308 = vector.broadcast %broadcast_in_dim3A_307 : f32 to vector<16xf32>
      %parallel_loop3A_309 = arith.constant 0 : i32
      %parallel_loop3A_310 = arith.constant 26 : i32
      %parallel_loop3A_311 = arith.constant 1 : i32
      %parallel_loop3A_312:16 = scf.for %parallel_loop3A_478 = %parallel_loop3A_309 to %parallel_loop3A_310 step %parallel_loop3A_311 iter_args(%parallel_loop3A_479 = %broadcast_in_dim3A_278, %parallel_loop3A_480 = %broadcast_in_dim3A_280, %parallel_loop3A_481 = %broadcast_in_dim3A_282, %parallel_loop3A_482 = %broadcast_in_dim3A_284, %parallel_loop3A_483 = %broadcast_in_dim3A_286, %parallel_loop3A_484 = %broadcast_in_dim3A_288, %parallel_loop3A_485 = %broadcast_in_dim3A_290, %parallel_loop3A_486 = %broadcast_in_dim3A_292, %parallel_loop3A_487 = %broadcast_in_dim3A_294, %parallel_loop3A_488 = %broadcast_in_dim3A_296, %parallel_loop3A_489 = %broadcast_in_dim3A_298, %parallel_loop3A_490 = %broadcast_in_dim3A_300, %parallel_loop3A_491 = %broadcast_in_dim3A_302, %parallel_loop3A_492 = %broadcast_in_dim3A_304, %parallel_loop3A_493 = %broadcast_in_dim3A_306, %parallel_loop3A_494 = %broadcast_in_dim3A_308) -> (vector<16xf32>, vector<16xf32>, vector<16xf32>, vector<16xf32>, vector<16xf32>, vector<16xf32>, vector<16xf32>, vector<16xf32>, vector<16xf32>, vector<16xf32>, vector<16xf32>, vector<16xf32>, vector<16xf32>, vector<16xf32>, vector<16xf32>, vector<16xf32>)  : i32 {
        %parallel_loop3A_495 = arith.constant 16 : i32
        %parallel_loop3A_496 = arith.muli %parallel_loop3A_478, %parallel_loop3A_495 : i32
        %parallel_loop3A_497 = arith.index_cast %parallel_loop3A_496 : i32 to index
        %parallel_loop3A_498 = tpu.vector_load %arg9[%parallel_loop3A_497] {strides = array<i32>} : memref<416xi32, #tpu.memory_space<vmem>>, vector<16xi32>,
        %parallel_loop3A_499 = arith.constant 16 : i32
        %parallel_loop3A_500 = arith.muli %parallel_loop3A_478, %parallel_loop3A_499 : i32
        %parallel_loop3A_501 = arith.index_cast %parallel_loop3A_500 : i32 to index
        %parallel_loop3A_502 = tpu.vector_load %arg10[%parallel_loop3A_501] {strides = array<i32>} : memref<416xi32, #tpu.memory_space<vmem>>, vector<16xi32>,
        %parallel_loop3A_503 = arith.constant 8 : i32
        %parallel_loop3A_504 = vector.broadcast %parallel_loop3A_503 : i32 to vector<16xi32>
        %parallel_loop3A_505 = vector.shape_cast %parallel_loop3A_504 : vector<16xi32> to vector<16x1xi32>
        %parallel_loop3A_506 = vector.shape_cast %parallel_loop3A_505 : vector<16x1xi32> to vector<16xi32>
        %parallel_loop3A_507 = tpu.dynamic_gather %parallel_loop3A_498[%parallel_loop3A_506] in [0] : vector<16xi32>, vector<16xi32> -> vector<16xi32>
        %parallel_loop3A_508 = arith.addi %parallel_loop3A_507, %iota3A : vector<16xi32>
        %parallel_loop3A_509 = vector.shape_cast %parallel_loop3A_504 : vector<16xi32> to vector<16x1xi32>
        %parallel_loop3A_510 = vector.shape_cast %parallel_loop3A_509 : vector<16x1xi32> to vector<16xi32>
        %parallel_loop3A_511 = tpu.dynamic_gather %parallel_loop3A_502[%parallel_loop3A_510] in [0] : vector<16xi32>, vector<16xi32> -> vector<16xi32>
        %parallel_loop3A_512 = arith.addi %parallel_loop3A_511, %iota3A : vector<16xi32>
        %parallel_loop3A_513 = arith.constant 0 : i32
        %parallel_loop3A_514 = tpu.memref_slice %arg5[%parallel_loop3A_513] : memref<33000xi32, #tpu.memory_space<vmem>> -> memref<33000xi32, #tpu.memory_space<vmem>>
        %parallel_loop3A_515 = tpu.vector_load_idx %parallel_loop3A_514[%parallel_loop3A_508] : memref<33000xi32, #tpu.memory_space<vmem>>[vector<16xi32>], vector<16xi32>,
        %parallel_loop3A_516 = arith.constant 0 : i32
        %parallel_loop3A_517 = tpu.memref_slice %arg6[%parallel_loop3A_516] : memref<33000xi32, #tpu.memory_space<vmem>> -> memref<33000xi32, #tpu.memory_space<vmem>>
        %parallel_loop3A_518 = tpu.vector_load_idx %parallel_loop3A_517[%parallel_loop3A_512] : memref<33000xi32, #tpu.memory_space<vmem>>[vector<16xi32>], vector<16xi32>,
        %parallel_loop3A_519 = vector.bitcast %parallel_loop3A_515 : vector<16xi32> to vector<32xbf16>
        %parallel_loop3A_520 = vector.bitcast %parallel_loop3A_518 : vector<16xi32> to vector<32xbf16>
        %parallel_loop3A_521 = arith.mulf %parallel_loop3A_519, %parallel_loop3A_520 : vector<32xbf16>
        %parallel_loop3A_522 = tpu.unpack_subelements %parallel_loop3A_521, 0 {pack_format = #tpu.pack_format<interleaved>} : vector<32xbf16> -> vector<16xf32>
        %parallel_loop3A_523 = tpu.unpack_subelements %parallel_loop3A_521, 1 {pack_format = #tpu.pack_format<interleaved>} : vector<32xbf16> -> vector<16xf32>
        %parallel_loop3A_524 = arith.addf %parallel_loop3A_479, %parallel_loop3A_522 : vector<16xf32>
        %parallel_loop3A_525 = arith.addf %parallel_loop3A_480, %parallel_loop3A_523 : vector<16xf32>
        %parallel_loop3A_526 = arith.constant 16 : i32
        %parallel_loop3A_527 = tpu.memref_slice %arg5[%parallel_loop3A_526] : memref<33000xi32, #tpu.memory_space<vmem>> -> memref<32984xi32, #tpu.memory_space<vmem>>
        %parallel_loop3A_528 = tpu.vector_load_idx %parallel_loop3A_527[%parallel_loop3A_508] : memref<32984xi32, #tpu.memory_space<vmem>>[vector<16xi32>], vector<16xi32>,
        %parallel_loop3A_529 = arith.constant 16 : i32
        %parallel_loop3A_530 = tpu.memref_slice %arg6[%parallel_loop3A_529] : memref<33000xi32, #tpu.memory_space<vmem>> -> memref<32984xi32, #tpu.memory_space<vmem>>
        %parallel_loop3A_531 = tpu.vector_load_idx %parallel_loop3A_530[%parallel_loop3A_512] : memref<32984xi32, #tpu.memory_space<vmem>>[vector<16xi32>], vector<16xi32>,
        %parallel_loop3A_532 = vector.bitcast %parallel_loop3A_528 : vector<16xi32> to vector<32xbf16>
        %parallel_loop3A_533 = vector.bitcast %parallel_loop3A_531 : vector<16xi32> to vector<32xbf16>
        %parallel_loop3A_534 = arith.mulf %parallel_loop3A_532, %parallel_loop3A_533 : vector<32xbf16>
        %parallel_loop3A_535 = tpu.unpack_subelements %parallel_loop3A_534, 0 {pack_format = #tpu.pack_format<interleaved>} : vector<32xbf16> -> vector<16xf32>
        %parallel_loop3A_536 = tpu.unpack_subelements %parallel_loop3A_534, 1 {pack_format = #tpu.pack_format<interleaved>} : vector<32xbf16> -> vector<16xf32>
        %parallel_loop3A_537 = arith.addf %parallel_loop3A_481, %parallel_loop3A_535 : vector<16xf32>
        %parallel_loop3A_538 = arith.addf %parallel_loop3A_482, %parallel_loop3A_536 : vector<16xf32>
        %parallel_loop3A_539 = arith.constant 9 : i32
        %parallel_loop3A_540 = vector.broadcast %parallel_loop3A_539 : i32 to vector<16xi32>
        %parallel_loop3A_541 = vector.shape_cast %parallel_loop3A_540 : vector<16xi32> to vector<16x1xi32>
        %parallel_loop3A_542 = vector.shape_cast %parallel_loop3A_541 : vector<16x1xi32> to vector<16xi32>
        %parallel_loop3A_543 = tpu.dynamic_gather %parallel_loop3A_498[%parallel_loop3A_542] in [0] : vector<16xi32>, vector<16xi32> -> vector<16xi32>
        %parallel_loop3A_544 = arith.addi %parallel_loop3A_543, %iota3A : vector<16xi32>
        %parallel_loop3A_545 = vector.shape_cast %parallel_loop3A_540 : vector<16xi32> to vector<16x1xi32>
        %parallel_loop3A_546 = vector.shape_cast %parallel_loop3A_545 : vector<16x1xi32> to vector<16xi32>
        %parallel_loop3A_547 = tpu.dynamic_gather %parallel_loop3A_502[%parallel_loop3A_546] in [0] : vector<16xi32>, vector<16xi32> -> vector<16xi32>
        %parallel_loop3A_548 = arith.addi %parallel_loop3A_547, %iota3A : vector<16xi32>
        %parallel_loop3A_549 = arith.constant 0 : i32
        %parallel_loop3A_550 = tpu.memref_slice %arg5[%parallel_loop3A_549] : memref<33000xi32, #tpu.memory_space<vmem>> -> memref<33000xi32, #tpu.memory_space<vmem>>
        %parallel_loop3A_551 = tpu.vector_load_idx %parallel_loop3A_550[%parallel_loop3A_544] : memref<33000xi32, #tpu.memory_space<vmem>>[vector<16xi32>], vector<16xi32>,
        %parallel_loop3A_552 = arith.constant 0 : i32
        %parallel_loop3A_553 = tpu.memref_slice %arg6[%parallel_loop3A_552] : memref<33000xi32, #tpu.memory_space<vmem>> -> memref<33000xi32, #tpu.memory_space<vmem>>
        %parallel_loop3A_554 = tpu.vector_load_idx %parallel_loop3A_553[%parallel_loop3A_548] : memref<33000xi32, #tpu.memory_space<vmem>>[vector<16xi32>], vector<16xi32>,
        %parallel_loop3A_555 = vector.bitcast %parallel_loop3A_551 : vector<16xi32> to vector<32xbf16>
        %parallel_loop3A_556 = vector.bitcast %parallel_loop3A_554 : vector<16xi32> to vector<32xbf16>
        %parallel_loop3A_557 = arith.mulf %parallel_loop3A_555, %parallel_loop3A_556 : vector<32xbf16>
        %parallel_loop3A_558 = tpu.unpack_subelements %parallel_loop3A_557, 0 {pack_format = #tpu.pack_format<interleaved>} : vector<32xbf16> -> vector<16xf32>
        %parallel_loop3A_559 = tpu.unpack_subelements %parallel_loop3A_557, 1 {pack_format = #tpu.pack_format<interleaved>} : vector<32xbf16> -> vector<16xf32>
        %parallel_loop3A_560 = arith.addf %parallel_loop3A_483, %parallel_loop3A_558 : vector<16xf32>
        %parallel_loop3A_561 = arith.addf %parallel_loop3A_484, %parallel_loop3A_559 : vector<16xf32>
        %parallel_loop3A_562 = arith.constant 16 : i32
        %parallel_loop3A_563 = tpu.memref_slice %arg5[%parallel_loop3A_562] : memref<33000xi32, #tpu.memory_space<vmem>> -> memref<32984xi32, #tpu.memory_space<vmem>>
        %parallel_loop3A_564 = tpu.vector_load_idx %parallel_loop3A_563[%parallel_loop3A_544] : memref<32984xi32, #tpu.memory_space<vmem>>[vector<16xi32>], vector<16xi32>,
        %parallel_loop3A_565 = arith.constant 16 : i32
        %parallel_loop3A_566 = tpu.memref_slice %arg6[%parallel_loop3A_565] : memref<33000xi32, #tpu.memory_space<vmem>> -> memref<32984xi32, #tpu.memory_space<vmem>>
        %parallel_loop3A_567 = tpu.vector_load_idx %parallel_loop3A_566[%parallel_loop3A_548] : memref<32984xi32, #tpu.memory_space<vmem>>[vector<16xi32>], vector<16xi32>,
        %parallel_loop3A_568 = vector.bitcast %parallel_loop3A_564 : vector<16xi32> to vector<32xbf16>
        %parallel_loop3A_569 = vector.bitcast %parallel_loop3A_567 : vector<16xi32> to vector<32xbf16>
        %parallel_loop3A_570 = arith.mulf %parallel_loop3A_568, %parallel_loop3A_569 : vector<32xbf16>
        %parallel_loop3A_571 = tpu.unpack_subelements %parallel_loop3A_570, 0 {pack_format = #tpu.pack_format<interleaved>} : vector<32xbf16> -> vector<16xf32>
        %parallel_loop3A_572 = tpu.unpack_subelements %parallel_loop3A_570, 1 {pack_format = #tpu.pack_format<interleaved>} : vector<32xbf16> -> vector<16xf32>
        %parallel_loop3A_573 = arith.addf %parallel_loop3A_485, %parallel_loop3A_571 : vector<16xf32>
        %parallel_loop3A_574 = arith.addf %parallel_loop3A_486, %parallel_loop3A_572 : vector<16xf32>
        %parallel_loop3A_575 = arith.constant 10 : i32
        %parallel_loop3A_576 = vector.broadcast %parallel_loop3A_575 : i32 to vector<16xi32>
        %parallel_loop3A_577 = vector.shape_cast %parallel_loop3A_576 : vector<16xi32> to vector<16x1xi32>
        %parallel_loop3A_578 = vector.shape_cast %parallel_loop3A_577 : vector<16x1xi32> to vector<16xi32>
        %parallel_loop3A_579 = tpu.dynamic_gather %parallel_loop3A_498[%parallel_loop3A_578] in [0] : vector<16xi32>, vector<16xi32> -> vector<16xi32>
        %parallel_loop3A_580 = arith.addi %parallel_loop3A_579, %iota3A : vector<16xi32>
        %parallel_loop3A_581 = vector.shape_cast %parallel_loop3A_576 : vector<16xi32> to vector<16x1xi32>
        %parallel_loop3A_582 = vector.shape_cast %parallel_loop3A_581 : vector<16x1xi32> to vector<16xi32>
        %parallel_loop3A_583 = tpu.dynamic_gather %parallel_loop3A_502[%parallel_loop3A_582] in [0] : vector<16xi32>, vector<16xi32> -> vector<16xi32>
        %parallel_loop3A_584 = arith.addi %parallel_loop3A_583, %iota3A : vector<16xi32>
        %parallel_loop3A_585 = arith.constant 0 : i32
        %parallel_loop3A_586 = tpu.memref_slice %arg5[%parallel_loop3A_585] : memref<33000xi32, #tpu.memory_space<vmem>> -> memref<33000xi32, #tpu.memory_space<vmem>>
        %parallel_loop3A_587 = tpu.vector_load_idx %parallel_loop3A_586[%parallel_loop3A_580] : memref<33000xi32, #tpu.memory_space<vmem>>[vector<16xi32>], vector<16xi32>,
        %parallel_loop3A_588 = arith.constant 0 : i32
        %parallel_loop3A_589 = tpu.memref_slice %arg6[%parallel_loop3A_588] : memref<33000xi32, #tpu.memory_space<vmem>> -> memref<33000xi32, #tpu.memory_space<vmem>>
        %parallel_loop3A_590 = tpu.vector_load_idx %parallel_loop3A_589[%parallel_loop3A_584] : memref<33000xi32, #tpu.memory_space<vmem>>[vector<16xi32>], vector<16xi32>,
        %parallel_loop3A_591 = vector.bitcast %parallel_loop3A_587 : vector<16xi32> to vector<32xbf16>
        %parallel_loop3A_592 = vector.bitcast %parallel_loop3A_590 : vector<16xi32> to vector<32xbf16>
        %parallel_loop3A_593 = arith.mulf %parallel_loop3A_591, %parallel_loop3A_592 : vector<32xbf16>
        %parallel_loop3A_594 = tpu.unpack_subelements %parallel_loop3A_593, 0 {pack_format = #tpu.pack_format<interleaved>} : vector<32xbf16> -> vector<16xf32>
        %parallel_loop3A_595 = tpu.unpack_subelements %parallel_loop3A_593, 1 {pack_format = #tpu.pack_format<interleaved>} : vector<32xbf16> -> vector<16xf32>
        %parallel_loop3A_596 = arith.addf %parallel_loop3A_487, %parallel_loop3A_594 : vector<16xf32>
        %parallel_loop3A_597 = arith.addf %parallel_loop3A_488, %parallel_loop3A_595 : vector<16xf32>
        %parallel_loop3A_598 = arith.constant 16 : i32
        %parallel_loop3A_599 = tpu.memref_slice %arg5[%parallel_loop3A_598] : memref<33000xi32, #tpu.memory_space<vmem>> -> memref<32984xi32, #tpu.memory_space<vmem>>
        %parallel_loop3A_600 = tpu.vector_load_idx %parallel_loop3A_599[%parallel_loop3A_580] : memref<32984xi32, #tpu.memory_space<vmem>>[vector<16xi32>], vector<16xi32>,
        %parallel_loop3A_601 = arith.constant 16 : i32
        %parallel_loop3A_602 = tpu.memref_slice %arg6[%parallel_loop3A_601] : memref<33000xi32, #tpu.memory_space<vmem>> -> memref<32984xi32, #tpu.memory_space<vmem>>
        %parallel_loop3A_603 = tpu.vector_load_idx %parallel_loop3A_602[%parallel_loop3A_584] : memref<32984xi32, #tpu.memory_space<vmem>>[vector<16xi32>], vector<16xi32>,
        %parallel_loop3A_604 = vector.bitcast %parallel_loop3A_600 : vector<16xi32> to vector<32xbf16>
        %parallel_loop3A_605 = vector.bitcast %parallel_loop3A_603 : vector<16xi32> to vector<32xbf16>
        %parallel_loop3A_606 = arith.mulf %parallel_loop3A_604, %parallel_loop3A_605 : vector<32xbf16>
        %parallel_loop3A_607 = tpu.unpack_subelements %parallel_loop3A_606, 0 {pack_format = #tpu.pack_format<interleaved>} : vector<32xbf16> -> vector<16xf32>
        %parallel_loop3A_608 = tpu.unpack_subelements %parallel_loop3A_606, 1 {pack_format = #tpu.pack_format<interleaved>} : vector<32xbf16> -> vector<16xf32>
        %parallel_loop3A_609 = arith.addf %parallel_loop3A_489, %parallel_loop3A_607 : vector<16xf32>
        %parallel_loop3A_610 = arith.addf %parallel_loop3A_490, %parallel_loop3A_608 : vector<16xf32>
        %parallel_loop3A_611 = arith.constant 11 : i32
        %parallel_loop3A_612 = vector.broadcast %parallel_loop3A_611 : i32 to vector<16xi32>
        %parallel_loop3A_613 = vector.shape_cast %parallel_loop3A_612 : vector<16xi32> to vector<16x1xi32>
        %parallel_loop3A_614 = vector.shape_cast %parallel_loop3A_613 : vector<16x1xi32> to vector<16xi32>
        %parallel_loop3A_615 = tpu.dynamic_gather %parallel_loop3A_498[%parallel_loop3A_614] in [0] : vector<16xi32>, vector<16xi32> -> vector<16xi32>
        %parallel_loop3A_616 = arith.addi %parallel_loop3A_615, %iota3A : vector<16xi32>
        %parallel_loop3A_617 = vector.shape_cast %parallel_loop3A_612 : vector<16xi32> to vector<16x1xi32>
        %parallel_loop3A_618 = vector.shape_cast %parallel_loop3A_617 : vector<16x1xi32> to vector<16xi32>
        %parallel_loop3A_619 = tpu.dynamic_gather %parallel_loop3A_502[%parallel_loop3A_618] in [0] : vector<16xi32>, vector<16xi32> -> vector<16xi32>
        %parallel_loop3A_620 = arith.addi %parallel_loop3A_619, %iota3A : vector<16xi32>
        %parallel_loop3A_621 = arith.constant 0 : i32
        %parallel_loop3A_622 = tpu.memref_slice %arg5[%parallel_loop3A_621] : memref<33000xi32, #tpu.memory_space<vmem>> -> memref<33000xi32, #tpu.memory_space<vmem>>
        %parallel_loop3A_623 = tpu.vector_load_idx %parallel_loop3A_622[%parallel_loop3A_616] : memref<33000xi32, #tpu.memory_space<vmem>>[vector<16xi32>], vector<16xi32>,
        %parallel_loop3A_624 = arith.constant 0 : i32
        %parallel_loop3A_625 = tpu.memref_slice %arg6[%parallel_loop3A_624] : memref<33000xi32, #tpu.memory_space<vmem>> -> memref<33000xi32, #tpu.memory_space<vmem>>
        %parallel_loop3A_626 = tpu.vector_load_idx %parallel_loop3A_625[%parallel_loop3A_620] : memref<33000xi32, #tpu.memory_space<vmem>>[vector<16xi32>], vector<16xi32>,
        %parallel_loop3A_627 = vector.bitcast %parallel_loop3A_623 : vector<16xi32> to vector<32xbf16>
        %parallel_loop3A_628 = vector.bitcast %parallel_loop3A_626 : vector<16xi32> to vector<32xbf16>
        %parallel_loop3A_629 = arith.mulf %parallel_loop3A_627, %parallel_loop3A_628 : vector<32xbf16>
        %parallel_loop3A_630 = tpu.unpack_subelements %parallel_loop3A_629, 0 {pack_format = #tpu.pack_format<interleaved>} : vector<32xbf16> -> vector<16xf32>
        %parallel_loop3A_631 = tpu.unpack_subelements %parallel_loop3A_629, 1 {pack_format = #tpu.pack_format<interleaved>} : vector<32xbf16> -> vector<16xf32>
        %parallel_loop3A_632 = arith.addf %parallel_loop3A_491, %parallel_loop3A_630 : vector<16xf32>
        %parallel_loop3A_633 = arith.addf %parallel_loop3A_492, %parallel_loop3A_631 : vector<16xf32>
        %parallel_loop3A_634 = arith.constant 16 : i32
        %parallel_loop3A_635 = tpu.memref_slice %arg5[%parallel_loop3A_634] : memref<33000xi32, #tpu.memory_space<vmem>> -> memref<32984xi32, #tpu.memory_space<vmem>>
        %parallel_loop3A_636 = tpu.vector_load_idx %parallel_loop3A_635[%parallel_loop3A_616] : memref<32984xi32, #tpu.memory_space<vmem>>[vector<16xi32>], vector<16xi32>,
        %parallel_loop3A_637 = arith.constant 16 : i32
        %parallel_loop3A_638 = tpu.memref_slice %arg6[%parallel_loop3A_637] : memref<33000xi32, #tpu.memory_space<vmem>> -> memref<32984xi32, #tpu.memory_space<vmem>>
        %parallel_loop3A_639 = tpu.vector_load_idx %parallel_loop3A_638[%parallel_loop3A_620] : memref<32984xi32, #tpu.memory_space<vmem>>[vector<16xi32>], vector<16xi32>,
        %parallel_loop3A_640 = vector.bitcast %parallel_loop3A_636 : vector<16xi32> to vector<32xbf16>
        %parallel_loop3A_641 = vector.bitcast %parallel_loop3A_639 : vector<16xi32> to vector<32xbf16>
        %parallel_loop3A_642 = arith.mulf %parallel_loop3A_640, %parallel_loop3A_641 : vector<32xbf16>
        %parallel_loop3A_643 = tpu.unpack_subelements %parallel_loop3A_642, 0 {pack_format = #tpu.pack_format<interleaved>} : vector<32xbf16> -> vector<16xf32>
        %parallel_loop3A_644 = tpu.unpack_subelements %parallel_loop3A_642, 1 {pack_format = #tpu.pack_format<interleaved>} : vector<32xbf16> -> vector<16xf32>
        %parallel_loop3A_645 = arith.addf %parallel_loop3A_493, %parallel_loop3A_643 : vector<16xf32>
        %parallel_loop3A_646 = arith.addf %parallel_loop3A_494, %parallel_loop3A_644 : vector<16xf32>
        scf.yield %parallel_loop3A_524, %parallel_loop3A_525, %parallel_loop3A_537, %parallel_loop3A_538, %parallel_loop3A_560, %parallel_loop3A_561, %parallel_loop3A_573, %parallel_loop3A_574, %parallel_loop3A_596, %parallel_loop3A_597, %parallel_loop3A_609, %parallel_loop3A_610, %parallel_loop3A_632, %parallel_loop3A_633, %parallel_loop3A_645, %parallel_loop3A_646 : vector<16xf32>, vector<16xf32>, vector<16xf32>, vector<16xf32>, vector<16xf32>, vector<16xf32>, vector<16xf32>, vector<16xf32>, vector<16xf32>, vector<16xf32>, vector<16xf32>, vector<16xf32>, vector<16xf32>, vector<16xf32>, vector<16xf32>, vector<16xf32>
      } {sc.loop_unroll_factor = 2 : i64, sc.parallel_access}
      %add3A_313 = arith.constant 8 : i32
      %add3A_314 = arith.addi %mul3A_72, %add3A_313 : i32
      %add3A_315 = arith.constant 0 : i32
      %add3A_316 = arith.addi %add3A_314, %add3A_315 : i32
      %swap3A_317 = arith.index_cast %add3A_316 : i32 to index
      %swap3A_318 = arith.constant 0 : index
      %swap3A_319 = tpu.vector_load %arg11[%swap3A_317, %swap3A_318] {strides = array<i32>} : memref<64x64xf32, #tpu.memory_space<vmem>>, vector<16xf32>,
      tpu.vector_store %arg11[%swap3A_317, %swap3A_318], %parallel_loop3A_312#0 {strides = array<i32>} : memref<64x64xf32, #tpu.memory_space<vmem>>, vector<16xf32>,
      %swap3A_320 = arith.index_cast %add3A_316 : i32 to index
      %swap3A_321 = arith.constant 32 : index
      %swap3A_322 = tpu.vector_load %arg11[%swap3A_320, %swap3A_321] {strides = array<i32>} : memref<64x64xf32, #tpu.memory_space<vmem>>, vector<16xf32>,
      tpu.vector_store %arg11[%swap3A_320, %swap3A_321], %parallel_loop3A_312#1 {strides = array<i32>} : memref<64x64xf32, #tpu.memory_space<vmem>>, vector<16xf32>,
      %swap3A_323 = arith.index_cast %add3A_316 : i32 to index
      %swap3A_324 = arith.constant 16 : index
      %swap3A_325 = tpu.vector_load %arg11[%swap3A_323, %swap3A_324] {strides = array<i32>} : memref<64x64xf32, #tpu.memory_space<vmem>>, vector<16xf32>,
      tpu.vector_store %arg11[%swap3A_323, %swap3A_324], %parallel_loop3A_312#2 {strides = array<i32>} : memref<64x64xf32, #tpu.memory_space<vmem>>, vector<16xf32>,
      %swap3A_326 = arith.index_cast %add3A_316 : i32 to index
      %swap3A_327 = arith.constant 48 : index
      %swap3A_328 = tpu.vector_load %arg11[%swap3A_326, %swap3A_327] {strides = array<i32>} : memref<64x64xf32, #tpu.memory_space<vmem>>, vector<16xf32>,
      tpu.vector_store %arg11[%swap3A_326, %swap3A_327], %parallel_loop3A_312#3 {strides = array<i32>} : memref<64x64xf32, #tpu.memory_space<vmem>>, vector<16xf32>,
      %add3A_329 = arith.constant 8 : i32
      %add3A_330 = arith.addi %mul3A_72, %add3A_329 : i32
      %add3A_331 = arith.constant 1 : i32
      %add3A_332 = arith.addi %add3A_330, %add3A_331 : i32
      %swap3A_333 = arith.index_cast %add3A_332 : i32 to index
      %swap3A_334 = arith.constant 0 : index
      %swap3A_335 = tpu.vector_load %arg11[%swap3A_333, %swap3A_334] {strides = array<i32>} : memref<64x64xf32, #tpu.memory_space<vmem>>, vector<16xf32>,
      tpu.vector_store %arg11[%swap3A_333, %swap3A_334], %parallel_loop3A_312#4 {strides = array<i32>} : memref<64x64xf32, #tpu.memory_space<vmem>>, vector<16xf32>,
      %swap3A_336 = arith.index_cast %add3A_332 : i32 to index
      %swap3A_337 = arith.constant 32 : index
      %swap3A_338 = tpu.vector_load %arg11[%swap3A_336, %swap3A_337] {strides = array<i32>} : memref<64x64xf32, #tpu.memory_space<vmem>>, vector<16xf32>,
      tpu.vector_store %arg11[%swap3A_336, %swap3A_337], %parallel_loop3A_312#5 {strides = array<i32>} : memref<64x64xf32, #tpu.memory_space<vmem>>, vector<16xf32>,
      %swap3A_339 = arith.index_cast %add3A_332 : i32 to index
      %swap3A_340 = arith.constant 16 : index
      %swap3A_341 = tpu.vector_load %arg11[%swap3A_339, %swap3A_340] {strides = array<i32>} : memref<64x64xf32, #tpu.memory_space<vmem>>, vector<16xf32>,
      tpu.vector_store %arg11[%swap3A_339, %swap3A_340], %parallel_loop3A_312#6 {strides = array<i32>} : memref<64x64xf32, #tpu.memory_space<vmem>>, vector<16xf32>,
      %swap3A_342 = arith.index_cast %add3A_332 : i32 to index
      %swap3A_343 = arith.constant 48 : index
      %swap3A_344 = tpu.vector_load %arg11[%swap3A_342, %swap3A_343] {strides = array<i32>} : memref<64x64xf32, #tpu.memory_space<vmem>>, vector<16xf32>,
      tpu.vector_store %arg11[%swap3A_342, %swap3A_343], %parallel_loop3A_312#7 {strides = array<i32>} : memref<64x64xf32, #tpu.memory_space<vmem>>, vector<16xf32>,
      %add3A_345 = arith.constant 8 : i32
      %add3A_346 = arith.addi %mul3A_72, %add3A_345 : i32
      %add3A_347 = arith.constant 2 : i32
      %add3A_348 = arith.addi %add3A_346, %add3A_347 : i32
      %swap3A_349 = arith.index_cast %add3A_348 : i32 to index
      %swap3A_350 = arith.constant 0 : index
      %swap3A_351 = tpu.vector_load %arg11[%swap3A_349, %swap3A_350] {strides = array<i32>} : memref<64x64xf32, #tpu.memory_space<vmem>>, vector<16xf32>,
      tpu.vector_store %arg11[%swap3A_349, %swap3A_350], %parallel_loop3A_312#8 {strides = array<i32>} : memref<64x64xf32, #tpu.memory_space<vmem>>, vector<16xf32>,
      %swap3A_352 = arith.index_cast %add3A_348 : i32 to index
      %swap3A_353 = arith.constant 32 : index
      %swap3A_354 = tpu.vector_load %arg11[%swap3A_352, %swap3A_353] {strides = array<i32>} : memref<64x64xf32, #tpu.memory_space<vmem>>, vector<16xf32>,
      tpu.vector_store %arg11[%swap3A_352, %swap3A_353], %parallel_loop3A_312#9 {strides = array<i32>} : memref<64x64xf32, #tpu.memory_space<vmem>>, vector<16xf32>,
      %swap3A_355 = arith.index_cast %add3A_348 : i32 to index
      %swap3A_356 = arith.constant 16 : index
      %swap3A_357 = tpu.vector_load %arg11[%swap3A_355, %swap3A_356] {strides = array<i32>} : memref<64x64xf32, #tpu.memory_space<vmem>>, vector<16xf32>,
      tpu.vector_store %arg11[%swap3A_355, %swap3A_356], %parallel_loop3A_312#10 {strides = array<i32>} : memref<64x64xf32, #tpu.memory_space<vmem>>, vector<16xf32>,
      %swap3A_358 = arith.index_cast %add3A_348 : i32 to index
      %swap3A_359 = arith.constant 48 : index
      %swap3A_360 = tpu.vector_load %arg11[%swap3A_358, %swap3A_359] {strides = array<i32>} : memref<64x64xf32, #tpu.memory_space<vmem>>, vector<16xf32>,
      tpu.vector_store %arg11[%swap3A_358, %swap3A_359], %parallel_loop3A_312#11 {strides = array<i32>} : memref<64x64xf32, #tpu.memory_space<vmem>>, vector<16xf32>,
      %add3A_361 = arith.constant 8 : i32
      %add3A_362 = arith.addi %mul3A_72, %add3A_361 : i32
      %add3A_363 = arith.constant 3 : i32
      %add3A_364 = arith.addi %add3A_362, %add3A_363 : i32
      %swap3A_365 = arith.index_cast %add3A_364 : i32 to index
      %swap3A_366 = arith.constant 0 : index
      %swap3A_367 = tpu.vector_load %arg11[%swap3A_365, %swap3A_366] {strides = array<i32>} : memref<64x64xf32, #tpu.memory_space<vmem>>, vector<16xf32>,
      tpu.vector_store %arg11[%swap3A_365, %swap3A_366], %parallel_loop3A_312#12 {strides = array<i32>} : memref<64x64xf32, #tpu.memory_space<vmem>>, vector<16xf32>,
      %swap3A_368 = arith.index_cast %add3A_364 : i32 to index
      %swap3A_369 = arith.constant 32 : index
      %swap3A_370 = tpu.vector_load %arg11[%swap3A_368, %swap3A_369] {strides = array<i32>} : memref<64x64xf32, #tpu.memory_space<vmem>>, vector<16xf32>,
      tpu.vector_store %arg11[%swap3A_368, %swap3A_369], %parallel_loop3A_312#13 {strides = array<i32>} : memref<64x64xf32, #tpu.memory_space<vmem>>, vector<16xf32>,
      %swap3A_371 = arith.index_cast %add3A_364 : i32 to index
      %swap3A_372 = arith.constant 16 : index
      %swap3A_373 = tpu.vector_load %arg11[%swap3A_371, %swap3A_372] {strides = array<i32>} : memref<64x64xf32, #tpu.memory_space<vmem>>, vector<16xf32>,
      tpu.vector_store %arg11[%swap3A_371, %swap3A_372], %parallel_loop3A_312#14 {strides = array<i32>} : memref<64x64xf32, #tpu.memory_space<vmem>>, vector<16xf32>,
      %swap3A_374 = arith.index_cast %add3A_364 : i32 to index
      %swap3A_375 = arith.constant 48 : index
      %swap3A_376 = tpu.vector_load %arg11[%swap3A_374, %swap3A_375] {strides = array<i32>} : memref<64x64xf32, #tpu.memory_space<vmem>>, vector<16xf32>,
      tpu.vector_store %arg11[%swap3A_374, %swap3A_375], %parallel_loop3A_312#15 {strides = array<i32>} : memref<64x64xf32, #tpu.memory_space<vmem>>, vector<16xf32>,
      %broadcast_in_dim3A_377 = arith.constant 0.000000e+00 : f32
      %broadcast_in_dim3A_378 = vector.broadcast %broadcast_in_dim3A_377 : f32 to vector<16xf32>
      %broadcast_in_dim3A_379 = arith.constant 0.000000e+00 : f32
      %broadcast_in_dim3A_380 = vector.broadcast %broadcast_in_dim3A_379 : f32 to vector<16xf32>
      %broadcast_in_dim3A_381 = arith.constant 0.000000e+00 : f32
      %broadcast_in_dim3A_382 = vector.broadcast %broadcast_in_dim3A_381 : f32 to vector<16xf32>
      %broadcast_in_dim3A_383 = arith.constant 0.000000e+00 : f32
      %broadcast_in_dim3A_384 = vector.broadcast %broadcast_in_dim3A_383 : f32 to vector<16xf32>
      %broadcast_in_dim3A_385 = arith.constant 0.000000e+00 : f32
      %broadcast_in_dim3A_386 = vector.broadcast %broadcast_in_dim3A_385 : f32 to vector<16xf32>
      %broadcast_in_dim3A_387 = arith.constant 0.000000e+00 : f32
      %broadcast_in_dim3A_388 = vector.broadcast %broadcast_in_dim3A_387 : f32 to vector<16xf32>
      %broadcast_in_dim3A_389 = arith.constant 0.000000e+00 : f32
      %broadcast_in_dim3A_390 = vector.broadcast %broadcast_in_dim3A_389 : f32 to vector<16xf32>
      %broadcast_in_dim3A_391 = arith.constant 0.000000e+00 : f32
      %broadcast_in_dim3A_392 = vector.broadcast %broadcast_in_dim3A_391 : f32 to vector<16xf32>
      %broadcast_in_dim3A_393 = arith.constant 0.000000e+00 : f32
      %broadcast_in_dim3A_394 = vector.broadcast %broadcast_in_dim3A_393 : f32 to vector<16xf32>
      %broadcast_in_dim3A_395 = arith.constant 0.000000e+00 : f32
      %broadcast_in_dim3A_396 = vector.broadcast %broadcast_in_dim3A_395 : f32 to vector<16xf32>
      %broadcast_in_dim3A_397 = arith.constant 0.000000e+00 : f32
      %broadcast_in_dim3A_398 = vector.broadcast %broadcast_in_dim3A_397 : f32 to vector<16xf32>
      %broadcast_in_dim3A_399 = arith.constant 0.000000e+00 : f32
      %broadcast_in_dim3A_400 = vector.broadcast %broadcast_in_dim3A_399 : f32 to vector<16xf32>
      %broadcast_in_dim3A_401 = arith.constant 0.000000e+00 : f32
      %broadcast_in_dim3A_402 = vector.broadcast %broadcast_in_dim3A_401 : f32 to vector<16xf32>
      %broadcast_in_dim3A_403 = arith.constant 0.000000e+00 : f32
      %broadcast_in_dim3A_404 = vector.broadcast %broadcast_in_dim3A_403 : f32 to vector<16xf32>
      %broadcast_in_dim3A_405 = arith.constant 0.000000e+00 : f32
      %broadcast_in_dim3A_406 = vector.broadcast %broadcast_in_dim3A_405 : f32 to vector<16xf32>
      %broadcast_in_dim3A_407 = arith.constant 0.000000e+00 : f32
      %broadcast_in_dim3A_408 = vector.broadcast %broadcast_in_dim3A_407 : f32 to vector<16xf32>
      %parallel_loop3A_409 = arith.constant 0 : i32
      %parallel_loop3A_410 = arith.constant 26 : i32
      %parallel_loop3A_411 = arith.constant 1 : i32
      %parallel_loop3A_412:16 = scf.for %parallel_loop3A_478 = %parallel_loop3A_409 to %parallel_loop3A_410 step %parallel_loop3A_411 iter_args(%parallel_loop3A_479 = %broadcast_in_dim3A_378, %parallel_loop3A_480 = %broadcast_in_dim3A_380, %parallel_loop3A_481 = %broadcast_in_dim3A_382, %parallel_loop3A_482 = %broadcast_in_dim3A_384, %parallel_loop3A_483 = %broadcast_in_dim3A_386, %parallel_loop3A_484 = %broadcast_in_dim3A_388, %parallel_loop3A_485 = %broadcast_in_dim3A_390, %parallel_loop3A_486 = %broadcast_in_dim3A_392, %parallel_loop3A_487 = %broadcast_in_dim3A_394, %parallel_loop3A_488 = %broadcast_in_dim3A_396, %parallel_loop3A_489 = %broadcast_in_dim3A_398, %parallel_loop3A_490 = %broadcast_in_dim3A_400, %parallel_loop3A_491 = %broadcast_in_dim3A_402, %parallel_loop3A_492 = %broadcast_in_dim3A_404, %parallel_loop3A_493 = %broadcast_in_dim3A_406, %parallel_loop3A_494 = %broadcast_in_dim3A_408) -> (vector<16xf32>, vector<16xf32>, vector<16xf32>, vector<16xf32>, vector<16xf32>, vector<16xf32>, vector<16xf32>, vector<16xf32>, vector<16xf32>, vector<16xf32>, vector<16xf32>, vector<16xf32>, vector<16xf32>, vector<16xf32>, vector<16xf32>, vector<16xf32>)  : i32 {
        %parallel_loop3A_495 = arith.constant 16 : i32
        %parallel_loop3A_496 = arith.muli %parallel_loop3A_478, %parallel_loop3A_495 : i32
        %parallel_loop3A_497 = arith.index_cast %parallel_loop3A_496 : i32 to index
        %parallel_loop3A_498 = tpu.vector_load %arg9[%parallel_loop3A_497] {strides = array<i32>} : memref<416xi32, #tpu.memory_space<vmem>>, vector<16xi32>,
        %parallel_loop3A_499 = arith.constant 16 : i32
        %parallel_loop3A_500 = arith.muli %parallel_loop3A_478, %parallel_loop3A_499 : i32
        %parallel_loop3A_501 = arith.index_cast %parallel_loop3A_500 : i32 to index
        %parallel_loop3A_502 = tpu.vector_load %arg10[%parallel_loop3A_501] {strides = array<i32>} : memref<416xi32, #tpu.memory_space<vmem>>, vector<16xi32>,
        %parallel_loop3A_503 = arith.constant 12 : i32
        %parallel_loop3A_504 = vector.broadcast %parallel_loop3A_503 : i32 to vector<16xi32>
        %parallel_loop3A_505 = vector.shape_cast %parallel_loop3A_504 : vector<16xi32> to vector<16x1xi32>
        %parallel_loop3A_506 = vector.shape_cast %parallel_loop3A_505 : vector<16x1xi32> to vector<16xi32>
        %parallel_loop3A_507 = tpu.dynamic_gather %parallel_loop3A_498[%parallel_loop3A_506] in [0] : vector<16xi32>, vector<16xi32> -> vector<16xi32>
        %parallel_loop3A_508 = arith.addi %parallel_loop3A_507, %iota3A : vector<16xi32>
        %parallel_loop3A_509 = vector.shape_cast %parallel_loop3A_504 : vector<16xi32> to vector<16x1xi32>
        %parallel_loop3A_510 = vector.shape_cast %parallel_loop3A_509 : vector<16x1xi32> to vector<16xi32>
        %parallel_loop3A_511 = tpu.dynamic_gather %parallel_loop3A_502[%parallel_loop3A_510] in [0] : vector<16xi32>, vector<16xi32> -> vector<16xi32>
        %parallel_loop3A_512 = arith.addi %parallel_loop3A_511, %iota3A : vector<16xi32>
        %parallel_loop3A_513 = arith.constant 0 : i32
        %parallel_loop3A_514 = tpu.memref_slice %arg5[%parallel_loop3A_513] : memref<33000xi32, #tpu.memory_space<vmem>> -> memref<33000xi32, #tpu.memory_space<vmem>>
        %parallel_loop3A_515 = tpu.vector_load_idx %parallel_loop3A_514[%parallel_loop3A_508] : memref<33000xi32, #tpu.memory_space<vmem>>[vector<16xi32>], vector<16xi32>,
        %parallel_loop3A_516 = arith.constant 0 : i32
        %parallel_loop3A_517 = tpu.memref_slice %arg6[%parallel_loop3A_516] : memref<33000xi32, #tpu.memory_space<vmem>> -> memref<33000xi32, #tpu.memory_space<vmem>>
        %parallel_loop3A_518 = tpu.vector_load_idx %parallel_loop3A_517[%parallel_loop3A_512] : memref<33000xi32, #tpu.memory_space<vmem>>[vector<16xi32>], vector<16xi32>,
        %parallel_loop3A_519 = vector.bitcast %parallel_loop3A_515 : vector<16xi32> to vector<32xbf16>
        %parallel_loop3A_520 = vector.bitcast %parallel_loop3A_518 : vector<16xi32> to vector<32xbf16>
        %parallel_loop3A_521 = arith.mulf %parallel_loop3A_519, %parallel_loop3A_520 : vector<32xbf16>
        %parallel_loop3A_522 = tpu.unpack_subelements %parallel_loop3A_521, 0 {pack_format = #tpu.pack_format<interleaved>} : vector<32xbf16> -> vector<16xf32>
        %parallel_loop3A_523 = tpu.unpack_subelements %parallel_loop3A_521, 1 {pack_format = #tpu.pack_format<interleaved>} : vector<32xbf16> -> vector<16xf32>
        %parallel_loop3A_524 = arith.addf %parallel_loop3A_479, %parallel_loop3A_522 : vector<16xf32>
        %parallel_loop3A_525 = arith.addf %parallel_loop3A_480, %parallel_loop3A_523 : vector<16xf32>
        %parallel_loop3A_526 = arith.constant 16 : i32
        %parallel_loop3A_527 = tpu.memref_slice %arg5[%parallel_loop3A_526] : memref<33000xi32, #tpu.memory_space<vmem>> -> memref<32984xi32, #tpu.memory_space<vmem>>
        %parallel_loop3A_528 = tpu.vector_load_idx %parallel_loop3A_527[%parallel_loop3A_508] : memref<32984xi32, #tpu.memory_space<vmem>>[vector<16xi32>], vector<16xi32>,
        %parallel_loop3A_529 = arith.constant 16 : i32
        %parallel_loop3A_530 = tpu.memref_slice %arg6[%parallel_loop3A_529] : memref<33000xi32, #tpu.memory_space<vmem>> -> memref<32984xi32, #tpu.memory_space<vmem>>
        %parallel_loop3A_531 = tpu.vector_load_idx %parallel_loop3A_530[%parallel_loop3A_512] : memref<32984xi32, #tpu.memory_space<vmem>>[vector<16xi32>], vector<16xi32>,
        %parallel_loop3A_532 = vector.bitcast %parallel_loop3A_528 : vector<16xi32> to vector<32xbf16>
        %parallel_loop3A_533 = vector.bitcast %parallel_loop3A_531 : vector<16xi32> to vector<32xbf16>
        %parallel_loop3A_534 = arith.mulf %parallel_loop3A_532, %parallel_loop3A_533 : vector<32xbf16>
        %parallel_loop3A_535 = tpu.unpack_subelements %parallel_loop3A_534, 0 {pack_format = #tpu.pack_format<interleaved>} : vector<32xbf16> -> vector<16xf32>
        %parallel_loop3A_536 = tpu.unpack_subelements %parallel_loop3A_534, 1 {pack_format = #tpu.pack_format<interleaved>} : vector<32xbf16> -> vector<16xf32>
        %parallel_loop3A_537 = arith.addf %parallel_loop3A_481, %parallel_loop3A_535 : vector<16xf32>
        %parallel_loop3A_538 = arith.addf %parallel_loop3A_482, %parallel_loop3A_536 : vector<16xf32>
        %parallel_loop3A_539 = arith.constant 13 : i32
        %parallel_loop3A_540 = vector.broadcast %parallel_loop3A_539 : i32 to vector<16xi32>
        %parallel_loop3A_541 = vector.shape_cast %parallel_loop3A_540 : vector<16xi32> to vector<16x1xi32>
        %parallel_loop3A_542 = vector.shape_cast %parallel_loop3A_541 : vector<16x1xi32> to vector<16xi32>
        %parallel_loop3A_543 = tpu.dynamic_gather %parallel_loop3A_498[%parallel_loop3A_542] in [0] : vector<16xi32>, vector<16xi32> -> vector<16xi32>
        %parallel_loop3A_544 = arith.addi %parallel_loop3A_543, %iota3A : vector<16xi32>
        %parallel_loop3A_545 = vector.shape_cast %parallel_loop3A_540 : vector<16xi32> to vector<16x1xi32>
        %parallel_loop3A_546 = vector.shape_cast %parallel_loop3A_545 : vector<16x1xi32> to vector<16xi32>
        %parallel_loop3A_547 = tpu.dynamic_gather %parallel_loop3A_502[%parallel_loop3A_546] in [0] : vector<16xi32>, vector<16xi32> -> vector<16xi32>
        %parallel_loop3A_548 = arith.addi %parallel_loop3A_547, %iota3A : vector<16xi32>
        %parallel_loop3A_549 = arith.constant 0 : i32
        %parallel_loop3A_550 = tpu.memref_slice %arg5[%parallel_loop3A_549] : memref<33000xi32, #tpu.memory_space<vmem>> -> memref<33000xi32, #tpu.memory_space<vmem>>
        %parallel_loop3A_551 = tpu.vector_load_idx %parallel_loop3A_550[%parallel_loop3A_544] : memref<33000xi32, #tpu.memory_space<vmem>>[vector<16xi32>], vector<16xi32>,
        %parallel_loop3A_552 = arith.constant 0 : i32
        %parallel_loop3A_553 = tpu.memref_slice %arg6[%parallel_loop3A_552] : memref<33000xi32, #tpu.memory_space<vmem>> -> memref<33000xi32, #tpu.memory_space<vmem>>
        %parallel_loop3A_554 = tpu.vector_load_idx %parallel_loop3A_553[%parallel_loop3A_548] : memref<33000xi32, #tpu.memory_space<vmem>>[vector<16xi32>], vector<16xi32>,
        %parallel_loop3A_555 = vector.bitcast %parallel_loop3A_551 : vector<16xi32> to vector<32xbf16>
        %parallel_loop3A_556 = vector.bitcast %parallel_loop3A_554 : vector<16xi32> to vector<32xbf16>
        %parallel_loop3A_557 = arith.mulf %parallel_loop3A_555, %parallel_loop3A_556 : vector<32xbf16>
        %parallel_loop3A_558 = tpu.unpack_subelements %parallel_loop3A_557, 0 {pack_format = #tpu.pack_format<interleaved>} : vector<32xbf16> -> vector<16xf32>
        %parallel_loop3A_559 = tpu.unpack_subelements %parallel_loop3A_557, 1 {pack_format = #tpu.pack_format<interleaved>} : vector<32xbf16> -> vector<16xf32>
        %parallel_loop3A_560 = arith.addf %parallel_loop3A_483, %parallel_loop3A_558 : vector<16xf32>
        %parallel_loop3A_561 = arith.addf %parallel_loop3A_484, %parallel_loop3A_559 : vector<16xf32>
        %parallel_loop3A_562 = arith.constant 16 : i32
        %parallel_loop3A_563 = tpu.memref_slice %arg5[%parallel_loop3A_562] : memref<33000xi32, #tpu.memory_space<vmem>> -> memref<32984xi32, #tpu.memory_space<vmem>>
        %parallel_loop3A_564 = tpu.vector_load_idx %parallel_loop3A_563[%parallel_loop3A_544] : memref<32984xi32, #tpu.memory_space<vmem>>[vector<16xi32>], vector<16xi32>,
        %parallel_loop3A_565 = arith.constant 16 : i32
        %parallel_loop3A_566 = tpu.memref_slice %arg6[%parallel_loop3A_565] : memref<33000xi32, #tpu.memory_space<vmem>> -> memref<32984xi32, #tpu.memory_space<vmem>>
        %parallel_loop3A_567 = tpu.vector_load_idx %parallel_loop3A_566[%parallel_loop3A_548] : memref<32984xi32, #tpu.memory_space<vmem>>[vector<16xi32>], vector<16xi32>,
        %parallel_loop3A_568 = vector.bitcast %parallel_loop3A_564 : vector<16xi32> to vector<32xbf16>
        %parallel_loop3A_569 = vector.bitcast %parallel_loop3A_567 : vector<16xi32> to vector<32xbf16>
        %parallel_loop3A_570 = arith.mulf %parallel_loop3A_568, %parallel_loop3A_569 : vector<32xbf16>
        %parallel_loop3A_571 = tpu.unpack_subelements %parallel_loop3A_570, 0 {pack_format = #tpu.pack_format<interleaved>} : vector<32xbf16> -> vector<16xf32>
        %parallel_loop3A_572 = tpu.unpack_subelements %parallel_loop3A_570, 1 {pack_format = #tpu.pack_format<interleaved>} : vector<32xbf16> -> vector<16xf32>
        %parallel_loop3A_573 = arith.addf %parallel_loop3A_485, %parallel_loop3A_571 : vector<16xf32>
        %parallel_loop3A_574 = arith.addf %parallel_loop3A_486, %parallel_loop3A_572 : vector<16xf32>
        %parallel_loop3A_575 = arith.constant 14 : i32
        %parallel_loop3A_576 = vector.broadcast %parallel_loop3A_575 : i32 to vector<16xi32>
        %parallel_loop3A_577 = vector.shape_cast %parallel_loop3A_576 : vector<16xi32> to vector<16x1xi32>
        %parallel_loop3A_578 = vector.shape_cast %parallel_loop3A_577 : vector<16x1xi32> to vector<16xi32>
        %parallel_loop3A_579 = tpu.dynamic_gather %parallel_loop3A_498[%parallel_loop3A_578] in [0] : vector<16xi32>, vector<16xi32> -> vector<16xi32>
        %parallel_loop3A_580 = arith.addi %parallel_loop3A_579, %iota3A : vector<16xi32>
        %parallel_loop3A_581 = vector.shape_cast %parallel_loop3A_576 : vector<16xi32> to vector<16x1xi32>
        %parallel_loop3A_582 = vector.shape_cast %parallel_loop3A_581 : vector<16x1xi32> to vector<16xi32>
        %parallel_loop3A_583 = tpu.dynamic_gather %parallel_loop3A_502[%parallel_loop3A_582] in [0] : vector<16xi32>, vector<16xi32> -> vector<16xi32>
        %parallel_loop3A_584 = arith.addi %parallel_loop3A_583, %iota3A : vector<16xi32>
        %parallel_loop3A_585 = arith.constant 0 : i32
        %parallel_loop3A_586 = tpu.memref_slice %arg5[%parallel_loop3A_585] : memref<33000xi32, #tpu.memory_space<vmem>> -> memref<33000xi32, #tpu.memory_space<vmem>>
        %parallel_loop3A_587 = tpu.vector_load_idx %parallel_loop3A_586[%parallel_loop3A_580] : memref<33000xi32, #tpu.memory_space<vmem>>[vector<16xi32>], vector<16xi32>,
        %parallel_loop3A_588 = arith.constant 0 : i32
        %parallel_loop3A_589 = tpu.memref_slice %arg6[%parallel_loop3A_588] : memref<33000xi32, #tpu.memory_space<vmem>> -> memref<33000xi32, #tpu.memory_space<vmem>>
        %parallel_loop3A_590 = tpu.vector_load_idx %parallel_loop3A_589[%parallel_loop3A_584] : memref<33000xi32, #tpu.memory_space<vmem>>[vector<16xi32>], vector<16xi32>,
        %parallel_loop3A_591 = vector.bitcast %parallel_loop3A_587 : vector<16xi32> to vector<32xbf16>
        %parallel_loop3A_592 = vector.bitcast %parallel_loop3A_590 : vector<16xi32> to vector<32xbf16>
        %parallel_loop3A_593 = arith.mulf %parallel_loop3A_591, %parallel_loop3A_592 : vector<32xbf16>
        %parallel_loop3A_594 = tpu.unpack_subelements %parallel_loop3A_593, 0 {pack_format = #tpu.pack_format<interleaved>} : vector<32xbf16> -> vector<16xf32>
        %parallel_loop3A_595 = tpu.unpack_subelements %parallel_loop3A_593, 1 {pack_format = #tpu.pack_format<interleaved>} : vector<32xbf16> -> vector<16xf32>
        %parallel_loop3A_596 = arith.addf %parallel_loop3A_487, %parallel_loop3A_594 : vector<16xf32>
        %parallel_loop3A_597 = arith.addf %parallel_loop3A_488, %parallel_loop3A_595 : vector<16xf32>
        %parallel_loop3A_598 = arith.constant 16 : i32
        %parallel_loop3A_599 = tpu.memref_slice %arg5[%parallel_loop3A_598] : memref<33000xi32, #tpu.memory_space<vmem>> -> memref<32984xi32, #tpu.memory_space<vmem>>
        %parallel_loop3A_600 = tpu.vector_load_idx %parallel_loop3A_599[%parallel_loop3A_580] : memref<32984xi32, #tpu.memory_space<vmem>>[vector<16xi32>], vector<16xi32>,
        %parallel_loop3A_601 = arith.constant 16 : i32
        %parallel_loop3A_602 = tpu.memref_slice %arg6[%parallel_loop3A_601] : memref<33000xi32, #tpu.memory_space<vmem>> -> memref<32984xi32, #tpu.memory_space<vmem>>
        %parallel_loop3A_603 = tpu.vector_load_idx %parallel_loop3A_602[%parallel_loop3A_584] : memref<32984xi32, #tpu.memory_space<vmem>>[vector<16xi32>], vector<16xi32>,
        %parallel_loop3A_604 = vector.bitcast %parallel_loop3A_600 : vector<16xi32> to vector<32xbf16>
        %parallel_loop3A_605 = vector.bitcast %parallel_loop3A_603 : vector<16xi32> to vector<32xbf16>
        %parallel_loop3A_606 = arith.mulf %parallel_loop3A_604, %parallel_loop3A_605 : vector<32xbf16>
        %parallel_loop3A_607 = tpu.unpack_subelements %parallel_loop3A_606, 0 {pack_format = #tpu.pack_format<interleaved>} : vector<32xbf16> -> vector<16xf32>
        %parallel_loop3A_608 = tpu.unpack_subelements %parallel_loop3A_606, 1 {pack_format = #tpu.pack_format<interleaved>} : vector<32xbf16> -> vector<16xf32>
        %parallel_loop3A_609 = arith.addf %parallel_loop3A_489, %parallel_loop3A_607 : vector<16xf32>
        %parallel_loop3A_610 = arith.addf %parallel_loop3A_490, %parallel_loop3A_608 : vector<16xf32>
        %parallel_loop3A_611 = arith.constant 15 : i32
        %parallel_loop3A_612 = vector.broadcast %parallel_loop3A_611 : i32 to vector<16xi32>
        %parallel_loop3A_613 = vector.shape_cast %parallel_loop3A_612 : vector<16xi32> to vector<16x1xi32>
        %parallel_loop3A_614 = vector.shape_cast %parallel_loop3A_613 : vector<16x1xi32> to vector<16xi32>
        %parallel_loop3A_615 = tpu.dynamic_gather %parallel_loop3A_498[%parallel_loop3A_614] in [0] : vector<16xi32>, vector<16xi32> -> vector<16xi32>
        %parallel_loop3A_616 = arith.addi %parallel_loop3A_615, %iota3A : vector<16xi32>
        %parallel_loop3A_617 = vector.shape_cast %parallel_loop3A_612 : vector<16xi32> to vector<16x1xi32>
        %parallel_loop3A_618 = vector.shape_cast %parallel_loop3A_617 : vector<16x1xi32> to vector<16xi32>
        %parallel_loop3A_619 = tpu.dynamic_gather %parallel_loop3A_502[%parallel_loop3A_618] in [0] : vector<16xi32>, vector<16xi32> -> vector<16xi32>
        %parallel_loop3A_620 = arith.addi %parallel_loop3A_619, %iota3A : vector<16xi32>
        %parallel_loop3A_621 = arith.constant 0 : i32
        %parallel_loop3A_622 = tpu.memref_slice %arg5[%parallel_loop3A_621] : memref<33000xi32, #tpu.memory_space<vmem>> -> memref<33000xi32, #tpu.memory_space<vmem>>
        %parallel_loop3A_623 = tpu.vector_load_idx %parallel_loop3A_622[%parallel_loop3A_616] : memref<33000xi32, #tpu.memory_space<vmem>>[vector<16xi32>], vector<16xi32>,
        %parallel_loop3A_624 = arith.constant 0 : i32
        %parallel_loop3A_625 = tpu.memref_slice %arg6[%parallel_loop3A_624] : memref<33000xi32, #tpu.memory_space<vmem>> -> memref<33000xi32, #tpu.memory_space<vmem>>
        %parallel_loop3A_626 = tpu.vector_load_idx %parallel_loop3A_625[%parallel_loop3A_620] : memref<33000xi32, #tpu.memory_space<vmem>>[vector<16xi32>], vector<16xi32>,
        %parallel_loop3A_627 = vector.bitcast %parallel_loop3A_623 : vector<16xi32> to vector<32xbf16>
        %parallel_loop3A_628 = vector.bitcast %parallel_loop3A_626 : vector<16xi32> to vector<32xbf16>
        %parallel_loop3A_629 = arith.mulf %parallel_loop3A_627, %parallel_loop3A_628 : vector<32xbf16>
        %parallel_loop3A_630 = tpu.unpack_subelements %parallel_loop3A_629, 0 {pack_format = #tpu.pack_format<interleaved>} : vector<32xbf16> -> vector<16xf32>
        %parallel_loop3A_631 = tpu.unpack_subelements %parallel_loop3A_629, 1 {pack_format = #tpu.pack_format<interleaved>} : vector<32xbf16> -> vector<16xf32>
        %parallel_loop3A_632 = arith.addf %parallel_loop3A_491, %parallel_loop3A_630 : vector<16xf32>
        %parallel_loop3A_633 = arith.addf %parallel_loop3A_492, %parallel_loop3A_631 : vector<16xf32>
        %parallel_loop3A_634 = arith.constant 16 : i32
        %parallel_loop3A_635 = tpu.memref_slice %arg5[%parallel_loop3A_634] : memref<33000xi32, #tpu.memory_space<vmem>> -> memref<32984xi32, #tpu.memory_space<vmem>>
        %parallel_loop3A_636 = tpu.vector_load_idx %parallel_loop3A_635[%parallel_loop3A_616] : memref<32984xi32, #tpu.memory_space<vmem>>[vector<16xi32>], vector<16xi32>,
        %parallel_loop3A_637 = arith.constant 16 : i32
        %parallel_loop3A_638 = tpu.memref_slice %arg6[%parallel_loop3A_637] : memref<33000xi32, #tpu.memory_space<vmem>> -> memref<32984xi32, #tpu.memory_space<vmem>>
        %parallel_loop3A_639 = tpu.vector_load_idx %parallel_loop3A_638[%parallel_loop3A_620] : memref<32984xi32, #tpu.memory_space<vmem>>[vector<16xi32>], vector<16xi32>,
        %parallel_loop3A_640 = vector.bitcast %parallel_loop3A_636 : vector<16xi32> to vector<32xbf16>
        %parallel_loop3A_641 = vector.bitcast %parallel_loop3A_639 : vector<16xi32> to vector<32xbf16>
        %parallel_loop3A_642 = arith.mulf %parallel_loop3A_640, %parallel_loop3A_641 : vector<32xbf16>
        %parallel_loop3A_643 = tpu.unpack_subelements %parallel_loop3A_642, 0 {pack_format = #tpu.pack_format<interleaved>} : vector<32xbf16> -> vector<16xf32>
        %parallel_loop3A_644 = tpu.unpack_subelements %parallel_loop3A_642, 1 {pack_format = #tpu.pack_format<interleaved>} : vector<32xbf16> -> vector<16xf32>
        %parallel_loop3A_645 = arith.addf %parallel_loop3A_493, %parallel_loop3A_643 : vector<16xf32>
        %parallel_loop3A_646 = arith.addf %parallel_loop3A_494, %parallel_loop3A_644 : vector<16xf32>
        scf.yield %parallel_loop3A_524, %parallel_loop3A_525, %parallel_loop3A_537, %parallel_loop3A_538, %parallel_loop3A_560, %parallel_loop3A_561, %parallel_loop3A_573, %parallel_loop3A_574, %parallel_loop3A_596, %parallel_loop3A_597, %parallel_loop3A_609, %parallel_loop3A_610, %parallel_loop3A_632, %parallel_loop3A_633, %parallel_loop3A_645, %parallel_loop3A_646 : vector<16xf32>, vector<16xf32>, vector<16xf32>, vector<16xf32>, vector<16xf32>, vector<16xf32>, vector<16xf32>, vector<16xf32>, vector<16xf32>, vector<16xf32>, vector<16xf32>, vector<16xf32>, vector<16xf32>, vector<16xf32>, vector<16xf32>, vector<16xf32>
      } {sc.loop_unroll_factor = 2 : i64, sc.parallel_access}
      %add3A_413 = arith.constant 12 : i32
      %add3A_414 = arith.addi %mul3A_72, %add3A_413 : i32
      %add3A_415 = arith.constant 0 : i32
      %add3A_416 = arith.addi %add3A_414, %add3A_415 : i32
      %swap3A_417 = arith.index_cast %add3A_416 : i32 to index
      %swap3A_418 = arith.constant 0 : index
      %swap3A_419 = tpu.vector_load %arg11[%swap3A_417, %swap3A_418] {strides = array<i32>} : memref<64x64xf32, #tpu.memory_space<vmem>>, vector<16xf32>,
      tpu.vector_store %arg11[%swap3A_417, %swap3A_418], %parallel_loop3A_412#0 {strides = array<i32>} : memref<64x64xf32, #tpu.memory_space<vmem>>, vector<16xf32>,
      %swap3A_420 = arith.index_cast %add3A_416 : i32 to index
      %swap3A_421 = arith.constant 32 : index
      %swap3A_422 = tpu.vector_load %arg11[%swap3A_420, %swap3A_421] {strides = array<i32>} : memref<64x64xf32, #tpu.memory_space<vmem>>, vector<16xf32>,
      tpu.vector_store %arg11[%swap3A_420, %swap3A_421], %parallel_loop3A_412#1 {strides = array<i32>} : memref<64x64xf32, #tpu.memory_space<vmem>>, vector<16xf32>,
      %swap3A_423 = arith.index_cast %add3A_416 : i32 to index
      %swap3A_424 = arith.constant 16 : index
      %swap3A_425 = tpu.vector_load %arg11[%swap3A_423, %swap3A_424] {strides = array<i32>} : memref<64x64xf32, #tpu.memory_space<vmem>>, vector<16xf32>,
      tpu.vector_store %arg11[%swap3A_423, %swap3A_424], %parallel_loop3A_412#2 {strides = array<i32>} : memref<64x64xf32, #tpu.memory_space<vmem>>, vector<16xf32>,
      %swap3A_426 = arith.index_cast %add3A_416 : i32 to index
      %swap3A_427 = arith.constant 48 : index
      %swap3A_428 = tpu.vector_load %arg11[%swap3A_426, %swap3A_427] {strides = array<i32>} : memref<64x64xf32, #tpu.memory_space<vmem>>, vector<16xf32>,
      tpu.vector_store %arg11[%swap3A_426, %swap3A_427], %parallel_loop3A_412#3 {strides = array<i32>} : memref<64x64xf32, #tpu.memory_space<vmem>>, vector<16xf32>,
      %add3A_429 = arith.constant 12 : i32
      %add3A_430 = arith.addi %mul3A_72, %add3A_429 : i32
      %add3A_431 = arith.constant 1 : i32
      %add3A_432 = arith.addi %add3A_430, %add3A_431 : i32
      %swap3A_433 = arith.index_cast %add3A_432 : i32 to index
      %swap3A_434 = arith.constant 0 : index
      %swap3A_435 = tpu.vector_load %arg11[%swap3A_433, %swap3A_434] {strides = array<i32>} : memref<64x64xf32, #tpu.memory_space<vmem>>, vector<16xf32>,
      tpu.vector_store %arg11[%swap3A_433, %swap3A_434], %parallel_loop3A_412#4 {strides = array<i32>} : memref<64x64xf32, #tpu.memory_space<vmem>>, vector<16xf32>,
      %swap3A_436 = arith.index_cast %add3A_432 : i32 to index
      %swap3A_437 = arith.constant 32 : index
      %swap3A_438 = tpu.vector_load %arg11[%swap3A_436, %swap3A_437] {strides = array<i32>} : memref<64x64xf32, #tpu.memory_space<vmem>>, vector<16xf32>,
      tpu.vector_store %arg11[%swap3A_436, %swap3A_437], %parallel_loop3A_412#5 {strides = array<i32>} : memref<64x64xf32, #tpu.memory_space<vmem>>, vector<16xf32>,
      %swap3A_439 = arith.index_cast %add3A_432 : i32 to index
      %swap3A_440 = arith.constant 16 : index
      %swap3A_441 = tpu.vector_load %arg11[%swap3A_439, %swap3A_440] {strides = array<i32>} : memref<64x64xf32, #tpu.memory_space<vmem>>, vector<16xf32>,
      tpu.vector_store %arg11[%swap3A_439, %swap3A_440], %parallel_loop3A_412#6 {strides = array<i32>} : memref<64x64xf32, #tpu.memory_space<vmem>>, vector<16xf32>,
      %swap3A_442 = arith.index_cast %add3A_432 : i32 to index
      %swap3A_443 = arith.constant 48 : index
      %swap3A_444 = tpu.vector_load %arg11[%swap3A_442, %swap3A_443] {strides = array<i32>} : memref<64x64xf32, #tpu.memory_space<vmem>>, vector<16xf32>,
      tpu.vector_store %arg11[%swap3A_442, %swap3A_443], %parallel_loop3A_412#7 {strides = array<i32>} : memref<64x64xf32, #tpu.memory_space<vmem>>, vector<16xf32>,
      %add3A_445 = arith.constant 12 : i32
      %add3A_446 = arith.addi %mul3A_72, %add3A_445 : i32
      %add3A_447 = arith.constant 2 : i32
      %add3A_448 = arith.addi %add3A_446, %add3A_447 : i32
      %swap3A_449 = arith.index_cast %add3A_448 : i32 to index
      %swap3A_450 = arith.constant 0 : index
      %swap3A_451 = tpu.vector_load %arg11[%swap3A_449, %swap3A_450] {strides = array<i32>} : memref<64x64xf32, #tpu.memory_space<vmem>>, vector<16xf32>,
      tpu.vector_store %arg11[%swap3A_449, %swap3A_450], %parallel_loop3A_412#8 {strides = array<i32>} : memref<64x64xf32, #tpu.memory_space<vmem>>, vector<16xf32>,
      %swap3A_452 = arith.index_cast %add3A_448 : i32 to index
      %swap3A_453 = arith.constant 32 : index
      %swap3A_454 = tpu.vector_load %arg11[%swap3A_452, %swap3A_453] {strides = array<i32>} : memref<64x64xf32, #tpu.memory_space<vmem>>, vector<16xf32>,
      tpu.vector_store %arg11[%swap3A_452, %swap3A_453], %parallel_loop3A_412#9 {strides = array<i32>} : memref<64x64xf32, #tpu.memory_space<vmem>>, vector<16xf32>,
      %swap3A_455 = arith.index_cast %add3A_448 : i32 to index
      %swap3A_456 = arith.constant 16 : index
      %swap3A_457 = tpu.vector_load %arg11[%swap3A_455, %swap3A_456] {strides = array<i32>} : memref<64x64xf32, #tpu.memory_space<vmem>>, vector<16xf32>,
      tpu.vector_store %arg11[%swap3A_455, %swap3A_456], %parallel_loop3A_412#10 {strides = array<i32>} : memref<64x64xf32, #tpu.memory_space<vmem>>, vector<16xf32>,
      %swap3A_458 = arith.index_cast %add3A_448 : i32 to index
      %swap3A_459 = arith.constant 48 : index
      %swap3A_460 = tpu.vector_load %arg11[%swap3A_458, %swap3A_459] {strides = array<i32>} : memref<64x64xf32, #tpu.memory_space<vmem>>, vector<16xf32>,
      tpu.vector_store %arg11[%swap3A_458, %swap3A_459], %parallel_loop3A_412#11 {strides = array<i32>} : memref<64x64xf32, #tpu.memory_space<vmem>>, vector<16xf32>,
      %add3A_461 = arith.constant 12 : i32
      %add3A_462 = arith.addi %mul3A_72, %add3A_461 : i32
      %add3A_463 = arith.constant 3 : i32
      %add3A_464 = arith.addi %add3A_462, %add3A_463 : i32
      %swap3A_465 = arith.index_cast %add3A_464 : i32 to index
      %swap3A_466 = arith.constant 0 : index
      %swap3A_467 = tpu.vector_load %arg11[%swap3A_465, %swap3A_466] {strides = array<i32>} : memref<64x64xf32, #tpu.memory_space<vmem>>, vector<16xf32>,
      tpu.vector_store %arg11[%swap3A_465, %swap3A_466], %parallel_loop3A_412#12 {strides = array<i32>} : memref<64x64xf32, #tpu.memory_space<vmem>>, vector<16xf32>,
      %swap3A_468 = arith.index_cast %add3A_464 : i32 to index
      %swap3A_469 = arith.constant 32 : index
      %swap3A_470 = tpu.vector_load %arg11[%swap3A_468, %swap3A_469] {strides = array<i32>} : memref<64x64xf32, #tpu.memory_space<vmem>>, vector<16xf32>,
      tpu.vector_store %arg11[%swap3A_468, %swap3A_469], %parallel_loop3A_412#13 {strides = array<i32>} : memref<64x64xf32, #tpu.memory_space<vmem>>, vector<16xf32>,
      %swap3A_471 = arith.index_cast %add3A_464 : i32 to index
      %swap3A_472 = arith.constant 16 : index
      %swap3A_473 = tpu.vector_load %arg11[%swap3A_471, %swap3A_472] {strides = array<i32>} : memref<64x64xf32, #tpu.memory_space<vmem>>, vector<16xf32>,
      tpu.vector_store %arg11[%swap3A_471, %swap3A_472], %parallel_loop3A_412#14 {strides = array<i32>} : memref<64x64xf32, #tpu.memory_space<vmem>>, vector<16xf32>,
      %swap3A_474 = arith.index_cast %add3A_464 : i32 to index
      %swap3A_475 = arith.constant 48 : index
      %swap3A_476 = tpu.vector_load %arg11[%swap3A_474, %swap3A_475] {strides = array<i32>} : memref<64x64xf32, #tpu.memory_space<vmem>>, vector<16xf32>,
      tpu.vector_store %arg11[%swap3A_474, %swap3A_475], %parallel_loop3A_412#15 {strides = array<i32>} : memref<64x64xf32, #tpu.memory_space<vmem>>, vector<16xf32>,
      %scan3A_477 = arith.constant 0 : i32
      scf.yield %scan3A_477 : i32
    }
    %scan3A_41 = arith.constant 4 : i32
    %dma_start3A_42 = arith.constant 0 : i32
    %dma_start3A_43 = tpu.memref_slice %arg4[%add3A_33, %dma_start3A_42] : memref<4096x64xf32, #tpu.memory_space<hbm>> -> memref<64x64xf32, #tpu.memory_space<hbm>>
    %dma_start3A_44 = arith.constant 0 : i32
    %dma_start3A_45 = tpu.memref_slice %arg4[%add3A_33, %dma_start3A_44] : memref<4096x64xf32, #tpu.memory_space<hbm>> -> memref<64x64xf32, #tpu.memory_space<hbm>>
    tpu.enqueue_dma source(%arg11 : memref<64x64xf32, #tpu.memory_space<vmem>>) target(%dma_start3A_45 : memref<64x64xf32, #tpu.memory_space<hbm>>) target_semaphore(%arg17 : memref<!tpu.dma_semaphore, #tpu.memory_space<semaphore_mem>>)
    %add3A_46 = arith.constant 64 : i32
    %add3A_47 = arith.addi %mul3A_2, %add3A_46 : i32
    %dma_wait3A_48 = tpu.memref_slice %arg2[%mul3A_19] : memref<106496xi32, #tpu.memory_space<hbm>> -> memref<1664xi32, #tpu.memory_space<hbm>>
    %dma_wait3A_49 = tpu.memref_slice %arg2[%mul3A_19] : memref<106496xi32, #tpu.memory_space<hbm>> -> memref<1664xi32, #tpu.memory_space<hbm>>
    tpu.wait_dma2 semaphore(%arg16 : memref<!tpu.dma_semaphore, #tpu.memory_space<semaphore_mem>>) src(%dma_wait3A_49 : memref<1664xi32, #tpu.memory_space<hbm>>) dst(%arg8 : memref<1664xi32, #tpu.memory_space<vmem>>)
    %scan3A_50 = arith.constant 0 : i32
    %scan3A_51 = arith.constant 0 : i32
    %scan3A_52 = arith.constant 4 : i32
    %scan3A_53 = arith.addi %scan3A_51, %scan3A_52 : i32
    %scan3A_54 = arith.constant 1 : i32
    %scan3A_55 = scf.for %scan3A_69 = %scan3A_51 to %scan3A_53 step %scan3A_54 iter_args(%scan3A_70 = %scan3A_50) -> (i32)  : i32 {
      %mul3A_71 = arith.constant 16 : i32
      %mul3A_72 = arith.muli %scan3A_69, %mul3A_71 : i32
      %mul3A_73 = arith.constant 416 : i32
      %mul3A_74 = arith.muli %scan3A_69, %mul3A_73 : i32
      %add3A_75 = vector.broadcast %mul3A_74 : i32 to vector<16xi32>
      %add3A_76 = arith.addi %mul3A_31, %add3A_75 : vector<16xi32>
      %parallel_loop3A = arith.constant 0 : i32
      %parallel_loop3A_77 = arith.constant 26 : i32
      %parallel_loop3A_78 = arith.constant 1 : i32
      scf.for %parallel_loop3A_478 = %parallel_loop3A to %parallel_loop3A_77 step %parallel_loop3A_78  : i32 {
        %parallel_loop3A_479 = vector.broadcast %parallel_loop3A_478 : i32 to vector<16xi32>
        %parallel_loop3A_480 = arith.addi %add3A_76, %parallel_loop3A_479 : vector<16xi32>
        %parallel_loop3A_481 = tpu.vector_load_idx %arg8[%parallel_loop3A_480] : memref<1664xi32, #tpu.memory_space<vmem>>[vector<16xi32>], vector<16xi32>,
        %parallel_loop3A_482 = arith.sitofp %parallel_loop3A_481 : vector<16xi32> to vector<16xf32>
        %parallel_loop3A_483 = arith.constant 1.000000e-03 : f32
        %parallel_loop3A_484 = vector.broadcast %parallel_loop3A_483 : f32 to vector<16xf32>
        %parallel_loop3A_485 = arith.mulf %parallel_loop3A_482, %parallel_loop3A_484 : vector<16xf32>
        %parallel_loop3A_486 = arith.fptosi %parallel_loop3A_485 : vector<16xf32> to vector<16xi32>
        %parallel_loop3A_487 = arith.constant 1000 : i32
        %parallel_loop3A_488 = vector.broadcast %parallel_loop3A_487 : i32 to vector<16xi32>
        %parallel_loop3A_489 = arith.muli %parallel_loop3A_486, %parallel_loop3A_488 : vector<16xi32>
        %parallel_loop3A_490 = arith.subi %parallel_loop3A_481, %parallel_loop3A_489 : vector<16xi32>
        %parallel_loop3A_491 = arith.constant 33 : i32
        %parallel_loop3A_492 = vector.broadcast %parallel_loop3A_491 : i32 to vector<16xi32>
        %parallel_loop3A_493 = arith.muli %parallel_loop3A_486, %parallel_loop3A_492 : vector<16xi32>
        %parallel_loop3A_494 = arith.constant 16 : i32
        %parallel_loop3A_495 = arith.muli %parallel_loop3A_478, %parallel_loop3A_494 : i32
        %parallel_loop3A_496 = arith.index_cast %parallel_loop3A_495 : i32 to index
        %parallel_loop3A_497 = tpu.vector_load %arg9[%parallel_loop3A_496] {strides = array<i32>} : memref<416xi32, #tpu.memory_space<vmem>>, vector<16xi32>,
        tpu.vector_store %arg9[%parallel_loop3A_496], %parallel_loop3A_493 {strides = array<i32>} : memref<416xi32, #tpu.memory_space<vmem>>, vector<16xi32>,
        %parallel_loop3A_498 = arith.constant 33 : i32
        %parallel_loop3A_499 = vector.broadcast %parallel_loop3A_498 : i32 to vector<16xi32>
        %parallel_loop3A_500 = arith.muli %parallel_loop3A_490, %parallel_loop3A_499 : vector<16xi32>
        %parallel_loop3A_501 = arith.constant 16 : i32
        %parallel_loop3A_502 = arith.muli %parallel_loop3A_478, %parallel_loop3A_501 : i32
        %parallel_loop3A_503 = arith.index_cast %parallel_loop3A_502 : i32 to index
        %parallel_loop3A_504 = tpu.vector_load %arg10[%parallel_loop3A_503] {strides = array<i32>} : memref<416xi32, #tpu.memory_space<vmem>>, vector<16xi32>,
        tpu.vector_store %arg10[%parallel_loop3A_503], %parallel_loop3A_500 {strides = array<i32>} : memref<416xi32, #tpu.memory_space<vmem>>, vector<16xi32>,
      } {sc.loop_unroll_factor = 2 : i64, sc.parallel_access}
      %broadcast_in_dim3A = arith.constant 0.000000e+00 : f32
      %broadcast_in_dim3A_79 = vector.broadcast %broadcast_in_dim3A : f32 to vector<16xf32>
      %broadcast_in_dim3A_80 = arith.constant 0.000000e+00 : f32
      %broadcast_in_dim3A_81 = vector.broadcast %broadcast_in_dim3A_80 : f32 to vector<16xf32>
      %broadcast_in_dim3A_82 = arith.constant 0.000000e+00 : f32
      %broadcast_in_dim3A_83 = vector.broadcast %broadcast_in_dim3A_82 : f32 to vector<16xf32>
      %broadcast_in_dim3A_84 = arith.constant 0.000000e+00 : f32
      %broadcast_in_dim3A_85 = vector.broadcast %broadcast_in_dim3A_84 : f32 to vector<16xf32>
      %broadcast_in_dim3A_86 = arith.constant 0.000000e+00 : f32
      %broadcast_in_dim3A_87 = vector.broadcast %broadcast_in_dim3A_86 : f32 to vector<16xf32>
      %broadcast_in_dim3A_88 = arith.constant 0.000000e+00 : f32
      %broadcast_in_dim3A_89 = vector.broadcast %broadcast_in_dim3A_88 : f32 to vector<16xf32>
      %broadcast_in_dim3A_90 = arith.constant 0.000000e+00 : f32
      %broadcast_in_dim3A_91 = vector.broadcast %broadcast_in_dim3A_90 : f32 to vector<16xf32>
      %broadcast_in_dim3A_92 = arith.constant 0.000000e+00 : f32
      %broadcast_in_dim3A_93 = vector.broadcast %broadcast_in_dim3A_92 : f32 to vector<16xf32>
      %broadcast_in_dim3A_94 = arith.constant 0.000000e+00 : f32
      %broadcast_in_dim3A_95 = vector.broadcast %broadcast_in_dim3A_94 : f32 to vector<16xf32>
      %broadcast_in_dim3A_96 = arith.constant 0.000000e+00 : f32
      %broadcast_in_dim3A_97 = vector.broadcast %broadcast_in_dim3A_96 : f32 to vector<16xf32>
      %broadcast_in_dim3A_98 = arith.constant 0.000000e+00 : f32
      %broadcast_in_dim3A_99 = vector.broadcast %broadcast_in_dim3A_98 : f32 to vector<16xf32>
      %broadcast_in_dim3A_100 = arith.constant 0.000000e+00 : f32
      %broadcast_in_dim3A_101 = vector.broadcast %broadcast_in_dim3A_100 : f32 to vector<16xf32>
      %broadcast_in_dim3A_102 = arith.constant 0.000000e+00 : f32
      %broadcast_in_dim3A_103 = vector.broadcast %broadcast_in_dim3A_102 : f32 to vector<16xf32>
      %broadcast_in_dim3A_104 = arith.constant 0.000000e+00 : f32
      %broadcast_in_dim3A_105 = vector.broadcast %broadcast_in_dim3A_104 : f32 to vector<16xf32>
      %broadcast_in_dim3A_106 = arith.constant 0.000000e+00 : f32
      %broadcast_in_dim3A_107 = vector.broadcast %broadcast_in_dim3A_106 : f32 to vector<16xf32>
      %broadcast_in_dim3A_108 = arith.constant 0.000000e+00 : f32
      %broadcast_in_dim3A_109 = vector.broadcast %broadcast_in_dim3A_108 : f32 to vector<16xf32>
      %parallel_loop3A_110 = arith.constant 0 : i32
      %parallel_loop3A_111 = arith.constant 26 : i32
      %parallel_loop3A_112 = arith.constant 1 : i32
      %parallel_loop3A_113:16 = scf.for %parallel_loop3A_478 = %parallel_loop3A_110 to %parallel_loop3A_111 step %parallel_loop3A_112 iter_args(%parallel_loop3A_479 = %broadcast_in_dim3A_79, %parallel_loop3A_480 = %broadcast_in_dim3A_81, %parallel_loop3A_481 = %broadcast_in_dim3A_83, %parallel_loop3A_482 = %broadcast_in_dim3A_85, %parallel_loop3A_483 = %broadcast_in_dim3A_87, %parallel_loop3A_484 = %broadcast_in_dim3A_89, %parallel_loop3A_485 = %broadcast_in_dim3A_91, %parallel_loop3A_486 = %broadcast_in_dim3A_93, %parallel_loop3A_487 = %broadcast_in_dim3A_95, %parallel_loop3A_488 = %broadcast_in_dim3A_97, %parallel_loop3A_489 = %broadcast_in_dim3A_99, %parallel_loop3A_490 = %broadcast_in_dim3A_101, %parallel_loop3A_491 = %broadcast_in_dim3A_103, %parallel_loop3A_492 = %broadcast_in_dim3A_105, %parallel_loop3A_493 = %broadcast_in_dim3A_107, %parallel_loop3A_494 = %broadcast_in_dim3A_109) -> (vector<16xf32>, vector<16xf32>, vector<16xf32>, vector<16xf32>, vector<16xf32>, vector<16xf32>, vector<16xf32>, vector<16xf32>, vector<16xf32>, vector<16xf32>, vector<16xf32>, vector<16xf32>, vector<16xf32>, vector<16xf32>, vector<16xf32>, vector<16xf32>)  : i32 {
        %parallel_loop3A_495 = arith.constant 16 : i32
        %parallel_loop3A_496 = arith.muli %parallel_loop3A_478, %parallel_loop3A_495 : i32
        %parallel_loop3A_497 = arith.index_cast %parallel_loop3A_496 : i32 to index
        %parallel_loop3A_498 = tpu.vector_load %arg9[%parallel_loop3A_497] {strides = array<i32>} : memref<416xi32, #tpu.memory_space<vmem>>, vector<16xi32>,
        %parallel_loop3A_499 = arith.constant 16 : i32
        %parallel_loop3A_500 = arith.muli %parallel_loop3A_478, %parallel_loop3A_499 : i32
        %parallel_loop3A_501 = arith.index_cast %parallel_loop3A_500 : i32 to index
        %parallel_loop3A_502 = tpu.vector_load %arg10[%parallel_loop3A_501] {strides = array<i32>} : memref<416xi32, #tpu.memory_space<vmem>>, vector<16xi32>,
        %parallel_loop3A_503 = arith.constant 0 : i32
        %parallel_loop3A_504 = vector.broadcast %parallel_loop3A_503 : i32 to vector<16xi32>
        %parallel_loop3A_505 = vector.shape_cast %parallel_loop3A_504 : vector<16xi32> to vector<16x1xi32>
        %parallel_loop3A_506 = vector.shape_cast %parallel_loop3A_505 : vector<16x1xi32> to vector<16xi32>
        %parallel_loop3A_507 = tpu.dynamic_gather %parallel_loop3A_498[%parallel_loop3A_506] in [0] : vector<16xi32>, vector<16xi32> -> vector<16xi32>
        %parallel_loop3A_508 = arith.addi %parallel_loop3A_507, %iota3A : vector<16xi32>
        %parallel_loop3A_509 = vector.shape_cast %parallel_loop3A_504 : vector<16xi32> to vector<16x1xi32>
        %parallel_loop3A_510 = vector.shape_cast %parallel_loop3A_509 : vector<16x1xi32> to vector<16xi32>
        %parallel_loop3A_511 = tpu.dynamic_gather %parallel_loop3A_502[%parallel_loop3A_510] in [0] : vector<16xi32>, vector<16xi32> -> vector<16xi32>
        %parallel_loop3A_512 = arith.addi %parallel_loop3A_511, %iota3A : vector<16xi32>
        %parallel_loop3A_513 = arith.constant 0 : i32
        %parallel_loop3A_514 = tpu.memref_slice %arg5[%parallel_loop3A_513] : memref<33000xi32, #tpu.memory_space<vmem>> -> memref<33000xi32, #tpu.memory_space<vmem>>
        %parallel_loop3A_515 = tpu.vector_load_idx %parallel_loop3A_514[%parallel_loop3A_508] : memref<33000xi32, #tpu.memory_space<vmem>>[vector<16xi32>], vector<16xi32>,
        %parallel_loop3A_516 = arith.constant 0 : i32
        %parallel_loop3A_517 = tpu.memref_slice %arg6[%parallel_loop3A_516] : memref<33000xi32, #tpu.memory_space<vmem>> -> memref<33000xi32, #tpu.memory_space<vmem>>
        %parallel_loop3A_518 = tpu.vector_load_idx %parallel_loop3A_517[%parallel_loop3A_512] : memref<33000xi32, #tpu.memory_space<vmem>>[vector<16xi32>], vector<16xi32>,
        %parallel_loop3A_519 = vector.bitcast %parallel_loop3A_515 : vector<16xi32> to vector<32xbf16>
        %parallel_loop3A_520 = vector.bitcast %parallel_loop3A_518 : vector<16xi32> to vector<32xbf16>
        %parallel_loop3A_521 = arith.mulf %parallel_loop3A_519, %parallel_loop3A_520 : vector<32xbf16>
        %parallel_loop3A_522 = tpu.unpack_subelements %parallel_loop3A_521, 0 {pack_format = #tpu.pack_format<interleaved>} : vector<32xbf16> -> vector<16xf32>
        %parallel_loop3A_523 = tpu.unpack_subelements %parallel_loop3A_521, 1 {pack_format = #tpu.pack_format<interleaved>} : vector<32xbf16> -> vector<16xf32>
        %parallel_loop3A_524 = arith.addf %parallel_loop3A_479, %parallel_loop3A_522 : vector<16xf32>
        %parallel_loop3A_525 = arith.addf %parallel_loop3A_480, %parallel_loop3A_523 : vector<16xf32>
        %parallel_loop3A_526 = arith.constant 16 : i32
        %parallel_loop3A_527 = tpu.memref_slice %arg5[%parallel_loop3A_526] : memref<33000xi32, #tpu.memory_space<vmem>> -> memref<32984xi32, #tpu.memory_space<vmem>>
        %parallel_loop3A_528 = tpu.vector_load_idx %parallel_loop3A_527[%parallel_loop3A_508] : memref<32984xi32, #tpu.memory_space<vmem>>[vector<16xi32>], vector<16xi32>,
        %parallel_loop3A_529 = arith.constant 16 : i32
        %parallel_loop3A_530 = tpu.memref_slice %arg6[%parallel_loop3A_529] : memref<33000xi32, #tpu.memory_space<vmem>> -> memref<32984xi32, #tpu.memory_space<vmem>>
        %parallel_loop3A_531 = tpu.vector_load_idx %parallel_loop3A_530[%parallel_loop3A_512] : memref<32984xi32, #tpu.memory_space<vmem>>[vector<16xi32>], vector<16xi32>,
        %parallel_loop3A_532 = vector.bitcast %parallel_loop3A_528 : vector<16xi32> to vector<32xbf16>
        %parallel_loop3A_533 = vector.bitcast %parallel_loop3A_531 : vector<16xi32> to vector<32xbf16>
        %parallel_loop3A_534 = arith.mulf %parallel_loop3A_532, %parallel_loop3A_533 : vector<32xbf16>
        %parallel_loop3A_535 = tpu.unpack_subelements %parallel_loop3A_534, 0 {pack_format = #tpu.pack_format<interleaved>} : vector<32xbf16> -> vector<16xf32>
        %parallel_loop3A_536 = tpu.unpack_subelements %parallel_loop3A_534, 1 {pack_format = #tpu.pack_format<interleaved>} : vector<32xbf16> -> vector<16xf32>
        %parallel_loop3A_537 = arith.addf %parallel_loop3A_481, %parallel_loop3A_535 : vector<16xf32>
        %parallel_loop3A_538 = arith.addf %parallel_loop3A_482, %parallel_loop3A_536 : vector<16xf32>
        %parallel_loop3A_539 = arith.constant 1 : i32
        %parallel_loop3A_540 = vector.broadcast %parallel_loop3A_539 : i32 to vector<16xi32>
        %parallel_loop3A_541 = vector.shape_cast %parallel_loop3A_540 : vector<16xi32> to vector<16x1xi32>
        %parallel_loop3A_542 = vector.shape_cast %parallel_loop3A_541 : vector<16x1xi32> to vector<16xi32>
        %parallel_loop3A_543 = tpu.dynamic_gather %parallel_loop3A_498[%parallel_loop3A_542] in [0] : vector<16xi32>, vector<16xi32> -> vector<16xi32>
        %parallel_loop3A_544 = arith.addi %parallel_loop3A_543, %iota3A : vector<16xi32>
        %parallel_loop3A_545 = vector.shape_cast %parallel_loop3A_540 : vector<16xi32> to vector<16x1xi32>
        %parallel_loop3A_546 = vector.shape_cast %parallel_loop3A_545 : vector<16x1xi32> to vector<16xi32>
        %parallel_loop3A_547 = tpu.dynamic_gather %parallel_loop3A_502[%parallel_loop3A_546] in [0] : vector<16xi32>, vector<16xi32> -> vector<16xi32>
        %parallel_loop3A_548 = arith.addi %parallel_loop3A_547, %iota3A : vector<16xi32>
        %parallel_loop3A_549 = arith.constant 0 : i32
        %parallel_loop3A_550 = tpu.memref_slice %arg5[%parallel_loop3A_549] : memref<33000xi32, #tpu.memory_space<vmem>> -> memref<33000xi32, #tpu.memory_space<vmem>>
        %parallel_loop3A_551 = tpu.vector_load_idx %parallel_loop3A_550[%parallel_loop3A_544] : memref<33000xi32, #tpu.memory_space<vmem>>[vector<16xi32>], vector<16xi32>,
        %parallel_loop3A_552 = arith.constant 0 : i32
        %parallel_loop3A_553 = tpu.memref_slice %arg6[%parallel_loop3A_552] : memref<33000xi32, #tpu.memory_space<vmem>> -> memref<33000xi32, #tpu.memory_space<vmem>>
        %parallel_loop3A_554 = tpu.vector_load_idx %parallel_loop3A_553[%parallel_loop3A_548] : memref<33000xi32, #tpu.memory_space<vmem>>[vector<16xi32>], vector<16xi32>,
        %parallel_loop3A_555 = vector.bitcast %parallel_loop3A_551 : vector<16xi32> to vector<32xbf16>
        %parallel_loop3A_556 = vector.bitcast %parallel_loop3A_554 : vector<16xi32> to vector<32xbf16>
        %parallel_loop3A_557 = arith.mulf %parallel_loop3A_555, %parallel_loop3A_556 : vector<32xbf16>
        %parallel_loop3A_558 = tpu.unpack_subelements %parallel_loop3A_557, 0 {pack_format = #tpu.pack_format<interleaved>} : vector<32xbf16> -> vector<16xf32>
        %parallel_loop3A_559 = tpu.unpack_subelements %parallel_loop3A_557, 1 {pack_format = #tpu.pack_format<interleaved>} : vector<32xbf16> -> vector<16xf32>
        %parallel_loop3A_560 = arith.addf %parallel_loop3A_483, %parallel_loop3A_558 : vector<16xf32>
        %parallel_loop3A_561 = arith.addf %parallel_loop3A_484, %parallel_loop3A_559 : vector<16xf32>
        %parallel_loop3A_562 = arith.constant 16 : i32
        %parallel_loop3A_563 = tpu.memref_slice %arg5[%parallel_loop3A_562] : memref<33000xi32, #tpu.memory_space<vmem>> -> memref<32984xi32, #tpu.memory_space<vmem>>
        %parallel_loop3A_564 = tpu.vector_load_idx %parallel_loop3A_563[%parallel_loop3A_544] : memref<32984xi32, #tpu.memory_space<vmem>>[vector<16xi32>], vector<16xi32>,
        %parallel_loop3A_565 = arith.constant 16 : i32
        %parallel_loop3A_566 = tpu.memref_slice %arg6[%parallel_loop3A_565] : memref<33000xi32, #tpu.memory_space<vmem>> -> memref<32984xi32, #tpu.memory_space<vmem>>
        %parallel_loop3A_567 = tpu.vector_load_idx %parallel_loop3A_566[%parallel_loop3A_548] : memref<32984xi32, #tpu.memory_space<vmem>>[vector<16xi32>], vector<16xi32>,
        %parallel_loop3A_568 = vector.bitcast %parallel_loop3A_564 : vector<16xi32> to vector<32xbf16>
        %parallel_loop3A_569 = vector.bitcast %parallel_loop3A_567 : vector<16xi32> to vector<32xbf16>
        %parallel_loop3A_570 = arith.mulf %parallel_loop3A_568, %parallel_loop3A_569 : vector<32xbf16>
        %parallel_loop3A_571 = tpu.unpack_subelements %parallel_loop3A_570, 0 {pack_format = #tpu.pack_format<interleaved>} : vector<32xbf16> -> vector<16xf32>
        %parallel_loop3A_572 = tpu.unpack_subelements %parallel_loop3A_570, 1 {pack_format = #tpu.pack_format<interleaved>} : vector<32xbf16> -> vector<16xf32>
        %parallel_loop3A_573 = arith.addf %parallel_loop3A_485, %parallel_loop3A_571 : vector<16xf32>
        %parallel_loop3A_574 = arith.addf %parallel_loop3A_486, %parallel_loop3A_572 : vector<16xf32>
        %parallel_loop3A_575 = arith.constant 2 : i32
        %parallel_loop3A_576 = vector.broadcast %parallel_loop3A_575 : i32 to vector<16xi32>
        %parallel_loop3A_577 = vector.shape_cast %parallel_loop3A_576 : vector<16xi32> to vector<16x1xi32>
        %parallel_loop3A_578 = vector.shape_cast %parallel_loop3A_577 : vector<16x1xi32> to vector<16xi32>
        %parallel_loop3A_579 = tpu.dynamic_gather %parallel_loop3A_498[%parallel_loop3A_578] in [0] : vector<16xi32>, vector<16xi32> -> vector<16xi32>
        %parallel_loop3A_580 = arith.addi %parallel_loop3A_579, %iota3A : vector<16xi32>
        %parallel_loop3A_581 = vector.shape_cast %parallel_loop3A_576 : vector<16xi32> to vector<16x1xi32>
        %parallel_loop3A_582 = vector.shape_cast %parallel_loop3A_581 : vector<16x1xi32> to vector<16xi32>
        %parallel_loop3A_583 = tpu.dynamic_gather %parallel_loop3A_502[%parallel_loop3A_582] in [0] : vector<16xi32>, vector<16xi32> -> vector<16xi32>
        %parallel_loop3A_584 = arith.addi %parallel_loop3A_583, %iota3A : vector<16xi32>
        %parallel_loop3A_585 = arith.constant 0 : i32
        %parallel_loop3A_586 = tpu.memref_slice %arg5[%parallel_loop3A_585] : memref<33000xi32, #tpu.memory_space<vmem>> -> memref<33000xi32, #tpu.memory_space<vmem>>
        %parallel_loop3A_587 = tpu.vector_load_idx %parallel_loop3A_586[%parallel_loop3A_580] : memref<33000xi32, #tpu.memory_space<vmem>>[vector<16xi32>], vector<16xi32>,
        %parallel_loop3A_588 = arith.constant 0 : i32
        %parallel_loop3A_589 = tpu.memref_slice %arg6[%parallel_loop3A_588] : memref<33000xi32, #tpu.memory_space<vmem>> -> memref<33000xi32, #tpu.memory_space<vmem>>
        %parallel_loop3A_590 = tpu.vector_load_idx %parallel_loop3A_589[%parallel_loop3A_584] : memref<33000xi32, #tpu.memory_space<vmem>>[vector<16xi32>], vector<16xi32>,
        %parallel_loop3A_591 = vector.bitcast %parallel_loop3A_587 : vector<16xi32> to vector<32xbf16>
        %parallel_loop3A_592 = vector.bitcast %parallel_loop3A_590 : vector<16xi32> to vector<32xbf16>
        %parallel_loop3A_593 = arith.mulf %parallel_loop3A_591, %parallel_loop3A_592 : vector<32xbf16>
        %parallel_loop3A_594 = tpu.unpack_subelements %parallel_loop3A_593, 0 {pack_format = #tpu.pack_format<interleaved>} : vector<32xbf16> -> vector<16xf32>
        %parallel_loop3A_595 = tpu.unpack_subelements %parallel_loop3A_593, 1 {pack_format = #tpu.pack_format<interleaved>} : vector<32xbf16> -> vector<16xf32>
        %parallel_loop3A_596 = arith.addf %parallel_loop3A_487, %parallel_loop3A_594 : vector<16xf32>
        %parallel_loop3A_597 = arith.addf %parallel_loop3A_488, %parallel_loop3A_595 : vector<16xf32>
        %parallel_loop3A_598 = arith.constant 16 : i32
        %parallel_loop3A_599 = tpu.memref_slice %arg5[%parallel_loop3A_598] : memref<33000xi32, #tpu.memory_space<vmem>> -> memref<32984xi32, #tpu.memory_space<vmem>>
        %parallel_loop3A_600 = tpu.vector_load_idx %parallel_loop3A_599[%parallel_loop3A_580] : memref<32984xi32, #tpu.memory_space<vmem>>[vector<16xi32>], vector<16xi32>,
        %parallel_loop3A_601 = arith.constant 16 : i32
        %parallel_loop3A_602 = tpu.memref_slice %arg6[%parallel_loop3A_601] : memref<33000xi32, #tpu.memory_space<vmem>> -> memref<32984xi32, #tpu.memory_space<vmem>>
        %parallel_loop3A_603 = tpu.vector_load_idx %parallel_loop3A_602[%parallel_loop3A_584] : memref<32984xi32, #tpu.memory_space<vmem>>[vector<16xi32>], vector<16xi32>,
        %parallel_loop3A_604 = vector.bitcast %parallel_loop3A_600 : vector<16xi32> to vector<32xbf16>
        %parallel_loop3A_605 = vector.bitcast %parallel_loop3A_603 : vector<16xi32> to vector<32xbf16>
        %parallel_loop3A_606 = arith.mulf %parallel_loop3A_604, %parallel_loop3A_605 : vector<32xbf16>
        %parallel_loop3A_607 = tpu.unpack_subelements %parallel_loop3A_606, 0 {pack_format = #tpu.pack_format<interleaved>} : vector<32xbf16> -> vector<16xf32>
        %parallel_loop3A_608 = tpu.unpack_subelements %parallel_loop3A_606, 1 {pack_format = #tpu.pack_format<interleaved>} : vector<32xbf16> -> vector<16xf32>
        %parallel_loop3A_609 = arith.addf %parallel_loop3A_489, %parallel_loop3A_607 : vector<16xf32>
        %parallel_loop3A_610 = arith.addf %parallel_loop3A_490, %parallel_loop3A_608 : vector<16xf32>
        %parallel_loop3A_611 = arith.constant 3 : i32
        %parallel_loop3A_612 = vector.broadcast %parallel_loop3A_611 : i32 to vector<16xi32>
        %parallel_loop3A_613 = vector.shape_cast %parallel_loop3A_612 : vector<16xi32> to vector<16x1xi32>
        %parallel_loop3A_614 = vector.shape_cast %parallel_loop3A_613 : vector<16x1xi32> to vector<16xi32>
        %parallel_loop3A_615 = tpu.dynamic_gather %parallel_loop3A_498[%parallel_loop3A_614] in [0] : vector<16xi32>, vector<16xi32> -> vector<16xi32>
        %parallel_loop3A_616 = arith.addi %parallel_loop3A_615, %iota3A : vector<16xi32>
        %parallel_loop3A_617 = vector.shape_cast %parallel_loop3A_612 : vector<16xi32> to vector<16x1xi32>
        %parallel_loop3A_618 = vector.shape_cast %parallel_loop3A_617 : vector<16x1xi32> to vector<16xi32>
        %parallel_loop3A_619 = tpu.dynamic_gather %parallel_loop3A_502[%parallel_loop3A_618] in [0] : vector<16xi32>, vector<16xi32> -> vector<16xi32>
        %parallel_loop3A_620 = arith.addi %parallel_loop3A_619, %iota3A : vector<16xi32>
        %parallel_loop3A_621 = arith.constant 0 : i32
        %parallel_loop3A_622 = tpu.memref_slice %arg5[%parallel_loop3A_621] : memref<33000xi32, #tpu.memory_space<vmem>> -> memref<33000xi32, #tpu.memory_space<vmem>>
        %parallel_loop3A_623 = tpu.vector_load_idx %parallel_loop3A_622[%parallel_loop3A_616] : memref<33000xi32, #tpu.memory_space<vmem>>[vector<16xi32>], vector<16xi32>,
        %parallel_loop3A_624 = arith.constant 0 : i32
        %parallel_loop3A_625 = tpu.memref_slice %arg6[%parallel_loop3A_624] : memref<33000xi32, #tpu.memory_space<vmem>> -> memref<33000xi32, #tpu.memory_space<vmem>>
        %parallel_loop3A_626 = tpu.vector_load_idx %parallel_loop3A_625[%parallel_loop3A_620] : memref<33000xi32, #tpu.memory_space<vmem>>[vector<16xi32>], vector<16xi32>,
        %parallel_loop3A_627 = vector.bitcast %parallel_loop3A_623 : vector<16xi32> to vector<32xbf16>
        %parallel_loop3A_628 = vector.bitcast %parallel_loop3A_626 : vector<16xi32> to vector<32xbf16>
        %parallel_loop3A_629 = arith.mulf %parallel_loop3A_627, %parallel_loop3A_628 : vector<32xbf16>
        %parallel_loop3A_630 = tpu.unpack_subelements %parallel_loop3A_629, 0 {pack_format = #tpu.pack_format<interleaved>} : vector<32xbf16> -> vector<16xf32>
        %parallel_loop3A_631 = tpu.unpack_subelements %parallel_loop3A_629, 1 {pack_format = #tpu.pack_format<interleaved>} : vector<32xbf16> -> vector<16xf32>
        %parallel_loop3A_632 = arith.addf %parallel_loop3A_491, %parallel_loop3A_630 : vector<16xf32>
        %parallel_loop3A_633 = arith.addf %parallel_loop3A_492, %parallel_loop3A_631 : vector<16xf32>
        %parallel_loop3A_634 = arith.constant 16 : i32
        %parallel_loop3A_635 = tpu.memref_slice %arg5[%parallel_loop3A_634] : memref<33000xi32, #tpu.memory_space<vmem>> -> memref<32984xi32, #tpu.memory_space<vmem>>
        %parallel_loop3A_636 = tpu.vector_load_idx %parallel_loop3A_635[%parallel_loop3A_616] : memref<32984xi32, #tpu.memory_space<vmem>>[vector<16xi32>], vector<16xi32>,
        %parallel_loop3A_637 = arith.constant 16 : i32
        %parallel_loop3A_638 = tpu.memref_slice %arg6[%parallel_loop3A_637] : memref<33000xi32, #tpu.memory_space<vmem>> -> memref<32984xi32, #tpu.memory_space<vmem>>
        %parallel_loop3A_639 = tpu.vector_load_idx %parallel_loop3A_638[%parallel_loop3A_620] : memref<32984xi32, #tpu.memory_space<vmem>>[vector<16xi32>], vector<16xi32>,
        %parallel_loop3A_640 = vector.bitcast %parallel_loop3A_636 : vector<16xi32> to vector<32xbf16>
        %parallel_loop3A_641 = vector.bitcast %parallel_loop3A_639 : vector<16xi32> to vector<32xbf16>
        %parallel_loop3A_642 = arith.mulf %parallel_loop3A_640, %parallel_loop3A_641 : vector<32xbf16>
        %parallel_loop3A_643 = tpu.unpack_subelements %parallel_loop3A_642, 0 {pack_format = #tpu.pack_format<interleaved>} : vector<32xbf16> -> vector<16xf32>
        %parallel_loop3A_644 = tpu.unpack_subelements %parallel_loop3A_642, 1 {pack_format = #tpu.pack_format<interleaved>} : vector<32xbf16> -> vector<16xf32>
        %parallel_loop3A_645 = arith.addf %parallel_loop3A_493, %parallel_loop3A_643 : vector<16xf32>
        %parallel_loop3A_646 = arith.addf %parallel_loop3A_494, %parallel_loop3A_644 : vector<16xf32>
        scf.yield %parallel_loop3A_524, %parallel_loop3A_525, %parallel_loop3A_537, %parallel_loop3A_538, %parallel_loop3A_560, %parallel_loop3A_561, %parallel_loop3A_573, %parallel_loop3A_574, %parallel_loop3A_596, %parallel_loop3A_597, %parallel_loop3A_609, %parallel_loop3A_610, %parallel_loop3A_632, %parallel_loop3A_633, %parallel_loop3A_645, %parallel_loop3A_646 : vector<16xf32>, vector<16xf32>, vector<16xf32>, vector<16xf32>, vector<16xf32>, vector<16xf32>, vector<16xf32>, vector<16xf32>, vector<16xf32>, vector<16xf32>, vector<16xf32>, vector<16xf32>, vector<16xf32>, vector<16xf32>, vector<16xf32>, vector<16xf32>
      } {sc.loop_unroll_factor = 2 : i64, sc.parallel_access}
      %add3A_114 = arith.constant 0 : i32
      %add3A_115 = arith.addi %mul3A_72, %add3A_114 : i32
      %add3A_116 = arith.constant 0 : i32
      %add3A_117 = arith.addi %add3A_115, %add3A_116 : i32
      %swap3A = arith.index_cast %add3A_117 : i32 to index
      %swap3A_118 = arith.constant 0 : index
      %swap3A_119 = tpu.vector_load %arg12[%swap3A, %swap3A_118] {strides = array<i32>} : memref<64x64xf32, #tpu.memory_space<vmem>>, vector<16xf32>,
      tpu.vector_store %arg12[%swap3A, %swap3A_118], %parallel_loop3A_113#0 {strides = array<i32>} : memref<64x64xf32, #tpu.memory_space<vmem>>, vector<16xf32>,
      %swap3A_120 = arith.index_cast %add3A_117 : i32 to index
      %swap3A_121 = arith.constant 32 : index
      %swap3A_122 = tpu.vector_load %arg12[%swap3A_120, %swap3A_121] {strides = array<i32>} : memref<64x64xf32, #tpu.memory_space<vmem>>, vector<16xf32>,
      tpu.vector_store %arg12[%swap3A_120, %swap3A_121], %parallel_loop3A_113#1 {strides = array<i32>} : memref<64x64xf32, #tpu.memory_space<vmem>>, vector<16xf32>,
      %swap3A_123 = arith.index_cast %add3A_117 : i32 to index
      %swap3A_124 = arith.constant 16 : index
      %swap3A_125 = tpu.vector_load %arg12[%swap3A_123, %swap3A_124] {strides = array<i32>} : memref<64x64xf32, #tpu.memory_space<vmem>>, vector<16xf32>,
      tpu.vector_store %arg12[%swap3A_123, %swap3A_124], %parallel_loop3A_113#2 {strides = array<i32>} : memref<64x64xf32, #tpu.memory_space<vmem>>, vector<16xf32>,
      %swap3A_126 = arith.index_cast %add3A_117 : i32 to index
      %swap3A_127 = arith.constant 48 : index
      %swap3A_128 = tpu.vector_load %arg12[%swap3A_126, %swap3A_127] {strides = array<i32>} : memref<64x64xf32, #tpu.memory_space<vmem>>, vector<16xf32>,
      tpu.vector_store %arg12[%swap3A_126, %swap3A_127], %parallel_loop3A_113#3 {strides = array<i32>} : memref<64x64xf32, #tpu.memory_space<vmem>>, vector<16xf32>,
      %add3A_129 = arith.constant 0 : i32
      %add3A_130 = arith.addi %mul3A_72, %add3A_129 : i32
      %add3A_131 = arith.constant 1 : i32
      %add3A_132 = arith.addi %add3A_130, %add3A_131 : i32
      %swap3A_133 = arith.index_cast %add3A_132 : i32 to index
      %swap3A_134 = arith.constant 0 : index
      %swap3A_135 = tpu.vector_load %arg12[%swap3A_133, %swap3A_134] {strides = array<i32>} : memref<64x64xf32, #tpu.memory_space<vmem>>, vector<16xf32>,
      tpu.vector_store %arg12[%swap3A_133, %swap3A_134], %parallel_loop3A_113#4 {strides = array<i32>} : memref<64x64xf32, #tpu.memory_space<vmem>>, vector<16xf32>,
      %swap3A_136 = arith.index_cast %add3A_132 : i32 to index
      %swap3A_137 = arith.constant 32 : index
      %swap3A_138 = tpu.vector_load %arg12[%swap3A_136, %swap3A_137] {strides = array<i32>} : memref<64x64xf32, #tpu.memory_space<vmem>>, vector<16xf32>,
      tpu.vector_store %arg12[%swap3A_136, %swap3A_137], %parallel_loop3A_113#5 {strides = array<i32>} : memref<64x64xf32, #tpu.memory_space<vmem>>, vector<16xf32>,
      %swap3A_139 = arith.index_cast %add3A_132 : i32 to index
      %swap3A_140 = arith.constant 16 : index
      %swap3A_141 = tpu.vector_load %arg12[%swap3A_139, %swap3A_140] {strides = array<i32>} : memref<64x64xf32, #tpu.memory_space<vmem>>, vector<16xf32>,
      tpu.vector_store %arg12[%swap3A_139, %swap3A_140], %parallel_loop3A_113#6 {strides = array<i32>} : memref<64x64xf32, #tpu.memory_space<vmem>>, vector<16xf32>,
      %swap3A_142 = arith.index_cast %add3A_132 : i32 to index
      %swap3A_143 = arith.constant 48 : index
      %swap3A_144 = tpu.vector_load %arg12[%swap3A_142, %swap3A_143] {strides = array<i32>} : memref<64x64xf32, #tpu.memory_space<vmem>>, vector<16xf32>,
      tpu.vector_store %arg12[%swap3A_142, %swap3A_143], %parallel_loop3A_113#7 {strides = array<i32>} : memref<64x64xf32, #tpu.memory_space<vmem>>, vector<16xf32>,
      %add3A_145 = arith.constant 0 : i32
      %add3A_146 = arith.addi %mul3A_72, %add3A_145 : i32
      %add3A_147 = arith.constant 2 : i32
      %add3A_148 = arith.addi %add3A_146, %add3A_147 : i32
      %swap3A_149 = arith.index_cast %add3A_148 : i32 to index
      %swap3A_150 = arith.constant 0 : index
      %swap3A_151 = tpu.vector_load %arg12[%swap3A_149, %swap3A_150] {strides = array<i32>} : memref<64x64xf32, #tpu.memory_space<vmem>>, vector<16xf32>,
      tpu.vector_store %arg12[%swap3A_149, %swap3A_150], %parallel_loop3A_113#8 {strides = array<i32>} : memref<64x64xf32, #tpu.memory_space<vmem>>, vector<16xf32>,
      %swap3A_152 = arith.index_cast %add3A_148 : i32 to index
      %swap3A_153 = arith.constant 32 : index
      %swap3A_154 = tpu.vector_load %arg12[%swap3A_152, %swap3A_153] {strides = array<i32>} : memref<64x64xf32, #tpu.memory_space<vmem>>, vector<16xf32>,
      tpu.vector_store %arg12[%swap3A_152, %swap3A_153], %parallel_loop3A_113#9 {strides = array<i32>} : memref<64x64xf32, #tpu.memory_space<vmem>>, vector<16xf32>,
      %swap3A_155 = arith.index_cast %add3A_148 : i32 to index
      %swap3A_156 = arith.constant 16 : index
      %swap3A_157 = tpu.vector_load %arg12[%swap3A_155, %swap3A_156] {strides = array<i32>} : memref<64x64xf32, #tpu.memory_space<vmem>>, vector<16xf32>,
      tpu.vector_store %arg12[%swap3A_155, %swap3A_156], %parallel_loop3A_113#10 {strides = array<i32>} : memref<64x64xf32, #tpu.memory_space<vmem>>, vector<16xf32>,
      %swap3A_158 = arith.index_cast %add3A_148 : i32 to index
      %swap3A_159 = arith.constant 48 : index
      %swap3A_160 = tpu.vector_load %arg12[%swap3A_158, %swap3A_159] {strides = array<i32>} : memref<64x64xf32, #tpu.memory_space<vmem>>, vector<16xf32>,
      tpu.vector_store %arg12[%swap3A_158, %swap3A_159], %parallel_loop3A_113#11 {strides = array<i32>} : memref<64x64xf32, #tpu.memory_space<vmem>>, vector<16xf32>,
      %add3A_161 = arith.constant 0 : i32
      %add3A_162 = arith.addi %mul3A_72, %add3A_161 : i32
      %add3A_163 = arith.constant 3 : i32
      %add3A_164 = arith.addi %add3A_162, %add3A_163 : i32
      %swap3A_165 = arith.index_cast %add3A_164 : i32 to index
      %swap3A_166 = arith.constant 0 : index
      %swap3A_167 = tpu.vector_load %arg12[%swap3A_165, %swap3A_166] {strides = array<i32>} : memref<64x64xf32, #tpu.memory_space<vmem>>, vector<16xf32>,
      tpu.vector_store %arg12[%swap3A_165, %swap3A_166], %parallel_loop3A_113#12 {strides = array<i32>} : memref<64x64xf32, #tpu.memory_space<vmem>>, vector<16xf32>,
      %swap3A_168 = arith.index_cast %add3A_164 : i32 to index
      %swap3A_169 = arith.constant 32 : index
      %swap3A_170 = tpu.vector_load %arg12[%swap3A_168, %swap3A_169] {strides = array<i32>} : memref<64x64xf32, #tpu.memory_space<vmem>>, vector<16xf32>,
      tpu.vector_store %arg12[%swap3A_168, %swap3A_169], %parallel_loop3A_113#13 {strides = array<i32>} : memref<64x64xf32, #tpu.memory_space<vmem>>, vector<16xf32>,
      %swap3A_171 = arith.index_cast %add3A_164 : i32 to index
      %swap3A_172 = arith.constant 16 : index
      %swap3A_173 = tpu.vector_load %arg12[%swap3A_171, %swap3A_172] {strides = array<i32>} : memref<64x64xf32, #tpu.memory_space<vmem>>, vector<16xf32>,
      tpu.vector_store %arg12[%swap3A_171, %swap3A_172], %parallel_loop3A_113#14 {strides = array<i32>} : memref<64x64xf32, #tpu.memory_space<vmem>>, vector<16xf32>,
      %swap3A_174 = arith.index_cast %add3A_164 : i32 to index
      %swap3A_175 = arith.constant 48 : index
      %swap3A_176 = tpu.vector_load %arg12[%swap3A_174, %swap3A_175] {strides = array<i32>} : memref<64x64xf32, #tpu.memory_space<vmem>>, vector<16xf32>,
      tpu.vector_store %arg12[%swap3A_174, %swap3A_175], %parallel_loop3A_113#15 {strides = array<i32>} : memref<64x64xf32, #tpu.memory_space<vmem>>, vector<16xf32>,
      %broadcast_in_dim3A_177 = arith.constant 0.000000e+00 : f32
      %broadcast_in_dim3A_178 = vector.broadcast %broadcast_in_dim3A_177 : f32 to vector<16xf32>
      %broadcast_in_dim3A_179 = arith.constant 0.000000e+00 : f32
      %broadcast_in_dim3A_180 = vector.broadcast %broadcast_in_dim3A_179 : f32 to vector<16xf32>
      %broadcast_in_dim3A_181 = arith.constant 0.000000e+00 : f32
      %broadcast_in_dim3A_182 = vector.broadcast %broadcast_in_dim3A_181 : f32 to vector<16xf32>
      %broadcast_in_dim3A_183 = arith.constant 0.000000e+00 : f32
      %broadcast_in_dim3A_184 = vector.broadcast %broadcast_in_dim3A_183 : f32 to vector<16xf32>
      %broadcast_in_dim3A_185 = arith.constant 0.000000e+00 : f32
      %broadcast_in_dim3A_186 = vector.broadcast %broadcast_in_dim3A_185 : f32 to vector<16xf32>
      %broadcast_in_dim3A_187 = arith.constant 0.000000e+00 : f32
      %broadcast_in_dim3A_188 = vector.broadcast %broadcast_in_dim3A_187 : f32 to vector<16xf32>
      %broadcast_in_dim3A_189 = arith.constant 0.000000e+00 : f32
      %broadcast_in_dim3A_190 = vector.broadcast %broadcast_in_dim3A_189 : f32 to vector<16xf32>
      %broadcast_in_dim3A_191 = arith.constant 0.000000e+00 : f32
      %broadcast_in_dim3A_192 = vector.broadcast %broadcast_in_dim3A_191 : f32 to vector<16xf32>
      %broadcast_in_dim3A_193 = arith.constant 0.000000e+00 : f32
      %broadcast_in_dim3A_194 = vector.broadcast %broadcast_in_dim3A_193 : f32 to vector<16xf32>
      %broadcast_in_dim3A_195 = arith.constant 0.000000e+00 : f32
      %broadcast_in_dim3A_196 = vector.broadcast %broadcast_in_dim3A_195 : f32 to vector<16xf32>
      %broadcast_in_dim3A_197 = arith.constant 0.000000e+00 : f32
      %broadcast_in_dim3A_198 = vector.broadcast %broadcast_in_dim3A_197 : f32 to vector<16xf32>
      %broadcast_in_dim3A_199 = arith.constant 0.000000e+00 : f32
      %broadcast_in_dim3A_200 = vector.broadcast %broadcast_in_dim3A_199 : f32 to vector<16xf32>
      %broadcast_in_dim3A_201 = arith.constant 0.000000e+00 : f32
      %broadcast_in_dim3A_202 = vector.broadcast %broadcast_in_dim3A_201 : f32 to vector<16xf32>
      %broadcast_in_dim3A_203 = arith.constant 0.000000e+00 : f32
      %broadcast_in_dim3A_204 = vector.broadcast %broadcast_in_dim3A_203 : f32 to vector<16xf32>
      %broadcast_in_dim3A_205 = arith.constant 0.000000e+00 : f32
      %broadcast_in_dim3A_206 = vector.broadcast %broadcast_in_dim3A_205 : f32 to vector<16xf32>
      %broadcast_in_dim3A_207 = arith.constant 0.000000e+00 : f32
      %broadcast_in_dim3A_208 = vector.broadcast %broadcast_in_dim3A_207 : f32 to vector<16xf32>
      %parallel_loop3A_209 = arith.constant 0 : i32
      %parallel_loop3A_210 = arith.constant 26 : i32
      %parallel_loop3A_211 = arith.constant 1 : i32
      %parallel_loop3A_212:16 = scf.for %parallel_loop3A_478 = %parallel_loop3A_209 to %parallel_loop3A_210 step %parallel_loop3A_211 iter_args(%parallel_loop3A_479 = %broadcast_in_dim3A_178, %parallel_loop3A_480 = %broadcast_in_dim3A_180, %parallel_loop3A_481 = %broadcast_in_dim3A_182, %parallel_loop3A_482 = %broadcast_in_dim3A_184, %parallel_loop3A_483 = %broadcast_in_dim3A_186, %parallel_loop3A_484 = %broadcast_in_dim3A_188, %parallel_loop3A_485 = %broadcast_in_dim3A_190, %parallel_loop3A_486 = %broadcast_in_dim3A_192, %parallel_loop3A_487 = %broadcast_in_dim3A_194, %parallel_loop3A_488 = %broadcast_in_dim3A_196, %parallel_loop3A_489 = %broadcast_in_dim3A_198, %parallel_loop3A_490 = %broadcast_in_dim3A_200, %parallel_loop3A_491 = %broadcast_in_dim3A_202, %parallel_loop3A_492 = %broadcast_in_dim3A_204, %parallel_loop3A_493 = %broadcast_in_dim3A_206, %parallel_loop3A_494 = %broadcast_in_dim3A_208) -> (vector<16xf32>, vector<16xf32>, vector<16xf32>, vector<16xf32>, vector<16xf32>, vector<16xf32>, vector<16xf32>, vector<16xf32>, vector<16xf32>, vector<16xf32>, vector<16xf32>, vector<16xf32>, vector<16xf32>, vector<16xf32>, vector<16xf32>, vector<16xf32>)  : i32 {
        %parallel_loop3A_495 = arith.constant 16 : i32
        %parallel_loop3A_496 = arith.muli %parallel_loop3A_478, %parallel_loop3A_495 : i32
        %parallel_loop3A_497 = arith.index_cast %parallel_loop3A_496 : i32 to index
        %parallel_loop3A_498 = tpu.vector_load %arg9[%parallel_loop3A_497] {strides = array<i32>} : memref<416xi32, #tpu.memory_space<vmem>>, vector<16xi32>,
        %parallel_loop3A_499 = arith.constant 16 : i32
        %parallel_loop3A_500 = arith.muli %parallel_loop3A_478, %parallel_loop3A_499 : i32
        %parallel_loop3A_501 = arith.index_cast %parallel_loop3A_500 : i32 to index
        %parallel_loop3A_502 = tpu.vector_load %arg10[%parallel_loop3A_501] {strides = array<i32>} : memref<416xi32, #tpu.memory_space<vmem>>, vector<16xi32>,
        %parallel_loop3A_503 = arith.constant 4 : i32
        %parallel_loop3A_504 = vector.broadcast %parallel_loop3A_503 : i32 to vector<16xi32>
        %parallel_loop3A_505 = vector.shape_cast %parallel_loop3A_504 : vector<16xi32> to vector<16x1xi32>
        %parallel_loop3A_506 = vector.shape_cast %parallel_loop3A_505 : vector<16x1xi32> to vector<16xi32>
        %parallel_loop3A_507 = tpu.dynamic_gather %parallel_loop3A_498[%parallel_loop3A_506] in [0] : vector<16xi32>, vector<16xi32> -> vector<16xi32>
        %parallel_loop3A_508 = arith.addi %parallel_loop3A_507, %iota3A : vector<16xi32>
        %parallel_loop3A_509 = vector.shape_cast %parallel_loop3A_504 : vector<16xi32> to vector<16x1xi32>
        %parallel_loop3A_510 = vector.shape_cast %parallel_loop3A_509 : vector<16x1xi32> to vector<16xi32>
        %parallel_loop3A_511 = tpu.dynamic_gather %parallel_loop3A_502[%parallel_loop3A_510] in [0] : vector<16xi32>, vector<16xi32> -> vector<16xi32>
        %parallel_loop3A_512 = arith.addi %parallel_loop3A_511, %iota3A : vector<16xi32>
        %parallel_loop3A_513 = arith.constant 0 : i32
        %parallel_loop3A_514 = tpu.memref_slice %arg5[%parallel_loop3A_513] : memref<33000xi32, #tpu.memory_space<vmem>> -> memref<33000xi32, #tpu.memory_space<vmem>>
        %parallel_loop3A_515 = tpu.vector_load_idx %parallel_loop3A_514[%parallel_loop3A_508] : memref<33000xi32, #tpu.memory_space<vmem>>[vector<16xi32>], vector<16xi32>,
        %parallel_loop3A_516 = arith.constant 0 : i32
        %parallel_loop3A_517 = tpu.memref_slice %arg6[%parallel_loop3A_516] : memref<33000xi32, #tpu.memory_space<vmem>> -> memref<33000xi32, #tpu.memory_space<vmem>>
        %parallel_loop3A_518 = tpu.vector_load_idx %parallel_loop3A_517[%parallel_loop3A_512] : memref<33000xi32, #tpu.memory_space<vmem>>[vector<16xi32>], vector<16xi32>,
        %parallel_loop3A_519 = vector.bitcast %parallel_loop3A_515 : vector<16xi32> to vector<32xbf16>
        %parallel_loop3A_520 = vector.bitcast %parallel_loop3A_518 : vector<16xi32> to vector<32xbf16>
        %parallel_loop3A_521 = arith.mulf %parallel_loop3A_519, %parallel_loop3A_520 : vector<32xbf16>
        %parallel_loop3A_522 = tpu.unpack_subelements %parallel_loop3A_521, 0 {pack_format = #tpu.pack_format<interleaved>} : vector<32xbf16> -> vector<16xf32>
        %parallel_loop3A_523 = tpu.unpack_subelements %parallel_loop3A_521, 1 {pack_format = #tpu.pack_format<interleaved>} : vector<32xbf16> -> vector<16xf32>
        %parallel_loop3A_524 = arith.addf %parallel_loop3A_479, %parallel_loop3A_522 : vector<16xf32>
        %parallel_loop3A_525 = arith.addf %parallel_loop3A_480, %parallel_loop3A_523 : vector<16xf32>
        %parallel_loop3A_526 = arith.constant 16 : i32
        %parallel_loop3A_527 = tpu.memref_slice %arg5[%parallel_loop3A_526] : memref<33000xi32, #tpu.memory_space<vmem>> -> memref<32984xi32, #tpu.memory_space<vmem>>
        %parallel_loop3A_528 = tpu.vector_load_idx %parallel_loop3A_527[%parallel_loop3A_508] : memref<32984xi32, #tpu.memory_space<vmem>>[vector<16xi32>], vector<16xi32>,
        %parallel_loop3A_529 = arith.constant 16 : i32
        %parallel_loop3A_530 = tpu.memref_slice %arg6[%parallel_loop3A_529] : memref<33000xi32, #tpu.memory_space<vmem>> -> memref<32984xi32, #tpu.memory_space<vmem>>
        %parallel_loop3A_531 = tpu.vector_load_idx %parallel_loop3A_530[%parallel_loop3A_512] : memref<32984xi32, #tpu.memory_space<vmem>>[vector<16xi32>], vector<16xi32>,
        %parallel_loop3A_532 = vector.bitcast %parallel_loop3A_528 : vector<16xi32> to vector<32xbf16>
        %parallel_loop3A_533 = vector.bitcast %parallel_loop3A_531 : vector<16xi32> to vector<32xbf16>
        %parallel_loop3A_534 = arith.mulf %parallel_loop3A_532, %parallel_loop3A_533 : vector<32xbf16>
        %parallel_loop3A_535 = tpu.unpack_subelements %parallel_loop3A_534, 0 {pack_format = #tpu.pack_format<interleaved>} : vector<32xbf16> -> vector<16xf32>
        %parallel_loop3A_536 = tpu.unpack_subelements %parallel_loop3A_534, 1 {pack_format = #tpu.pack_format<interleaved>} : vector<32xbf16> -> vector<16xf32>
        %parallel_loop3A_537 = arith.addf %parallel_loop3A_481, %parallel_loop3A_535 : vector<16xf32>
        %parallel_loop3A_538 = arith.addf %parallel_loop3A_482, %parallel_loop3A_536 : vector<16xf32>
        %parallel_loop3A_539 = arith.constant 5 : i32
        %parallel_loop3A_540 = vector.broadcast %parallel_loop3A_539 : i32 to vector<16xi32>
        %parallel_loop3A_541 = vector.shape_cast %parallel_loop3A_540 : vector<16xi32> to vector<16x1xi32>
        %parallel_loop3A_542 = vector.shape_cast %parallel_loop3A_541 : vector<16x1xi32> to vector<16xi32>
        %parallel_loop3A_543 = tpu.dynamic_gather %parallel_loop3A_498[%parallel_loop3A_542] in [0] : vector<16xi32>, vector<16xi32> -> vector<16xi32>
        %parallel_loop3A_544 = arith.addi %parallel_loop3A_543, %iota3A : vector<16xi32>
        %parallel_loop3A_545 = vector.shape_cast %parallel_loop3A_540 : vector<16xi32> to vector<16x1xi32>
        %parallel_loop3A_546 = vector.shape_cast %parallel_loop3A_545 : vector<16x1xi32> to vector<16xi32>
        %parallel_loop3A_547 = tpu.dynamic_gather %parallel_loop3A_502[%parallel_loop3A_546] in [0] : vector<16xi32>, vector<16xi32> -> vector<16xi32>
        %parallel_loop3A_548 = arith.addi %parallel_loop3A_547, %iota3A : vector<16xi32>
        %parallel_loop3A_549 = arith.constant 0 : i32
        %parallel_loop3A_550 = tpu.memref_slice %arg5[%parallel_loop3A_549] : memref<33000xi32, #tpu.memory_space<vmem>> -> memref<33000xi32, #tpu.memory_space<vmem>>
        %parallel_loop3A_551 = tpu.vector_load_idx %parallel_loop3A_550[%parallel_loop3A_544] : memref<33000xi32, #tpu.memory_space<vmem>>[vector<16xi32>], vector<16xi32>,
        %parallel_loop3A_552 = arith.constant 0 : i32
        %parallel_loop3A_553 = tpu.memref_slice %arg6[%parallel_loop3A_552] : memref<33000xi32, #tpu.memory_space<vmem>> -> memref<33000xi32, #tpu.memory_space<vmem>>
        %parallel_loop3A_554 = tpu.vector_load_idx %parallel_loop3A_553[%parallel_loop3A_548] : memref<33000xi32, #tpu.memory_space<vmem>>[vector<16xi32>], vector<16xi32>,
        %parallel_loop3A_555 = vector.bitcast %parallel_loop3A_551 : vector<16xi32> to vector<32xbf16>
        %parallel_loop3A_556 = vector.bitcast %parallel_loop3A_554 : vector<16xi32> to vector<32xbf16>
        %parallel_loop3A_557 = arith.mulf %parallel_loop3A_555, %parallel_loop3A_556 : vector<32xbf16>
        %parallel_loop3A_558 = tpu.unpack_subelements %parallel_loop3A_557, 0 {pack_format = #tpu.pack_format<interleaved>} : vector<32xbf16> -> vector<16xf32>
        %parallel_loop3A_559 = tpu.unpack_subelements %parallel_loop3A_557, 1 {pack_format = #tpu.pack_format<interleaved>} : vector<32xbf16> -> vector<16xf32>
        %parallel_loop3A_560 = arith.addf %parallel_loop3A_483, %parallel_loop3A_558 : vector<16xf32>
        %parallel_loop3A_561 = arith.addf %parallel_loop3A_484, %parallel_loop3A_559 : vector<16xf32>
        %parallel_loop3A_562 = arith.constant 16 : i32
        %parallel_loop3A_563 = tpu.memref_slice %arg5[%parallel_loop3A_562] : memref<33000xi32, #tpu.memory_space<vmem>> -> memref<32984xi32, #tpu.memory_space<vmem>>
        %parallel_loop3A_564 = tpu.vector_load_idx %parallel_loop3A_563[%parallel_loop3A_544] : memref<32984xi32, #tpu.memory_space<vmem>>[vector<16xi32>], vector<16xi32>,
        %parallel_loop3A_565 = arith.constant 16 : i32
        %parallel_loop3A_566 = tpu.memref_slice %arg6[%parallel_loop3A_565] : memref<33000xi32, #tpu.memory_space<vmem>> -> memref<32984xi32, #tpu.memory_space<vmem>>
        %parallel_loop3A_567 = tpu.vector_load_idx %parallel_loop3A_566[%parallel_loop3A_548] : memref<32984xi32, #tpu.memory_space<vmem>>[vector<16xi32>], vector<16xi32>,
        %parallel_loop3A_568 = vector.bitcast %parallel_loop3A_564 : vector<16xi32> to vector<32xbf16>
        %parallel_loop3A_569 = vector.bitcast %parallel_loop3A_567 : vector<16xi32> to vector<32xbf16>
        %parallel_loop3A_570 = arith.mulf %parallel_loop3A_568, %parallel_loop3A_569 : vector<32xbf16>
        %parallel_loop3A_571 = tpu.unpack_subelements %parallel_loop3A_570, 0 {pack_format = #tpu.pack_format<interleaved>} : vector<32xbf16> -> vector<16xf32>
        %parallel_loop3A_572 = tpu.unpack_subelements %parallel_loop3A_570, 1 {pack_format = #tpu.pack_format<interleaved>} : vector<32xbf16> -> vector<16xf32>
        %parallel_loop3A_573 = arith.addf %parallel_loop3A_485, %parallel_loop3A_571 : vector<16xf32>
        %parallel_loop3A_574 = arith.addf %parallel_loop3A_486, %parallel_loop3A_572 : vector<16xf32>
        %parallel_loop3A_575 = arith.constant 6 : i32
        %parallel_loop3A_576 = vector.broadcast %parallel_loop3A_575 : i32 to vector<16xi32>
        %parallel_loop3A_577 = vector.shape_cast %parallel_loop3A_576 : vector<16xi32> to vector<16x1xi32>
        %parallel_loop3A_578 = vector.shape_cast %parallel_loop3A_577 : vector<16x1xi32> to vector<16xi32>
        %parallel_loop3A_579 = tpu.dynamic_gather %parallel_loop3A_498[%parallel_loop3A_578] in [0] : vector<16xi32>, vector<16xi32> -> vector<16xi32>
        %parallel_loop3A_580 = arith.addi %parallel_loop3A_579, %iota3A : vector<16xi32>
        %parallel_loop3A_581 = vector.shape_cast %parallel_loop3A_576 : vector<16xi32> to vector<16x1xi32>
        %parallel_loop3A_582 = vector.shape_cast %parallel_loop3A_581 : vector<16x1xi32> to vector<16xi32>
        %parallel_loop3A_583 = tpu.dynamic_gather %parallel_loop3A_502[%parallel_loop3A_582] in [0] : vector<16xi32>, vector<16xi32> -> vector<16xi32>
        %parallel_loop3A_584 = arith.addi %parallel_loop3A_583, %iota3A : vector<16xi32>
        %parallel_loop3A_585 = arith.constant 0 : i32
        %parallel_loop3A_586 = tpu.memref_slice %arg5[%parallel_loop3A_585] : memref<33000xi32, #tpu.memory_space<vmem>> -> memref<33000xi32, #tpu.memory_space<vmem>>
        %parallel_loop3A_587 = tpu.vector_load_idx %parallel_loop3A_586[%parallel_loop3A_580] : memref<33000xi32, #tpu.memory_space<vmem>>[vector<16xi32>], vector<16xi32>,
        %parallel_loop3A_588 = arith.constant 0 : i32
        %parallel_loop3A_589 = tpu.memref_slice %arg6[%parallel_loop3A_588] : memref<33000xi32, #tpu.memory_space<vmem>> -> memref<33000xi32, #tpu.memory_space<vmem>>
        %parallel_loop3A_590 = tpu.vector_load_idx %parallel_loop3A_589[%parallel_loop3A_584] : memref<33000xi32, #tpu.memory_space<vmem>>[vector<16xi32>], vector<16xi32>,
        %parallel_loop3A_591 = vector.bitcast %parallel_loop3A_587 : vector<16xi32> to vector<32xbf16>
        %parallel_loop3A_592 = vector.bitcast %parallel_loop3A_590 : vector<16xi32> to vector<32xbf16>
        %parallel_loop3A_593 = arith.mulf %parallel_loop3A_591, %parallel_loop3A_592 : vector<32xbf16>
        %parallel_loop3A_594 = tpu.unpack_subelements %parallel_loop3A_593, 0 {pack_format = #tpu.pack_format<interleaved>} : vector<32xbf16> -> vector<16xf32>
        %parallel_loop3A_595 = tpu.unpack_subelements %parallel_loop3A_593, 1 {pack_format = #tpu.pack_format<interleaved>} : vector<32xbf16> -> vector<16xf32>
        %parallel_loop3A_596 = arith.addf %parallel_loop3A_487, %parallel_loop3A_594 : vector<16xf32>
        %parallel_loop3A_597 = arith.addf %parallel_loop3A_488, %parallel_loop3A_595 : vector<16xf32>
        %parallel_loop3A_598 = arith.constant 16 : i32
        %parallel_loop3A_599 = tpu.memref_slice %arg5[%parallel_loop3A_598] : memref<33000xi32, #tpu.memory_space<vmem>> -> memref<32984xi32, #tpu.memory_space<vmem>>
        %parallel_loop3A_600 = tpu.vector_load_idx %parallel_loop3A_599[%parallel_loop3A_580] : memref<32984xi32, #tpu.memory_space<vmem>>[vector<16xi32>], vector<16xi32>,
        %parallel_loop3A_601 = arith.constant 16 : i32
        %parallel_loop3A_602 = tpu.memref_slice %arg6[%parallel_loop3A_601] : memref<33000xi32, #tpu.memory_space<vmem>> -> memref<32984xi32, #tpu.memory_space<vmem>>
        %parallel_loop3A_603 = tpu.vector_load_idx %parallel_loop3A_602[%parallel_loop3A_584] : memref<32984xi32, #tpu.memory_space<vmem>>[vector<16xi32>], vector<16xi32>,
        %parallel_loop3A_604 = vector.bitcast %parallel_loop3A_600 : vector<16xi32> to vector<32xbf16>
        %parallel_loop3A_605 = vector.bitcast %parallel_loop3A_603 : vector<16xi32> to vector<32xbf16>
        %parallel_loop3A_606 = arith.mulf %parallel_loop3A_604, %parallel_loop3A_605 : vector<32xbf16>
        %parallel_loop3A_607 = tpu.unpack_subelements %parallel_loop3A_606, 0 {pack_format = #tpu.pack_format<interleaved>} : vector<32xbf16> -> vector<16xf32>
        %parallel_loop3A_608 = tpu.unpack_subelements %parallel_loop3A_606, 1 {pack_format = #tpu.pack_format<interleaved>} : vector<32xbf16> -> vector<16xf32>
        %parallel_loop3A_609 = arith.addf %parallel_loop3A_489, %parallel_loop3A_607 : vector<16xf32>
        %parallel_loop3A_610 = arith.addf %parallel_loop3A_490, %parallel_loop3A_608 : vector<16xf32>
        %parallel_loop3A_611 = arith.constant 7 : i32
        %parallel_loop3A_612 = vector.broadcast %parallel_loop3A_611 : i32 to vector<16xi32>
        %parallel_loop3A_613 = vector.shape_cast %parallel_loop3A_612 : vector<16xi32> to vector<16x1xi32>
        %parallel_loop3A_614 = vector.shape_cast %parallel_loop3A_613 : vector<16x1xi32> to vector<16xi32>
        %parallel_loop3A_615 = tpu.dynamic_gather %parallel_loop3A_498[%parallel_loop3A_614] in [0] : vector<16xi32>, vector<16xi32> -> vector<16xi32>
        %parallel_loop3A_616 = arith.addi %parallel_loop3A_615, %iota3A : vector<16xi32>
        %parallel_loop3A_617 = vector.shape_cast %parallel_loop3A_612 : vector<16xi32> to vector<16x1xi32>
        %parallel_loop3A_618 = vector.shape_cast %parallel_loop3A_617 : vector<16x1xi32> to vector<16xi32>
        %parallel_loop3A_619 = tpu.dynamic_gather %parallel_loop3A_502[%parallel_loop3A_618] in [0] : vector<16xi32>, vector<16xi32> -> vector<16xi32>
        %parallel_loop3A_620 = arith.addi %parallel_loop3A_619, %iota3A : vector<16xi32>
        %parallel_loop3A_621 = arith.constant 0 : i32
        %parallel_loop3A_622 = tpu.memref_slice %arg5[%parallel_loop3A_621] : memref<33000xi32, #tpu.memory_space<vmem>> -> memref<33000xi32, #tpu.memory_space<vmem>>
        %parallel_loop3A_623 = tpu.vector_load_idx %parallel_loop3A_622[%parallel_loop3A_616] : memref<33000xi32, #tpu.memory_space<vmem>>[vector<16xi32>], vector<16xi32>,
        %parallel_loop3A_624 = arith.constant 0 : i32
        %parallel_loop3A_625 = tpu.memref_slice %arg6[%parallel_loop3A_624] : memref<33000xi32, #tpu.memory_space<vmem>> -> memref<33000xi32, #tpu.memory_space<vmem>>
        %parallel_loop3A_626 = tpu.vector_load_idx %parallel_loop3A_625[%parallel_loop3A_620] : memref<33000xi32, #tpu.memory_space<vmem>>[vector<16xi32>], vector<16xi32>,
        %parallel_loop3A_627 = vector.bitcast %parallel_loop3A_623 : vector<16xi32> to vector<32xbf16>
        %parallel_loop3A_628 = vector.bitcast %parallel_loop3A_626 : vector<16xi32> to vector<32xbf16>
        %parallel_loop3A_629 = arith.mulf %parallel_loop3A_627, %parallel_loop3A_628 : vector<32xbf16>
        %parallel_loop3A_630 = tpu.unpack_subelements %parallel_loop3A_629, 0 {pack_format = #tpu.pack_format<interleaved>} : vector<32xbf16> -> vector<16xf32>
        %parallel_loop3A_631 = tpu.unpack_subelements %parallel_loop3A_629, 1 {pack_format = #tpu.pack_format<interleaved>} : vector<32xbf16> -> vector<16xf32>
        %parallel_loop3A_632 = arith.addf %parallel_loop3A_491, %parallel_loop3A_630 : vector<16xf32>
        %parallel_loop3A_633 = arith.addf %parallel_loop3A_492, %parallel_loop3A_631 : vector<16xf32>
        %parallel_loop3A_634 = arith.constant 16 : i32
        %parallel_loop3A_635 = tpu.memref_slice %arg5[%parallel_loop3A_634] : memref<33000xi32, #tpu.memory_space<vmem>> -> memref<32984xi32, #tpu.memory_space<vmem>>
        %parallel_loop3A_636 = tpu.vector_load_idx %parallel_loop3A_635[%parallel_loop3A_616] : memref<32984xi32, #tpu.memory_space<vmem>>[vector<16xi32>], vector<16xi32>,
        %parallel_loop3A_637 = arith.constant 16 : i32
        %parallel_loop3A_638 = tpu.memref_slice %arg6[%parallel_loop3A_637] : memref<33000xi32, #tpu.memory_space<vmem>> -> memref<32984xi32, #tpu.memory_space<vmem>>
        %parallel_loop3A_639 = tpu.vector_load_idx %parallel_loop3A_638[%parallel_loop3A_620] : memref<32984xi32, #tpu.memory_space<vmem>>[vector<16xi32>], vector<16xi32>,
        %parallel_loop3A_640 = vector.bitcast %parallel_loop3A_636 : vector<16xi32> to vector<32xbf16>
        %parallel_loop3A_641 = vector.bitcast %parallel_loop3A_639 : vector<16xi32> to vector<32xbf16>
        %parallel_loop3A_642 = arith.mulf %parallel_loop3A_640, %parallel_loop3A_641 : vector<32xbf16>
        %parallel_loop3A_643 = tpu.unpack_subelements %parallel_loop3A_642, 0 {pack_format = #tpu.pack_format<interleaved>} : vector<32xbf16> -> vector<16xf32>
        %parallel_loop3A_644 = tpu.unpack_subelements %parallel_loop3A_642, 1 {pack_format = #tpu.pack_format<interleaved>} : vector<32xbf16> -> vector<16xf32>
        %parallel_loop3A_645 = arith.addf %parallel_loop3A_493, %parallel_loop3A_643 : vector<16xf32>
        %parallel_loop3A_646 = arith.addf %parallel_loop3A_494, %parallel_loop3A_644 : vector<16xf32>
        scf.yield %parallel_loop3A_524, %parallel_loop3A_525, %parallel_loop3A_537, %parallel_loop3A_538, %parallel_loop3A_560, %parallel_loop3A_561, %parallel_loop3A_573, %parallel_loop3A_574, %parallel_loop3A_596, %parallel_loop3A_597, %parallel_loop3A_609, %parallel_loop3A_610, %parallel_loop3A_632, %parallel_loop3A_633, %parallel_loop3A_645, %parallel_loop3A_646 : vector<16xf32>, vector<16xf32>, vector<16xf32>, vector<16xf32>, vector<16xf32>, vector<16xf32>, vector<16xf32>, vector<16xf32>, vector<16xf32>, vector<16xf32>, vector<16xf32>, vector<16xf32>, vector<16xf32>, vector<16xf32>, vector<16xf32>, vector<16xf32>
      } {sc.loop_unroll_factor = 2 : i64, sc.parallel_access}
      %add3A_213 = arith.constant 4 : i32
      %add3A_214 = arith.addi %mul3A_72, %add3A_213 : i32
      %add3A_215 = arith.constant 0 : i32
      %add3A_216 = arith.addi %add3A_214, %add3A_215 : i32
      %swap3A_217 = arith.index_cast %add3A_216 : i32 to index
      %swap3A_218 = arith.constant 0 : index
      %swap3A_219 = tpu.vector_load %arg12[%swap3A_217, %swap3A_218] {strides = array<i32>} : memref<64x64xf32, #tpu.memory_space<vmem>>, vector<16xf32>,
      tpu.vector_store %arg12[%swap3A_217, %swap3A_218], %parallel_loop3A_212#0 {strides = array<i32>} : memref<64x64xf32, #tpu.memory_space<vmem>>, vector<16xf32>,
      %swap3A_220 = arith.index_cast %add3A_216 : i32 to index
      %swap3A_221 = arith.constant 32 : index
      %swap3A_222 = tpu.vector_load %arg12[%swap3A_220, %swap3A_221] {strides = array<i32>} : memref<64x64xf32, #tpu.memory_space<vmem>>, vector<16xf32>,
      tpu.vector_store %arg12[%swap3A_220, %swap3A_221], %parallel_loop3A_212#1 {strides = array<i32>} : memref<64x64xf32, #tpu.memory_space<vmem>>, vector<16xf32>,
      %swap3A_223 = arith.index_cast %add3A_216 : i32 to index
      %swap3A_224 = arith.constant 16 : index
      %swap3A_225 = tpu.vector_load %arg12[%swap3A_223, %swap3A_224] {strides = array<i32>} : memref<64x64xf32, #tpu.memory_space<vmem>>, vector<16xf32>,
      tpu.vector_store %arg12[%swap3A_223, %swap3A_224], %parallel_loop3A_212#2 {strides = array<i32>} : memref<64x64xf32, #tpu.memory_space<vmem>>, vector<16xf32>,
      %swap3A_226 = arith.index_cast %add3A_216 : i32 to index
      %swap3A_227 = arith.constant 48 : index
      %swap3A_228 = tpu.vector_load %arg12[%swap3A_226, %swap3A_227] {strides = array<i32>} : memref<64x64xf32, #tpu.memory_space<vmem>>, vector<16xf32>,
      tpu.vector_store %arg12[%swap3A_226, %swap3A_227], %parallel_loop3A_212#3 {strides = array<i32>} : memref<64x64xf32, #tpu.memory_space<vmem>>, vector<16xf32>,
      %add3A_229 = arith.constant 4 : i32
      %add3A_230 = arith.addi %mul3A_72, %add3A_229 : i32
      %add3A_231 = arith.constant 1 : i32
      %add3A_232 = arith.addi %add3A_230, %add3A_231 : i32
      %swap3A_233 = arith.index_cast %add3A_232 : i32 to index
      %swap3A_234 = arith.constant 0 : index
      %swap3A_235 = tpu.vector_load %arg12[%swap3A_233, %swap3A_234] {strides = array<i32>} : memref<64x64xf32, #tpu.memory_space<vmem>>, vector<16xf32>,
      tpu.vector_store %arg12[%swap3A_233, %swap3A_234], %parallel_loop3A_212#4 {strides = array<i32>} : memref<64x64xf32, #tpu.memory_space<vmem>>, vector<16xf32>,
      %swap3A_236 = arith.index_cast %add3A_232 : i32 to index
      %swap3A_237 = arith.constant 32 : index
      %swap3A_238 = tpu.vector_load %arg12[%swap3A_236, %swap3A_237] {strides = array<i32>} : memref<64x64xf32, #tpu.memory_space<vmem>>, vector<16xf32>,
      tpu.vector_store %arg12[%swap3A_236, %swap3A_237], %parallel_loop3A_212#5 {strides = array<i32>} : memref<64x64xf32, #tpu.memory_space<vmem>>, vector<16xf32>,
      %swap3A_239 = arith.index_cast %add3A_232 : i32 to index
      %swap3A_240 = arith.constant 16 : index
      %swap3A_241 = tpu.vector_load %arg12[%swap3A_239, %swap3A_240] {strides = array<i32>} : memref<64x64xf32, #tpu.memory_space<vmem>>, vector<16xf32>,
      tpu.vector_store %arg12[%swap3A_239, %swap3A_240], %parallel_loop3A_212#6 {strides = array<i32>} : memref<64x64xf32, #tpu.memory_space<vmem>>, vector<16xf32>,
      %swap3A_242 = arith.index_cast %add3A_232 : i32 to index
      %swap3A_243 = arith.constant 48 : index
      %swap3A_244 = tpu.vector_load %arg12[%swap3A_242, %swap3A_243] {strides = array<i32>} : memref<64x64xf32, #tpu.memory_space<vmem>>, vector<16xf32>,
      tpu.vector_store %arg12[%swap3A_242, %swap3A_243], %parallel_loop3A_212#7 {strides = array<i32>} : memref<64x64xf32, #tpu.memory_space<vmem>>, vector<16xf32>,
      %add3A_245 = arith.constant 4 : i32
      %add3A_246 = arith.addi %mul3A_72, %add3A_245 : i32
      %add3A_247 = arith.constant 2 : i32
      %add3A_248 = arith.addi %add3A_246, %add3A_247 : i32
      %swap3A_249 = arith.index_cast %add3A_248 : i32 to index
      %swap3A_250 = arith.constant 0 : index
      %swap3A_251 = tpu.vector_load %arg12[%swap3A_249, %swap3A_250] {strides = array<i32>} : memref<64x64xf32, #tpu.memory_space<vmem>>, vector<16xf32>,
      tpu.vector_store %arg12[%swap3A_249, %swap3A_250], %parallel_loop3A_212#8 {strides = array<i32>} : memref<64x64xf32, #tpu.memory_space<vmem>>, vector<16xf32>,
      %swap3A_252 = arith.index_cast %add3A_248 : i32 to index
      %swap3A_253 = arith.constant 32 : index
      %swap3A_254 = tpu.vector_load %arg12[%swap3A_252, %swap3A_253] {strides = array<i32>} : memref<64x64xf32, #tpu.memory_space<vmem>>, vector<16xf32>,
      tpu.vector_store %arg12[%swap3A_252, %swap3A_253], %parallel_loop3A_212#9 {strides = array<i32>} : memref<64x64xf32, #tpu.memory_space<vmem>>, vector<16xf32>,
      %swap3A_255 = arith.index_cast %add3A_248 : i32 to index
      %swap3A_256 = arith.constant 16 : index
      %swap3A_257 = tpu.vector_load %arg12[%swap3A_255, %swap3A_256] {strides = array<i32>} : memref<64x64xf32, #tpu.memory_space<vmem>>, vector<16xf32>,
      tpu.vector_store %arg12[%swap3A_255, %swap3A_256], %parallel_loop3A_212#10 {strides = array<i32>} : memref<64x64xf32, #tpu.memory_space<vmem>>, vector<16xf32>,
      %swap3A_258 = arith.index_cast %add3A_248 : i32 to index
      %swap3A_259 = arith.constant 48 : index
      %swap3A_260 = tpu.vector_load %arg12[%swap3A_258, %swap3A_259] {strides = array<i32>} : memref<64x64xf32, #tpu.memory_space<vmem>>, vector<16xf32>,
      tpu.vector_store %arg12[%swap3A_258, %swap3A_259], %parallel_loop3A_212#11 {strides = array<i32>} : memref<64x64xf32, #tpu.memory_space<vmem>>, vector<16xf32>,
      %add3A_261 = arith.constant 4 : i32
      %add3A_262 = arith.addi %mul3A_72, %add3A_261 : i32
      %add3A_263 = arith.constant 3 : i32
      %add3A_264 = arith.addi %add3A_262, %add3A_263 : i32
      %swap3A_265 = arith.index_cast %add3A_264 : i32 to index
      %swap3A_266 = arith.constant 0 : index
      %swap3A_267 = tpu.vector_load %arg12[%swap3A_265, %swap3A_266] {strides = array<i32>} : memref<64x64xf32, #tpu.memory_space<vmem>>, vector<16xf32>,
      tpu.vector_store %arg12[%swap3A_265, %swap3A_266], %parallel_loop3A_212#12 {strides = array<i32>} : memref<64x64xf32, #tpu.memory_space<vmem>>, vector<16xf32>,
      %swap3A_268 = arith.index_cast %add3A_264 : i32 to index
      %swap3A_269 = arith.constant 32 : index
      %swap3A_270 = tpu.vector_load %arg12[%swap3A_268, %swap3A_269] {strides = array<i32>} : memref<64x64xf32, #tpu.memory_space<vmem>>, vector<16xf32>,
      tpu.vector_store %arg12[%swap3A_268, %swap3A_269], %parallel_loop3A_212#13 {strides = array<i32>} : memref<64x64xf32, #tpu.memory_space<vmem>>, vector<16xf32>,
      %swap3A_271 = arith.index_cast %add3A_264 : i32 to index
      %swap3A_272 = arith.constant 16 : index
      %swap3A_273 = tpu.vector_load %arg12[%swap3A_271, %swap3A_272] {strides = array<i32>} : memref<64x64xf32, #tpu.memory_space<vmem>>, vector<16xf32>,
      tpu.vector_store %arg12[%swap3A_271, %swap3A_272], %parallel_loop3A_212#14 {strides = array<i32>} : memref<64x64xf32, #tpu.memory_space<vmem>>, vector<16xf32>,
      %swap3A_274 = arith.index_cast %add3A_264 : i32 to index
      %swap3A_275 = arith.constant 48 : index
      %swap3A_276 = tpu.vector_load %arg12[%swap3A_274, %swap3A_275] {strides = array<i32>} : memref<64x64xf32, #tpu.memory_space<vmem>>, vector<16xf32>,
      tpu.vector_store %arg12[%swap3A_274, %swap3A_275], %parallel_loop3A_212#15 {strides = array<i32>} : memref<64x64xf32, #tpu.memory_space<vmem>>, vector<16xf32>,
      %broadcast_in_dim3A_277 = arith.constant 0.000000e+00 : f32
      %broadcast_in_dim3A_278 = vector.broadcast %broadcast_in_dim3A_277 : f32 to vector<16xf32>
      %broadcast_in_dim3A_279 = arith.constant 0.000000e+00 : f32
      %broadcast_in_dim3A_280 = vector.broadcast %broadcast_in_dim3A_279 : f32 to vector<16xf32>
      %broadcast_in_dim3A_281 = arith.constant 0.000000e+00 : f32
      %broadcast_in_dim3A_282 = vector.broadcast %broadcast_in_dim3A_281 : f32 to vector<16xf32>
      %broadcast_in_dim3A_283 = arith.constant 0.000000e+00 : f32
      %broadcast_in_dim3A_284 = vector.broadcast %broadcast_in_dim3A_283 : f32 to vector<16xf32>
      %broadcast_in_dim3A_285 = arith.constant 0.000000e+00 : f32
      %broadcast_in_dim3A_286 = vector.broadcast %broadcast_in_dim3A_285 : f32 to vector<16xf32>
      %broadcast_in_dim3A_287 = arith.constant 0.000000e+00 : f32
      %broadcast_in_dim3A_288 = vector.broadcast %broadcast_in_dim3A_287 : f32 to vector<16xf32>
      %broadcast_in_dim3A_289 = arith.constant 0.000000e+00 : f32
      %broadcast_in_dim3A_290 = vector.broadcast %broadcast_in_dim3A_289 : f32 to vector<16xf32>
      %broadcast_in_dim3A_291 = arith.constant 0.000000e+00 : f32
      %broadcast_in_dim3A_292 = vector.broadcast %broadcast_in_dim3A_291 : f32 to vector<16xf32>
      %broadcast_in_dim3A_293 = arith.constant 0.000000e+00 : f32
      %broadcast_in_dim3A_294 = vector.broadcast %broadcast_in_dim3A_293 : f32 to vector<16xf32>
      %broadcast_in_dim3A_295 = arith.constant 0.000000e+00 : f32
      %broadcast_in_dim3A_296 = vector.broadcast %broadcast_in_dim3A_295 : f32 to vector<16xf32>
      %broadcast_in_dim3A_297 = arith.constant 0.000000e+00 : f32
      %broadcast_in_dim3A_298 = vector.broadcast %broadcast_in_dim3A_297 : f32 to vector<16xf32>
      %broadcast_in_dim3A_299 = arith.constant 0.000000e+00 : f32
      %broadcast_in_dim3A_300 = vector.broadcast %broadcast_in_dim3A_299 : f32 to vector<16xf32>
      %broadcast_in_dim3A_301 = arith.constant 0.000000e+00 : f32
      %broadcast_in_dim3A_302 = vector.broadcast %broadcast_in_dim3A_301 : f32 to vector<16xf32>
      %broadcast_in_dim3A_303 = arith.constant 0.000000e+00 : f32
      %broadcast_in_dim3A_304 = vector.broadcast %broadcast_in_dim3A_303 : f32 to vector<16xf32>
      %broadcast_in_dim3A_305 = arith.constant 0.000000e+00 : f32
      %broadcast_in_dim3A_306 = vector.broadcast %broadcast_in_dim3A_305 : f32 to vector<16xf32>
      %broadcast_in_dim3A_307 = arith.constant 0.000000e+00 : f32
      %broadcast_in_dim3A_308 = vector.broadcast %broadcast_in_dim3A_307 : f32 to vector<16xf32>
      %parallel_loop3A_309 = arith.constant 0 : i32
      %parallel_loop3A_310 = arith.constant 26 : i32
      %parallel_loop3A_311 = arith.constant 1 : i32
      %parallel_loop3A_312:16 = scf.for %parallel_loop3A_478 = %parallel_loop3A_309 to %parallel_loop3A_310 step %parallel_loop3A_311 iter_args(%parallel_loop3A_479 = %broadcast_in_dim3A_278, %parallel_loop3A_480 = %broadcast_in_dim3A_280, %parallel_loop3A_481 = %broadcast_in_dim3A_282, %parallel_loop3A_482 = %broadcast_in_dim3A_284, %parallel_loop3A_483 = %broadcast_in_dim3A_286, %parallel_loop3A_484 = %broadcast_in_dim3A_288, %parallel_loop3A_485 = %broadcast_in_dim3A_290, %parallel_loop3A_486 = %broadcast_in_dim3A_292, %parallel_loop3A_487 = %broadcast_in_dim3A_294, %parallel_loop3A_488 = %broadcast_in_dim3A_296, %parallel_loop3A_489 = %broadcast_in_dim3A_298, %parallel_loop3A_490 = %broadcast_in_dim3A_300, %parallel_loop3A_491 = %broadcast_in_dim3A_302, %parallel_loop3A_492 = %broadcast_in_dim3A_304, %parallel_loop3A_493 = %broadcast_in_dim3A_306, %parallel_loop3A_494 = %broadcast_in_dim3A_308) -> (vector<16xf32>, vector<16xf32>, vector<16xf32>, vector<16xf32>, vector<16xf32>, vector<16xf32>, vector<16xf32>, vector<16xf32>, vector<16xf32>, vector<16xf32>, vector<16xf32>, vector<16xf32>, vector<16xf32>, vector<16xf32>, vector<16xf32>, vector<16xf32>)  : i32 {
        %parallel_loop3A_495 = arith.constant 16 : i32
        %parallel_loop3A_496 = arith.muli %parallel_loop3A_478, %parallel_loop3A_495 : i32
        %parallel_loop3A_497 = arith.index_cast %parallel_loop3A_496 : i32 to index
        %parallel_loop3A_498 = tpu.vector_load %arg9[%parallel_loop3A_497] {strides = array<i32>} : memref<416xi32, #tpu.memory_space<vmem>>, vector<16xi32>,
        %parallel_loop3A_499 = arith.constant 16 : i32
        %parallel_loop3A_500 = arith.muli %parallel_loop3A_478, %parallel_loop3A_499 : i32
        %parallel_loop3A_501 = arith.index_cast %parallel_loop3A_500 : i32 to index
        %parallel_loop3A_502 = tpu.vector_load %arg10[%parallel_loop3A_501] {strides = array<i32>} : memref<416xi32, #tpu.memory_space<vmem>>, vector<16xi32>,
        %parallel_loop3A_503 = arith.constant 8 : i32
        %parallel_loop3A_504 = vector.broadcast %parallel_loop3A_503 : i32 to vector<16xi32>
        %parallel_loop3A_505 = vector.shape_cast %parallel_loop3A_504 : vector<16xi32> to vector<16x1xi32>
        %parallel_loop3A_506 = vector.shape_cast %parallel_loop3A_505 : vector<16x1xi32> to vector<16xi32>
        %parallel_loop3A_507 = tpu.dynamic_gather %parallel_loop3A_498[%parallel_loop3A_506] in [0] : vector<16xi32>, vector<16xi32> -> vector<16xi32>
        %parallel_loop3A_508 = arith.addi %parallel_loop3A_507, %iota3A : vector<16xi32>
        %parallel_loop3A_509 = vector.shape_cast %parallel_loop3A_504 : vector<16xi32> to vector<16x1xi32>
        %parallel_loop3A_510 = vector.shape_cast %parallel_loop3A_509 : vector<16x1xi32> to vector<16xi32>
        %parallel_loop3A_511 = tpu.dynamic_gather %parallel_loop3A_502[%parallel_loop3A_510] in [0] : vector<16xi32>, vector<16xi32> -> vector<16xi32>
        %parallel_loop3A_512 = arith.addi %parallel_loop3A_511, %iota3A : vector<16xi32>
        %parallel_loop3A_513 = arith.constant 0 : i32
        %parallel_loop3A_514 = tpu.memref_slice %arg5[%parallel_loop3A_513] : memref<33000xi32, #tpu.memory_space<vmem>> -> memref<33000xi32, #tpu.memory_space<vmem>>
        %parallel_loop3A_515 = tpu.vector_load_idx %parallel_loop3A_514[%parallel_loop3A_508] : memref<33000xi32, #tpu.memory_space<vmem>>[vector<16xi32>], vector<16xi32>,
        %parallel_loop3A_516 = arith.constant 0 : i32
        %parallel_loop3A_517 = tpu.memref_slice %arg6[%parallel_loop3A_516] : memref<33000xi32, #tpu.memory_space<vmem>> -> memref<33000xi32, #tpu.memory_space<vmem>>
        %parallel_loop3A_518 = tpu.vector_load_idx %parallel_loop3A_517[%parallel_loop3A_512] : memref<33000xi32, #tpu.memory_space<vmem>>[vector<16xi32>], vector<16xi32>,
        %parallel_loop3A_519 = vector.bitcast %parallel_loop3A_515 : vector<16xi32> to vector<32xbf16>
        %parallel_loop3A_520 = vector.bitcast %parallel_loop3A_518 : vector<16xi32> to vector<32xbf16>
        %parallel_loop3A_521 = arith.mulf %parallel_loop3A_519, %parallel_loop3A_520 : vector<32xbf16>
        %parallel_loop3A_522 = tpu.unpack_subelements %parallel_loop3A_521, 0 {pack_format = #tpu.pack_format<interleaved>} : vector<32xbf16> -> vector<16xf32>
        %parallel_loop3A_523 = tpu.unpack_subelements %parallel_loop3A_521, 1 {pack_format = #tpu.pack_format<interleaved>} : vector<32xbf16> -> vector<16xf32>
        %parallel_loop3A_524 = arith.addf %parallel_loop3A_479, %parallel_loop3A_522 : vector<16xf32>
        %parallel_loop3A_525 = arith.addf %parallel_loop3A_480, %parallel_loop3A_523 : vector<16xf32>
        %parallel_loop3A_526 = arith.constant 16 : i32
        %parallel_loop3A_527 = tpu.memref_slice %arg5[%parallel_loop3A_526] : memref<33000xi32, #tpu.memory_space<vmem>> -> memref<32984xi32, #tpu.memory_space<vmem>>
        %parallel_loop3A_528 = tpu.vector_load_idx %parallel_loop3A_527[%parallel_loop3A_508] : memref<32984xi32, #tpu.memory_space<vmem>>[vector<16xi32>], vector<16xi32>,
        %parallel_loop3A_529 = arith.constant 16 : i32
        %parallel_loop3A_530 = tpu.memref_slice %arg6[%parallel_loop3A_529] : memref<33000xi32, #tpu.memory_space<vmem>> -> memref<32984xi32, #tpu.memory_space<vmem>>
        %parallel_loop3A_531 = tpu.vector_load_idx %parallel_loop3A_530[%parallel_loop3A_512] : memref<32984xi32, #tpu.memory_space<vmem>>[vector<16xi32>], vector<16xi32>,
        %parallel_loop3A_532 = vector.bitcast %parallel_loop3A_528 : vector<16xi32> to vector<32xbf16>
        %parallel_loop3A_533 = vector.bitcast %parallel_loop3A_531 : vector<16xi32> to vector<32xbf16>
        %parallel_loop3A_534 = arith.mulf %parallel_loop3A_532, %parallel_loop3A_533 : vector<32xbf16>
        %parallel_loop3A_535 = tpu.unpack_subelements %parallel_loop3A_534, 0 {pack_format = #tpu.pack_format<interleaved>} : vector<32xbf16> -> vector<16xf32>
        %parallel_loop3A_536 = tpu.unpack_subelements %parallel_loop3A_534, 1 {pack_format = #tpu.pack_format<interleaved>} : vector<32xbf16> -> vector<16xf32>
        %parallel_loop3A_537 = arith.addf %parallel_loop3A_481, %parallel_loop3A_535 : vector<16xf32>
        %parallel_loop3A_538 = arith.addf %parallel_loop3A_482, %parallel_loop3A_536 : vector<16xf32>
        %parallel_loop3A_539 = arith.constant 9 : i32
        %parallel_loop3A_540 = vector.broadcast %parallel_loop3A_539 : i32 to vector<16xi32>
        %parallel_loop3A_541 = vector.shape_cast %parallel_loop3A_540 : vector<16xi32> to vector<16x1xi32>
        %parallel_loop3A_542 = vector.shape_cast %parallel_loop3A_541 : vector<16x1xi32> to vector<16xi32>
        %parallel_loop3A_543 = tpu.dynamic_gather %parallel_loop3A_498[%parallel_loop3A_542] in [0] : vector<16xi32>, vector<16xi32> -> vector<16xi32>
        %parallel_loop3A_544 = arith.addi %parallel_loop3A_543, %iota3A : vector<16xi32>
        %parallel_loop3A_545 = vector.shape_cast %parallel_loop3A_540 : vector<16xi32> to vector<16x1xi32>
        %parallel_loop3A_546 = vector.shape_cast %parallel_loop3A_545 : vector<16x1xi32> to vector<16xi32>
        %parallel_loop3A_547 = tpu.dynamic_gather %parallel_loop3A_502[%parallel_loop3A_546] in [0] : vector<16xi32>, vector<16xi32> -> vector<16xi32>
        %parallel_loop3A_548 = arith.addi %parallel_loop3A_547, %iota3A : vector<16xi32>
        %parallel_loop3A_549 = arith.constant 0 : i32
        %parallel_loop3A_550 = tpu.memref_slice %arg5[%parallel_loop3A_549] : memref<33000xi32, #tpu.memory_space<vmem>> -> memref<33000xi32, #tpu.memory_space<vmem>>
        %parallel_loop3A_551 = tpu.vector_load_idx %parallel_loop3A_550[%parallel_loop3A_544] : memref<33000xi32, #tpu.memory_space<vmem>>[vector<16xi32>], vector<16xi32>,
        %parallel_loop3A_552 = arith.constant 0 : i32
        %parallel_loop3A_553 = tpu.memref_slice %arg6[%parallel_loop3A_552] : memref<33000xi32, #tpu.memory_space<vmem>> -> memref<33000xi32, #tpu.memory_space<vmem>>
        %parallel_loop3A_554 = tpu.vector_load_idx %parallel_loop3A_553[%parallel_loop3A_548] : memref<33000xi32, #tpu.memory_space<vmem>>[vector<16xi32>], vector<16xi32>,
        %parallel_loop3A_555 = vector.bitcast %parallel_loop3A_551 : vector<16xi32> to vector<32xbf16>
        %parallel_loop3A_556 = vector.bitcast %parallel_loop3A_554 : vector<16xi32> to vector<32xbf16>
        %parallel_loop3A_557 = arith.mulf %parallel_loop3A_555, %parallel_loop3A_556 : vector<32xbf16>
        %parallel_loop3A_558 = tpu.unpack_subelements %parallel_loop3A_557, 0 {pack_format = #tpu.pack_format<interleaved>} : vector<32xbf16> -> vector<16xf32>
        %parallel_loop3A_559 = tpu.unpack_subelements %parallel_loop3A_557, 1 {pack_format = #tpu.pack_format<interleaved>} : vector<32xbf16> -> vector<16xf32>
        %parallel_loop3A_560 = arith.addf %parallel_loop3A_483, %parallel_loop3A_558 : vector<16xf32>
        %parallel_loop3A_561 = arith.addf %parallel_loop3A_484, %parallel_loop3A_559 : vector<16xf32>
        %parallel_loop3A_562 = arith.constant 16 : i32
        %parallel_loop3A_563 = tpu.memref_slice %arg5[%parallel_loop3A_562] : memref<33000xi32, #tpu.memory_space<vmem>> -> memref<32984xi32, #tpu.memory_space<vmem>>
        %parallel_loop3A_564 = tpu.vector_load_idx %parallel_loop3A_563[%parallel_loop3A_544] : memref<32984xi32, #tpu.memory_space<vmem>>[vector<16xi32>], vector<16xi32>,
        %parallel_loop3A_565 = arith.constant 16 : i32
        %parallel_loop3A_566 = tpu.memref_slice %arg6[%parallel_loop3A_565] : memref<33000xi32, #tpu.memory_space<vmem>> -> memref<32984xi32, #tpu.memory_space<vmem>>
        %parallel_loop3A_567 = tpu.vector_load_idx %parallel_loop3A_566[%parallel_loop3A_548] : memref<32984xi32, #tpu.memory_space<vmem>>[vector<16xi32>], vector<16xi32>,
        %parallel_loop3A_568 = vector.bitcast %parallel_loop3A_564 : vector<16xi32> to vector<32xbf16>
        %parallel_loop3A_569 = vector.bitcast %parallel_loop3A_567 : vector<16xi32> to vector<32xbf16>
        %parallel_loop3A_570 = arith.mulf %parallel_loop3A_568, %parallel_loop3A_569 : vector<32xbf16>
        %parallel_loop3A_571 = tpu.unpack_subelements %parallel_loop3A_570, 0 {pack_format = #tpu.pack_format<interleaved>} : vector<32xbf16> -> vector<16xf32>
        %parallel_loop3A_572 = tpu.unpack_subelements %parallel_loop3A_570, 1 {pack_format = #tpu.pack_format<interleaved>} : vector<32xbf16> -> vector<16xf32>
        %parallel_loop3A_573 = arith.addf %parallel_loop3A_485, %parallel_loop3A_571 : vector<16xf32>
        %parallel_loop3A_574 = arith.addf %parallel_loop3A_486, %parallel_loop3A_572 : vector<16xf32>
        %parallel_loop3A_575 = arith.constant 10 : i32
        %parallel_loop3A_576 = vector.broadcast %parallel_loop3A_575 : i32 to vector<16xi32>
        %parallel_loop3A_577 = vector.shape_cast %parallel_loop3A_576 : vector<16xi32> to vector<16x1xi32>
        %parallel_loop3A_578 = vector.shape_cast %parallel_loop3A_577 : vector<16x1xi32> to vector<16xi32>
        %parallel_loop3A_579 = tpu.dynamic_gather %parallel_loop3A_498[%parallel_loop3A_578] in [0] : vector<16xi32>, vector<16xi32> -> vector<16xi32>
        %parallel_loop3A_580 = arith.addi %parallel_loop3A_579, %iota3A : vector<16xi32>
        %parallel_loop3A_581 = vector.shape_cast %parallel_loop3A_576 : vector<16xi32> to vector<16x1xi32>
        %parallel_loop3A_582 = vector.shape_cast %parallel_loop3A_581 : vector<16x1xi32> to vector<16xi32>
        %parallel_loop3A_583 = tpu.dynamic_gather %parallel_loop3A_502[%parallel_loop3A_582] in [0] : vector<16xi32>, vector<16xi32> -> vector<16xi32>
        %parallel_loop3A_584 = arith.addi %parallel_loop3A_583, %iota3A : vector<16xi32>
        %parallel_loop3A_585 = arith.constant 0 : i32
        %parallel_loop3A_586 = tpu.memref_slice %arg5[%parallel_loop3A_585] : memref<33000xi32, #tpu.memory_space<vmem>> -> memref<33000xi32, #tpu.memory_space<vmem>>
        %parallel_loop3A_587 = tpu.vector_load_idx %parallel_loop3A_586[%parallel_loop3A_580] : memref<33000xi32, #tpu.memory_space<vmem>>[vector<16xi32>], vector<16xi32>,
        %parallel_loop3A_588 = arith.constant 0 : i32
        %parallel_loop3A_589 = tpu.memref_slice %arg6[%parallel_loop3A_588] : memref<33000xi32, #tpu.memory_space<vmem>> -> memref<33000xi32, #tpu.memory_space<vmem>>
        %parallel_loop3A_590 = tpu.vector_load_idx %parallel_loop3A_589[%parallel_loop3A_584] : memref<33000xi32, #tpu.memory_space<vmem>>[vector<16xi32>], vector<16xi32>,
        %parallel_loop3A_591 = vector.bitcast %parallel_loop3A_587 : vector<16xi32> to vector<32xbf16>
        %parallel_loop3A_592 = vector.bitcast %parallel_loop3A_590 : vector<16xi32> to vector<32xbf16>
        %parallel_loop3A_593 = arith.mulf %parallel_loop3A_591, %parallel_loop3A_592 : vector<32xbf16>
        %parallel_loop3A_594 = tpu.unpack_subelements %parallel_loop3A_593, 0 {pack_format = #tpu.pack_format<interleaved>} : vector<32xbf16> -> vector<16xf32>
        %parallel_loop3A_595 = tpu.unpack_subelements %parallel_loop3A_593, 1 {pack_format = #tpu.pack_format<interleaved>} : vector<32xbf16> -> vector<16xf32>
        %parallel_loop3A_596 = arith.addf %parallel_loop3A_487, %parallel_loop3A_594 : vector<16xf32>
        %parallel_loop3A_597 = arith.addf %parallel_loop3A_488, %parallel_loop3A_595 : vector<16xf32>
        %parallel_loop3A_598 = arith.constant 16 : i32
        %parallel_loop3A_599 = tpu.memref_slice %arg5[%parallel_loop3A_598] : memref<33000xi32, #tpu.memory_space<vmem>> -> memref<32984xi32, #tpu.memory_space<vmem>>
        %parallel_loop3A_600 = tpu.vector_load_idx %parallel_loop3A_599[%parallel_loop3A_580] : memref<32984xi32, #tpu.memory_space<vmem>>[vector<16xi32>], vector<16xi32>,
        %parallel_loop3A_601 = arith.constant 16 : i32
        %parallel_loop3A_602 = tpu.memref_slice %arg6[%parallel_loop3A_601] : memref<33000xi32, #tpu.memory_space<vmem>> -> memref<32984xi32, #tpu.memory_space<vmem>>
        %parallel_loop3A_603 = tpu.vector_load_idx %parallel_loop3A_602[%parallel_loop3A_584] : memref<32984xi32, #tpu.memory_space<vmem>>[vector<16xi32>], vector<16xi32>,
        %parallel_loop3A_604 = vector.bitcast %parallel_loop3A_600 : vector<16xi32> to vector<32xbf16>
        %parallel_loop3A_605 = vector.bitcast %parallel_loop3A_603 : vector<16xi32> to vector<32xbf16>
        %parallel_loop3A_606 = arith.mulf %parallel_loop3A_604, %parallel_loop3A_605 : vector<32xbf16>
        %parallel_loop3A_607 = tpu.unpack_subelements %parallel_loop3A_606, 0 {pack_format = #tpu.pack_format<interleaved>} : vector<32xbf16> -> vector<16xf32>
        %parallel_loop3A_608 = tpu.unpack_subelements %parallel_loop3A_606, 1 {pack_format = #tpu.pack_format<interleaved>} : vector<32xbf16> -> vector<16xf32>
        %parallel_loop3A_609 = arith.addf %parallel_loop3A_489, %parallel_loop3A_607 : vector<16xf32>
        %parallel_loop3A_610 = arith.addf %parallel_loop3A_490, %parallel_loop3A_608 : vector<16xf32>
        %parallel_loop3A_611 = arith.constant 11 : i32
        %parallel_loop3A_612 = vector.broadcast %parallel_loop3A_611 : i32 to vector<16xi32>
        %parallel_loop3A_613 = vector.shape_cast %parallel_loop3A_612 : vector<16xi32> to vector<16x1xi32>
        %parallel_loop3A_614 = vector.shape_cast %parallel_loop3A_613 : vector<16x1xi32> to vector<16xi32>
        %parallel_loop3A_615 = tpu.dynamic_gather %parallel_loop3A_498[%parallel_loop3A_614] in [0] : vector<16xi32>, vector<16xi32> -> vector<16xi32>
        %parallel_loop3A_616 = arith.addi %parallel_loop3A_615, %iota3A : vector<16xi32>
        %parallel_loop3A_617 = vector.shape_cast %parallel_loop3A_612 : vector<16xi32> to vector<16x1xi32>
        %parallel_loop3A_618 = vector.shape_cast %parallel_loop3A_617 : vector<16x1xi32> to vector<16xi32>
        %parallel_loop3A_619 = tpu.dynamic_gather %parallel_loop3A_502[%parallel_loop3A_618] in [0] : vector<16xi32>, vector<16xi32> -> vector<16xi32>
        %parallel_loop3A_620 = arith.addi %parallel_loop3A_619, %iota3A : vector<16xi32>
        %parallel_loop3A_621 = arith.constant 0 : i32
        %parallel_loop3A_622 = tpu.memref_slice %arg5[%parallel_loop3A_621] : memref<33000xi32, #tpu.memory_space<vmem>> -> memref<33000xi32, #tpu.memory_space<vmem>>
        %parallel_loop3A_623 = tpu.vector_load_idx %parallel_loop3A_622[%parallel_loop3A_616] : memref<33000xi32, #tpu.memory_space<vmem>>[vector<16xi32>], vector<16xi32>,
        %parallel_loop3A_624 = arith.constant 0 : i32
        %parallel_loop3A_625 = tpu.memref_slice %arg6[%parallel_loop3A_624] : memref<33000xi32, #tpu.memory_space<vmem>> -> memref<33000xi32, #tpu.memory_space<vmem>>
        %parallel_loop3A_626 = tpu.vector_load_idx %parallel_loop3A_625[%parallel_loop3A_620] : memref<33000xi32, #tpu.memory_space<vmem>>[vector<16xi32>], vector<16xi32>,
        %parallel_loop3A_627 = vector.bitcast %parallel_loop3A_623 : vector<16xi32> to vector<32xbf16>
        %parallel_loop3A_628 = vector.bitcast %parallel_loop3A_626 : vector<16xi32> to vector<32xbf16>
        %parallel_loop3A_629 = arith.mulf %parallel_loop3A_627, %parallel_loop3A_628 : vector<32xbf16>
        %parallel_loop3A_630 = tpu.unpack_subelements %parallel_loop3A_629, 0 {pack_format = #tpu.pack_format<interleaved>} : vector<32xbf16> -> vector<16xf32>
        %parallel_loop3A_631 = tpu.unpack_subelements %parallel_loop3A_629, 1 {pack_format = #tpu.pack_format<interleaved>} : vector<32xbf16> -> vector<16xf32>
        %parallel_loop3A_632 = arith.addf %parallel_loop3A_491, %parallel_loop3A_630 : vector<16xf32>
        %parallel_loop3A_633 = arith.addf %parallel_loop3A_492, %parallel_loop3A_631 : vector<16xf32>
        %parallel_loop3A_634 = arith.constant 16 : i32
        %parallel_loop3A_635 = tpu.memref_slice %arg5[%parallel_loop3A_634] : memref<33000xi32, #tpu.memory_space<vmem>> -> memref<32984xi32, #tpu.memory_space<vmem>>
        %parallel_loop3A_636 = tpu.vector_load_idx %parallel_loop3A_635[%parallel_loop3A_616] : memref<32984xi32, #tpu.memory_space<vmem>>[vector<16xi32>], vector<16xi32>,
        %parallel_loop3A_637 = arith.constant 16 : i32
        %parallel_loop3A_638 = tpu.memref_slice %arg6[%parallel_loop3A_637] : memref<33000xi32, #tpu.memory_space<vmem>> -> memref<32984xi32, #tpu.memory_space<vmem>>
        %parallel_loop3A_639 = tpu.vector_load_idx %parallel_loop3A_638[%parallel_loop3A_620] : memref<32984xi32, #tpu.memory_space<vmem>>[vector<16xi32>], vector<16xi32>,
        %parallel_loop3A_640 = vector.bitcast %parallel_loop3A_636 : vector<16xi32> to vector<32xbf16>
        %parallel_loop3A_641 = vector.bitcast %parallel_loop3A_639 : vector<16xi32> to vector<32xbf16>
        %parallel_loop3A_642 = arith.mulf %parallel_loop3A_640, %parallel_loop3A_641 : vector<32xbf16>
        %parallel_loop3A_643 = tpu.unpack_subelements %parallel_loop3A_642, 0 {pack_format = #tpu.pack_format<interleaved>} : vector<32xbf16> -> vector<16xf32>
        %parallel_loop3A_644 = tpu.unpack_subelements %parallel_loop3A_642, 1 {pack_format = #tpu.pack_format<interleaved>} : vector<32xbf16> -> vector<16xf32>
        %parallel_loop3A_645 = arith.addf %parallel_loop3A_493, %parallel_loop3A_643 : vector<16xf32>
        %parallel_loop3A_646 = arith.addf %parallel_loop3A_494, %parallel_loop3A_644 : vector<16xf32>
        scf.yield %parallel_loop3A_524, %parallel_loop3A_525, %parallel_loop3A_537, %parallel_loop3A_538, %parallel_loop3A_560, %parallel_loop3A_561, %parallel_loop3A_573, %parallel_loop3A_574, %parallel_loop3A_596, %parallel_loop3A_597, %parallel_loop3A_609, %parallel_loop3A_610, %parallel_loop3A_632, %parallel_loop3A_633, %parallel_loop3A_645, %parallel_loop3A_646 : vector<16xf32>, vector<16xf32>, vector<16xf32>, vector<16xf32>, vector<16xf32>, vector<16xf32>, vector<16xf32>, vector<16xf32>, vector<16xf32>, vector<16xf32>, vector<16xf32>, vector<16xf32>, vector<16xf32>, vector<16xf32>, vector<16xf32>, vector<16xf32>
      } {sc.loop_unroll_factor = 2 : i64, sc.parallel_access}
      %add3A_313 = arith.constant 8 : i32
      %add3A_314 = arith.addi %mul3A_72, %add3A_313 : i32
      %add3A_315 = arith.constant 0 : i32
      %add3A_316 = arith.addi %add3A_314, %add3A_315 : i32
      %swap3A_317 = arith.index_cast %add3A_316 : i32 to index
      %swap3A_318 = arith.constant 0 : index
      %swap3A_319 = tpu.vector_load %arg12[%swap3A_317, %swap3A_318] {strides = array<i32>} : memref<64x64xf32, #tpu.memory_space<vmem>>, vector<16xf32>,
      tpu.vector_store %arg12[%swap3A_317, %swap3A_318], %parallel_loop3A_312#0 {strides = array<i32>} : memref<64x64xf32, #tpu.memory_space<vmem>>, vector<16xf32>,
      %swap3A_320 = arith.index_cast %add3A_316 : i32 to index
      %swap3A_321 = arith.constant 32 : index
      %swap3A_322 = tpu.vector_load %arg12[%swap3A_320, %swap3A_321] {strides = array<i32>} : memref<64x64xf32, #tpu.memory_space<vmem>>, vector<16xf32>,
      tpu.vector_store %arg12[%swap3A_320, %swap3A_321], %parallel_loop3A_312#1 {strides = array<i32>} : memref<64x64xf32, #tpu.memory_space<vmem>>, vector<16xf32>,
      %swap3A_323 = arith.index_cast %add3A_316 : i32 to index
      %swap3A_324 = arith.constant 16 : index
      %swap3A_325 = tpu.vector_load %arg12[%swap3A_323, %swap3A_324] {strides = array<i32>} : memref<64x64xf32, #tpu.memory_space<vmem>>, vector<16xf32>,
      tpu.vector_store %arg12[%swap3A_323, %swap3A_324], %parallel_loop3A_312#2 {strides = array<i32>} : memref<64x64xf32, #tpu.memory_space<vmem>>, vector<16xf32>,
      %swap3A_326 = arith.index_cast %add3A_316 : i32 to index
      %swap3A_327 = arith.constant 48 : index
      %swap3A_328 = tpu.vector_load %arg12[%swap3A_326, %swap3A_327] {strides = array<i32>} : memref<64x64xf32, #tpu.memory_space<vmem>>, vector<16xf32>,
      tpu.vector_store %arg12[%swap3A_326, %swap3A_327], %parallel_loop3A_312#3 {strides = array<i32>} : memref<64x64xf32, #tpu.memory_space<vmem>>, vector<16xf32>,
      %add3A_329 = arith.constant 8 : i32
      %add3A_330 = arith.addi %mul3A_72, %add3A_329 : i32
      %add3A_331 = arith.constant 1 : i32
      %add3A_332 = arith.addi %add3A_330, %add3A_331 : i32
      %swap3A_333 = arith.index_cast %add3A_332 : i32 to index
      %swap3A_334 = arith.constant 0 : index
      %swap3A_335 = tpu.vector_load %arg12[%swap3A_333, %swap3A_334] {strides = array<i32>} : memref<64x64xf32, #tpu.memory_space<vmem>>, vector<16xf32>,
      tpu.vector_store %arg12[%swap3A_333, %swap3A_334], %parallel_loop3A_312#4 {strides = array<i32>} : memref<64x64xf32, #tpu.memory_space<vmem>>, vector<16xf32>,
      %swap3A_336 = arith.index_cast %add3A_332 : i32 to index
      %swap3A_337 = arith.constant 32 : index
      %swap3A_338 = tpu.vector_load %arg12[%swap3A_336, %swap3A_337] {strides = array<i32>} : memref<64x64xf32, #tpu.memory_space<vmem>>, vector<16xf32>,
      tpu.vector_store %arg12[%swap3A_336, %swap3A_337], %parallel_loop3A_312#5 {strides = array<i32>} : memref<64x64xf32, #tpu.memory_space<vmem>>, vector<16xf32>,
      %swap3A_339 = arith.index_cast %add3A_332 : i32 to index
      %swap3A_340 = arith.constant 16 : index
      %swap3A_341 = tpu.vector_load %arg12[%swap3A_339, %swap3A_340] {strides = array<i32>} : memref<64x64xf32, #tpu.memory_space<vmem>>, vector<16xf32>,
      tpu.vector_store %arg12[%swap3A_339, %swap3A_340], %parallel_loop3A_312#6 {strides = array<i32>} : memref<64x64xf32, #tpu.memory_space<vmem>>, vector<16xf32>,
      %swap3A_342 = arith.index_cast %add3A_332 : i32 to index
      %swap3A_343 = arith.constant 48 : index
      %swap3A_344 = tpu.vector_load %arg12[%swap3A_342, %swap3A_343] {strides = array<i32>} : memref<64x64xf32, #tpu.memory_space<vmem>>, vector<16xf32>,
      tpu.vector_store %arg12[%swap3A_342, %swap3A_343], %parallel_loop3A_312#7 {strides = array<i32>} : memref<64x64xf32, #tpu.memory_space<vmem>>, vector<16xf32>,
      %add3A_345 = arith.constant 8 : i32
      %add3A_346 = arith.addi %mul3A_72, %add3A_345 : i32
      %add3A_347 = arith.constant 2 : i32
      %add3A_348 = arith.addi %add3A_346, %add3A_347 : i32
      %swap3A_349 = arith.index_cast %add3A_348 : i32 to index
      %swap3A_350 = arith.constant 0 : index
      %swap3A_351 = tpu.vector_load %arg12[%swap3A_349, %swap3A_350] {strides = array<i32>} : memref<64x64xf32, #tpu.memory_space<vmem>>, vector<16xf32>,
      tpu.vector_store %arg12[%swap3A_349, %swap3A_350], %parallel_loop3A_312#8 {strides = array<i32>} : memref<64x64xf32, #tpu.memory_space<vmem>>, vector<16xf32>,
      %swap3A_352 = arith.index_cast %add3A_348 : i32 to index
      %swap3A_353 = arith.constant 32 : index
      %swap3A_354 = tpu.vector_load %arg12[%swap3A_352, %swap3A_353] {strides = array<i32>} : memref<64x64xf32, #tpu.memory_space<vmem>>, vector<16xf32>,
      tpu.vector_store %arg12[%swap3A_352, %swap3A_353], %parallel_loop3A_312#9 {strides = array<i32>} : memref<64x64xf32, #tpu.memory_space<vmem>>, vector<16xf32>,
      %swap3A_355 = arith.index_cast %add3A_348 : i32 to index
      %swap3A_356 = arith.constant 16 : index
      %swap3A_357 = tpu.vector_load %arg12[%swap3A_355, %swap3A_356] {strides = array<i32>} : memref<64x64xf32, #tpu.memory_space<vmem>>, vector<16xf32>,
      tpu.vector_store %arg12[%swap3A_355, %swap3A_356], %parallel_loop3A_312#10 {strides = array<i32>} : memref<64x64xf32, #tpu.memory_space<vmem>>, vector<16xf32>,
      %swap3A_358 = arith.index_cast %add3A_348 : i32 to index
      %swap3A_359 = arith.constant 48 : index
      %swap3A_360 = tpu.vector_load %arg12[%swap3A_358, %swap3A_359] {strides = array<i32>} : memref<64x64xf32, #tpu.memory_space<vmem>>, vector<16xf32>,
      tpu.vector_store %arg12[%swap3A_358, %swap3A_359], %parallel_loop3A_312#11 {strides = array<i32>} : memref<64x64xf32, #tpu.memory_space<vmem>>, vector<16xf32>,
      %add3A_361 = arith.constant 8 : i32
      %add3A_362 = arith.addi %mul3A_72, %add3A_361 : i32
      %add3A_363 = arith.constant 3 : i32
      %add3A_364 = arith.addi %add3A_362, %add3A_363 : i32
      %swap3A_365 = arith.index_cast %add3A_364 : i32 to index
      %swap3A_366 = arith.constant 0 : index
      %swap3A_367 = tpu.vector_load %arg12[%swap3A_365, %swap3A_366] {strides = array<i32>} : memref<64x64xf32, #tpu.memory_space<vmem>>, vector<16xf32>,
      tpu.vector_store %arg12[%swap3A_365, %swap3A_366], %parallel_loop3A_312#12 {strides = array<i32>} : memref<64x64xf32, #tpu.memory_space<vmem>>, vector<16xf32>,
      %swap3A_368 = arith.index_cast %add3A_364 : i32 to index
      %swap3A_369 = arith.constant 32 : index
      %swap3A_370 = tpu.vector_load %arg12[%swap3A_368, %swap3A_369] {strides = array<i32>} : memref<64x64xf32, #tpu.memory_space<vmem>>, vector<16xf32>,
      tpu.vector_store %arg12[%swap3A_368, %swap3A_369], %parallel_loop3A_312#13 {strides = array<i32>} : memref<64x64xf32, #tpu.memory_space<vmem>>, vector<16xf32>,
      %swap3A_371 = arith.index_cast %add3A_364 : i32 to index
      %swap3A_372 = arith.constant 16 : index
      %swap3A_373 = tpu.vector_load %arg12[%swap3A_371, %swap3A_372] {strides = array<i32>} : memref<64x64xf32, #tpu.memory_space<vmem>>, vector<16xf32>,
      tpu.vector_store %arg12[%swap3A_371, %swap3A_372], %parallel_loop3A_312#14 {strides = array<i32>} : memref<64x64xf32, #tpu.memory_space<vmem>>, vector<16xf32>,
      %swap3A_374 = arith.index_cast %add3A_364 : i32 to index
      %swap3A_375 = arith.constant 48 : index
      %swap3A_376 = tpu.vector_load %arg12[%swap3A_374, %swap3A_375] {strides = array<i32>} : memref<64x64xf32, #tpu.memory_space<vmem>>, vector<16xf32>,
      tpu.vector_store %arg12[%swap3A_374, %swap3A_375], %parallel_loop3A_312#15 {strides = array<i32>} : memref<64x64xf32, #tpu.memory_space<vmem>>, vector<16xf32>,
      %broadcast_in_dim3A_377 = arith.constant 0.000000e+00 : f32
      %broadcast_in_dim3A_378 = vector.broadcast %broadcast_in_dim3A_377 : f32 to vector<16xf32>
      %broadcast_in_dim3A_379 = arith.constant 0.000000e+00 : f32
      %broadcast_in_dim3A_380 = vector.broadcast %broadcast_in_dim3A_379 : f32 to vector<16xf32>
      %broadcast_in_dim3A_381 = arith.constant 0.000000e+00 : f32
      %broadcast_in_dim3A_382 = vector.broadcast %broadcast_in_dim3A_381 : f32 to vector<16xf32>
      %broadcast_in_dim3A_383 = arith.constant 0.000000e+00 : f32
      %broadcast_in_dim3A_384 = vector.broadcast %broadcast_in_dim3A_383 : f32 to vector<16xf32>
      %broadcast_in_dim3A_385 = arith.constant 0.000000e+00 : f32
      %broadcast_in_dim3A_386 = vector.broadcast %broadcast_in_dim3A_385 : f32 to vector<16xf32>
      %broadcast_in_dim3A_387 = arith.constant 0.000000e+00 : f32
      %broadcast_in_dim3A_388 = vector.broadcast %broadcast_in_dim3A_387 : f32 to vector<16xf32>
      %broadcast_in_dim3A_389 = arith.constant 0.000000e+00 : f32
      %broadcast_in_dim3A_390 = vector.broadcast %broadcast_in_dim3A_389 : f32 to vector<16xf32>
      %broadcast_in_dim3A_391 = arith.constant 0.000000e+00 : f32
      %broadcast_in_dim3A_392 = vector.broadcast %broadcast_in_dim3A_391 : f32 to vector<16xf32>
      %broadcast_in_dim3A_393 = arith.constant 0.000000e+00 : f32
      %broadcast_in_dim3A_394 = vector.broadcast %broadcast_in_dim3A_393 : f32 to vector<16xf32>
      %broadcast_in_dim3A_395 = arith.constant 0.000000e+00 : f32
      %broadcast_in_dim3A_396 = vector.broadcast %broadcast_in_dim3A_395 : f32 to vector<16xf32>
      %broadcast_in_dim3A_397 = arith.constant 0.000000e+00 : f32
      %broadcast_in_dim3A_398 = vector.broadcast %broadcast_in_dim3A_397 : f32 to vector<16xf32>
      %broadcast_in_dim3A_399 = arith.constant 0.000000e+00 : f32
      %broadcast_in_dim3A_400 = vector.broadcast %broadcast_in_dim3A_399 : f32 to vector<16xf32>
      %broadcast_in_dim3A_401 = arith.constant 0.000000e+00 : f32
      %broadcast_in_dim3A_402 = vector.broadcast %broadcast_in_dim3A_401 : f32 to vector<16xf32>
      %broadcast_in_dim3A_403 = arith.constant 0.000000e+00 : f32
      %broadcast_in_dim3A_404 = vector.broadcast %broadcast_in_dim3A_403 : f32 to vector<16xf32>
      %broadcast_in_dim3A_405 = arith.constant 0.000000e+00 : f32
      %broadcast_in_dim3A_406 = vector.broadcast %broadcast_in_dim3A_405 : f32 to vector<16xf32>
      %broadcast_in_dim3A_407 = arith.constant 0.000000e+00 : f32
      %broadcast_in_dim3A_408 = vector.broadcast %broadcast_in_dim3A_407 : f32 to vector<16xf32>
      %parallel_loop3A_409 = arith.constant 0 : i32
      %parallel_loop3A_410 = arith.constant 26 : i32
      %parallel_loop3A_411 = arith.constant 1 : i32
      %parallel_loop3A_412:16 = scf.for %parallel_loop3A_478 = %parallel_loop3A_409 to %parallel_loop3A_410 step %parallel_loop3A_411 iter_args(%parallel_loop3A_479 = %broadcast_in_dim3A_378, %parallel_loop3A_480 = %broadcast_in_dim3A_380, %parallel_loop3A_481 = %broadcast_in_dim3A_382, %parallel_loop3A_482 = %broadcast_in_dim3A_384, %parallel_loop3A_483 = %broadcast_in_dim3A_386, %parallel_loop3A_484 = %broadcast_in_dim3A_388, %parallel_loop3A_485 = %broadcast_in_dim3A_390, %parallel_loop3A_486 = %broadcast_in_dim3A_392, %parallel_loop3A_487 = %broadcast_in_dim3A_394, %parallel_loop3A_488 = %broadcast_in_dim3A_396, %parallel_loop3A_489 = %broadcast_in_dim3A_398, %parallel_loop3A_490 = %broadcast_in_dim3A_400, %parallel_loop3A_491 = %broadcast_in_dim3A_402, %parallel_loop3A_492 = %broadcast_in_dim3A_404, %parallel_loop3A_493 = %broadcast_in_dim3A_406, %parallel_loop3A_494 = %broadcast_in_dim3A_408) -> (vector<16xf32>, vector<16xf32>, vector<16xf32>, vector<16xf32>, vector<16xf32>, vector<16xf32>, vector<16xf32>, vector<16xf32>, vector<16xf32>, vector<16xf32>, vector<16xf32>, vector<16xf32>, vector<16xf32>, vector<16xf32>, vector<16xf32>, vector<16xf32>)  : i32 {
        %parallel_loop3A_495 = arith.constant 16 : i32
        %parallel_loop3A_496 = arith.muli %parallel_loop3A_478, %parallel_loop3A_495 : i32
        %parallel_loop3A_497 = arith.index_cast %parallel_loop3A_496 : i32 to index
        %parallel_loop3A_498 = tpu.vector_load %arg9[%parallel_loop3A_497] {strides = array<i32>} : memref<416xi32, #tpu.memory_space<vmem>>, vector<16xi32>,
        %parallel_loop3A_499 = arith.constant 16 : i32
        %parallel_loop3A_500 = arith.muli %parallel_loop3A_478, %parallel_loop3A_499 : i32
        %parallel_loop3A_501 = arith.index_cast %parallel_loop3A_500 : i32 to index
        %parallel_loop3A_502 = tpu.vector_load %arg10[%parallel_loop3A_501] {strides = array<i32>} : memref<416xi32, #tpu.memory_space<vmem>>, vector<16xi32>,
        %parallel_loop3A_503 = arith.constant 12 : i32
        %parallel_loop3A_504 = vector.broadcast %parallel_loop3A_503 : i32 to vector<16xi32>
        %parallel_loop3A_505 = vector.shape_cast %parallel_loop3A_504 : vector<16xi32> to vector<16x1xi32>
        %parallel_loop3A_506 = vector.shape_cast %parallel_loop3A_505 : vector<16x1xi32> to vector<16xi32>
        %parallel_loop3A_507 = tpu.dynamic_gather %parallel_loop3A_498[%parallel_loop3A_506] in [0] : vector<16xi32>, vector<16xi32> -> vector<16xi32>
        %parallel_loop3A_508 = arith.addi %parallel_loop3A_507, %iota3A : vector<16xi32>
        %parallel_loop3A_509 = vector.shape_cast %parallel_loop3A_504 : vector<16xi32> to vector<16x1xi32>
        %parallel_loop3A_510 = vector.shape_cast %parallel_loop3A_509 : vector<16x1xi32> to vector<16xi32>
        %parallel_loop3A_511 = tpu.dynamic_gather %parallel_loop3A_502[%parallel_loop3A_510] in [0] : vector<16xi32>, vector<16xi32> -> vector<16xi32>
        %parallel_loop3A_512 = arith.addi %parallel_loop3A_511, %iota3A : vector<16xi32>
        %parallel_loop3A_513 = arith.constant 0 : i32
        %parallel_loop3A_514 = tpu.memref_slice %arg5[%parallel_loop3A_513] : memref<33000xi32, #tpu.memory_space<vmem>> -> memref<33000xi32, #tpu.memory_space<vmem>>
        %parallel_loop3A_515 = tpu.vector_load_idx %parallel_loop3A_514[%parallel_loop3A_508] : memref<33000xi32, #tpu.memory_space<vmem>>[vector<16xi32>], vector<16xi32>,
        %parallel_loop3A_516 = arith.constant 0 : i32
        %parallel_loop3A_517 = tpu.memref_slice %arg6[%parallel_loop3A_516] : memref<33000xi32, #tpu.memory_space<vmem>> -> memref<33000xi32, #tpu.memory_space<vmem>>
        %parallel_loop3A_518 = tpu.vector_load_idx %parallel_loop3A_517[%parallel_loop3A_512] : memref<33000xi32, #tpu.memory_space<vmem>>[vector<16xi32>], vector<16xi32>,
        %parallel_loop3A_519 = vector.bitcast %parallel_loop3A_515 : vector<16xi32> to vector<32xbf16>
        %parallel_loop3A_520 = vector.bitcast %parallel_loop3A_518 : vector<16xi32> to vector<32xbf16>
        %parallel_loop3A_521 = arith.mulf %parallel_loop3A_519, %parallel_loop3A_520 : vector<32xbf16>
        %parallel_loop3A_522 = tpu.unpack_subelements %parallel_loop3A_521, 0 {pack_format = #tpu.pack_format<interleaved>} : vector<32xbf16> -> vector<16xf32>
        %parallel_loop3A_523 = tpu.unpack_subelements %parallel_loop3A_521, 1 {pack_format = #tpu.pack_format<interleaved>} : vector<32xbf16> -> vector<16xf32>
        %parallel_loop3A_524 = arith.addf %parallel_loop3A_479, %parallel_loop3A_522 : vector<16xf32>
        %parallel_loop3A_525 = arith.addf %parallel_loop3A_480, %parallel_loop3A_523 : vector<16xf32>
        %parallel_loop3A_526 = arith.constant 16 : i32
        %parallel_loop3A_527 = tpu.memref_slice %arg5[%parallel_loop3A_526] : memref<33000xi32, #tpu.memory_space<vmem>> -> memref<32984xi32, #tpu.memory_space<vmem>>
        %parallel_loop3A_528 = tpu.vector_load_idx %parallel_loop3A_527[%parallel_loop3A_508] : memref<32984xi32, #tpu.memory_space<vmem>>[vector<16xi32>], vector<16xi32>,
        %parallel_loop3A_529 = arith.constant 16 : i32
        %parallel_loop3A_530 = tpu.memref_slice %arg6[%parallel_loop3A_529] : memref<33000xi32, #tpu.memory_space<vmem>> -> memref<32984xi32, #tpu.memory_space<vmem>>
        %parallel_loop3A_531 = tpu.vector_load_idx %parallel_loop3A_530[%parallel_loop3A_512] : memref<32984xi32, #tpu.memory_space<vmem>>[vector<16xi32>], vector<16xi32>,
        %parallel_loop3A_532 = vector.bitcast %parallel_loop3A_528 : vector<16xi32> to vector<32xbf16>
        %parallel_loop3A_533 = vector.bitcast %parallel_loop3A_531 : vector<16xi32> to vector<32xbf16>
        %parallel_loop3A_534 = arith.mulf %parallel_loop3A_532, %parallel_loop3A_533 : vector<32xbf16>
        %parallel_loop3A_535 = tpu.unpack_subelements %parallel_loop3A_534, 0 {pack_format = #tpu.pack_format<interleaved>} : vector<32xbf16> -> vector<16xf32>
        %parallel_loop3A_536 = tpu.unpack_subelements %parallel_loop3A_534, 1 {pack_format = #tpu.pack_format<interleaved>} : vector<32xbf16> -> vector<16xf32>
        %parallel_loop3A_537 = arith.addf %parallel_loop3A_481, %parallel_loop3A_535 : vector<16xf32>
        %parallel_loop3A_538 = arith.addf %parallel_loop3A_482, %parallel_loop3A_536 : vector<16xf32>
        %parallel_loop3A_539 = arith.constant 13 : i32
        %parallel_loop3A_540 = vector.broadcast %parallel_loop3A_539 : i32 to vector<16xi32>
        %parallel_loop3A_541 = vector.shape_cast %parallel_loop3A_540 : vector<16xi32> to vector<16x1xi32>
        %parallel_loop3A_542 = vector.shape_cast %parallel_loop3A_541 : vector<16x1xi32> to vector<16xi32>
        %parallel_loop3A_543 = tpu.dynamic_gather %parallel_loop3A_498[%parallel_loop3A_542] in [0] : vector<16xi32>, vector<16xi32> -> vector<16xi32>
        %parallel_loop3A_544 = arith.addi %parallel_loop3A_543, %iota3A : vector<16xi32>
        %parallel_loop3A_545 = vector.shape_cast %parallel_loop3A_540 : vector<16xi32> to vector<16x1xi32>
        %parallel_loop3A_546 = vector.shape_cast %parallel_loop3A_545 : vector<16x1xi32> to vector<16xi32>
        %parallel_loop3A_547 = tpu.dynamic_gather %parallel_loop3A_502[%parallel_loop3A_546] in [0] : vector<16xi32>, vector<16xi32> -> vector<16xi32>
        %parallel_loop3A_548 = arith.addi %parallel_loop3A_547, %iota3A : vector<16xi32>
        %parallel_loop3A_549 = arith.constant 0 : i32
        %parallel_loop3A_550 = tpu.memref_slice %arg5[%parallel_loop3A_549] : memref<33000xi32, #tpu.memory_space<vmem>> -> memref<33000xi32, #tpu.memory_space<vmem>>
        %parallel_loop3A_551 = tpu.vector_load_idx %parallel_loop3A_550[%parallel_loop3A_544] : memref<33000xi32, #tpu.memory_space<vmem>>[vector<16xi32>], vector<16xi32>,
        %parallel_loop3A_552 = arith.constant 0 : i32
        %parallel_loop3A_553 = tpu.memref_slice %arg6[%parallel_loop3A_552] : memref<33000xi32, #tpu.memory_space<vmem>> -> memref<33000xi32, #tpu.memory_space<vmem>>
        %parallel_loop3A_554 = tpu.vector_load_idx %parallel_loop3A_553[%parallel_loop3A_548] : memref<33000xi32, #tpu.memory_space<vmem>>[vector<16xi32>], vector<16xi32>,
        %parallel_loop3A_555 = vector.bitcast %parallel_loop3A_551 : vector<16xi32> to vector<32xbf16>
        %parallel_loop3A_556 = vector.bitcast %parallel_loop3A_554 : vector<16xi32> to vector<32xbf16>
        %parallel_loop3A_557 = arith.mulf %parallel_loop3A_555, %parallel_loop3A_556 : vector<32xbf16>
        %parallel_loop3A_558 = tpu.unpack_subelements %parallel_loop3A_557, 0 {pack_format = #tpu.pack_format<interleaved>} : vector<32xbf16> -> vector<16xf32>
        %parallel_loop3A_559 = tpu.unpack_subelements %parallel_loop3A_557, 1 {pack_format = #tpu.pack_format<interleaved>} : vector<32xbf16> -> vector<16xf32>
        %parallel_loop3A_560 = arith.addf %parallel_loop3A_483, %parallel_loop3A_558 : vector<16xf32>
        %parallel_loop3A_561 = arith.addf %parallel_loop3A_484, %parallel_loop3A_559 : vector<16xf32>
        %parallel_loop3A_562 = arith.constant 16 : i32
        %parallel_loop3A_563 = tpu.memref_slice %arg5[%parallel_loop3A_562] : memref<33000xi32, #tpu.memory_space<vmem>> -> memref<32984xi32, #tpu.memory_space<vmem>>
        %parallel_loop3A_564 = tpu.vector_load_idx %parallel_loop3A_563[%parallel_loop3A_544] : memref<32984xi32, #tpu.memory_space<vmem>>[vector<16xi32>], vector<16xi32>,
        %parallel_loop3A_565 = arith.constant 16 : i32
        %parallel_loop3A_566 = tpu.memref_slice %arg6[%parallel_loop3A_565] : memref<33000xi32, #tpu.memory_space<vmem>> -> memref<32984xi32, #tpu.memory_space<vmem>>
        %parallel_loop3A_567 = tpu.vector_load_idx %parallel_loop3A_566[%parallel_loop3A_548] : memref<32984xi32, #tpu.memory_space<vmem>>[vector<16xi32>], vector<16xi32>,
        %parallel_loop3A_568 = vector.bitcast %parallel_loop3A_564 : vector<16xi32> to vector<32xbf16>
        %parallel_loop3A_569 = vector.bitcast %parallel_loop3A_567 : vector<16xi32> to vector<32xbf16>
        %parallel_loop3A_570 = arith.mulf %parallel_loop3A_568, %parallel_loop3A_569 : vector<32xbf16>
        %parallel_loop3A_571 = tpu.unpack_subelements %parallel_loop3A_570, 0 {pack_format = #tpu.pack_format<interleaved>} : vector<32xbf16> -> vector<16xf32>
        %parallel_loop3A_572 = tpu.unpack_subelements %parallel_loop3A_570, 1 {pack_format = #tpu.pack_format<interleaved>} : vector<32xbf16> -> vector<16xf32>
        %parallel_loop3A_573 = arith.addf %parallel_loop3A_485, %parallel_loop3A_571 : vector<16xf32>
        %parallel_loop3A_574 = arith.addf %parallel_loop3A_486, %parallel_loop3A_572 : vector<16xf32>
        %parallel_loop3A_575 = arith.constant 14 : i32
        %parallel_loop3A_576 = vector.broadcast %parallel_loop3A_575 : i32 to vector<16xi32>
        %parallel_loop3A_577 = vector.shape_cast %parallel_loop3A_576 : vector<16xi32> to vector<16x1xi32>
        %parallel_loop3A_578 = vector.shape_cast %parallel_loop3A_577 : vector<16x1xi32> to vector<16xi32>
        %parallel_loop3A_579 = tpu.dynamic_gather %parallel_loop3A_498[%parallel_loop3A_578] in [0] : vector<16xi32>, vector<16xi32> -> vector<16xi32>
        %parallel_loop3A_580 = arith.addi %parallel_loop3A_579, %iota3A : vector<16xi32>
        %parallel_loop3A_581 = vector.shape_cast %parallel_loop3A_576 : vector<16xi32> to vector<16x1xi32>
        %parallel_loop3A_582 = vector.shape_cast %parallel_loop3A_581 : vector<16x1xi32> to vector<16xi32>
        %parallel_loop3A_583 = tpu.dynamic_gather %parallel_loop3A_502[%parallel_loop3A_582] in [0] : vector<16xi32>, vector<16xi32> -> vector<16xi32>
        %parallel_loop3A_584 = arith.addi %parallel_loop3A_583, %iota3A : vector<16xi32>
        %parallel_loop3A_585 = arith.constant 0 : i32
        %parallel_loop3A_586 = tpu.memref_slice %arg5[%parallel_loop3A_585] : memref<33000xi32, #tpu.memory_space<vmem>> -> memref<33000xi32, #tpu.memory_space<vmem>>
        %parallel_loop3A_587 = tpu.vector_load_idx %parallel_loop3A_586[%parallel_loop3A_580] : memref<33000xi32, #tpu.memory_space<vmem>>[vector<16xi32>], vector<16xi32>,
        %parallel_loop3A_588 = arith.constant 0 : i32
        %parallel_loop3A_589 = tpu.memref_slice %arg6[%parallel_loop3A_588] : memref<33000xi32, #tpu.memory_space<vmem>> -> memref<33000xi32, #tpu.memory_space<vmem>>
        %parallel_loop3A_590 = tpu.vector_load_idx %parallel_loop3A_589[%parallel_loop3A_584] : memref<33000xi32, #tpu.memory_space<vmem>>[vector<16xi32>], vector<16xi32>,
        %parallel_loop3A_591 = vector.bitcast %parallel_loop3A_587 : vector<16xi32> to vector<32xbf16>
        %parallel_loop3A_592 = vector.bitcast %parallel_loop3A_590 : vector<16xi32> to vector<32xbf16>
        %parallel_loop3A_593 = arith.mulf %parallel_loop3A_591, %parallel_loop3A_592 : vector<32xbf16>
        %parallel_loop3A_594 = tpu.unpack_subelements %parallel_loop3A_593, 0 {pack_format = #tpu.pack_format<interleaved>} : vector<32xbf16> -> vector<16xf32>
        %parallel_loop3A_595 = tpu.unpack_subelements %parallel_loop3A_593, 1 {pack_format = #tpu.pack_format<interleaved>} : vector<32xbf16> -> vector<16xf32>
        %parallel_loop3A_596 = arith.addf %parallel_loop3A_487, %parallel_loop3A_594 : vector<16xf32>
        %parallel_loop3A_597 = arith.addf %parallel_loop3A_488, %parallel_loop3A_595 : vector<16xf32>
        %parallel_loop3A_598 = arith.constant 16 : i32
        %parallel_loop3A_599 = tpu.memref_slice %arg5[%parallel_loop3A_598] : memref<33000xi32, #tpu.memory_space<vmem>> -> memref<32984xi32, #tpu.memory_space<vmem>>
        %parallel_loop3A_600 = tpu.vector_load_idx %parallel_loop3A_599[%parallel_loop3A_580] : memref<32984xi32, #tpu.memory_space<vmem>>[vector<16xi32>], vector<16xi32>,
        %parallel_loop3A_601 = arith.constant 16 : i32
        %parallel_loop3A_602 = tpu.memref_slice %arg6[%parallel_loop3A_601] : memref<33000xi32, #tpu.memory_space<vmem>> -> memref<32984xi32, #tpu.memory_space<vmem>>
        %parallel_loop3A_603 = tpu.vector_load_idx %parallel_loop3A_602[%parallel_loop3A_584] : memref<32984xi32, #tpu.memory_space<vmem>>[vector<16xi32>], vector<16xi32>,
        %parallel_loop3A_604 = vector.bitcast %parallel_loop3A_600 : vector<16xi32> to vector<32xbf16>
        %parallel_loop3A_605 = vector.bitcast %parallel_loop3A_603 : vector<16xi32> to vector<32xbf16>
        %parallel_loop3A_606 = arith.mulf %parallel_loop3A_604, %parallel_loop3A_605 : vector<32xbf16>
        %parallel_loop3A_607 = tpu.unpack_subelements %parallel_loop3A_606, 0 {pack_format = #tpu.pack_format<interleaved>} : vector<32xbf16> -> vector<16xf32>
        %parallel_loop3A_608 = tpu.unpack_subelements %parallel_loop3A_606, 1 {pack_format = #tpu.pack_format<interleaved>} : vector<32xbf16> -> vector<16xf32>
        %parallel_loop3A_609 = arith.addf %parallel_loop3A_489, %parallel_loop3A_607 : vector<16xf32>
        %parallel_loop3A_610 = arith.addf %parallel_loop3A_490, %parallel_loop3A_608 : vector<16xf32>
        %parallel_loop3A_611 = arith.constant 15 : i32
        %parallel_loop3A_612 = vector.broadcast %parallel_loop3A_611 : i32 to vector<16xi32>
        %parallel_loop3A_613 = vector.shape_cast %parallel_loop3A_612 : vector<16xi32> to vector<16x1xi32>
        %parallel_loop3A_614 = vector.shape_cast %parallel_loop3A_613 : vector<16x1xi32> to vector<16xi32>
        %parallel_loop3A_615 = tpu.dynamic_gather %parallel_loop3A_498[%parallel_loop3A_614] in [0] : vector<16xi32>, vector<16xi32> -> vector<16xi32>
        %parallel_loop3A_616 = arith.addi %parallel_loop3A_615, %iota3A : vector<16xi32>
        %parallel_loop3A_617 = vector.shape_cast %parallel_loop3A_612 : vector<16xi32> to vector<16x1xi32>
        %parallel_loop3A_618 = vector.shape_cast %parallel_loop3A_617 : vector<16x1xi32> to vector<16xi32>
        %parallel_loop3A_619 = tpu.dynamic_gather %parallel_loop3A_502[%parallel_loop3A_618] in [0] : vector<16xi32>, vector<16xi32> -> vector<16xi32>
        %parallel_loop3A_620 = arith.addi %parallel_loop3A_619, %iota3A : vector<16xi32>
        %parallel_loop3A_621 = arith.constant 0 : i32
        %parallel_loop3A_622 = tpu.memref_slice %arg5[%parallel_loop3A_621] : memref<33000xi32, #tpu.memory_space<vmem>> -> memref<33000xi32, #tpu.memory_space<vmem>>
        %parallel_loop3A_623 = tpu.vector_load_idx %parallel_loop3A_622[%parallel_loop3A_616] : memref<33000xi32, #tpu.memory_space<vmem>>[vector<16xi32>], vector<16xi32>,
        %parallel_loop3A_624 = arith.constant 0 : i32
        %parallel_loop3A_625 = tpu.memref_slice %arg6[%parallel_loop3A_624] : memref<33000xi32, #tpu.memory_space<vmem>> -> memref<33000xi32, #tpu.memory_space<vmem>>
        %parallel_loop3A_626 = tpu.vector_load_idx %parallel_loop3A_625[%parallel_loop3A_620] : memref<33000xi32, #tpu.memory_space<vmem>>[vector<16xi32>], vector<16xi32>,
        %parallel_loop3A_627 = vector.bitcast %parallel_loop3A_623 : vector<16xi32> to vector<32xbf16>
        %parallel_loop3A_628 = vector.bitcast %parallel_loop3A_626 : vector<16xi32> to vector<32xbf16>
        %parallel_loop3A_629 = arith.mulf %parallel_loop3A_627, %parallel_loop3A_628 : vector<32xbf16>
        %parallel_loop3A_630 = tpu.unpack_subelements %parallel_loop3A_629, 0 {pack_format = #tpu.pack_format<interleaved>} : vector<32xbf16> -> vector<16xf32>
        %parallel_loop3A_631 = tpu.unpack_subelements %parallel_loop3A_629, 1 {pack_format = #tpu.pack_format<interleaved>} : vector<32xbf16> -> vector<16xf32>
        %parallel_loop3A_632 = arith.addf %parallel_loop3A_491, %parallel_loop3A_630 : vector<16xf32>
        %parallel_loop3A_633 = arith.addf %parallel_loop3A_492, %parallel_loop3A_631 : vector<16xf32>
        %parallel_loop3A_634 = arith.constant 16 : i32
        %parallel_loop3A_635 = tpu.memref_slice %arg5[%parallel_loop3A_634] : memref<33000xi32, #tpu.memory_space<vmem>> -> memref<32984xi32, #tpu.memory_space<vmem>>
        %parallel_loop3A_636 = tpu.vector_load_idx %parallel_loop3A_635[%parallel_loop3A_616] : memref<32984xi32, #tpu.memory_space<vmem>>[vector<16xi32>], vector<16xi32>,
        %parallel_loop3A_637 = arith.constant 16 : i32
        %parallel_loop3A_638 = tpu.memref_slice %arg6[%parallel_loop3A_637] : memref<33000xi32, #tpu.memory_space<vmem>> -> memref<32984xi32, #tpu.memory_space<vmem>>
        %parallel_loop3A_639 = tpu.vector_load_idx %parallel_loop3A_638[%parallel_loop3A_620] : memref<32984xi32, #tpu.memory_space<vmem>>[vector<16xi32>], vector<16xi32>,
        %parallel_loop3A_640 = vector.bitcast %parallel_loop3A_636 : vector<16xi32> to vector<32xbf16>
        %parallel_loop3A_641 = vector.bitcast %parallel_loop3A_639 : vector<16xi32> to vector<32xbf16>
        %parallel_loop3A_642 = arith.mulf %parallel_loop3A_640, %parallel_loop3A_641 : vector<32xbf16>
        %parallel_loop3A_643 = tpu.unpack_subelements %parallel_loop3A_642, 0 {pack_format = #tpu.pack_format<interleaved>} : vector<32xbf16> -> vector<16xf32>
        %parallel_loop3A_644 = tpu.unpack_subelements %parallel_loop3A_642, 1 {pack_format = #tpu.pack_format<interleaved>} : vector<32xbf16> -> vector<16xf32>
        %parallel_loop3A_645 = arith.addf %parallel_loop3A_493, %parallel_loop3A_643 : vector<16xf32>
        %parallel_loop3A_646 = arith.addf %parallel_loop3A_494, %parallel_loop3A_644 : vector<16xf32>
        scf.yield %parallel_loop3A_524, %parallel_loop3A_525, %parallel_loop3A_537, %parallel_loop3A_538, %parallel_loop3A_560, %parallel_loop3A_561, %parallel_loop3A_573, %parallel_loop3A_574, %parallel_loop3A_596, %parallel_loop3A_597, %parallel_loop3A_609, %parallel_loop3A_610, %parallel_loop3A_632, %parallel_loop3A_633, %parallel_loop3A_645, %parallel_loop3A_646 : vector<16xf32>, vector<16xf32>, vector<16xf32>, vector<16xf32>, vector<16xf32>, vector<16xf32>, vector<16xf32>, vector<16xf32>, vector<16xf32>, vector<16xf32>, vector<16xf32>, vector<16xf32>, vector<16xf32>, vector<16xf32>, vector<16xf32>, vector<16xf32>
      } {sc.loop_unroll_factor = 2 : i64, sc.parallel_access}
      %add3A_413 = arith.constant 12 : i32
      %add3A_414 = arith.addi %mul3A_72, %add3A_413 : i32
      %add3A_415 = arith.constant 0 : i32
      %add3A_416 = arith.addi %add3A_414, %add3A_415 : i32
      %swap3A_417 = arith.index_cast %add3A_416 : i32 to index
      %swap3A_418 = arith.constant 0 : index
      %swap3A_419 = tpu.vector_load %arg12[%swap3A_417, %swap3A_418] {strides = array<i32>} : memref<64x64xf32, #tpu.memory_space<vmem>>, vector<16xf32>,
      tpu.vector_store %arg12[%swap3A_417, %swap3A_418], %parallel_loop3A_412#0 {strides = array<i32>} : memref<64x64xf32, #tpu.memory_space<vmem>>, vector<16xf32>,
      %swap3A_420 = arith.index_cast %add3A_416 : i32 to index
      %swap3A_421 = arith.constant 32 : index
      %swap3A_422 = tpu.vector_load %arg12[%swap3A_420, %swap3A_421] {strides = array<i32>} : memref<64x64xf32, #tpu.memory_space<vmem>>, vector<16xf32>,
      tpu.vector_store %arg12[%swap3A_420, %swap3A_421], %parallel_loop3A_412#1 {strides = array<i32>} : memref<64x64xf32, #tpu.memory_space<vmem>>, vector<16xf32>,
      %swap3A_423 = arith.index_cast %add3A_416 : i32 to index
      %swap3A_424 = arith.constant 16 : index
      %swap3A_425 = tpu.vector_load %arg12[%swap3A_423, %swap3A_424] {strides = array<i32>} : memref<64x64xf32, #tpu.memory_space<vmem>>, vector<16xf32>,
      tpu.vector_store %arg12[%swap3A_423, %swap3A_424], %parallel_loop3A_412#2 {strides = array<i32>} : memref<64x64xf32, #tpu.memory_space<vmem>>, vector<16xf32>,
      %swap3A_426 = arith.index_cast %add3A_416 : i32 to index
      %swap3A_427 = arith.constant 48 : index
      %swap3A_428 = tpu.vector_load %arg12[%swap3A_426, %swap3A_427] {strides = array<i32>} : memref<64x64xf32, #tpu.memory_space<vmem>>, vector<16xf32>,
      tpu.vector_store %arg12[%swap3A_426, %swap3A_427], %parallel_loop3A_412#3 {strides = array<i32>} : memref<64x64xf32, #tpu.memory_space<vmem>>, vector<16xf32>,
      %add3A_429 = arith.constant 12 : i32
      %add3A_430 = arith.addi %mul3A_72, %add3A_429 : i32
      %add3A_431 = arith.constant 1 : i32
      %add3A_432 = arith.addi %add3A_430, %add3A_431 : i32
      %swap3A_433 = arith.index_cast %add3A_432 : i32 to index
      %swap3A_434 = arith.constant 0 : index
      %swap3A_435 = tpu.vector_load %arg12[%swap3A_433, %swap3A_434] {strides = array<i32>} : memref<64x64xf32, #tpu.memory_space<vmem>>, vector<16xf32>,
      tpu.vector_store %arg12[%swap3A_433, %swap3A_434], %parallel_loop3A_412#4 {strides = array<i32>} : memref<64x64xf32, #tpu.memory_space<vmem>>, vector<16xf32>,
      %swap3A_436 = arith.index_cast %add3A_432 : i32 to index
      %swap3A_437 = arith.constant 32 : index
      %swap3A_438 = tpu.vector_load %arg12[%swap3A_436, %swap3A_437] {strides = array<i32>} : memref<64x64xf32, #tpu.memory_space<vmem>>, vector<16xf32>,
      tpu.vector_store %arg12[%swap3A_436, %swap3A_437], %parallel_loop3A_412#5 {strides = array<i32>} : memref<64x64xf32, #tpu.memory_space<vmem>>, vector<16xf32>,
      %swap3A_439 = arith.index_cast %add3A_432 : i32 to index
      %swap3A_440 = arith.constant 16 : index
      %swap3A_441 = tpu.vector_load %arg12[%swap3A_439, %swap3A_440] {strides = array<i32>} : memref<64x64xf32, #tpu.memory_space<vmem>>, vector<16xf32>,
      tpu.vector_store %arg12[%swap3A_439, %swap3A_440], %parallel_loop3A_412#6 {strides = array<i32>} : memref<64x64xf32, #tpu.memory_space<vmem>>, vector<16xf32>,
      %swap3A_442 = arith.index_cast %add3A_432 : i32 to index
      %swap3A_443 = arith.constant 48 : index
      %swap3A_444 = tpu.vector_load %arg12[%swap3A_442, %swap3A_443] {strides = array<i32>} : memref<64x64xf32, #tpu.memory_space<vmem>>, vector<16xf32>,
      tpu.vector_store %arg12[%swap3A_442, %swap3A_443], %parallel_loop3A_412#7 {strides = array<i32>} : memref<64x64xf32, #tpu.memory_space<vmem>>, vector<16xf32>,
      %add3A_445 = arith.constant 12 : i32
      %add3A_446 = arith.addi %mul3A_72, %add3A_445 : i32
      %add3A_447 = arith.constant 2 : i32
      %add3A_448 = arith.addi %add3A_446, %add3A_447 : i32
      %swap3A_449 = arith.index_cast %add3A_448 : i32 to index
      %swap3A_450 = arith.constant 0 : index
      %swap3A_451 = tpu.vector_load %arg12[%swap3A_449, %swap3A_450] {strides = array<i32>} : memref<64x64xf32, #tpu.memory_space<vmem>>, vector<16xf32>,
      tpu.vector_store %arg12[%swap3A_449, %swap3A_450], %parallel_loop3A_412#8 {strides = array<i32>} : memref<64x64xf32, #tpu.memory_space<vmem>>, vector<16xf32>,
      %swap3A_452 = arith.index_cast %add3A_448 : i32 to index
      %swap3A_453 = arith.constant 32 : index
      %swap3A_454 = tpu.vector_load %arg12[%swap3A_452, %swap3A_453] {strides = array<i32>} : memref<64x64xf32, #tpu.memory_space<vmem>>, vector<16xf32>,
      tpu.vector_store %arg12[%swap3A_452, %swap3A_453], %parallel_loop3A_412#9 {strides = array<i32>} : memref<64x64xf32, #tpu.memory_space<vmem>>, vector<16xf32>,
      %swap3A_455 = arith.index_cast %add3A_448 : i32 to index
      %swap3A_456 = arith.constant 16 : index
      %swap3A_457 = tpu.vector_load %arg12[%swap3A_455, %swap3A_456] {strides = array<i32>} : memref<64x64xf32, #tpu.memory_space<vmem>>, vector<16xf32>,
      tpu.vector_store %arg12[%swap3A_455, %swap3A_456], %parallel_loop3A_412#10 {strides = array<i32>} : memref<64x64xf32, #tpu.memory_space<vmem>>, vector<16xf32>,
      %swap3A_458 = arith.index_cast %add3A_448 : i32 to index
      %swap3A_459 = arith.constant 48 : index
      %swap3A_460 = tpu.vector_load %arg12[%swap3A_458, %swap3A_459] {strides = array<i32>} : memref<64x64xf32, #tpu.memory_space<vmem>>, vector<16xf32>,
      tpu.vector_store %arg12[%swap3A_458, %swap3A_459], %parallel_loop3A_412#11 {strides = array<i32>} : memref<64x64xf32, #tpu.memory_space<vmem>>, vector<16xf32>,
      %add3A_461 = arith.constant 12 : i32
      %add3A_462 = arith.addi %mul3A_72, %add3A_461 : i32
      %add3A_463 = arith.constant 3 : i32
      %add3A_464 = arith.addi %add3A_462, %add3A_463 : i32
      %swap3A_465 = arith.index_cast %add3A_464 : i32 to index
      %swap3A_466 = arith.constant 0 : index
      %swap3A_467 = tpu.vector_load %arg12[%swap3A_465, %swap3A_466] {strides = array<i32>} : memref<64x64xf32, #tpu.memory_space<vmem>>, vector<16xf32>,
      tpu.vector_store %arg12[%swap3A_465, %swap3A_466], %parallel_loop3A_412#12 {strides = array<i32>} : memref<64x64xf32, #tpu.memory_space<vmem>>, vector<16xf32>,
      %swap3A_468 = arith.index_cast %add3A_464 : i32 to index
      %swap3A_469 = arith.constant 32 : index
      %swap3A_470 = tpu.vector_load %arg12[%swap3A_468, %swap3A_469] {strides = array<i32>} : memref<64x64xf32, #tpu.memory_space<vmem>>, vector<16xf32>,
      tpu.vector_store %arg12[%swap3A_468, %swap3A_469], %parallel_loop3A_412#13 {strides = array<i32>} : memref<64x64xf32, #tpu.memory_space<vmem>>, vector<16xf32>,
      %swap3A_471 = arith.index_cast %add3A_464 : i32 to index
      %swap3A_472 = arith.constant 16 : index
      %swap3A_473 = tpu.vector_load %arg12[%swap3A_471, %swap3A_472] {strides = array<i32>} : memref<64x64xf32, #tpu.memory_space<vmem>>, vector<16xf32>,
      tpu.vector_store %arg12[%swap3A_471, %swap3A_472], %parallel_loop3A_412#14 {strides = array<i32>} : memref<64x64xf32, #tpu.memory_space<vmem>>, vector<16xf32>,
      %swap3A_474 = arith.index_cast %add3A_464 : i32 to index
      %swap3A_475 = arith.constant 48 : index
      %swap3A_476 = tpu.vector_load %arg12[%swap3A_474, %swap3A_475] {strides = array<i32>} : memref<64x64xf32, #tpu.memory_space<vmem>>, vector<16xf32>,
      tpu.vector_store %arg12[%swap3A_474, %swap3A_475], %parallel_loop3A_412#15 {strides = array<i32>} : memref<64x64xf32, #tpu.memory_space<vmem>>, vector<16xf32>,
      %scan3A_477 = arith.constant 0 : i32
      scf.yield %scan3A_477 : i32
    }
    %scan3A_56 = arith.constant 4 : i32
    %dma_start3A_57 = arith.constant 0 : i32
    %dma_start3A_58 = tpu.memref_slice %arg4[%add3A_47, %dma_start3A_57] : memref<4096x64xf32, #tpu.memory_space<hbm>> -> memref<64x64xf32, #tpu.memory_space<hbm>>
    %dma_start3A_59 = arith.constant 0 : i32
    %dma_start3A_60 = tpu.memref_slice %arg4[%add3A_47, %dma_start3A_59] : memref<4096x64xf32, #tpu.memory_space<hbm>> -> memref<64x64xf32, #tpu.memory_space<hbm>>
    tpu.enqueue_dma source(%arg12 : memref<64x64xf32, #tpu.memory_space<vmem>>) target(%dma_start3A_60 : memref<64x64xf32, #tpu.memory_space<hbm>>) target_semaphore(%arg18 : memref<!tpu.dma_semaphore, #tpu.memory_space<semaphore_mem>>)
    %dma_wait3A_61 = arith.constant 0 : i32
    %dma_wait3A_62 = tpu.memref_slice %arg4[%add3A_33, %dma_wait3A_61] : memref<4096x64xf32, #tpu.memory_space<hbm>> -> memref<64x64xf32, #tpu.memory_space<hbm>>
    %dma_wait3A_63 = arith.constant 0 : i32
    %dma_wait3A_64 = tpu.memref_slice %arg4[%add3A_33, %dma_wait3A_63] : memref<4096x64xf32, #tpu.memory_space<hbm>> -> memref<64x64xf32, #tpu.memory_space<hbm>>
    tpu.wait_dma2 semaphore(%arg17 : memref<!tpu.dma_semaphore, #tpu.memory_space<semaphore_mem>>) src(%arg11 : memref<64x64xf32, #tpu.memory_space<vmem>>) dst(%dma_wait3A_64 : memref<64x64xf32, #tpu.memory_space<hbm>>)
    %dma_wait3A_65 = arith.constant 0 : i32
    %dma_wait3A_66 = tpu.memref_slice %arg4[%add3A_47, %dma_wait3A_65] : memref<4096x64xf32, #tpu.memory_space<hbm>> -> memref<64x64xf32, #tpu.memory_space<hbm>>
    %dma_wait3A_67 = arith.constant 0 : i32
    %dma_wait3A_68 = tpu.memref_slice %arg4[%add3A_47, %dma_wait3A_67] : memref<4096x64xf32, #tpu.memory_space<hbm>> -> memref<64x64xf32, #tpu.memory_space<hbm>>
    tpu.wait_dma2 semaphore(%arg18 : memref<!tpu.dma_semaphore, #tpu.memory_space<semaphore_mem>>) src(%arg12 : memref<64x64xf32, #tpu.memory_space<vmem>>) dst(%dma_wait3A_68 : memref<64x64xf32, #tpu.memory_space<hbm>>)
    return
  }
}

</mosaic_0001>

<sc_bundles>
// kernel: _qr_embedding.3.cloned.1.call-start
scs
__scs_entry_jumppad:
0x0: {  	(pc) =	sbr.rel $0x88, $3  }
0x1: {  	(tag) =	ssettag $0x0;
	lr =	simm.s32 $0x1  }
0x2: {  	[smem:$0x3F9E] =	sst lr;
	_ =	strace $0xD0000000  }
0x3: {  	_ = 	snop  }
0x4: {  	_ = 	snop  }
0x5: {  	_ = 	snop  }
0x6: {  	_ = 	snop  }
0x7: {  	_ = 	snop  }
__scs_overlays_trampoline_lowered:
0x8: {  	[smem:$0x3FAD] =	sst s0  }
0x9: {  	[smem:$0x3FAE] =	sst s1  }
0xa: {  	[smem:$0x3FAF] =	sst s2  }
0xb: {  	[smem:$0x3FB0] =	sst s3  }
0xc: {  	[smem:$0x3FB1] =	sst s4  }
0xd: {  	[smem:$0x3FB2] =	sst s5  }
0xe: {  	[smem:$0x3FB3] =	sst s6  }
0xf: {  	[smem:$0x3FB4] =	sst s7  }
0x10: {  	[smem:$0x3FB5] =	sst s8  }
0x11: {  	[smem:$0x3FB6] =	sst s9;
	s0 =	simm.s32 @!p0 $0x0  }
0x12: {  	s1 =	sld [smem:$0x3F9C];
	s0 =	simm.s32 @p0 $0x1  }
0x13: {  	[smem:$0x3FB7] =	sst s0;
	s0 =	simm.s32 @!p1 $0x0  }
0x14: {  	s2 =	sld [smem:$0x3F9B];
	s0 =	simm.s32 @p1 $0x1  }
0x15: {  	[smem:$0x3FB8] =	sst s0;
	s0 =	simm.s32 @!p2 $0x0  }
0x16: {  	s3 =	sld [smem:$0x3FDB];
	s0 =	simm.s32 @p2 $0x1  }
0x17: {  	s4 =	simm.s32 $0x1BF5;
	[smem:$0x3FBA] =	sst s0  }
0x18: {  	s0 =	sld [smem:$0x3F9D];
	_ =	swait.ge [sflag:s4], $0x0  }
0x19: {  	s7 =	sld [smem:$0x3F9E]  }
0x1a: {  	s8 =	sadd.s32 $0xFFFFE003, lr  }
0x1b: {  	s9 =	sadd.s32 $0xFFFFFEF7, lr;
	s5 =	simm.s32 $0xFFFFFFFF;
	p2 =	slt.u32 s8, $0xFFFFF086  }
0x1c: {  	p1 =	slt.u32 s9, $0xF7A;
	s5 =	simm.s32 @!p2 $0x0  }
0x1d: {  	s5 =	simm.s32 @p1 $0x1;
	p0 =	seq.s32 s7, s2  }
0x1e: {  	s7 =	smul.u32 @!p0 $0xF7A, s2;
	p2 =	seq.s32 @!p0 s5, $0x0  }
0x1f: {  	s9 =	smul.u32 $0xF7A, s1;
	s8 =	simm.s32 @!p0 $0x1BF5;
	p2 =	por !p2, p0  }
0x20: {  	[sflag:s8] =	ssyncset.s32 @!p0 $0xFFFFF086;
	s6 =	sadd.s32 @!p0 s3, s7;
	s7 =	simm.s32 @!p0 $0x108  }
0x21: {  	s3 =	sadd.s32 s3, s9;
	s6 =	sadd.s32 @!p0 $0x88, s6;
	s7 =	simm.s32 @p2 $0x1082  }
0x22: {  	[simem:s7], [sflag:s8] =	dma.local @!p0 [hbm:s6], $0xF7A  }
0x23: {  	s9 =	sor.u32 $0xD0000000, s2;
	s6 =	simm.s32 $0x108;
	_ =	swait.ge @!p0 [sflag:s8], $0x0  }
0x24: {  	s3 =	sadd.s32 $0x88, s3;
	s6 =	simm.s32 @!p1 $0x1082;
	[sflag:s4] =	ssyncset.s32 $0xFFFFF086  }
0x25: {  	[simem:s6], [sflag:s4] =	dma.local [hbm:s3], $0xF7A  }
0x26: {  	[smem:$0x3F9E] =	sst s1;
	(tag) =	ssettag s2;
	_ =	strace s9  }
0x27: {  	s1 =	sld [smem:$0x3FAE]  }
0x28: {  	s2 =	sld [smem:$0x3FAF]  }
0x29: {  	s4 =	sld [smem:$0x3FB1]  }
0x2a: {  	p0 =	seq.s32 s5, $0x0;
	s5 =	sld [smem:$0x3FB2]  }
0x2b: {  	s6 =	sld [smem:$0x3FB3]  }
0x2c: {  	s7 =	sld [smem:$0x3FB4]  }
0x2d: {  	s3 =	simm.s32 $0x108;
	s8 =	sld [smem:$0x3FB5]  }
0x2e: {  	s3 =	simm.s32 @!p0 $0x1082;
	s9 =	sld [smem:$0x3FB6]  }
0x2f: {  	lr =	sadd.s32 s0, s3;
	s0 =	sld [smem:$0x3FAD]  }
0x30: {  	s3 =	sld [smem:$0x3FB0]  }
0x31: {  	[smem:$0x3FB9] =	sst s10  }
0x32: {  	s10 =	sld [smem:$0x3FB7];
	_ =	sdelay $0x3  }
0x33: {  	p0 =	seq.s32 s10, $0x1;
	s10 =	sld [smem:$0x3FB9];
	_ =	sdelay $0x3  }
0x34: {  	[smem:$0x3FB9] =	sst s10  }
0x35: {  	s10 =	sld [smem:$0x3FB8];
	_ =	sdelay $0x3  }
0x36: {  	p1 =	seq.s32 s10, $0x1;
	s10 =	sld [smem:$0x3FB9];
	_ =	sdelay $0x3  }
0x37: {  	[smem:$0x3FB9] =	sst s10  }
0x38: {  	s10 =	sld [smem:$0x3FBA]  }
0x39: {  	_ = 	snop;
	(pc) =	sbr.ind lr, $3  }
0x3a: {  	_ = 	snop  }
0x3b: {  	_ = 	snop  }
0x3c: {  	p2 =	seq.s32 s10, $0x1;
	s10 =	sld [smem:$0x3FB9]  }
0x3d: {  	_ =	shalt  }
0x3e: {  	_ =	shalt  }
0x3f: {  	_ =	shalt  }
0x40: {  	_ =	shalt  }
0x41: {  	_ =	shalt  }
0x42: {  	_ =	shalt  }
0x43: {  	_ =	shalt  }
0x44: {  	_ =	shalt  }
0x45: {  	_ =	shalt  }
0x46: {  	_ =	shalt  }
0x47: {  	_ =	shalt  }
0x48: {  	_ =	shalt  }
0x49: {  	_ =	shalt  }
0x4a: {  	_ =	shalt  }
0x4b: {  	_ =	shalt  }
0x4c: {  	_ =	shalt  }
0x4d: {  	_ =	shalt  }
0x4e: {  	_ =	shalt  }
0x4f: {  	_ =	shalt  }
0x50: {  	_ =	shalt  }
0x51: {  	_ =	shalt  }
0x52: {  	_ =	shalt  }
0x53: {  	_ =	shalt  }
0x54: {  	_ =	shalt  }
0x55: {  	_ =	shalt  }
0x56: {  	_ =	shalt  }
0x57: {  	_ =	shalt  }
0x58: {  	_ =	shalt  }
0x59: {  	_ =	shalt  }
0x5a: {  	_ =	shalt  }
0x5b: {  	_ =	shalt  }
0x5c: {  	_ =	shalt  }
0x5d: {  	_ =	shalt  }
0x5e: {  	_ =	shalt  }
0x5f: {  	_ =	shalt  }
0x60: {  	_ =	shalt  }
0x61: {  	_ =	shalt  }
0x62: {  	_ =	shalt  }
0x63: {  	_ =	shalt  }
0x64: {  	_ =	shalt  }
0x65: {  	_ =	shalt  }
0x66: {  	_ =	shalt  }
0x67: {  	_ =	shalt  }
0x68: {  	_ =	shalt  }
0x69: {  	_ =	shalt  }
0x6a: {  	_ =	shalt  }
0x6b: {  	_ =	shalt  }
0x6c: {  	_ =	shalt  }
0x6d: {  	_ =	shalt  }
0x6e: {  	_ =	shalt  }
0x6f: {  	_ =	shalt  }
0x70: {  	_ =	shalt  }
0x71: {  	_ =	shalt  }
0x72: {  	_ =	shalt  }
0x73: {  	_ =	shalt  }
0x74: {  	_ =	shalt  }
0x75: {  	_ =	shalt  }
0x76: {  	_ =	shalt  }
0x77: {  	_ =	shalt  }
0x78: {  	_ =	shalt  }
0x79: {  	_ =	shalt  }
0x7a: {  	_ =	shalt  }
0x7b: {  	_ =	shalt  }
0x7c: {  	_ =	shalt  }
0x7d: {  	_ =	shalt  }
0x7e: {  	_ =	shalt  }
0x7f: {  	_ =	shalt  }
0x80: {  	_ =	shalt  }
0x81: {  	_ =	shalt  }
0x82: {  	_ =	shalt  }
0x83: {  	_ =	shalt  }
0x84: {  	_ =	shalt  }
0x85: {  	_ =	shalt  }
0x86: {  	_ =	shalt  }
0x87: {  	_ =	shalt  }
.Lfunc_end0:
.L_simem_size_0:
called_computation_lowered:
.L_overlay_start_0:
0x88: {  	s2 =	sld [smem:$0x3FD9]  }
0x89: {  	s3 =	sld [smem:$0x3FFE];
	_ =	sdelay $0x1  }
0x8a: {  	s1 =	srdreg.scid  }
0x8b: {  	s0 =	sand.u32 $0x1, s1  }
0x8c: {  	s17 =	sshll.u32 s0, $0xA;
	s2 =	sadd.s32 s3, s2  }
0x8d: {  	s2 =	sadd.s32 s2, s17  }
0x8e: {  	[smem:$0x3FC5] =	sst s2  }
0x8f: {  	_ = 	snop  }
0x90: {  	s2 =	sld [smem:$0x3FD0];
	(tm) =	ssettm $0x1  }
0x91: {  	s18 =	sld [smem:$0x3FFB];
	_ =	sdelay $0x3  }
0x92: {  	_ =	strace s18  }
0x93: {  	s3 =	sld [smem:$0x3FFC];
	_ =	sdelay $0x3  }
0x94: {  	_ =	strace s3  }
0x95: {  	s3 =	sld [smem:$0x3FFD];
	_ =	sdelay $0x3  }
0x96: {  	_ =	strace s3  }
0x97: {  	_ =	strace $0x8FFFFFFF  }
0x98: {  	s19 =	sld [smem:$0x3FDB];
	_ =	sdelay $0x1  }
0x99: {  	s4 =	simm.s32 $_scs_section_size  }
0x9a: {  	s5 =	simm.s32 $_size__tile_overlayer_lowered;
	s6 =	simm.s32 $_tile_overlayer_lowered  }
0x9b: {  	s22 =	simm.s32 $0x1BFF;
	s21 =	sshll.u32 s6, $0x1;
	s3 =	sadd.s32 s4, s19  }
0x9c: {  	s7 =	simm.s32 $0x0;
	s20 =	sshll.u32 s5, $0x1;
	s5 =	sadd.s32 s21, s3  }
0x9d: {  	[timem:s7], [sflag:s22] =	dma.local [hbm:s5], s20  }
0x9e: {  	_ =	swait.ge [sflag:s22], s20  }
0x9f: {  	s4 =	ssub.s32 $0x0, s20;
	[sflag:s22] =	ssyncset.done $0x0  }
0xa0: {  	[sflag:s22] =	ssyncadd.s32 s4;
	_ =	sdelay $0x1  }
0xa1: {  	s23 =	simm.s32 $0x1B8B  }
0xa2: {  	_ =	swait.ge [sflag:s23], $0x1  }
0xa3: {  	[sflag:s23] =	ssyncset.done $0x0  }
0xa4: {  	s25 =	simm.s32 $0x1B8E;
	s24 =	sld [smem:$0x3FFE];
	[sflag:s23] =	ssyncadd.s32 $0xFFFFFFFF  }
0xa5: {  	s26 =	simm.s32 $execute0_lowered;
	[smem:$0x3FD2] =	sst s25  }
0xa6: {  	s5 =	sshll.u32 s26, $0x1;
	_ =	strace $0x80000046;
	[dreg:$0x1] =	wrdreg $0xFFFFFFFF  }
0xa7: {  	s28 =	simm.s32 $_size_execute0_lowered;
	s3 =	sadd.s32 s3, s5;
	[dreg:$0x0] =	wrdreg $0x0  }
0xa8: {  	s5 =	sshll.u32 s28, $0x1;
	[dreg:$0x2] =	wrdreg s3  }
0xa9: {  	[dreg:$0x3] =	wrdreg s5  }
0xaa: {  	[dreg:$0x4] =	wrdreg $0xC0  }
0xab: {  	_ =	task [dreg:s7], $0x5FFFF  }
0xac: {  	[dreg:$0x1] =	wrdreg $0xFFFFFFFF  }
0xad: {  	[dreg:$0x0] =	wrdreg $0x60  }
0xae: {  	[dreg:$0x2] =	wrdreg s24  }
0xaf: {  	[dreg:$0x3] =	wrdreg s2  }
0xb0: {  	[dreg:$0x4] =	wrdreg $0x9  }
0xb1: {  	_ =	task.clear_ibuf [dreg:s7], $0x5FFFF;
	_ =	strace $0x90000046  }
0xb2: {  	s29 =	simm.s32 $0x9;
	_ =	strace $0x80000048  }
0xb3: {  	_ =	swait.ge [sflag:s29], $0x1  }
0xb4: {  	[sflag:s29] =	ssyncadd.s32 $0xFFFFFFFF  }
0xb5: {  	_ =	strace $0x90000048  }
0xb6: {  	_ =	sfence  }
0xb7: {  	s30 =	sld [smem:$0x0];
	_ =	sdelay $0x2  }
0xb8: {  	s31 =	sshll.u32 s1, $0xD;
	s1 =	sshrl.u32 s1, $0x2  }
0xb9: {  	s3 =	sand.u32 $0x4000, s31;
	s1 =	sadd.s32 s1, s30  }
0xba: {  	s0 =	sor.u32 s3, s0;
	s1 =	sshll.u32 s1, $0x11  }
0xbb: {  	s0 =	sor.u32 s1, s0  }
0xbc: {  	s0 =	sadd.s32 $0x8F2B, s0  }
0xbd: {  	[sflag:s0] =	ssyncadd.remote.s32 $0x1  }
0xbe: {  	_ =	sfence.sel $0xFFFF  }
0xbf: {  	[dreg:$0x0] =	wrdreg $0xFFFFFFFF;
	(pc) =	sbr.abs _section_cstart, $3  }
0xc0: {  	[dreg:$0x1] =	wrdreg $0xFFFFFFFF  }
0xc1: {  	_ =	task.clear_ibuf [dreg:s7], $0x2FFFF;
	_ =	strace $0x9FFFFFFF  }
0xc2: {  	(tm) =	ssettm $0x7FFFFFFF  }
0xc3: {  	_ =	shalt  }
tec
execute0_lowered:
.L_overlay_start_1:
0x0: {  	(tag) =	ssettag $0x1  }
0x1: {  	s0 =	rddreg [dreg:$0x0]  }
0x2: {  	s1 =	rddreg [dreg:$0x1];
	s2 =	srdreg.scid  }
0x3: {  	s5 =	stileid.u32;
	s11 =	simm.s32 $0x101D0;
	s12 =	simm.s32 $0x10850  }
0x4: {  	s13 =	simm.s32 $0x1;
	s14 =	simm.s32 $0x2;
	s15 =	simm.s32 $0x3  }
0x5: {  	s16 =	simm.s32 $0x10;
	s17 =	simm.s32 $0x80F8;
	s18 =	simm.s32 $0x11210  }
0x6: {  	s19 =	simm.s32 $0x4;
	s20 =	simm.s32 $0x12210;
	s21 =	simm.s32 $0x5  }
0x7: {  	s22 =	simm.s32 $0x6;
	s3 =	sand.u32 $0x1, s2;
	s2 =	simm.s32 $0x0  }
0x8: {  	s23 =	simm.s32 $0x0;
	s4 =	sshll.u32 s3, $0x4;
	[smem:$0x7FF] =	sst s2  }
0x9: {  	s28 =	ssub.s32 $0x2, s3;
	s3 =	sadd.s32 $0x3400, s0;
	s6 =	sor.u32 s5, s4  }
0xa: {  	_ =	strace $0x80000047;
	s4 =	sshll.u32 s6, $0x7;
	s7 =	smul.u32 $0x1A0, s6  }
.Ltmp0:
0xb: {  	v0 =	vlaneseq.u32;
	s29 =	sshrl.u32 s28, $0x1;
	s8 =	sor.u32 $0x40, s4;
	(pc) =	sbr.rel .LBB2_1-.Ltmp0, $4  }
0xc: {  	v28 =	vmul.u32 $0x1A, v0;
	s10 =	ssub.s32 s28, s29;
	s31 =	sshll.u32 s6, $0xA;
	s9 =	smul.u32 $0x1A, s8  }
0xd: {  	v17 =	vimm.s32 $0x1;
	s4 =	sadd.s32 $0x441D, s0;
	s5 =	sadd.s32 s0, s7;
	s8 =	sshll.u32 s8, $0x3  }
0xe: {  	v13 =	vimm.s32 $0x2;
	v16 =	vimm.s32 $0x3;
	v1 =	vadd.s32 $0x2, v28;
	[tilespmem:$0x1FFF0] =	vst v28;
	s7 =	sadd.s32 s1, s31;
	s8 =	sadd.s32 s1, s8;
	s30 =	sshrl.u32 s9, $0x3  }
0xf: {  	v15 =	vimm.s32 $0x8;
	v18 =	vimm.s32 $0xE;
	v14 =	vimm.s32 $0xF;
	[tilespmem:$0x1FFE0] =	vst v1;
	s9 =	smax.u32 s10, $0x1;
	s10 =	simm.s32 $0x80E8;
	s6 =	sadd.s32 s0, s30  }
.LBB2_32:
0x10: {  	[hbm4b:s8+s2] =	stream.linear.scatter [tilespmem:s20], [sflag:$0x6], $0x1000, $0x38;
	[tilespmem:$0x13210] =	vst v63  }
0x11: {  	s23 =	sadd.s32 $0x1, s23  }
0x12: {  	_ =	swait.ge [sflag:s21], $0x1000;
	p0 =	sne.s32 s23, s9  }
.Ltmp1:
0x13: {  	[sflag:s21] =	ssyncset.done $0x0;
	(pc) =	sbr.rel @!p0 .LBB2_33-.Ltmp1, $4  }
0x14: {  	[sflag:s21] =	ssyncadd.s32 $0xFFFFF000  }
0x15: {  	_ =	swait.ge [sflag:s22], $0x1000  }
0x16: {  	[sflag:s22] =	ssyncset.done $0x0  }
0x17: {  	[sflag:s22] =	ssyncadd.s32 $0xFFFFF000  }
.LBB2_1:
0x18: {  	[tilespmem:s2], [sflag:$0x1] =	stream.linear.gather [hbm4b:s3+s2], $0x80E8, $0x38;
	[tilespmem:$0x13210] =	vst v63  }
0x19: {  	_ = 	snop  }
0x1a: {  	[tilespmem:s10], [sflag:$0x2] =	stream.linear.gather [hbm4b:s4+s2], $0x80E8, $0x38;
	[tilespmem:$0x13210] =	vst v63  }
0x1b: {  	_ = 	snop  }
0x1c: {  	[tilespmem:s11], [sflag:$0x3] =	stream.linear.gather [hbm4b:s5+s2], $0x680, $0x38;
	[tilespmem:$0x13210] =	vst v63  }
0x1d: {  	_ = 	snop  }
0x1e: {  	[tilespmem:s12], [sflag:$0x4] =	stream.linear.gather [hbm4b:s6+s2], $0x680, $0x38;
	[tilespmem:$0x13210] =	vst v63  }
0x1f: {  	_ =	swait.ge [sflag:s13], $0x80E8  }
0x20: {  	[sflag:s13] =	ssyncset.done $0x0  }
0x21: {  	[sflag:s13] =	ssyncadd.s32 $0xFFFF7F18  }
0x22: {  	_ =	swait.ge [sflag:s14], $0x80E8  }
0x23: {  	[sflag:s14] =	ssyncset.done $0x0  }
0x24: {  	[sflag:s14] =	ssyncadd.s32 $0xFFFF7F18  }
0x25: {  	_ =	swait.ge [sflag:s15], $0x680  }
0x26: {  	[sflag:s15] =	ssyncset.done $0x0  }
0x27: {  	s24 =	simm.s32 $0x0;
	[sflag:s15] =	ssyncadd.s32 $0xFFFFF980  }
.LBB2_2:
0x28: {  	s0 =	smul.u32 $0x1A0, s24;
	_ =	sdelay $0x1  }
0x29: {  	s1 =	simm.s32 $0x1;
	v19 =	vadd.s32 s0, v28  }
0x2a: {  	v1 =	vadd.s32 s1, v19;
	_ =	sdelay $0x4  }
0x2b: {  	v3 =	vld.idx.msk [tilespmem:v1+s11+$0x0], $0xffff  }
0x2c: {  	v1 =	vld [tilespmem:$0x1FFE0];
	_ =	sdelay $0x1  }
0x2d: {  	s25 =	simm.s32 $0x3  }
0x2e: {  	v2 =	vadd.s32 s25, v19;
	_ =	sdelay $0x1  }
0x2f: {  	s26 =	simm.s32 $0x0;
	v4 =	vld.idx.msk [tilespmem:v19+s11+$0x0], $0xffff;
	v1 =	vadd.s32 s0, v1  }
0x30: {  	v5 =	vadd.s32 s26, v1;
	_ =	sdelay $0x1  }
0x31: {  	v24 =	vld.idx.msk [tilespmem:v2+s11+$0x0], $0xffff;
	_ =	sdelay $0x1  }
0x32: {  	v21 =	vcvt.s32.f32 v4;
	v20 =	vcvt.s32.f32 v3  }
0x33: {  	s25 =	simm.s32 $0x5;
	v2 =	vld.idx.msk [tilespmem:v5+s11+$0x0], $0xffff  }
0x34: {  	s26 =	simm.s32 $0x2;
	v21 =	vmul.f32 $1.000000050e-03, v21;
	v5 =	vmul.f32 $1.000000050e-03, v20;
	v20 =	vadd.s32 s25, v19  }
0x35: {  	v23 =	vcvt.s32.f32 v24;
	v22 =	vadd.s32 s26, v1  }
0x36: {  	v21 =	vtrunc.f32 v21;
	v5 =	vtrunc.f32 v5  }
0x37: {  	v21 =	vcvt.f32.s32 v21;
	v5 =	vcvt.f32.s32 v5  }
0x38: {  	v10 =	vimm.s32 $0x0;
	v11 =	vimm.s32 $0x5;
	v25 =	vcvt.s32.f32 v2  }
0x39: {  	s26 =	simm.s32 $0x7;
	v28 =	vmul.f32 $1.000000050e-03, v23;
	s25 =	simm.s32 $0x4;
	v29 =	vmul.u32 $0xFFFFFC18, v21;
	v26 =	vmul.u32 $0xFFFFFC18, v5;
	v20 =	vld.idx.msk [tilespmem:v20+s11+$0x0], $0xffff  }
0x3a: {  	v27 =	vadd.s32 s25, v1;
	v23 =	vld.idx.msk [tilespmem:v22+s11+$0x0], $0xffff;
	v22 =	vadd.s32 s26, v19;
	v25 =	vmul.f32 $1.000000050e-03, v25  }
0x3b: {  	v5 =	vmul.u32 $0x21, v5;
	v3 =	vadd.s32 v3, v26;
	v26 =	vtrunc.f32 v28  }
0x3c: {  	s25 =	simm.s32 $0x10EE0;
	v28 =	vmul.u32 $0x21, v3;
	v30 =	vcvt.f32.s32 v26;
	v3 =	vtrunc.f32 v25  }
0x3d: {  	v21 =	vmul.u32 $0x21, v21;
	s26 =	simm.s32 $0x11080;
	v4 =	vadd.s32 v4, v29;
	[tilespmem:s25+$0x0] =	vst v5;
	v3 =	vcvt.f32.s32 v3  }
0x3e: {  	s1 =	simm.s32 $0x6;
	v26 =	vmul.u32 $0x21, v4;
	[tilespmem:s26+$0x0] =	vst v28;
	v28 =	vcvt.s32.f32 v20;
	v29 =	vmul.u32 $0xFFFFFC18, v30  }
0x3f: {  	s30 =	simm.s32 $0xA;
	s29 =	simm.s32 $0x10EE0;
	[tilespmem:s25+$0xFFFFFFF0] =	vst v21;
	v21 =	vld.idx.msk [tilespmem:v22+s11+$0x0], $0xffff;
	v4 =	vadd.s32 s1, v1;
	v25 =	vcvt.s32.f32 v23;
	v5 =	vmul.u32 $0xFFFFFC18, v3  }
0x40: {  	s31 =	simm.s32 $0x8;
	s28 =	simm.s32 $0x11080;
	s0 =	simm.s32 $0x9;
	v22 =	vld.idx.msk [tilespmem:v27+s11+$0x0], $0xffff;
	[tilespmem:s26+$0xFFFFFFF0] =	vst v26;
	v26 =	vmul.f32 $1.000000050e-03, v28;
	v27 =	vadd.s32 v24, v29;
	v24 =	vmul.u32 $0x21, v30  }
.LBB2_3:
0x41: {  	p0 =	slt.u32 s30, $0x18;
	v28 =	vadd.s32 s0, v19;
	v25 =	vmul.f32 $1.000000050e-03, v25;
	v27 =	vmul.u32 $0x21, v27;
	s29 =	sadd.s32 $0x20, s29  }
0x42: {  	v5 =	vadd.s32 v2, v5;
	v6 =	vmul.u32 $0x21, v3;
	s28 =	sadd.s32 $0x20, s28;
	v2 =	vmovc v23;
	v26 =	vtrunc.f32 v26;
	[tilespmem:s29+$0x0] =	vst v24  }
.Ltmp2:
0x43: {  	v5 =	vmul.u32 $0x21, v5;
	v3 =	vtrunc.f32 v25;
	v24 =	vcvt.f32.s32 v26;
	[tilespmem:s28+$0x0] =	vst v27;
	(pc) =	sbr.rel @p0 .LBB2_3-.Ltmp2, $4  }
0x44: {  	v3 =	vcvt.f32.s32 v3;
	[tilespmem:s29+$0xFFFFFFF0] =	vst v6  }
0x45: {  	v26 =	vcvt.s32.f32 v21;
	v29 =	vmov v21;
	v27 =	vmul.u32 $0xFFFFFC18, v24;
	[tilespmem:s28+$0xFFFFFFF0] =	vst v5  }
0x46: {  	v30 =	vadd.s32 s31, v1;
	s31 =	smov.u32 s30;
	v25 =	vcvt.s32.f32 v22;
	v23 =	vmovc v22;
	v21 =	vld.idx.msk [tilespmem:v28+s11+$0x0], $0xffff;
	v5 =	vmul.u32 $0xFFFFFC18, v3  }
0x47: {  	s30 =	sadd.s32 $0x2, s30;
	s0 =	sadd.s32 $0x1, s31;
	v24 =	vmul.u32 $0x21, v24;
	v26 =	vmul.f32 $1.000000050e-03, v26;
	v22 =	vld.idx.msk [tilespmem:v4+s11+$0x0], $0xffff;
	v27 =	vadd.s32 v20, v27;
	v4 =	vmovc v30;
	v20 =	vmovc v29  }
0x48: {  	v1 =	vadd.s32 s0, v19  }
0x49: {  	v19 =	vmul.f32 $1.000000050e-03, v25;
	v25 =	vtrunc.f32 v26  }
0x4a: {  	v2 =	vadd.s32 v2, v5;
	v25 =	vcvt.f32.s32 v25  }
0x4b: {  	v26 =	vmul.u32 $0x21, v27;
	v5 =	vtrunc.f32 v19;
	v27 =	vcvt.s32.f32 v21  }
0x4c: {  	v4 =	vld.idx.msk [tilespmem:v4+s11+$0x0], $0xffff;
	v3 =	vmul.u32 $0x21, v3;
	v5 =	vcvt.f32.s32 v5  }
0x4d: {  	s31 =	sadd.s32 $0x20, s29;
	v19 =	vcvt.s32.f32 v22;
	v28 =	vmul.u32 $0xFFFFFC18, v25;
	v1 =	vld.idx.msk [tilespmem:v1+s11+$0x0], $0xffff;
	v27 =	vmul.f32 $1.000000050e-03, v27  }
0x4e: {  	v2 =	vmul.u32 $0x21, v2;
	[tilespmem:s31+$0x0] =	vst v24;
	v25 =	vmul.u32 $0x21, v25;
	v24 =	vmul.u32 $0xFFFFFC18, v5  }
0x4f: {  	s1 =	sadd.s32 $0x20, s28;
	[tilespmem:s31+$0xFFFFFFF0] =	vst v3;
	v19 =	vmul.f32 $1.000000050e-03, v19;
	v20 =	vadd.s32 v20, v28;
	v27 =	vtrunc.f32 v27  }
0x50: {  	[tilespmem:s1+$0x0] =	vst v26;
	v5 =	vmul.u32 $0x21, v5;
	v3 =	vmul.u32 $0x21, v20;
	v20 =	vcvt.f32.s32 v27  }
0x51: {  	s0 =	sadd.s32 $0x20, s31;
	[tilespmem:s1+$0xFFFFFFF0] =	vst v2;
	v2 =	vadd.s32 v23, v24;
	v23 =	vcvt.s32.f32 v4;
	v19 =	vtrunc.f32 v19  }
0x52: {  	[tilespmem:s0+$0x0] =	vst v25;
	v19 =	vcvt.f32.s32 v19;
	v26 =	vcvt.s32.f32 v1;
	v25 =	vmul.u32 $0xFFFFFC18, v20  }
0x53: {  	s1 =	sadd.s32 $0x20, s1;
	[tilespmem:s0+$0xFFFFFFF0] =	vst v5;
	v2 =	vmul.u32 $0x21, v2;
	v23 =	vmul.f32 $1.000000050e-03, v23;
	v20 =	vmul.u32 $0x21, v20  }
0x54: {  	[tilespmem:s1+$0x0] =	vst v3;
	v3 =	vmul.u32 $0xFFFFFC18, v19;
	v24 =	vmul.f32 $1.000000050e-03, v26;
	v5 =	vadd.s32 v21, v25  }
0x55: {  	s0 =	sadd.s32 $0x20, s0;
	[tilespmem:s1+$0xFFFFFFF0] =	vst v2;
	v19 =	vmul.u32 $0x21, v19;
	v2 =	vmul.u32 $0x21, v5;
	v5 =	vtrunc.f32 v23  }
0x56: {  	[tilespmem:s0+$0x0] =	vst v20;
	v3 =	vadd.s32 v22, v3;
	v24 =	vtrunc.f32 v24;
	v5 =	vcvt.f32.s32 v5  }
0x57: {  	s1 =	sadd.s32 $0x20, s1;
	[tilespmem:s0+$0xFFFFFFF0] =	vst v19;
	v3 =	vmul.u32 $0x21, v3;
	v21 =	vcvt.f32.s32 v24  }
0x58: {  	[tilespmem:s1+$0x0] =	vst v2;
	v2 =	vmul.u32 $0xFFFFFC18, v5  }
0x59: {  	[tilespmem:s1+$0xFFFFFFF0] =	vst v3;
	v3 =	vmul.u32 $0x21, v5;
	v20 =	vmul.u32 $0xFFFFFC18, v21  }
0x5a: {  	s0 =	sadd.s32 $0x20, s0;
	v19 =	vmul.u32 $0x21, v21;
	v2 =	vadd.s32 v4, v2  }
0x5b: {  	[tilespmem:s0+$0xFFFFFFF0] =	vst v3;
	v1 =	vadd.s32 v1, v20;
	v2 =	vmul.u32 $0x21, v2  }
0x5c: {  	s1 =	sadd.s32 $0x20, s1;
	[tilespmem:s0+$0x0] =	vst v19;
	v1 =	vmul.u32 $0x21, v1  }
0x5d: {  	[tilespmem:s1+$0xFFFFFFF0] =	vst v2  }
0x5e: {  	[tilespmem:s1+$0x0] =	vst v1  }
0x5f: {  	v1 =	vld [tilespmem:s26+$0xFFFFFFF0]  }
0x60: {  	v2 =	vld [tilespmem:s25+$0xFFFFFFF0];
	_ =	sdelay $0x3  }
0x61: {  	v3 =	vperm.xlane v1, v10  }
0x62: {  	v4 =	vperm.xlane v2, v13  }
0x63: {  	v5 =	vperm.xlane v1, v13;
	v3 =	vadd.s32 v0, v3  }
0x64: {  	v19 =	vperm.xlane v2, v17;
	v4 =	vadd.s32 v0, v4  }
0x65: {  	v26 =	vld [tilespmem:s25+$0x0];
	v20 =	vperm.xlane v2, v10;
	v42 =	vadd.s32 v0, v5  }
0x66: {  	v5 =	vadd.s32 v0, v19  }
0x67: {  	v44 =	vld [tilespmem:s26+$0x0];
	v25 =	vadd.s32 v0, v20  }
0x68: {  	v20 =	vld.idx.msk [tilespmem:v3+s17+$0x0], $0xffff  }
0x69: {  	v2 =	vperm.xlane v2, v16;
	v30 =	vld.idx.msk [tilespmem:v4+s2+$0x0], $0xffff  }
0x6a: {  	v21 =	vperm.xlane v26, v16;
	v45 =	vld.idx.msk [tilespmem:v42+s17+$0x0], $0xffff  }
0x6b: {  	v19 =	vperm.xlane v1, v17;
	v47 =	vadd.s32 v0, v2;
	v36 =	vld.idx.msk [tilespmem:v5+s16+$0x0], $0xffff  }
0x6c: {  	v35 =	vadd.s32 v0, v21;
	v56 =	vld.idx.msk [tilespmem:v25+s2+$0x0], $0xffff  }
0x6d: {  	p1 =	por $0x1, $0x1;
	v40 =	vadd.s32 v0, v19;
	v41 =	vld.idx.msk [tilespmem:v5+s2+$0x0], $0xffff  }
.Ltmp3:
0x6e: {  	v58 =	vperm.xlane v44, v17;
	v63 =	vld.idx.msk [tilespmem:v3+s10+$0x0], $0xffff;
	(pc) =	sbr.rel @!p1 .LBB2_5-.Ltmp3, $4  }
0x6f: {  	v1 =	vperm.xlane v1, v16;
	v2 =	vperm.xlane v26, v10;
	v55 =	vld.idx.msk [tilespmem:v4+s16+$0x0], $0xffff  }
0x70: {  	v3 =	vperm.xlane v26, v13;
	v4 =	vperm.xlane v44, v16;
	v39 =	vld.idx.msk [tilespmem:v47+s2+$0x0], $0xffff  }
0x71: {  	v19 =	vimm.f32 $0.0e+00;
	v38 =	vadd.s32 v0, v1;
	v24 =	vadd.s32 v0, v2;
	v21 =	vld.idx.msk [tilespmem:v35+s2+$0x0], $0xffff  }
0x72: {  	p0 =	por $0x0, $0x0;
	v5 =	vperm.xlane v44, v13;
	v52 =	vld.idx.msk [tilespmem:v40+s17+$0x0], $0xffff;
	v29 =	vadd.s32 v0, v3;
	v27 =	vadd.s32 v0, v4  }
0x73: {  	_ =	sdelay $0x3  }
0x74: {  	v1 =	vld.idx.msk [tilespmem:v42+s10+$0x0], $0xffff  }
0x75: {  	v3 =	vld.idx.msk [tilespmem:v29+s2+$0x0], $0xffff  }
0x76: {  	v22 =	vld.idx.msk [tilespmem:v38+s17+$0x0], $0xffff  }
0x77: {  	v31 =	vld.idx.msk [tilespmem:v47+s16+$0x0], $0xffff  }
0x78: {  	v4 =	vmul.bf16 v63, v56;
	v23 =	vperm.xlane v44, v10;
	v61 =	vld.idx.msk [tilespmem:v27+s17+$0x0], $0xffff  }
0x79: {  	v34 =	vadd.s32 v0, v58;
	s25 =	simm.s32 $0x10F00;
	v2 =	vadd.s32 v0, v5;
	v5 =	vld.idx.msk [tilespmem:v40+s10+$0x0], $0xffff;
	v32 =	vmul.bf16 v45, v55  }
0x7a: {  	v26 =	vperm.xlane v26, v17;
	v63 =	vld [tilespmem:s25+$0xFFFFFFF0];
	v28 =	vunpack.i.l.bf16.f32 v4;
	v4 =	vunpack.i.u.bf16.f32 v4  }
0x7b: {  	v35 =	vld.idx.msk [tilespmem:v35+s16+$0x0], $0xffff;
	s26 =	simm.s32 $0x110A0;
	v33 =	vadd.s32 v0, v23;
	v45 =	vadd.f32 v28, v19;
	v23 =	vunpack.i.u.bf16.f32 v32  }
0x7c: {  	v44 =	vld [tilespmem:s26+$0x0];
	v4 =	vadd.f32 v4, v19;
	v57 =	vadd.f32 v23, v19;
	v36 =	vmul.bf16 v52, v36  }
0x7d: {  	v28 =	vld.idx.msk [tilespmem:v38+s10+$0x0], $0xffff;
	v52 =	vunpack.i.l.bf16.f32 v32;
	v1 =	vmul.bf16 v1, v30;
	v30 =	vadd.s32 v0, v26  }
0x7e: {  	v23 =	vld.idx.msk [tilespmem:v25+s16+$0x0], $0xffff;
	v31 =	vmul.bf16 v22, v31;
	v5 =	vmul.bf16 v5, v41;
	v25 =	vunpack.i.l.bf16.f32 v36  }
0x7f: {  	v37 =	vld.idx.msk [tilespmem:v2+s10+$0x0], $0xffff;
	v32 =	vperm.xlane v63, v16;
	v58 =	vunpack.i.u.bf16.f32 v36;
	v59 =	vperm.xlane v63, v17  }
0x80: {  	v29 =	vld.idx.msk [tilespmem:v29+s16+$0x0], $0xffff;
	v22 =	vunpack.i.u.bf16.f32 v1;
	v1 =	vunpack.i.l.bf16.f32 v1;
	v62 =	vunpack.i.u.bf16.f32 v31  }
0x81: {  	v2 =	vld.idx.msk [tilespmem:v2+s17+$0x0], $0xffff;
	v47 =	vunpack.i.l.bf16.f32 v31;
	v26 =	vunpack.i.u.bf16.f32 v5;
	v22 =	vadd.f32 v22, v19  }
0x82: {  	v55 =	vld.idx.msk [tilespmem:v24+s16+$0x0], $0xffff;
	v5 =	vunpack.i.l.bf16.f32 v5;
	v1 =	vadd.f32 v1, v19;
	v6 =	vadd.f32 v62, v19  }
0x83: {  	v41 =	vld [tilespmem:s26+$0xFFFFFFF0];
	v39 =	vmul.bf16 v28, v39;
	v62 =	vadd.f32 v58, v19;
	v50 =	vadd.f32 v47, v19  }
0x84: {  	v54 =	vld.idx.msk [tilespmem:v34+s10+$0x0], $0xffff;
	v58 =	vperm.xlane v44, v17;
	v28 =	vadd.f32 v26, v19;
	v3 =	vmul.bf16 v37, v3  }
0x85: {  	v20 =	vmul.bf16 v20, v23;
	v31 =	vadd.f32 v5, v19;
	v5 =	vld.idx.msk [tilespmem:v27+s10+$0x0], $0xffff;
	v26 =	vunpack.i.l.bf16.f32 v39  }
0x86: {  	v51 =	vadd.f32 v26, v19;
	v2 =	vmul.bf16 v2, v29;
	v29 =	vld.idx.msk [tilespmem:v33+s17+$0x0], $0xffff;
	v26 =	vunpack.i.u.bf16.f32 v3  }
0x87: {  	v27 =	vperm.xlane v63, v10;
	v3 =	vunpack.i.l.bf16.f32 v3;
	v22 =	vadd.f32 v26, v22;
	v26 =	vld.idx.msk [tilespmem:v24+s2+$0x0], $0xffff  }
0x88: {  	v23 =	vadd.f32 v3, v1;
	v1 =	vld.idx.msk [tilespmem:v33+s10+$0x0], $0xffff;
	v33 =	vadd.f32 v25, v19;
	v25 =	vperm.xlane v41, v10  }
0x89: {  	v34 =	vld.idx.msk [tilespmem:v34+s17+$0x0], $0xffff;
	v37 =	vperm.xlane v63, v13;
	v63 =	vadd.s32 v0, v59;
	v3 =	vmul.bf16 v61, v35  }
0x8a: {  	v24 =	vperm.xlane v41, v13;
	v21 =	vmul.bf16 v5, v21;
	v61 =	vld.idx.msk [tilespmem:v30+s2+$0x0], $0xffff;
	v60 =	vadd.s32 v0, v25  }
0x8b: {  	v47 =	vadd.s32 v0, v32;
	v5 =	vperm.xlane v41, v16;
	v25 =	vperm.xlane v41, v17;
	v41 =	vld.idx.msk [tilespmem:v30+s16+$0x0], $0xffff  }
0x8c: {  	v53 =	vunpack.i.u.bf16.f32 v39;
	v48 =	vunpack.i.l.bf16.f32 v20;
	v59 =	vunpack.i.u.bf16.f32 v20  }
0x8d: {  	v43 =	vadd.s32 v0, v37;
	v42 =	vadd.s32 v0, v24;
	v1 =	vmul.bf16 v1, v26;
	v26 =	vld [tilespmem:s25+$0x0]  }
0x8e: {  	v38 =	vadd.s32 v0, v5;
	v7 =	vunpack.i.u.bf16.f32 v3;
	v46 =	vunpack.i.l.bf16.f32 v21;
	v36 =	vld.idx.msk [tilespmem:v63+s16+$0x0], $0xffff  }
0x8f: {  	v51 =	vadd.f32 v46, v51;
	v46 =	vimm.f32 $0.0e+00;
	v40 =	vadd.s32 v0, v25;
	v20 =	vld.idx.msk [tilespmem:v60+s17+$0x0], $0xffff  }
0x90: {  	v25 =	vadd.s32 v0, v27;
	v61 =	vmul.bf16 v54, v61;
	v27 =	vmul.bf16 v34, v41;
	v41 =	vld.idx.msk [tilespmem:v63+s2+$0x0], $0xffff  }
0x91: {  	v24 =	vunpack.i.l.bf16.f32 v1;
	v1 =	vunpack.i.u.bf16.f32 v1;
	v63 =	vld.idx.msk [tilespmem:v60+s10+$0x0], $0xffff;
	v60 =	vunpack.i.l.bf16.f32 v3  }
0x92: {  	v37 =	vadd.f32 v1, v4;
	v1 =	vperm.xlane v26, v10;
	v5 =	vperm.xlane v26, v16  }
0x93: {  	v39 =	vld.idx.msk [tilespmem:v47+s2+$0x0], $0xffff;
	v34 =	vperm.xlane v44, v16;
	v3 =	vunpack.i.u.bf16.f32 v21;
	v4 =	vperm.xlane v26, v13  }
0x94: {  	p1 =	por $0x1, $0x1;
	v30 =	vld.idx.msk [tilespmem:v43+s2+$0x0], $0xffff;
	v49 =	vadd.f32 v24, v45;
	v24 =	vadd.s32 v0, v1;
	v35 =	vadd.s32 v0, v5  }
.Ltmp4:
0x95: {  	v56 =	vld.idx.msk [tilespmem:v25+s2+$0x0], $0xffff;
	v1 =	vmul.bf16 v29, v55;
	v29 =	vadd.s32 v0, v4;
	v5 =	vunpack.i.u.bf16.f32 v27;
	(pc) =	sbr.rel @!p1 .LBB2_7-.Ltmp4, $4  }
0x96: {  	v4 =	vunpack.i.l.bf16.f32 v2;
	v55 =	vld.idx.msk [tilespmem:v43+s16+$0x0], $0xffff;
	v2 =	vunpack.i.u.bf16.f32 v2;
	v43 =	vimm.f32 $0.0e+00  }
0x97: {  	v45 =	vld.idx.msk [tilespmem:v42+s17+$0x0], $0xffff;
	v32 =	vadd.f32 v5, v62;
	v5 =	vperm.xlane v44, v13;
	v62 =	vadd.f32 v48, v19  }
0x98: {  	v57 =	vadd.f32 v2, v57;
	v48 =	vadd.f32 v52, v19;
	v2 =	vunpack.i.l.bf16.f32 v27;
	v52 =	vld.idx.msk [tilespmem:v40+s17+$0x0], $0xffff  }
0x99: {  	s28 =	simm.s32 $0x2;
	p0 =	por $0x1, $0x1;
	v27 =	vadd.s32 v0, v34;
	v34 =	vadd.f32 v7, v6;
	v54 =	vunpack.i.l.bf16.f32 v1;
	v21 =	vld.idx.msk [tilespmem:v35+s2+$0x0], $0xffff  }
.LBB2_8:
0x9a: {  	s28 =	sadd.s32 $0x2, s28;
	v42 =	vld.idx.msk [tilespmem:v42+s10+$0x0], $0xffff;
	v5 =	vadd.s32 v0, v5;
	s25 =	sadd.s32 $0x20, s25;
	s26 =	sadd.s32 $0x20, s26;
	v46 =	vadd.f32 v59, v46;
	v48 =	vadd.f32 v4, v48  }
0x9b: {  	v4 =	vmul.bf16 v63, v56;
	v43 =	vadd.f32 v53, v43;
	v1 =	vunpack.i.u.bf16.f32 v1;
	p1 =	slt.u32 s28, $0x18;
	v56 =	vld.idx.msk [tilespmem:v29+s2+$0x0], $0xffff  }
0x9c: {  	v44 =	vperm.xlane v44, v10;
	v58 =	vadd.s32 v0, v58;
	v59 =	vunpack.i.l.bf16.f32 v61;
	v53 =	vld.idx.msk [tilespmem:v38+s17+$0x0], $0xffff  }
0x9d: {  	v61 =	vunpack.i.u.bf16.f32 v61;
	v63 =	vunpack.i.u.bf16.f32 v4;
	v4 =	vunpack.i.l.bf16.f32 v4;
	v40 =	vld.idx.msk [tilespmem:v40+s10+$0x0], $0xffff  }
0x9e: {  	v45 =	vmul.bf16 v45, v55;
	v28 =	vadd.f32 v61, v28;
	v4 =	vadd.f32 v4, v49;
	v38 =	vld.idx.msk [tilespmem:v38+s10+$0x0], $0xffff  }
0x9f: {  	v31 =	vadd.f32 v59, v31;
	v44 =	vadd.s32 v0, v44;
	v43 =	vadd.f32 v3, v43;
	v47 =	vld.idx.msk [tilespmem:v47+s16+$0x0], $0xffff  }
0xa0: {  	v46 =	vadd.f32 v1, v46;
	v1 =	vadd.f32 v60, v50;
	v3 =	vunpack.i.u.bf16.f32 v45;
	v49 =	vld.idx.msk [tilespmem:v27+s17+$0x0], $0xffff  }
0xa1: {  	v2 =	vadd.f32 v2, v33;
	v57 =	vadd.f32 v3, v57;
	v3 =	vperm.xlane v26, v17;
	v26 =	vld.idx.msk [tilespmem:v5+s10+$0x0], $0xffff  }
0xa2: {  	v36 =	vmul.bf16 v52, v36;
	v52 =	vadd.f32 v54, v62;
	v33 =	vld.idx.msk [tilespmem:v35+s16+$0x0], $0xffff  }
0xa3: {  	v30 =	vmul.bf16 v42, v30;
	v3 =	vadd.s32 v0, v3;
	v35 =	vmul.bf16 v40, v41;
	v25 =	vld.idx.msk [tilespmem:v25+s16+$0x0], $0xffff  }
0xa4: {  	v37 =	vadd.f32 v63, v37;
	v40 =	vunpack.i.l.bf16.f32 v36;
	v41 =	vld.idx.msk [tilespmem:v44+s17+$0x0], $0xffff  }
0xa5: {  	v50 =	vunpack.i.u.bf16.f32 v30;
	v42 =	vunpack.i.u.bf16.f32 v35;
	v47 =	vmul.bf16 v53, v47;
	v53 =	vld.idx.msk [tilespmem:v24+s2+$0x0], $0xffff  }
0xa6: {  	v30 =	vunpack.i.l.bf16.f32 v30;
	v38 =	vmul.bf16 v38, v39;
	v35 =	vunpack.i.l.bf16.f32 v35;
	v29 =	vld.idx.msk [tilespmem:v29+s16+$0x0], $0xffff  }
0xa7: {  	v39 =	vunpack.i.u.bf16.f32 v47;
	v47 =	vunpack.i.l.bf16.f32 v47;
	v26 =	vmul.bf16 v26, v56;
	v5 =	vld.idx.msk [tilespmem:v5+s17+$0x0], $0xffff  }
0xa8: {  	v22 =	vadd.f32 v50, v22;
	v28 =	vadd.f32 v42, v28;
	v42 =	vunpack.i.l.bf16.f32 v38;
	v54 =	vld [tilespmem:s25+$0xFFFFFFF0]  }
0xa9: {  	v23 =	vadd.f32 v30, v23;
	v51 =	vadd.f32 v42, v51;
	v30 =	vunpack.i.u.bf16.f32 v26;
	v50 =	vld [tilespmem:s26+$0xFFFFFFF0]  }
0xaa: {  	v55 =	vmul.bf16 v20, v25;
	v25 =	vunpack.i.l.bf16.f32 v26;
	v22 =	vadd.f32 v30, v22;
	v20 =	vld.idx.msk [tilespmem:v44+s10+$0x0], $0xffff  }
0xab: {  	v31 =	vadd.f32 v35, v31;
	v23 =	vadd.f32 v25, v23;
	v25 =	vld.idx.msk [tilespmem:v27+s10+$0x0], $0xffff;
	v27 =	vmul.bf16 v49, v33  }
0xac: {  	v6 =	vunpack.i.l.bf16.f32 v45;
	v34 =	vadd.f32 v39, v34;
	v62 =	vunpack.i.l.bf16.f32 v55;
	v39 =	vld.idx.msk [tilespmem:v58+s10+$0x0], $0xffff  }
0xad: {  	v33 =	vadd.f32 v40, v2;
	v5 =	vmul.bf16 v5, v29;
	v30 =	vperm.xlane v54, v10;
	v2 =	vld.idx.msk [tilespmem:v24+s16+$0x0], $0xffff  }
0xae: {  	v26 =	vunpack.i.u.bf16.f32 v36;
	v29 =	vperm.xlane v54, v16;
	v24 =	vperm.xlane v50, v10;
	v58 =	vld.idx.msk [tilespmem:v58+s17+$0x0], $0xffff  }
0xaf: {  	v32 =	vadd.f32 v26, v32;
	v35 =	vperm.xlane v54, v17;
	v36 =	vperm.xlane v54, v13  }
0xb0: {  	v20 =	vmul.bf16 v20, v53;
	v60 =	vadd.s32 v0, v24;
	v24 =	vperm.xlane v50, v13  }
0xb1: {  	v40 =	vperm.xlane v50, v17;
	v7 =	vadd.s32 v0, v36;
	v21 =	vmul.bf16 v25, v21;
	v26 =	vld [tilespmem:s25+$0x0]  }
0xb2: {  	v36 =	vunpack.i.l.bf16.f32 v20;
	v42 =	vadd.s32 v0, v24;
	v24 =	vperm.xlane v50, v16;
	v54 =	vld.idx.msk [tilespmem:v3+s16+$0x0], $0xffff  }
0xb3: {  	v63 =	vadd.s32 v0, v35;
	v53 =	vunpack.i.u.bf16.f32 v38;
	v40 =	vadd.s32 v0, v40;
	v3 =	vld.idx.msk [tilespmem:v3+s2+$0x0], $0xffff  }
0xb4: {  	v25 =	vadd.s32 v0, v30;
	v38 =	vadd.s32 v0, v24;
	v44 =	vld [tilespmem:s26+$0x0];
	v24 =	vunpack.i.u.bf16.f32 v20  }
0xb5: {  	v59 =	vunpack.i.u.bf16.f32 v55;
	v8 =	vunpack.i.u.bf16.f32 v27;
	v20 =	vld.idx.msk [tilespmem:v60+s17+$0x0], $0xffff;
	v37 =	vadd.f32 v24, v37  }
0xb6: {  	v49 =	vadd.f32 v36, v4;
	v9 =	vunpack.i.l.bf16.f32 v21;
	v30 =	vld.idx.msk [tilespmem:v7+s2+$0x0], $0xffff;
	v24 =	vperm.xlane v26, v10  }
0xb7: {  	v50 =	vadd.f32 v47, v1;
	v4 =	vperm.xlane v26, v13;
	v35 =	vperm.xlane v26, v16;
	v45 =	vld.idx.msk [tilespmem:v42+s17+$0x0], $0xffff  }
0xb8: {  	v47 =	vadd.s32 v0, v29;
	v1 =	vmul.bf16 v41, v2;
	v36 =	vld.idx.msk [tilespmem:v63+s16+$0x0], $0xffff;
	v24 =	vadd.s32 v0, v24  }
0xb9: {  	v2 =	vmul.bf16 v58, v54;
	v35 =	vadd.s32 v0, v35;
	v61 =	vmul.bf16 v39, v3;
	v56 =	vld.idx.msk [tilespmem:v25+s2+$0x0], $0xffff  }
0xba: {  	v54 =	vunpack.i.l.bf16.f32 v1;
	v29 =	vadd.s32 v0, v4;
	v58 =	vperm.xlane v44, v17;
	v41 =	vld.idx.msk [tilespmem:v63+s2+$0x0], $0xffff  }
.Ltmp5:
0xbb: {  	v4 =	vunpack.i.l.bf16.f32 v5;
	v3 =	vunpack.i.u.bf16.f32 v2;
	v63 =	vld.idx.msk [tilespmem:v60+s10+$0x0], $0xffff;
	v60 =	vunpack.i.l.bf16.f32 v27;
	(pc) =	sbr.rel @p1 .LBB2_8-.Ltmp5, $4  }
0xbc: {  	v32 =	vadd.f32 v3, v32;
	v3 =	vunpack.i.u.bf16.f32 v5;
	v55 =	vld.idx.msk [tilespmem:v7+s16+$0x0], $0xffff;
	v7 =	vperm.xlane v44, v16  }
0xbd: {  	v62 =	vadd.f32 v62, v52;
	v5 =	vperm.xlane v44, v13;
	v57 =	vadd.f32 v3, v57;
	v39 =	vld.idx.msk [tilespmem:v47+s2+$0x0], $0xffff  }
0xbe: {  	v48 =	vadd.f32 v6, v48;
	v2 =	vunpack.i.l.bf16.f32 v2;
	v3 =	vunpack.i.u.bf16.f32 v21;
	v52 =	vld.idx.msk [tilespmem:v40+s17+$0x0], $0xffff  }
0xbf: {  	v34 =	vadd.f32 v8, v34;
	v51 =	vadd.f32 v9, v51;
	v27 =	vadd.s32 v0, v7;
	v21 =	vld.idx.msk [tilespmem:v35+s2+$0x0], $0xffff  }
.LBB2_9:
0xc0: {  	_ = 	snop  }
0xc1: {  	v5 =	vadd.s32 v0, v5;
	v6 =	vadd.f32 @p0 v59, v46  }
0xc2: {  	v4 =	vadd.f32 @p0 v4, v48;
	v7 =	vmul.bf16 v63, v56;
	v8 =	vadd.f32 @p0 v53, v43  }
0xc3: {  	v1 =	vunpack.i.u.bf16.f32 @p0 v1;
	v59 =	vperm.xlane v44, v10;
	v43 =	vadd.s32 v0, v58  }
0xc4: {  	v9 =	vld.idx.msk [tilespmem:v42+s10+$0x0], $0xffff;
	v46 =	vunpack.i.l.bf16.f32 @p0 v61;
	v53 =	vunpack.i.u.bf16.f32 @p0 v61;
	v26 =	vperm.xlane v26, v17  }
0xc5: {  	v63 =	vld.idx.msk [tilespmem:v38+s17+$0x0], $0xffff;
	v2 =	vadd.f32 @p0 v2, v33;
	v45 =	vmul.bf16 v45, v55;
	v28 =	vadd.f32 @p0 v53, v28  }
0xc6: {  	v40 =	vld.idx.msk [tilespmem:v40+s10+$0x0], $0xffff;
	v31 =	vadd.f32 @p0 v46, v31;
	v56 =	vunpack.i.u.bf16.f32 v7;
	v7 =	vunpack.i.l.bf16.f32 v7  }
0xc7: {  	v47 =	vld.idx.msk [tilespmem:v47+s16+$0x0], $0xffff;
	v42 =	vadd.s32 v0, v59;
	v3 =	vadd.f32 @p0 v3, v8;
	v1 =	vadd.f32 @p0 v1, v6  }
0xc8: {  	v6 =	vld.idx.msk [tilespmem:v38+s10+$0x0], $0xffff;
	v38 =	vadd.f32 @p0 v60, v50;
	v26 =	vadd.s32 v0, v26;
	v2 =	vpsel p0, v2, v19  }
0xc9: {  	v25 =	vld.idx.msk [tilespmem:v25+s16+$0x0], $0xffff;
	v4 =	vpsel p0, v4, v19;
	v7 =	vadd.f32 v7, v49;
	v8 =	vunpack.i.u.bf16.f32 v45  }
0xca: {  	v58 =	vld.idx.msk [tilespmem:v29+s2+$0x0], $0xffff;
	v33 =	vmul.bf16 v52, v36;
	v36 =	vadd.f32 @p0 v54, v62;
	v28 =	vpsel p0, v28, v19  }
0xcb: {  	v35 =	vld.idx.msk [tilespmem:v35+s16+$0x0], $0xffff;
	v31 =	vpsel p0, v31, v19;
	v45 =	vunpack.i.l.bf16.f32 v45;
	v8 =	vadd.f32 v8, v57  }
0xcc: {  	v29 =	vld.idx.msk [tilespmem:v29+s16+$0x0], $0xffff;
	v1 =	vpsel p0, v1, v19;
	v4 =	vadd.f32 v45, v4;
	v3 =	vpsel p0, v3, v19  }
0xcd: {  	v59 =	vld.idx.msk [tilespmem:v5+s10+$0x0], $0xffff;
	v40 =	vmul.bf16 v40, v41;
	v9 =	vmul.bf16 v9, v30;
	v30 =	vadd.f32 v56, v37  }
0xce: {  	v37 =	vunpack.i.l.bf16.f32 v33;
	v60 =	vmul.bf16 v63, v47;
	v63 =	vld.idx.msk [tilespmem:v24+s2+$0x0], $0xffff;
	v20 =	vmul.bf16 v20, v25  }
0xcf: {  	v24 =	vld.idx.msk [tilespmem:v24+s16+$0x0], $0xffff;
	v36 =	vpsel p0, v36, v19;
	v2 =	vadd.f32 v37, v2;
	v61 =	vunpack.i.u.bf16.f32 v40  }
0xd0: {  	v62 =	vunpack.i.u.bf16.f32 v9;
	v40 =	vunpack.i.l.bf16.f32 v40;
	v9 =	vunpack.i.l.bf16.f32 v9;
	v56 =	vld.idx.msk [tilespmem:v42+s10+$0x0], $0xffff  }
0xd1: {  	v6 =	vmul.bf16 v6, v39;
	v39 =	vunpack.i.u.bf16.f32 v60;
	v42 =	vld.idx.msk [tilespmem:v42+s17+$0x0], $0xffff;
	v28 =	vadd.f32 v61, v28  }
0xd2: {  	v41 =	vunpack.i.l.bf16.f32 v60;
	v22 =	vadd.f32 v62, v22;
	v9 =	vadd.f32 v9, v23;
	v61 =	vld.idx.msk [tilespmem:v26+s2+$0x0], $0xffff  }
0xd3: {  	v31 =	vadd.f32 v40, v31;
	v62 =	vunpack.i.l.bf16.f32 v20;
	v26 =	vld.idx.msk [tilespmem:v26+s16+$0x0], $0xffff;
	v46 =	vmul.bf16 v59, v58  }
0xd4: {  	v20 =	vunpack.i.u.bf16.f32 v20;
	v57 =	vunpack.i.l.bf16.f32 v6;
	v36 =	vadd.f32 v62, v36;
	v59 =	vld.idx.msk [tilespmem:v43+s10+$0x0], $0xffff  }
0xd5: {  	v1 =	vadd.f32 v20, v1;
	v43 =	vld.idx.msk [tilespmem:v43+s17+$0x0], $0xffff;
	v25 =	vunpack.i.l.bf16.f32 v46;
	v60 =	vmul.bf16 v56, v63  }
0xd6: {  	s0 =	sshll.u32 s24, $0xA;
	v50 =	vld.idx.msk [tilespmem:v27+s17+$0x0], $0xffff;
	v58 =	vunpack.i.u.bf16.f32 v46;
	v24 =	vmul.bf16 v42, v24;
	v9 =	vadd.f32 v25, v9  }
0xd7: {  	s25 =	sand.u32 $0x3FFFFC00, s0;
	v5 =	vld.idx.msk [tilespmem:v5+s17+$0x0], $0xffff;
	v23 =	vadd.f32 v57, v51;
	v22 =	vadd.f32 v58, v22;
	v48 =	vunpack.i.l.bf16.f32 v60  }
0xd8: {  	v27 =	vld.idx.msk [tilespmem:v27+s10+$0x0], $0xffff;
	v40 =	vunpack.i.u.bf16.f32 v60;
	v42 =	vunpack.i.l.bf16.f32 v24;
	v7 =	vadd.f32 v48, v7;
	[tilespmem:s25+$0x11290] =	vst v9  }
0xd9: {  	v20 =	vunpack.i.u.bf16.f32 v24;
	v63 =	vmul.bf16 v59, v61;
	v24 =	vadd.f32 v42, v36;
	[tilespmem:s25+$0x112B0] =	vst v22  }
0xda: {  	v1 =	vadd.f32 v20, v1;
	v20 =	vunpack.i.u.bf16.f32 v33;
	[tilespmem:s25+$0x11210] =	vst v7;
	v7 =	vmul.bf16 v43, v26  }
0xdb: {  	v30 =	vadd.f32 v40, v30;
	v20 =	vadd.f32 v20, v32;
	v26 =	vunpack.i.l.bf16.f32 v63;
	[tilespmem:s25+$0x11220] =	vst v24  }
0xdc: {  	[tilespmem:s25+$0x11240] =	vst v1;
	v1 =	vmul.bf16 v5, v29;
	v26 =	vadd.f32 v26, v31;
	v24 =	vunpack.i.l.bf16.f32 v7  }
0xdd: {  	[tilespmem:s25+$0x11230] =	vst v30;
	v30 =	vunpack.i.u.bf16.f32 v63;
	v5 =	vunpack.i.u.bf16.f32 v7;
	v2 =	vadd.f32 v24, v2  }
0xde: {  	v7 =	vmul.bf16 v27, v21;
	v21 =	vunpack.i.l.bf16.f32 v1;
	[tilespmem:s25+$0x11250] =	vst v26;
	v5 =	vadd.f32 v5, v20  }
0xdf: {  	v28 =	vadd.f32 v30, v28;
	v1 =	vunpack.i.u.bf16.f32 v1;
	v4 =	vadd.f32 v21, v4;
	[tilespmem:s25+$0x11260] =	vst v2  }
0xe0: {  	v20 =	vmul.bf16 v50, v35;
	v1 =	vadd.f32 v1, v8;
	v2 =	vunpack.i.u.bf16.f32 v6;
	[tilespmem:s25+$0x11280] =	vst v5  }
0xe1: {  	v6 =	vunpack.i.l.bf16.f32 v7;
	v5 =	vpsel p0, v38, v19;
	[tilespmem:s25+$0x112A0] =	vst v4;
	v4 =	vadd.f32 v39, v34  }
0xe2: {  	[tilespmem:s25+$0x112C0] =	vst v1;
	v1 =	vunpack.i.u.bf16.f32 v20;
	v2 =	vadd.f32 v2, v3;
	v6 =	vadd.f32 v6, v23  }
0xe3: {  	[tilespmem:s25+$0x11270] =	vst v28;
	v3 =	vadd.f32 v41, v5;
	v5 =	vunpack.i.u.bf16.f32 v7;
	v1 =	vadd.f32 v1, v4  }
0xe4: {  	v7 =	vunpack.i.l.bf16.f32 v20;
	v2 =	vadd.f32 v5, v2;
	[tilespmem:s25+$0x112D0] =	vst v6  }
0xe5: {  	v3 =	vadd.f32 v7, v3;
	[tilespmem:s25+$0x11300] =	vst v1  }
0xe6: {  	[tilespmem:s25+$0x112F0] =	vst v2  }
0xe7: {  	s31 =	simm.s32 $0x11080;
	[tilespmem:s25+$0x112E0] =	vst v3  }
0xe8: {  	s1 =	simm.s32 $0x10EE0;
	v1 =	vld [tilespmem:s31+$0xFFFFFFF0]  }
0xe9: {  	v2 =	vld [tilespmem:s1+$0xFFFFFFF0];
	_ =	sdelay $0x2  }
0xea: {  	v13 =	vimm.s32 $0x4;
	v9 =	vld [tilespmem:s31+$0x0]  }
0xeb: {  	v16 =	vimm.s32 $0x6;
	v3 =	vperm.xlane v1, v13  }
0xec: {  	v4 =	vperm.xlane v2, v16  }
0xed: {  	v5 =	vperm.xlane v1, v16;
	v3 =	vadd.s32 v0, v3  }
0xee: {  	v6 =	vperm.xlane v2, v11;
	v4 =	vadd.s32 v0, v4  }
0xef: {  	s26 =	simm.s32 $0x10F00;
	v8 =	vld [tilespmem:s1+$0x0];
	v7 =	vperm.xlane v2, v13;
	v48 =	vperm.xlane v9, v11;
	v5 =	vadd.s32 v0, v5  }
0xf0: {  	s28 =	simm.s32 $0x110A0;
	v53 =	vld [tilespmem:s26+$0xFFFFFFF0];
	v6 =	vadd.s32 v0, v6  }
0xf1: {  	v7 =	vadd.s32 v0, v7;
	v33 =	vadd.s32 v0, v48;
	v48 =	vld [tilespmem:s28+$0x0]  }
0xf2: {  	v12 =	vimm.s32 $0x7;
	v20 =	vld.idx.msk [tilespmem:v3+s17+$0x0], $0xffff  }
0xf3: {  	v2 =	vperm.xlane v2, v12;
	v21 =	vld.idx.msk [tilespmem:v4+s2+$0x0], $0xffff  }
0xf4: {  	v22 =	vperm.xlane v1, v11;
	v23 =	vld.idx.msk [tilespmem:v5+s17+$0x0], $0xffff  }
0xf5: {  	v2 =	vadd.s32 v0, v2;
	v24 =	vld.idx.msk [tilespmem:v6+s16+$0x0], $0xffff  }
0xf6: {  	v25 =	vperm.xlane v8, v16;
	v22 =	vadd.s32 v0, v22;
	v26 =	vld.idx.msk [tilespmem:v7+s2+$0x0], $0xffff  }
0xf7: {  	v1 =	vperm.xlane v1, v12;
	v6 =	vld.idx.msk [tilespmem:v6+s2+$0x0], $0xffff  }
0xf8: {  	v25 =	vadd.s32 v0, v25;
	v3 =	vld.idx.msk [tilespmem:v3+s10+$0x0], $0xffff  }
0xf9: {  	v1 =	vadd.s32 v0, v1;
	v4 =	vld.idx.msk [tilespmem:v4+s16+$0x0], $0xffff  }
0xfa: {  	v27 =	vld.idx.msk [tilespmem:v2+s2+$0x0], $0xffff  }
0xfb: {  	v30 =	vperm.xlane v9, v16;
	v29 =	vld.idx.msk [tilespmem:v22+s17+$0x0], $0xffff  }
0xfc: {  	v5 =	vld.idx.msk [tilespmem:v5+s10+$0x0], $0xffff  }
0xfd: {  	v30 =	vadd.s32 v0, v30;
	v45 =	vld.idx.msk [tilespmem:v25+s2+$0x0], $0xffff  }
0xfe: {  	v47 =	vld.idx.msk [tilespmem:v1+s17+$0x0], $0xffff  }
0xff: {  	v28 =	vperm.xlane v9, v12;
	v31 =	vperm.xlane v8, v12;
	v22 =	vld.idx.msk [tilespmem:v22+s10+$0x0], $0xffff  }
0x100: {  	v46 =	vperm.xlane v8, v13;
	v9 =	vperm.xlane v9, v13;
	v2 =	vld.idx.msk [tilespmem:v2+s16+$0x0], $0xffff  }
0x101: {  	v8 =	vperm.xlane v8, v11;
	v41 =	vperm.xlane v53, v12;
	v1 =	vld.idx.msk [tilespmem:v1+s10+$0x0], $0xffff  }
0x102: {  	v55 =	vperm.xlane v53, v11;
	v34 =	vperm.xlane v53, v16;
	v51 =	vld.idx.msk [tilespmem:v30+s10+$0x0], $0xffff  }
0x103: {  	v28 =	vadd.s32 v0, v28;
	v31 =	vadd.s32 v0, v31;
	v9 =	vadd.s32 v0, v9;
	v7 =	vld.idx.msk [tilespmem:v7+s16+$0x0], $0xffff  }
0x104: {  	v8 =	vadd.s32 v0, v8;
	v36 =	vperm.xlane v48, v12;
	v3 =	vmul.bf16 v3, v26  }
0x105: {  	v57 =	vadd.s32 v0, v34;
	v4 =	vmul.bf16 v23, v4;
	v29 =	vmul.bf16 v29, v24  }
0x106: {  	v60 =	vadd.s32 v0, v55;
	v6 =	vmul.bf16 v22, v6;
	v5 =	vmul.bf16 v5, v21  }
0x107: {  	v37 =	vld [tilespmem:s28+$0xFFFFFFF0];
	v54 =	vadd.s32 v0, v41;
	v2 =	vmul.bf16 v47, v2;
	v1 =	vmul.bf16 v1, v27  }
0x108: {  	v50 =	vld.idx.msk [tilespmem:v28+s17+$0x0], $0xffff;
	v26 =	vadd.s32 v0, v46;
	v32 =	vmul.bf16 v51, v45;
	v7 =	vmul.bf16 v20, v7  }
0x109: {  	v25 =	vld.idx.msk [tilespmem:v25+s16+$0x0], $0xffff;
	v23 =	vunpack.i.u.bf16.f32 v3;
	v3 =	vunpack.i.l.bf16.f32 v3;
	v49 =	vunpack.i.u.bf16.f32 v4  }
0x10a: {  	v30 =	vld.idx.msk [tilespmem:v30+s17+$0x0], $0xffff;
	v52 =	vunpack.i.l.bf16.f32 v29;
	v21 =	vunpack.i.u.bf16.f32 v6;
	v6 =	vunpack.i.l.bf16.f32 v6  }
0x10b: {  	v28 =	vld.idx.msk [tilespmem:v28+s10+$0x0], $0xffff;
	v27 =	vunpack.i.u.bf16.f32 v2;
	v2 =	vunpack.i.l.bf16.f32 v2;
	v20 =	vunpack.i.l.bf16.f32 v32  }
0x10c: {  	v44 =	vld.idx.msk [tilespmem:v33+s10+$0x0], $0xffff;
	v62 =	vunpack.i.l.bf16.f32 v7;
	v56 =	vunpack.i.l.bf16.f32 v4;
	v4 =	vperm.xlane v53, v13  }
0x10d: {  	v24 =	vld.idx.msk [tilespmem:v31+s16+$0x0], $0xffff;
	v29 =	vunpack.i.u.bf16.f32 v29;
	v47 =	vunpack.i.u.bf16.f32 v1;
	v3 =	vadd.f32 v3, v19  }
0x10e: {  	v31 =	vld.idx.msk [tilespmem:v31+s2+$0x0], $0xffff;
	v35 =	vadd.f32 v49, v19;
	v40 =	vadd.f32 v23, v19;
	v23 =	vunpack.i.u.bf16.f32 v5  }
0x10f: {  	v45 =	vld.idx.msk [tilespmem:v8+s16+$0x0], $0xffff;
	v5 =	vunpack.i.l.bf16.f32 v5;
	v22 =	vadd.f32 v21, v19;
	v63 =	vadd.f32 v27, v19  }
0x110: {  	v8 =	vld.idx.msk [tilespmem:v8+s2+$0x0], $0xffff;
	v27 =	vmul.bf16 v30, v25;
	v25 =	vperm.xlane v37, v13;
	v46 =	vadd.f32 v29, v19  }
0x111: {  	v30 =	vld [tilespmem:s26+$0x0];
	v43 =	vadd.f32 v2, v19;
	v21 =	vadd.f32 v23, v19;
	v23 =	vunpack.i.l.bf16.f32 v1  }
0x112: {  	v5 =	vadd.f32 v5, v19;
	v42 =	vadd.f32 v23, v19;
	v23 =	vunpack.i.u.bf16.f32 v32;
	v39 =	vld.idx.msk [tilespmem:v26+s2+$0x0], $0xffff  }
0x113: {  	v29 =	vperm.xlane v37, v16;
	v21 =	vadd.f32 v23, v21;
	v23 =	vadd.f32 v6, v19;
	v6 =	vld.idx.msk [tilespmem:v9+s10+$0x0], $0xffff  }
0x114: {  	v1 =	vunpack.i.u.bf16.f32 v7;
	v26 =	vld.idx.msk [tilespmem:v26+s16+$0x0], $0xffff;
	v51 =	vadd.s32 v0, v25;
	v25 =	vperm.xlane v37, v11  }
0x115: {  	v28 =	vmul.bf16 v28, v31;
	v31 =	vadd.s32 v0, v4;
	v20 =	vadd.f32 v20, v5;
	v9 =	vld.idx.msk [tilespmem:v9+s17+$0x0], $0xffff  }
0x116: {  	v33 =	vld.idx.msk [tilespmem:v33+s17+$0x0], $0xffff;
	v5 =	vmul.bf16 v50, v24;
	v50 =	vadd.s32 v0, v29;
	v29 =	vperm.xlane v37, v12  }
0x117: {  	v2 =	vmul.bf16 v44, v8;
	v24 =	vadd.f32 v52, v19;
	v37 =	vadd.f32 v56, v19  }
0x118: {  	v34 =	vld.idx.msk [tilespmem:v57+s2+$0x0], $0xffff;
	v7 =	vunpack.i.l.bf16.f32 v28;
	v38 =	vadd.s32 v0, v29;
	v6 =	vmul.bf16 v6, v39  }
0x119: {  	v44 =	vld.idx.msk [tilespmem:v54+s2+$0x0], $0xffff;
	v61 =	vperm.xlane v30, v16;
	v55 =	vunpack.i.l.bf16.f32 v5;
	v42 =	vadd.f32 v7, v42  }
0x11a: {  	v39 =	vadd.s32 v0, v25;
	v25 =	vld.idx.msk [tilespmem:v51+s17+$0x0], $0xffff;
	v58 =	vmul.bf16 v9, v26;
	v59 =	vunpack.i.l.bf16.f32 v6  }
0x11b: {  	v53 =	vld.idx.msk [tilespmem:v50+s17+$0x0], $0xffff;
	v9 =	vmul.bf16 v33, v45;
	v52 =	vadd.f32 v59, v3;
	v3 =	vperm.xlane v30, v12  }
0x11c: {  	v45 =	vld.idx.msk [tilespmem:v60+s2+$0x0], $0xffff;
	v33 =	vadd.s32 v0, v61;
	v61 =	vunpack.i.l.bf16.f32 v27;
	v4 =	vunpack.i.u.bf16.f32 v6  }
0x11d: {  	v32 =	vadd.f32 v4, v40;
	v4 =	vperm.xlane v30, v13;
	v40 =	vld.idx.msk [tilespmem:v60+s16+$0x0], $0xffff;
	v41 =	vadd.s32 v0, v3  }
0x11e: {  	v6 =	vunpack.i.u.bf16.f32 v5;
	v49 =	vunpack.i.l.bf16.f32 v58;
	v8 =	vunpack.i.u.bf16.f32 v9;
	v60 =	vld.idx.msk [tilespmem:v51+s10+$0x0], $0xffff  }
0x11f: {  	v5 =	vunpack.i.u.bf16.f32 v27;
	v26 =	vadd.f32 v8, v46;
	v29 =	vadd.s32 v0, v4;
	v4 =	vld.idx.msk [tilespmem:v31+s2+$0x0], $0xffff  }
0x120: {  	v59 =	vld.idx.msk [tilespmem:v57+s16+$0x0], $0xffff;
	v51 =	vadd.f32 v62, v19;
	v62 =	vperm.xlane v48, v16;
	v46 =	vadd.f32 v5, v35  }
0x121: {  	v57 =	vunpack.i.l.bf16.f32 v9;
	v5 =	vunpack.i.u.bf16.f32 v28;
	v35 =	vadd.s32 v0, v36;
	v56 =	vld.idx.msk [tilespmem:v39+s17+$0x0], $0xffff  }
0x122: {  	s29 =	simm.s32 $0x2;
	v28 =	vadd.f32 v6, v63;
	v36 =	vimm.f32 $0.0e+00;
	v3 =	vperm.xlane v48, v11;
	v27 =	vld.idx.msk [tilespmem:v41+s2+$0x0], $0xffff  }
.LBB2_10:
0x123: {  	s29 =	sadd.s32 $0x2, s29;
	v6 =	vld.idx.msk [tilespmem:v50+s10+$0x0], $0xffff;
	v7 =	vadd.s32 v0, v62;
	s26 =	sadd.s32 $0x20, s26;
	s28 =	sadd.s32 $0x20, s28;
	v1 =	vadd.f32 v1, v19;
	v37 =	vadd.f32 v61, v37  }
0x124: {  	v4 =	vmul.bf16 v60, v4;
	v9 =	vadd.f32 v47, v36;
	v19 =	vunpack.i.u.bf16.f32 v58;
	p0 =	slt.u32 s29, $0x18;
	v8 =	vld.idx.msk [tilespmem:v33+s2+$0x0], $0xffff  }
0x125: {  	v36 =	vperm.xlane v48, v13;
	v3 =	vadd.s32 v0, v3;
	v48 =	vunpack.i.l.bf16.f32 v2;
	v47 =	vld.idx.msk [tilespmem:v38+s17+$0x0], $0xffff  }
0x126: {  	v2 =	vunpack.i.u.bf16.f32 v2;
	v50 =	vunpack.i.u.bf16.f32 v4;
	v4 =	vunpack.i.l.bf16.f32 v4;
	v39 =	vld.idx.msk [tilespmem:v39+s10+$0x0], $0xffff  }
0x127: {  	v2 =	vadd.f32 v2, v22;
	v4 =	vadd.f32 v4, v52;
	v52 =	vmul.bf16 v53, v59;
	v38 =	vld.idx.msk [tilespmem:v38+s10+$0x0], $0xffff  }
0x128: {  	v23 =	vadd.f32 v48, v23;
	v53 =	vadd.s32 v0, v36;
	v36 =	vadd.f32 v5, v9;
	v22 =	vld.idx.msk [tilespmem:v54+s16+$0x0], $0xffff  }
0x129: {  	v43 =	vadd.f32 v55, v43;
	v19 =	vadd.f32 v19, v1;
	v5 =	vunpack.i.u.bf16.f32 v52;
	v9 =	vld.idx.msk [tilespmem:v35+s17+$0x0], $0xffff  }
0x12a: {  	v24 =	vadd.f32 v57, v24;
	v1 =	vperm.xlane v30, v11;
	v46 =	vadd.f32 v5, v46;
	v5 =	vld.idx.msk [tilespmem:v7+s10+$0x0], $0xffff  }
0x12b: {  	v51 =	vadd.f32 v49, v51;
	v30 =	vmul.bf16 v56, v40;
	v40 =	vld.idx.msk [tilespmem:v41+s16+$0x0], $0xffff  }
0x12c: {  	v1 =	vadd.s32 v0, v1;
	v6 =	vmul.bf16 v6, v34;
	v39 =	vmul.bf16 v39, v45;
	v31 =	vld.idx.msk [tilespmem:v31+s16+$0x0], $0xffff  }
0x12d: {  	v32 =	vadd.f32 v50, v32;
	v34 =	vunpack.i.l.bf16.f32 v30;
	v41 =	vld.idx.msk [tilespmem:v53+s17+$0x0], $0xffff  }
0x12e: {  	v48 =	vunpack.i.u.bf16.f32 v6;
	v45 =	vunpack.i.u.bf16.f32 v39;
	v22 =	vmul.bf16 v47, v22;
	v47 =	vld.idx.msk [tilespmem:v29+s2+$0x0], $0xffff  }
0x12f: {  	v6 =	vunpack.i.l.bf16.f32 v6;
	v38 =	vmul.bf16 v38, v44;
	v39 =	vunpack.i.l.bf16.f32 v39;
	v33 =	vld.idx.msk [tilespmem:v33+s16+$0x0], $0xffff  }
0x130: {  	v44 =	vunpack.i.u.bf16.f32 v22;
	v49 =	vunpack.i.l.bf16.f32 v22;
	v5 =	vmul.bf16 v5, v8;
	v7 =	vld.idx.msk [tilespmem:v7+s17+$0x0], $0xffff  }
0x131: {  	v22 =	vadd.f32 v45, v2;
	v2 =	vadd.f32 v48, v21;
	v21 =	vunpack.i.l.bf16.f32 v38;
	v8 =	vld [tilespmem:s26+$0xFFFFFFF0]  }
0x132: {  	v6 =	vadd.f32 v6, v20;
	v42 =	vadd.f32 v21, v42;
	v20 =	vunpack.i.u.bf16.f32 v5;
	v45 =	vld [tilespmem:s28+$0xFFFFFFF0]  }
0x133: {  	v54 =	vmul.bf16 v25, v31;
	v5 =	vunpack.i.l.bf16.f32 v5;
	v21 =	vadd.f32 v20, v2;
	v25 =	vld.idx.msk [tilespmem:v53+s10+$0x0], $0xffff  }
0x134: {  	v23 =	vadd.f32 v39, v23;
	v20 =	vadd.f32 v5, v6;
	v5 =	vmul.bf16 v9, v40;
	v2 =	vld.idx.msk [tilespmem:v35+s10+$0x0], $0xffff  }
0x135: {  	v28 =	vadd.f32 v44, v28;
	v9 =	vunpack.i.l.bf16.f32 v52;
	v6 =	vunpack.i.l.bf16.f32 v54;
	v35 =	vld.idx.msk [tilespmem:v3+s10+$0x0], $0xffff  }
0x136: {  	v24 =	vadd.f32 v34, v24;
	v7 =	vmul.bf16 v7, v33;
	v31 =	vperm.xlane v8, v13;
	v44 =	vld.idx.msk [tilespmem:v29+s16+$0x0], $0xffff  }
0x137: {  	v30 =	vunpack.i.u.bf16.f32 v30;
	v33 =	vperm.xlane v8, v12;
	v29 =	vperm.xlane v45, v13;
	v3 =	vld.idx.msk [tilespmem:v3+s17+$0x0], $0xffff  }
0x138: {  	v26 =	vadd.f32 v30, v26;
	v34 =	vperm.xlane v8, v11;
	v8 =	vperm.xlane v8, v16  }
0x139: {  	v25 =	vmul.bf16 v25, v47;
	v55 =	vadd.s32 v0, v29;
	v29 =	vperm.xlane v45, v16  }
0x13a: {  	v39 =	vperm.xlane v45, v11;
	v8 =	vadd.s32 v0, v8;
	v27 =	vmul.bf16 v2, v27;
	v30 =	vld [tilespmem:s26+$0x0]  }
0x13b: {  	v2 =	vperm.xlane v45, v12;
	v50 =	vadd.s32 v0, v29;
	v29 =	vunpack.i.l.bf16.f32 v25;
	v45 =	vld.idx.msk [tilespmem:v1+s16+$0x0], $0xffff  }
0x13c: {  	v56 =	vadd.s32 v0, v34;
	v47 =	vunpack.i.u.bf16.f32 v38;
	v39 =	vadd.s32 v0, v39;
	v57 =	vld.idx.msk [tilespmem:v1+s2+$0x0], $0xffff  }
0x13d: {  	v31 =	vadd.s32 v0, v31;
	v38 =	vadd.s32 v0, v2;
	v2 =	vunpack.i.u.bf16.f32 v25;
	v48 =	vld [tilespmem:s28+$0x0]  }
0x13e: {  	v63 =	vunpack.i.u.bf16.f32 v5;
	v1 =	vunpack.i.u.bf16.f32 v54;
	v32 =	vadd.f32 v2, v32;
	v25 =	vld.idx.msk [tilespmem:v55+s17+$0x0], $0xffff  }
0x13f: {  	v10 =	vunpack.i.l.bf16.f32 v27;
	v52 =	vadd.f32 v29, v4;
	v34 =	vld.idx.msk [tilespmem:v8+s2+$0x0], $0xffff;
	v2 =	vperm.xlane v30, v13  }
0x140: {  	v43 =	vadd.f32 v49, v43;
	v59 =	vperm.xlane v30, v16;
	v60 =	vperm.xlane v30, v12;
	v53 =	vld.idx.msk [tilespmem:v50+s17+$0x0], $0xffff  }
0x141: {  	v58 =	vmul.bf16 v41, v44;
	v54 =	vadd.s32 v0, v33;
	v40 =	vld.idx.msk [tilespmem:v56+s16+$0x0], $0xffff;
	v29 =	vadd.s32 v0, v2  }
0x142: {  	v41 =	vadd.s32 v0, v60;
	v2 =	vmul.bf16 v35, v57;
	v35 =	vmul.bf16 v3, v45;
	v4 =	vld.idx.msk [tilespmem:v31+s2+$0x0], $0xffff  }
0x143: {  	v49 =	vunpack.i.l.bf16.f32 v58;
	v33 =	vadd.s32 v0, v59;
	v3 =	vperm.xlane v48, v11;
	v45 =	vld.idx.msk [tilespmem:v56+s2+$0x0], $0xffff  }
.Ltmp6:
0x144: {  	v61 =	vunpack.i.l.bf16.f32 v7;
	v44 =	vunpack.i.u.bf16.f32 v35;
	v60 =	vld.idx.msk [tilespmem:v55+s10+$0x0], $0xffff;
	v55 =	vunpack.i.l.bf16.f32 v5;
	(pc) =	sbr.rel @p0 .LBB2_10-.Ltmp6, $4  }
0x145: {  	v26 =	vadd.f32 v44, v26;
	v5 =	vunpack.i.u.bf16.f32 v7;
	v59 =	vld.idx.msk [tilespmem:v8+s16+$0x0], $0xffff;
	v8 =	vperm.xlane v48, v12  }
0x146: {  	v51 =	vadd.f32 v6, v51;
	v62 =	vperm.xlane v48, v16;
	v46 =	vadd.f32 v5, v46;
	v44 =	vld.idx.msk [tilespmem:v54+s2+$0x0], $0xffff  }
0x147: {  	v37 =	vadd.f32 v9, v37;
	v57 =	vunpack.i.l.bf16.f32 v35;
	v5 =	vunpack.i.u.bf16.f32 v27;
	v56 =	vld.idx.msk [tilespmem:v39+s17+$0x0], $0xffff  }
0x148: {  	v28 =	vadd.f32 v63, v28;
	v42 =	vadd.f32 v10, v42;
	v35 =	vadd.s32 v0, v8;
	v27 =	vld.idx.msk [tilespmem:v41+s2+$0x0], $0xffff  }
0x149: {  	_ =	sdelay $0x3  }
0x14a: {  	v6 =	vld.idx.msk [tilespmem:v50+s10+$0x0], $0xffff  }
0x14b: {  	v7 =	vadd.s32 v0, v62;
	v1 =	vadd.f32 v1, v19;
	v4 =	vmul.bf16 v60, v4;
	v8 =	vld.idx.msk [tilespmem:v33+s2+$0x0], $0xffff  }
0x14c: {  	v9 =	vadd.f32 v61, v37;
	v10 =	vadd.f32 v47, v36;
	v19 =	vunpack.i.u.bf16.f32 v58;
	v36 =	vld.idx.msk [tilespmem:v38+s17+$0x0], $0xffff  }
0x14d: {  	v61 =	vperm.xlane v48, v13;
	v3 =	vadd.s32 v0, v3;
	v39 =	vld.idx.msk [tilespmem:v39+s10+$0x0], $0xffff;
	v63 =	vunpack.i.l.bf16.f32 v2  }
0x14e: {  	v2 =	vunpack.i.u.bf16.f32 v2;
	v58 =	vld.idx.msk [tilespmem:v38+s10+$0x0], $0xffff;
	v30 =	vperm.xlane v30, v11;
	v24 =	vadd.f32 v57, v24  }
0x14f: {  	v31 =	vld.idx.msk [tilespmem:v31+s16+$0x0], $0xffff;
	v48 =	vadd.f32 v49, v51;
	v50 =	vmul.bf16 v53, v59;
	v2 =	vadd.f32 v2, v22  }
0x150: {  	v22 =	vld.idx.msk [tilespmem:v54+s16+$0x0], $0xffff;
	v23 =	vadd.f32 v63, v23;
	v62 =	vunpack.i.l.bf16.f32 v4;
	v37 =	vadd.s32 v0, v61  }
0x151: {  	v4 =	vunpack.i.u.bf16.f32 v4;
	v5 =	vadd.f32 v5, v10;
	v10 =	vld.idx.msk [tilespmem:v35+s17+$0x0], $0xffff;
	v1 =	vadd.f32 v19, v1  }
0x152: {  	v19 =	vadd.f32 v55, v43;
	v61 =	vld.idx.msk [tilespmem:v29+s2+$0x0], $0xffff;
	v30 =	vadd.s32 v0, v30;
	v47 =	vadd.f32 v62, v52  }
0x153: {  	v29 =	vld.idx.msk [tilespmem:v29+s16+$0x0], $0xffff;
	v59 =	vunpack.i.u.bf16.f32 v50;
	v40 =	vmul.bf16 v56, v40;
	v4 =	vadd.f32 v4, v32  }
0x154: {  	v46 =	vadd.f32 v59, v46;
	v39 =	vmul.bf16 v39, v45;
	v6 =	vmul.bf16 v6, v34;
	v34 =	vld.idx.msk [tilespmem:v41+s16+$0x0], $0xffff  }
0x155: {  	v41 =	vunpack.i.l.bf16.f32 v40;
	v38 =	vmul.bf16 v58, v44;
	v22 =	vmul.bf16 v36, v22;
	v62 =	vld.idx.msk [tilespmem:v37+s10+$0x0], $0xffff  }
0x156: {  	v60 =	vld.idx.msk [tilespmem:v7+s10+$0x0], $0xffff;
	v63 =	vunpack.i.u.bf16.f32 v39;
	v53 =	vunpack.i.u.bf16.f32 v6;
	v39 =	vunpack.i.l.bf16.f32 v39  }
0x157: {  	v52 =	vld.idx.msk [tilespmem:v37+s17+$0x0], $0xffff;
	v6 =	vunpack.i.l.bf16.f32 v6;
	v55 =	vunpack.i.l.bf16.f32 v38;
	v2 =	vadd.f32 v63, v2  }
0x158: {  	v56 =	vld.idx.msk [tilespmem:v3+s10+$0x0], $0xffff;
	v21 =	vadd.f32 v53, v21;
	v6 =	vadd.f32 v6, v20;
	v20 =	vmul.bf16 v25, v31  }
0x159: {  	v54 =	vunpack.i.u.bf16.f32 v22;
	v31 =	vld.idx.msk [tilespmem:v30+s2+$0x0], $0xffff;
	v57 =	vadd.f32 v55, v42;
	v23 =	vadd.f32 v39, v23  }
0x15a: {  	v3 =	vld.idx.msk [tilespmem:v3+s17+$0x0], $0xffff;
	v59 =	vunpack.i.l.bf16.f32 v20;
	v20 =	vunpack.i.u.bf16.f32 v20;
	v25 =	vmul.bf16 v62, v61  }
0x15b: {  	v7 =	vld.idx.msk [tilespmem:v7+s17+$0x0], $0xffff;
	v8 =	vmul.bf16 v60, v8;
	v1 =	vadd.f32 v20, v1;
	v20 =	vadd.f32 v41, v24  }
0x15c: {  	v30 =	vld.idx.msk [tilespmem:v30+s16+$0x0], $0xffff;
	v29 =	vmul.bf16 v52, v29;
	v60 =	vunpack.i.u.bf16.f32 v25;
	v25 =	vunpack.i.l.bf16.f32 v25  }
0x15d: {  	v41 =	vmul.bf16 v10, v34;
	v61 =	vld.idx.msk [tilespmem:v33+s16+$0x0], $0xffff;
	v62 =	vadd.f32 v59, v48;
	v25 =	vadd.f32 v25, v47  }
0x15e: {  	v31 =	vmul.bf16 v56, v31;
	v11 =	vunpack.i.l.bf16.f32 v29;
	v4 =	vadd.f32 v60, v4  }
0x15f: {  	v63 =	vld.idx.msk [tilespmem:v35+s10+$0x0], $0xffff;
	v58 =	vunpack.i.u.bf16.f32 v8;
	v24 =	vunpack.i.u.bf16.f32 v29;
	v29 =	vadd.f32 v11, v62;
	[tilespmem:s25+$0x11310] =	vst v25  }
0x160: {  	v8 =	vunpack.i.l.bf16.f32 v8;
	v1 =	vadd.f32 v24, v1;
	v24 =	vunpack.i.u.bf16.f32 v31;
	[tilespmem:s25+$0x11330] =	vst v4  }
0x161: {  	v3 =	vmul.bf16 v3, v30;
	v2 =	vadd.f32 v24, v2;
	v25 =	vunpack.i.l.bf16.f32 v31;
	[tilespmem:s25+$0x11320] =	vst v29  }
0x162: {  	v4 =	vunpack.i.u.bf16.f32 v40;
	[tilespmem:s25+$0x11340] =	vst v1;
	v1 =	vadd.f32 v58, v21;
	v7 =	vmul.bf16 v7, v61  }
0x163: {  	v23 =	vadd.f32 v25, v23;
	v4 =	vadd.f32 v4, v26;
	v25 =	vunpack.i.l.bf16.f32 v3;
	[tilespmem:s25+$0x11370] =	vst v2  }
0x164: {  	v42 =	vmul.bf16 v63, v27;
	v3 =	vunpack.i.u.bf16.f32 v3;
	v20 =	vadd.f32 v25, v20;
	[tilespmem:s25+$0x113B0] =	vst v1  }
0x165: {  	v21 =	vunpack.i.l.bf16.f32 v50;
	v43 =	vunpack.i.l.bf16.f32 v7;
	[tilespmem:s25+$0x11350] =	vst v23;
	v3 =	vadd.f32 v3, v4  }
0x166: {  	v7 =	vunpack.i.u.bf16.f32 v7;
	v4 =	vadd.f32 v8, v6;
	v6 =	vadd.f32 v21, v9;
	[tilespmem:s25+$0x11360] =	vst v20  }
0x167: {  	v2 =	vunpack.i.l.bf16.f32 v22;
	v7 =	vadd.f32 v7, v46;
	[tilespmem:s25+$0x11380] =	vst v3;
	v3 =	vunpack.i.u.bf16.f32 v38  }
0x168: {  	v6 =	vadd.f32 v43, v6;
	[tilespmem:s25+$0x11390] =	vst v4;
	v4 =	vunpack.i.l.bf16.f32 v42;
	v3 =	vadd.f32 v3, v5  }
0x169: {  	v1 =	vadd.f32 v2, v19;
	v2 =	vunpack.i.u.bf16.f32 v42;
	[tilespmem:s25+$0x113C0] =	vst v7;
	v4 =	vadd.f32 v4, v57  }
0x16a: {  	v5 =	vadd.f32 v54, v28;
	[tilespmem:s25+$0x113A0] =	vst v6;
	v6 =	vunpack.i.l.bf16.f32 v41;
	v2 =	vadd.f32 v2, v3  }
0x16b: {  	v3 =	vunpack.i.u.bf16.f32 v41;
	v1 =	vadd.f32 v6, v1;
	[tilespmem:s25+$0x113D0] =	vst v4  }
0x16c: {  	v3 =	vadd.f32 v3, v5;
	[tilespmem:s25+$0x113F0] =	vst v2  }
0x16d: {  	[tilespmem:s25+$0x113E0] =	vst v1  }
0x16e: {  	s0 =	simm.s32 $0x11080;
	[tilespmem:s25+$0x11400] =	vst v3  }
0x16f: {  	s1 =	simm.s32 $0x10EE0;
	v1 =	vld [tilespmem:s0+$0xFFFFFFF0]  }
0x170: {  	v2 =	vld [tilespmem:s1+$0xFFFFFFF0];
	_ =	sdelay $0x3  }
0x171: {  	v13 =	vimm.s32 $0xA;
	v3 =	vperm.xlane v1, v15  }
0x172: {  	v4 =	vperm.xlane v2, v13  }
0x173: {  	v12 =	vimm.s32 $0x9;
	v5 =	vperm.xlane v1, v13;
	v3 =	vadd.s32 v0, v3  }
0x174: {  	v6 =	vperm.xlane v2, v12;
	v4 =	vadd.s32 v0, v4  }
0x175: {  	v44 =	vld [tilespmem:s1+$0x0];
	v7 =	vperm.xlane v2, v15;
	v5 =	vadd.s32 v0, v5  }
0x176: {  	s28 =	simm.s32 $0x110A0;
	v45 =	vld [tilespmem:s0+$0x0];
	v6 =	vadd.s32 v0, v6  }
0x177: {  	v33 =	vld [tilespmem:s28+$0xFFFFFFF0];
	v7 =	vadd.s32 v0, v7  }
0x178: {  	v16 =	vimm.s32 $0xB;
	v46 =	vld.idx.msk [tilespmem:v3+s17+$0x0], $0xffff  }
0x179: {  	v2 =	vperm.xlane v2, v16;
	v19 =	vld.idx.msk [tilespmem:v4+s2+$0x0], $0xffff  }
0x17a: {  	v20 =	vperm.xlane v1, v12;
	v22 =	vld.idx.msk [tilespmem:v5+s17+$0x0], $0xffff  }
0x17b: {  	v2 =	vadd.s32 v0, v2;
	v23 =	vld.idx.msk [tilespmem:v6+s16+$0x0], $0xffff  }
0x17c: {  	v1 =	vperm.xlane v1, v16;
	v20 =	vadd.s32 v0, v20;
	v24 =	vld.idx.msk [tilespmem:v7+s2+$0x0], $0xffff  }
0x17d: {  	v6 =	vld.idx.msk [tilespmem:v6+s2+$0x0], $0xffff  }
0x17e: {  	v1 =	vadd.s32 v0, v1;
	v3 =	vld.idx.msk [tilespmem:v3+s10+$0x0], $0xffff  }
0x17f: {  	v4 =	vld.idx.msk [tilespmem:v4+s16+$0x0], $0xffff  }
0x180: {  	v26 =	vld.idx.msk [tilespmem:v2+s2+$0x0], $0xffff  }
0x181: {  	v21 =	vperm.xlane v44, v13;
	v27 =	vld.idx.msk [tilespmem:v20+s17+$0x0], $0xffff  }
0x182: {  	v29 =	vperm.xlane v44, v16;
	v5 =	vld.idx.msk [tilespmem:v5+s10+$0x0], $0xffff  }
0x183: {  	v28 =	vperm.xlane v45, v13;
	v25 =	vadd.s32 v0, v21;
	v48 =	vld.idx.msk [tilespmem:v1+s17+$0x0], $0xffff  }
0x184: {  	v47 =	vperm.xlane v44, v15;
	v21 =	vperm.xlane v45, v16;
	v29 =	vadd.s32 v0, v29;
	v20 =	vld.idx.msk [tilespmem:v20+s10+$0x0], $0xffff  }
0x185: {  	v49 =	vperm.xlane v45, v12;
	v9 =	vperm.xlane v45, v15;
	v2 =	vld.idx.msk [tilespmem:v2+s16+$0x0], $0xffff  }
0x186: {  	v8 =	vperm.xlane v44, v12;
	v58 =	vperm.xlane v33, v13;
	v30 =	vadd.s32 v0, v21;
	v1 =	vld.idx.msk [tilespmem:v1+s10+$0x0], $0xffff  }
0x187: {  	v59 =	vperm.xlane v33, v12;
	v28 =	vadd.s32 v0, v28;
	v32 =	vadd.s32 v0, v47;
	v7 =	vld.idx.msk [tilespmem:v7+s16+$0x0], $0xffff  }
0x188: {  	v34 =	vadd.s32 v0, v49;
	v9 =	vadd.s32 v0, v9;
	v31 =	vld.idx.msk [tilespmem:v25+s2+$0x0], $0xffff;
	v3 =	vmul.bf16 v3, v24  }
0x189: {  	v8 =	vadd.s32 v0, v8;
	v51 =	vld.idx.msk [tilespmem:v29+s16+$0x0], $0xffff;
	v4 =	vmul.bf16 v22, v4;
	v27 =	vmul.bf16 v27, v23  }
0x18a: {  	v39 =	vadd.s32 v0, v59;
	v29 =	vld.idx.msk [tilespmem:v29+s2+$0x0], $0xffff;
	v6 =	vmul.bf16 v20, v6;
	v5 =	vmul.bf16 v5, v19  }
0x18b: {  	v21 =	vimm.f32 $0.0e+00;
	v50 =	vld.idx.msk [tilespmem:v30+s17+$0x0], $0xffff;
	v2 =	vmul.bf16 v48, v2;
	v1 =	vmul.bf16 v1, v26  }
0x18c: {  	s26 =	simm.s32 $0x10F00;
	v37 =	vld.idx.msk [tilespmem:v30+s10+$0x0], $0xffff;
	v7 =	vmul.bf16 v46, v7;
	v22 =	vunpack.i.u.bf16.f32 v3;
	v3 =	vunpack.i.l.bf16.f32 v3  }
0x18d: {  	v30 =	vld [tilespmem:s26+$0x0];
	v24 =	vunpack.i.u.bf16.f32 v4;
	v52 =	vunpack.i.l.bf16.f32 v27;
	v19 =	vunpack.i.u.bf16.f32 v6  }
0x18e: {  	v25 =	vld.idx.msk [tilespmem:v25+s16+$0x0], $0xffff;
	v20 =	vunpack.i.u.bf16.f32 v5;
	v6 =	vunpack.i.l.bf16.f32 v6;
	v5 =	vunpack.i.l.bf16.f32 v5  }
0x18f: {  	v26 =	vunpack.i.u.bf16.f32 v2;
	v2 =	vunpack.i.l.bf16.f32 v2;
	v57 =	vadd.f32 v24, v21;
	v24 =	vld.idx.msk [tilespmem:v28+s10+$0x0], $0xffff  }
0x190: {  	v53 =	vld.idx.msk [tilespmem:v32+s2+$0x0], $0xffff;
	v35 =	vunpack.i.l.bf16.f32 v7;
	v56 =	vunpack.i.l.bf16.f32 v4;
	v27 =	vunpack.i.u.bf16.f32 v27  }
0x191: {  	v48 =	vld [tilespmem:s28+$0x0];
	v36 =	vmul.bf16 v37, v29;
	v47 =	vunpack.i.u.bf16.f32 v1;
	v3 =	vadd.f32 v3, v21  }
0x192: {  	v62 =	vperm.xlane v30, v13;
	v40 =	vadd.f32 v22, v21;
	v28 =	vld.idx.msk [tilespmem:v28+s17+$0x0], $0xffff;
	v22 =	vadd.f32 v19, v21  }
0x193: {  	v44 =	vld.idx.msk [tilespmem:v32+s16+$0x0], $0xffff;
	v19 =	vadd.f32 v20, v21;
	v20 =	vunpack.i.l.bf16.f32 v1;
	v5 =	vadd.f32 v5, v21  }
0x194: {  	v63 =	vadd.f32 v26, v21;
	v27 =	vadd.f32 v27, v21;
	v23 =	vmul.bf16 v24, v31;
	v31 =	vld [tilespmem:s26+$0xFFFFFFF0]  }
0x195: {  	v60 =	vld.idx.msk [tilespmem:v8+s16+$0x0], $0xffff;
	v1 =	vunpack.i.u.bf16.f32 v7;
	v43 =	vadd.f32 v2, v21;
	v42 =	vadd.f32 v20, v21  }
0x196: {  	v8 =	vld.idx.msk [tilespmem:v8+s2+$0x0], $0xffff;
	v37 =	vadd.f32 v56, v21;
	v7 =	vunpack.i.l.bf16.f32 v36;
	v10 =	vperm.xlane v48, v16  }
0x197: {  	v26 =	vld.idx.msk [tilespmem:v34+s10+$0x0], $0xffff;
	v42 =	vadd.f32 v7, v42;
	v28 =	vmul.bf16 v28, v25;
	v25 =	vperm.xlane v33, v15  }
0x198: {  	v20 =	vunpack.i.u.bf16.f32 v23;
	v24 =	vunpack.i.l.bf16.f32 v23;
	v23 =	vadd.f32 v6, v21;
	v6 =	vld.idx.msk [tilespmem:v9+s10+$0x0], $0xffff  }
0x199: {  	v45 =	vld.idx.msk [tilespmem:v34+s17+$0x0], $0xffff;
	v46 =	vadd.s32 v0, v25;
	v4 =	vperm.xlane v31, v15;
	v41 =	vperm.xlane v31, v16  }
0x19a: {  	v9 =	vld.idx.msk [tilespmem:v9+s17+$0x0], $0xffff;
	v20 =	vadd.f32 v20, v19;
	v55 =	vperm.xlane v31, v12;
	v31 =	vperm.xlane v31, v13  }
0x19b: {  	v19 =	vadd.f32 v24, v5;
	v5 =	vmul.bf16 v50, v51;
	v50 =	vadd.s32 v0, v58  }
0x19c: {  	v2 =	vmul.bf16 v26, v8;
	v25 =	vperm.xlane v33, v16;
	v51 =	vadd.s32 v0, v31  }
0x19d: {  	v56 =	vld.idx.msk [tilespmem:v39+s17+$0x0], $0xffff;
	v33 =	vadd.s32 v0, v62;
	v6 =	vmul.bf16 v6, v53;
	v61 =	vadd.s32 v0, v55  }
0x19e: {  	v24 =	vadd.f32 v52, v21;
	v38 =	vadd.s32 v0, v25;
	v31 =	vadd.s32 v0, v4;
	v25 =	vld.idx.msk [tilespmem:v46+s17+$0x0], $0xffff  }
0x19f: {  	v58 =	vmul.bf16 v9, v44;
	v9 =	vmul.bf16 v45, v60;
	v60 =	vld.idx.msk [tilespmem:v46+s10+$0x0], $0xffff;
	v29 =	vunpack.i.l.bf16.f32 v6  }
0x1a0: {  	v53 =	vld.idx.msk [tilespmem:v50+s17+$0x0], $0xffff;
	v4 =	vunpack.i.u.bf16.f32 v6;
	v52 =	vadd.f32 v29, v3;
	v3 =	vperm.xlane v30, v16  }
0x1a1: {  	v54 =	vadd.s32 v0, v41;
	v32 =	vadd.f32 v4, v40;
	v4 =	vperm.xlane v30, v15;
	v34 =	vld.idx.msk [tilespmem:v51+s2+$0x0], $0xffff  }
0x1a2: {  	v62 =	vperm.xlane v48, v13;
	v55 =	vunpack.i.l.bf16.f32 v5;
	v40 =	vld.idx.msk [tilespmem:v61+s16+$0x0], $0xffff;
	v41 =	vadd.s32 v0, v3  }
0x1a3: {  	v6 =	vunpack.i.u.bf16.f32 v5;
	v44 =	vunpack.i.u.bf16.f32 v9;
	v29 =	vadd.s32 v0, v4;
	v4 =	vld.idx.msk [tilespmem:v31+s2+$0x0], $0xffff  }
0x1a4: {  	v49 =	vunpack.i.l.bf16.f32 v58;
	v5 =	vunpack.i.u.bf16.f32 v28;
	v26 =	vadd.f32 v44, v27;
	v45 =	vld.idx.msk [tilespmem:v61+s2+$0x0], $0xffff  }
0x1a5: {  	v46 =	vadd.f32 v5, v57;
	v57 =	vunpack.i.l.bf16.f32 v9;
	v5 =	vunpack.i.u.bf16.f32 v36;
	v59 =	vld.idx.msk [tilespmem:v51+s16+$0x0], $0xffff  }
0x1a6: {  	v36 =	vimm.f32 $0.0e+00;
	v3 =	vperm.xlane v48, v12;
	v61 =	vunpack.i.l.bf16.f32 v28;
	v44 =	vld.idx.msk [tilespmem:v54+s2+$0x0], $0xffff  }
0x1a7: {  	s29 =	simm.s32 $0x2;
	v51 =	vadd.f32 v35, v21;
	v35 =	vadd.s32 v0, v10;
	v28 =	vadd.f32 v6, v63;
	v27 =	vld.idx.msk [tilespmem:v41+s2+$0x0], $0xffff  }
.LBB2_12:
0x1a8: {  	s29 =	sadd.s32 $0x2, s29;
	v6 =	vld.idx.msk [tilespmem:v50+s10+$0x0], $0xffff;
	v7 =	vadd.s32 v0, v62;
	s26 =	sadd.s32 $0x20, s26;
	s28 =	sadd.s32 $0x20, s28;
	v1 =	vadd.f32 v1, v21;
	v37 =	vadd.f32 v61, v37  }
0x1a9: {  	v4 =	vmul.bf16 v60, v4;
	v9 =	vadd.f32 v47, v36;
	v10 =	vunpack.i.u.bf16.f32 v58;
	p0 =	slt.u32 s29, $0x18;
	v8 =	vld.idx.msk [tilespmem:v33+s2+$0x0], $0xffff  }
0x1aa: {  	v21 =	vperm.xlane v48, v15;
	v3 =	vadd.s32 v0, v3;
	v36 =	vunpack.i.l.bf16.f32 v2;
	v47 =	vld.idx.msk [tilespmem:v38+s17+$0x0], $0xffff  }
0x1ab: {  	v2 =	vunpack.i.u.bf16.f32 v2;
	v48 =	vunpack.i.u.bf16.f32 v4;
	v4 =	vunpack.i.l.bf16.f32 v4;
	v39 =	vld.idx.msk [tilespmem:v39+s10+$0x0], $0xffff  }
0x1ac: {  	v50 =	vmul.bf16 v53, v59;
	v2 =	vadd.f32 v2, v22;
	v4 =	vadd.f32 v4, v52;
	v38 =	vld.idx.msk [tilespmem:v38+s10+$0x0], $0xffff  }
0x1ad: {  	v23 =	vadd.f32 v36, v23;
	v36 =	vadd.f32 v5, v9;
	v52 =	vadd.s32 v0, v21;
	v22 =	vld.idx.msk [tilespmem:v54+s16+$0x0], $0xffff  }
0x1ae: {  	v5 =	vunpack.i.u.bf16.f32 v50;
	v21 =	vadd.f32 v10, v1;
	v10 =	vadd.f32 v55, v43;
	v9 =	vld.idx.msk [tilespmem:v35+s17+$0x0], $0xffff  }
0x1af: {  	v24 =	vadd.f32 v57, v24;
	v1 =	vperm.xlane v30, v12;
	v46 =	vadd.f32 v5, v46;
	v5 =	vld.idx.msk [tilespmem:v7+s10+$0x0], $0xffff  }
0x1b0: {  	v51 =	vadd.f32 v49, v51;
	v30 =	vmul.bf16 v56, v40;
	v40 =	vld.idx.msk [tilespmem:v41+s16+$0x0], $0xffff  }
0x1b1: {  	v6 =	vmul.bf16 v6, v34;
	v1 =	vadd.s32 v0, v1;
	v39 =	vmul.bf16 v39, v45;
	v31 =	vld.idx.msk [tilespmem:v31+s16+$0x0], $0xffff  }
0x1b2: {  	v32 =	vadd.f32 v48, v32;
	v34 =	vunpack.i.l.bf16.f32 v30;
	v41 =	vld.idx.msk [tilespmem:v52+s17+$0x0], $0xffff  }
0x1b3: {  	v45 =	vunpack.i.u.bf16.f32 v6;
	v43 =	vunpack.i.u.bf16.f32 v39;
	v22 =	vmul.bf16 v47, v22;
	v47 =	vld.idx.msk [tilespmem:v29+s2+$0x0], $0xffff  }
0x1b4: {  	v6 =	vunpack.i.l.bf16.f32 v6;
	v38 =	vmul.bf16 v38, v44;
	v39 =	vunpack.i.l.bf16.f32 v39;
	v33 =	vld.idx.msk [tilespmem:v33+s16+$0x0], $0xffff  }
0x1b5: {  	v44 =	vunpack.i.u.bf16.f32 v22;
	v49 =	vunpack.i.l.bf16.f32 v22;
	v5 =	vmul.bf16 v5, v8;
	v7 =	vld.idx.msk [tilespmem:v7+s17+$0x0], $0xffff  }
0x1b6: {  	v22 =	vadd.f32 v43, v2;
	v2 =	vadd.f32 v45, v20;
	v20 =	vunpack.i.l.bf16.f32 v38;
	v8 =	vld [tilespmem:s26+$0xFFFFFFF0]  }
0x1b7: {  	v6 =	vadd.f32 v6, v19;
	v42 =	vadd.f32 v20, v42;
	v19 =	vunpack.i.u.bf16.f32 v5;
	v43 =	vld [tilespmem:s28+$0xFFFFFFF0]  }
0x1b8: {  	v45 =	vmul.bf16 v25, v31;
	v5 =	vunpack.i.l.bf16.f32 v5;
	v20 =	vadd.f32 v19, v2;
	v25 =	vld.idx.msk [tilespmem:v52+s10+$0x0], $0xffff  }
0x1b9: {  	v23 =	vadd.f32 v39, v23;
	v19 =	vadd.f32 v5, v6;
	v5 =	vmul.bf16 v9, v40;
	v2 =	vld.idx.msk [tilespmem:v35+s10+$0x0], $0xffff  }
0x1ba: {  	v28 =	vadd.f32 v44, v28;
	v9 =	vunpack.i.l.bf16.f32 v50;
	v6 =	vunpack.i.l.bf16.f32 v45;
	v35 =	vld.idx.msk [tilespmem:v3+s10+$0x0], $0xffff  }
0x1bb: {  	v24 =	vadd.f32 v34, v24;
	v7 =	vmul.bf16 v7, v33;
	v31 =	vperm.xlane v8, v15;
	v44 =	vld.idx.msk [tilespmem:v29+s16+$0x0], $0xffff  }
0x1bc: {  	v30 =	vunpack.i.u.bf16.f32 v30;
	v33 =	vperm.xlane v8, v16;
	v29 =	vperm.xlane v43, v15;
	v3 =	vld.idx.msk [tilespmem:v3+s17+$0x0], $0xffff  }
0x1bd: {  	v26 =	vadd.f32 v30, v26;
	v34 =	vperm.xlane v8, v12;
	v8 =	vperm.xlane v8, v13  }
0x1be: {  	v25 =	vmul.bf16 v25, v47;
	v55 =	vadd.s32 v0, v29;
	v29 =	vperm.xlane v43, v13  }
0x1bf: {  	v39 =	vperm.xlane v43, v12;
	v8 =	vadd.s32 v0, v8;
	v27 =	vmul.bf16 v2, v27;
	v30 =	vld [tilespmem:s26+$0x0]  }
0x1c0: {  	v2 =	vperm.xlane v43, v16;
	v50 =	vadd.s32 v0, v29;
	v29 =	vunpack.i.l.bf16.f32 v25;
	v56 =	vld.idx.msk [tilespmem:v1+s16+$0x0], $0xffff  }
0x1c1: {  	v57 =	vadd.s32 v0, v34;
	v47 =	vunpack.i.u.bf16.f32 v38;
	v39 =	vadd.s32 v0, v39;
	v59 =	vld.idx.msk [tilespmem:v1+s2+$0x0], $0xffff  }
0x1c2: {  	v31 =	vadd.s32 v0, v31;
	v38 =	vadd.s32 v0, v2;
	v2 =	vunpack.i.u.bf16.f32 v25;
	v48 =	vld [tilespmem:s28+$0x0]  }
0x1c3: {  	v63 =	vunpack.i.u.bf16.f32 v5;
	v1 =	vunpack.i.u.bf16.f32 v45;
	v32 =	vadd.f32 v2, v32;
	v25 =	vld.idx.msk [tilespmem:v55+s17+$0x0], $0xffff  }
0x1c4: {  	v11 =	vunpack.i.l.bf16.f32 v27;
	v52 =	vadd.f32 v29, v4;
	v34 =	vld.idx.msk [tilespmem:v8+s2+$0x0], $0xffff;
	v2 =	vperm.xlane v30, v15  }
0x1c5: {  	v43 =	vadd.f32 v49, v10;
	v60 =	vperm.xlane v30, v13;
	v45 =	vperm.xlane v30, v16;
	v53 =	vld.idx.msk [tilespmem:v50+s17+$0x0], $0xffff  }
0x1c6: {  	v54 =	vadd.s32 v0, v33;
	v58 =	vmul.bf16 v41, v44;
	v40 =	vld.idx.msk [tilespmem:v57+s16+$0x0], $0xffff;
	v29 =	vadd.s32 v0, v2  }
0x1c7: {  	v10 =	vmul.bf16 v3, v56;
	v41 =	vadd.s32 v0, v45;
	v2 =	vmul.bf16 v35, v59;
	v4 =	vld.idx.msk [tilespmem:v31+s2+$0x0], $0xffff  }
0x1c8: {  	v49 =	vunpack.i.l.bf16.f32 v58;
	v33 =	vadd.s32 v0, v60;
	v3 =	vperm.xlane v48, v12;
	v45 =	vld.idx.msk [tilespmem:v57+s2+$0x0], $0xffff  }
.Ltmp7:
0x1c9: {  	v61 =	vunpack.i.l.bf16.f32 v7;
	v35 =	vunpack.i.u.bf16.f32 v10;
	v60 =	vld.idx.msk [tilespmem:v55+s10+$0x0], $0xffff;
	v55 =	vunpack.i.l.bf16.f32 v5;
	(pc) =	sbr.rel @p0 .LBB2_12-.Ltmp7, $4  }
0x1ca: {  	v26 =	vadd.f32 v35, v26;
	v5 =	vunpack.i.u.bf16.f32 v7;
	v59 =	vld.idx.msk [tilespmem:v8+s16+$0x0], $0xffff;
	v8 =	vperm.xlane v48, v16  }
0x1cb: {  	v51 =	vadd.f32 v6, v51;
	v62 =	vperm.xlane v48, v13;
	v46 =	vadd.f32 v5, v46;
	v44 =	vld.idx.msk [tilespmem:v54+s2+$0x0], $0xffff  }
0x1cc: {  	v37 =	vadd.f32 v9, v37;
	v57 =	vunpack.i.l.bf16.f32 v10;
	v5 =	vunpack.i.u.bf16.f32 v27;
	v56 =	vld.idx.msk [tilespmem:v39+s17+$0x0], $0xffff  }
0x1cd: {  	v28 =	vadd.f32 v63, v28;
	v42 =	vadd.f32 v11, v42;
	v35 =	vadd.s32 v0, v8;
	v27 =	vld.idx.msk [tilespmem:v41+s2+$0x0], $0xffff  }
0x1ce: {  	_ =	sdelay $0x3  }
0x1cf: {  	v6 =	vld.idx.msk [tilespmem:v50+s10+$0x0], $0xffff  }
0x1d0: {  	v8 =	vld.idx.msk [tilespmem:v33+s2+$0x0], $0xffff  }
0x1d1: {  	v7 =	vadd.s32 v0, v62;
	v1 =	vadd.f32 v1, v21;
	v4 =	vmul.bf16 v60, v4;
	v21 =	vld.idx.msk [tilespmem:v38+s17+$0x0], $0xffff  }
0x1d2: {  	v9 =	vadd.f32 v61, v37;
	v10 =	vadd.f32 v47, v36;
	v11 =	vunpack.i.u.bf16.f32 v58;
	v39 =	vld.idx.msk [tilespmem:v39+s10+$0x0], $0xffff  }
0x1d3: {  	v61 =	vperm.xlane v48, v15;
	v3 =	vadd.s32 v0, v3;
	v63 =	vunpack.i.l.bf16.f32 v2;
	v31 =	vld.idx.msk [tilespmem:v31+s16+$0x0], $0xffff  }
0x1d4: {  	v2 =	vunpack.i.u.bf16.f32 v2;
	v30 =	vperm.xlane v30, v12;
	v24 =	vadd.f32 v57, v24;
	v57 =	vld.idx.msk [tilespmem:v29+s2+$0x0], $0xffff  }
0x1d5: {  	v29 =	vld.idx.msk [tilespmem:v29+s16+$0x0], $0xffff;
	v48 =	vmul.bf16 v53, v59;
	v2 =	vadd.f32 v2, v22;
	v23 =	vadd.f32 v63, v23  }
0x1d6: {  	v22 =	vld.idx.msk [tilespmem:v54+s16+$0x0], $0xffff;
	v62 =	vunpack.i.l.bf16.f32 v4;
	v36 =	vadd.s32 v0, v61;
	v5 =	vadd.f32 v5, v10  }
0x1d7: {  	v59 =	vld.idx.msk [tilespmem:v41+s16+$0x0], $0xffff;
	v4 =	vunpack.i.u.bf16.f32 v4;
	v1 =	vadd.f32 v11, v1;
	v11 =	vadd.f32 v55, v43  }
0x1d8: {  	v30 =	vadd.s32 v0, v30;
	v37 =	vadd.f32 v62, v52;
	v52 =	vld.idx.msk [tilespmem:v38+s10+$0x0], $0xffff;
	v54 =	vunpack.i.u.bf16.f32 v48  }
0x1d9: {  	v10 =	vld.idx.msk [tilespmem:v35+s17+$0x0], $0xffff;
	v40 =	vmul.bf16 v56, v40;
	v56 =	vadd.f32 v49, v51;
	v39 =	vmul.bf16 v39, v45  }
0x1da: {  	v4 =	vadd.f32 v4, v32;
	v46 =	vadd.f32 v54, v46;
	v55 =	vld.idx.msk [tilespmem:v7+s10+$0x0], $0xffff;
	v6 =	vmul.bf16 v6, v34  }
0x1db: {  	v60 =	vunpack.i.l.bf16.f32 v40;
	v21 =	vmul.bf16 v21, v22;
	v58 =	vld.idx.msk [tilespmem:v36+s10+$0x0], $0xffff;
	v61 =	vunpack.i.u.bf16.f32 v39  }
0x1dc: {  	v50 =	vld.idx.msk [tilespmem:v3+s10+$0x0], $0xffff;
	v62 =	vunpack.i.u.bf16.f32 v6;
	v39 =	vunpack.i.l.bf16.f32 v39;
	v6 =	vunpack.i.l.bf16.f32 v6  }
0x1dd: {  	v22 =	vld.idx.msk [tilespmem:v36+s17+$0x0], $0xffff;
	v38 =	vmul.bf16 v52, v44;
	v6 =	vadd.f32 v6, v19;
	v19 =	vmul.bf16 v25, v31  }
0x1de: {  	v3 =	vld.idx.msk [tilespmem:v3+s17+$0x0], $0xffff;
	v63 =	vunpack.i.u.bf16.f32 v21;
	v2 =	vadd.f32 v61, v2;
	v20 =	vadd.f32 v62, v20  }
0x1df: {  	v31 =	vld.idx.msk [tilespmem:v30+s2+$0x0], $0xffff;
	v23 =	vadd.f32 v39, v23;
	v49 =	vunpack.i.l.bf16.f32 v38;
	v53 =	vunpack.i.l.bf16.f32 v19  }
0x1e0: {  	v7 =	vld.idx.msk [tilespmem:v7+s17+$0x0], $0xffff;
	v19 =	vunpack.i.u.bf16.f32 v19;
	v51 =	vadd.f32 v49, v42;
	v25 =	vmul.bf16 v58, v57  }
0x1e1: {  	v30 =	vld.idx.msk [tilespmem:v30+s16+$0x0], $0xffff;
	v8 =	vmul.bf16 v55, v8;
	v1 =	vadd.f32 v19, v1;
	v19 =	vadd.f32 v60, v24  }
0x1e2: {  	v55 =	vld.idx.msk [tilespmem:v33+s16+$0x0], $0xffff;
	v22 =	vmul.bf16 v22, v29;
	v54 =	vunpack.i.u.bf16.f32 v25;
	v25 =	vunpack.i.l.bf16.f32 v25  }
0x1e3: {  	v52 =	vunpack.i.u.bf16.f32 v8;
	v29 =	vadd.f32 v53, v56;
	v25 =	vadd.f32 v25, v37  }
0x1e4: {  	v31 =	vmul.bf16 v50, v31;
	v57 =	vunpack.i.l.bf16.f32 v22;
	v4 =	vadd.f32 v54, v4  }
0x1e5: {  	v8 =	vunpack.i.l.bf16.f32 v8;
	v56 =	vld.idx.msk [tilespmem:v35+s10+$0x0], $0xffff;
	v22 =	vunpack.i.u.bf16.f32 v22;
	v24 =	vadd.f32 v57, v29;
	[tilespmem:s25+$0x11410] =	vst v25  }
0x1e6: {  	v58 =	vmul.bf16 v10, v59;
	v1 =	vadd.f32 v22, v1;
	v22 =	vunpack.i.u.bf16.f32 v31;
	[tilespmem:s25+$0x11430] =	vst v4  }
0x1e7: {  	v3 =	vmul.bf16 v3, v30;
	v7 =	vmul.bf16 v7, v55;
	v2 =	vadd.f32 v22, v2;
	[tilespmem:s25+$0x11420] =	vst v24  }
0x1e8: {  	v25 =	vunpack.i.l.bf16.f32 v31;
	v4 =	vunpack.i.u.bf16.f32 v40;
	[tilespmem:s25+$0x11440] =	vst v1;
	v1 =	vadd.f32 v52, v20  }
0x1e9: {  	v24 =	vunpack.i.l.bf16.f32 v3;
	v23 =	vadd.f32 v25, v23;
	v4 =	vadd.f32 v4, v26;
	[tilespmem:s25+$0x11470] =	vst v2  }
0x1ea: {  	v3 =	vunpack.i.u.bf16.f32 v3;
	v20 =	vunpack.i.l.bf16.f32 v48;
	v19 =	vadd.f32 v24, v19;
	[tilespmem:s25+$0x114B0] =	vst v1  }
0x1eb: {  	v59 =	vmul.bf16 v56, v27;
	v60 =	vunpack.i.l.bf16.f32 v7;
	[tilespmem:s25+$0x11450] =	vst v23;
	v3 =	vadd.f32 v3, v4  }
0x1ec: {  	v7 =	vunpack.i.u.bf16.f32 v7;
	v4 =	vadd.f32 v8, v6;
	v6 =	vadd.f32 v20, v9;
	[tilespmem:s25+$0x11460] =	vst v19  }
0x1ed: {  	v2 =	vunpack.i.l.bf16.f32 v21;
	v7 =	vadd.f32 v7, v46;
	[tilespmem:s25+$0x11480] =	vst v3;
	v3 =	vunpack.i.u.bf16.f32 v38  }
0x1ee: {  	v6 =	vadd.f32 v60, v6;
	[tilespmem:s25+$0x11490] =	vst v4;
	v4 =	vunpack.i.l.bf16.f32 v59;
	v3 =	vadd.f32 v3, v5  }
0x1ef: {  	v1 =	vadd.f32 v2, v11;
	v2 =	vunpack.i.u.bf16.f32 v59;
	[tilespmem:s25+$0x114C0] =	vst v7;
	v4 =	vadd.f32 v4, v51  }
0x1f0: {  	v5 =	vadd.f32 v63, v28;
	[tilespmem:s25+$0x114A0] =	vst v6;
	v6 =	vunpack.i.l.bf16.f32 v58;
	v2 =	vadd.f32 v2, v3  }
0x1f1: {  	v3 =	vunpack.i.u.bf16.f32 v58;
	v1 =	vadd.f32 v6, v1;
	[tilespmem:s25+$0x114D0] =	vst v4  }
0x1f2: {  	v3 =	vadd.f32 v3, v5;
	[tilespmem:s25+$0x114F0] =	vst v2  }
0x1f3: {  	[tilespmem:s25+$0x114E0] =	vst v1  }
0x1f4: {  	s0 =	simm.s32 $0x11080;
	[tilespmem:s25+$0x11500] =	vst v3  }
0x1f5: {  	s1 =	simm.s32 $0x10EE0;
	v1 =	vld [tilespmem:s0+$0xFFFFFFF0]  }
0x1f6: {  	v2 =	vld [tilespmem:s1+$0xFFFFFFF0];
	_ =	sdelay $0x2  }
0x1f7: {  	v13 =	vimm.s32 $0xC  }
0x1f8: {  	v3 =	vperm.xlane v1, v13  }
0x1f9: {  	v4 =	vperm.xlane v2, v18  }
0x1fa: {  	v16 =	vimm.s32 $0xD;
	v5 =	vperm.xlane v1, v18;
	v3 =	vadd.s32 v0, v3  }
0x1fb: {  	v6 =	vperm.xlane v2, v16;
	v4 =	vadd.s32 v0, v4  }
0x1fc: {  	v61 =	vld [tilespmem:s1+$0x0];
	v7 =	vperm.xlane v2, v13;
	v5 =	vadd.s32 v0, v5  }
0x1fd: {  	s28 =	simm.s32 $0x110A0;
	v62 =	vld [tilespmem:s0+$0x0];
	v6 =	vadd.s32 v0, v6  }
0x1fe: {  	v52 =	vld [tilespmem:s28+$0xFFFFFFF0];
	v7 =	vadd.s32 v0, v7  }
0x1ff: {  	v63 =	vld.idx.msk [tilespmem:v3+s17+$0x0], $0xffff  }
0x200: {  	v2 =	vperm.xlane v2, v14;
	v45 =	vld.idx.msk [tilespmem:v4+s2+$0x0], $0xffff  }
0x201: {  	v19 =	vperm.xlane v1, v16;
	v20 =	vld.idx.msk [tilespmem:v5+s17+$0x0], $0xffff  }
0x202: {  	v2 =	vadd.s32 v0, v2;
	v22 =	vld.idx.msk [tilespmem:v6+s16+$0x0], $0xffff  }
0x203: {  	v1 =	vperm.xlane v1, v14;
	v19 =	vadd.s32 v0, v19;
	v23 =	vld.idx.msk [tilespmem:v7+s2+$0x0], $0xffff  }
0x204: {  	v6 =	vld.idx.msk [tilespmem:v6+s2+$0x0], $0xffff  }
0x205: {  	v1 =	vadd.s32 v0, v1;
	v3 =	vld.idx.msk [tilespmem:v3+s10+$0x0], $0xffff  }
0x206: {  	v4 =	vld.idx.msk [tilespmem:v4+s16+$0x0], $0xffff  }
0x207: {  	v28 =	vperm.xlane v61, v14;
	v25 =	vld.idx.msk [tilespmem:v2+s2+$0x0], $0xffff  }
0x208: {  	v26 =	vld.idx.msk [tilespmem:v19+s17+$0x0], $0xffff  }
0x209: {  	v31 =	vperm.xlane v61, v13;
	v28 =	vadd.s32 v0, v28;
	v5 =	vld.idx.msk [tilespmem:v5+s10+$0x0], $0xffff  }
0x20a: {  	v21 =	vperm.xlane v61, v18;
	v46 =	vld.idx.msk [tilespmem:v1+s17+$0x0], $0xffff  }
0x20b: {  	v31 =	vadd.s32 v0, v31;
	v19 =	vld.idx.msk [tilespmem:v19+s10+$0x0], $0xffff  }
0x20c: {  	v24 =	vadd.s32 v0, v21;
	v21 =	vperm.xlane v62, v14;
	v2 =	vld.idx.msk [tilespmem:v2+s16+$0x0], $0xffff  }
0x20d: {  	v1 =	vld.idx.msk [tilespmem:v1+s10+$0x0], $0xffff  }
0x20e: {  	v27 =	vperm.xlane v62, v18;
	v47 =	vperm.xlane v62, v16;
	v29 =	vadd.s32 v0, v21;
	v49 =	vld.idx.msk [tilespmem:v28+s16+$0x0], $0xffff  }
0x20f: {  	v9 =	vperm.xlane v62, v13;
	v8 =	vperm.xlane v61, v16;
	v7 =	vld.idx.msk [tilespmem:v7+s16+$0x0], $0xffff  }
0x210: {  	v59 =	vperm.xlane v52, v16;
	v27 =	vadd.s32 v0, v27;
	v33 =	vadd.s32 v0, v47;
	v53 =	vld.idx.msk [tilespmem:v31+s2+$0x0], $0xffff  }
0x211: {  	v9 =	vadd.s32 v0, v9;
	v58 =	vld.idx.msk [tilespmem:v31+s16+$0x0], $0xffff;
	v31 =	vperm.xlane v52, v18;
	v3 =	vmul.bf16 v3, v23  }
0x212: {  	v8 =	vadd.s32 v0, v8;
	v28 =	vld.idx.msk [tilespmem:v28+s2+$0x0], $0xffff;
	v4 =	vmul.bf16 v20, v4;
	v26 =	vmul.bf16 v26, v22  }
0x213: {  	v39 =	vadd.s32 v0, v59;
	v48 =	vld.idx.msk [tilespmem:v29+s17+$0x0], $0xffff;
	v6 =	vmul.bf16 v19, v6;
	v5 =	vmul.bf16 v5, v45  }
0x214: {  	v21 =	vimm.f32 $0.0e+00;
	v29 =	vld.idx.msk [tilespmem:v29+s10+$0x0], $0xffff;
	v2 =	vmul.bf16 v46, v2;
	v1 =	vmul.bf16 v1, v25  }
0x215: {  	v7 =	vmul.bf16 v63, v7;
	v20 =	vunpack.i.u.bf16.f32 v3;
	v3 =	vunpack.i.l.bf16.f32 v3  }
0x216: {  	v30 =	vld.idx.msk [tilespmem:v24+s2+$0x0], $0xffff;
	v23 =	vunpack.i.u.bf16.f32 v4;
	v50 =	vunpack.i.l.bf16.f32 v26;
	v19 =	vunpack.i.u.bf16.f32 v6  }
0x217: {  	v51 =	vld.idx.msk [tilespmem:v24+s16+$0x0], $0xffff;
	v6 =	vunpack.i.l.bf16.f32 v6;
	v24 =	vunpack.i.u.bf16.f32 v2;
	v2 =	vunpack.i.l.bf16.f32 v2  }
0x218: {  	v36 =	vunpack.i.l.bf16.f32 v7;
	v56 =	vunpack.i.l.bf16.f32 v4;
	v26 =	vunpack.i.u.bf16.f32 v26  }
0x219: {  	v25 =	vld.idx.msk [tilespmem:v27+s17+$0x0], $0xffff;
	v28 =	vmul.bf16 v29, v28;
	v47 =	vunpack.i.u.bf16.f32 v1;
	v3 =	vadd.f32 v3, v21  }
0x21a: {  	s26 =	simm.s32 $0x10F00;
	v35 =	vadd.f32 v23, v21;
	v23 =	vld.idx.msk [tilespmem:v27+s10+$0x0], $0xffff;
	v11 =	vadd.f32 v20, v21;
	v20 =	vunpack.i.u.bf16.f32 v5  }
0x21b: {  	v5 =	vunpack.i.l.bf16.f32 v5;
	v27 =	vld [tilespmem:s26+$0xFFFFFFF0];
	v22 =	vadd.f32 v19, v21;
	v63 =	vadd.f32 v24, v21  }
0x21c: {  	v24 =	vadd.f32 v50, v21;
	v26 =	vadd.f32 v26, v21;
	v50 =	vadd.s32 v0, v31  }
0x21d: {  	v44 =	vld.idx.msk [tilespmem:v33+s10+$0x0], $0xffff;
	v43 =	vadd.f32 v2, v21;
	v19 =	vadd.f32 v20, v21;
	v20 =	vunpack.i.l.bf16.f32 v1  }
0x21e: {  	v33 =	vld.idx.msk [tilespmem:v33+s17+$0x0], $0xffff;
	v5 =	vadd.f32 v5, v21;
	v37 =	vmul.bf16 v25, v51;
	v25 =	vperm.xlane v52, v13  }
0x21f: {  	v60 =	vld.idx.msk [tilespmem:v8+s16+$0x0], $0xffff;
	v1 =	vunpack.i.u.bf16.f32 v7;
	v42 =	vadd.f32 v20, v21;
	v23 =	vmul.bf16 v23, v30  }
0x220: {  	v8 =	vld.idx.msk [tilespmem:v8+s2+$0x0], $0xffff;
	v46 =	vadd.s32 v0, v25;
	v4 =	vperm.xlane v27, v13;
	v57 =	vperm.xlane v27, v16  }
0x221: {  	v20 =	vunpack.i.u.bf16.f32 v23;
	v30 =	vunpack.i.l.bf16.f32 v23;
	v23 =	vadd.f32 v6, v21;
	v6 =	vld.idx.msk [tilespmem:v9+s10+$0x0], $0xffff  }
0x222: {  	v40 =	vperm.xlane v27, v14;
	v27 =	vperm.xlane v27, v18;
	v9 =	vld.idx.msk [tilespmem:v9+s17+$0x0], $0xffff;
	v61 =	vadd.s32 v0, v57  }
0x223: {  	v25 =	vperm.xlane v52, v14;
	v20 =	vadd.f32 v20, v19;
	v19 =	vadd.f32 v30, v5;
	v30 =	vld [tilespmem:s26+$0x0]  }
0x224: {  	v7 =	vunpack.i.l.bf16.f32 v28;
	v27 =	vadd.s32 v0, v27;
	v5 =	vmul.bf16 v48, v49;
	v48 =	vld [tilespmem:s28+$0x0]  }
0x225: {  	v2 =	vmul.bf16 v44, v8;
	v42 =	vadd.f32 v7, v42;
	v38 =	vadd.s32 v0, v25  }
0x226: {  	v31 =	vadd.s32 v0, v4;
	v54 =	vadd.s32 v0, v40;
	v25 =	vld.idx.msk [tilespmem:v46+s17+$0x0], $0xffff;
	v6 =	vmul.bf16 v6, v53  }
0x227: {  	v55 =	vunpack.i.l.bf16.f32 v5;
	v40 =	vld.idx.msk [tilespmem:v61+s16+$0x0], $0xffff;
	v58 =	vmul.bf16 v9, v58;
	v9 =	vmul.bf16 v33, v60  }
0x228: {  	v45 =	vld.idx.msk [tilespmem:v61+s2+$0x0], $0xffff;
	v61 =	vunpack.i.l.bf16.f32 v37;
	v62 =	vperm.xlane v30, v18;
	v29 =	vunpack.i.l.bf16.f32 v6  }
0x229: {  	v34 =	vld.idx.msk [tilespmem:v27+s2+$0x0], $0xffff;
	v10 =	vperm.xlane v48, v14;
	v52 =	vadd.f32 v29, v3;
	v3 =	vperm.xlane v30, v14  }
0x22a: {  	v53 =	vld.idx.msk [tilespmem:v50+s17+$0x0], $0xffff;
	v4 =	vunpack.i.u.bf16.f32 v6;
	v6 =	vunpack.i.u.bf16.f32 v5;
	v49 =	vunpack.i.l.bf16.f32 v58  }
0x22b: {  	v60 =	vld.idx.msk [tilespmem:v46+s10+$0x0], $0xffff;
	v32 =	vadd.f32 v4, v11;
	v4 =	vperm.xlane v30, v13;
	v41 =	vadd.s32 v0, v3  }
0x22c: {  	v59 =	vld.idx.msk [tilespmem:v27+s16+$0x0], $0xffff;
	v51 =	vunpack.i.u.bf16.f32 v9;
	v5 =	vunpack.i.u.bf16.f32 v37;
	v37 =	vadd.f32 v56, v21  }
0x22d: {  	v57 =	vunpack.i.l.bf16.f32 v9;
	v33 =	vadd.s32 v0, v62;
	v29 =	vadd.s32 v0, v4;
	v4 =	vld.idx.msk [tilespmem:v31+s2+$0x0], $0xffff  }
0x22e: {  	v44 =	vld.idx.msk [tilespmem:v54+s2+$0x0], $0xffff;
	v26 =	vadd.f32 v51, v26;
	v51 =	vadd.f32 v36, v21;
	v62 =	vperm.xlane v48, v18  }
0x22f: {  	v56 =	vld.idx.msk [tilespmem:v39+s17+$0x0], $0xffff;
	v46 =	vadd.f32 v5, v35;
	v5 =	vunpack.i.u.bf16.f32 v28;
	v35 =	vadd.s32 v0, v10  }
0x230: {  	s29 =	simm.s32 $0x2;
	v28 =	vadd.f32 v6, v63;
	v36 =	vimm.f32 $0.0e+00;
	v3 =	vperm.xlane v48, v16;
	v27 =	vld.idx.msk [tilespmem:v41+s2+$0x0], $0xffff  }
.LBB2_14:
0x231: {  	s29 =	sadd.s32 $0x2, s29;
	v6 =	vld.idx.msk [tilespmem:v50+s10+$0x0], $0xffff;
	v7 =	vadd.s32 v0, v62;
	s26 =	sadd.s32 $0x20, s26;
	s28 =	sadd.s32 $0x20, s28;
	v1 =	vadd.f32 v1, v21;
	v37 =	vadd.f32 v61, v37  }
0x232: {  	v4 =	vmul.bf16 v60, v4;
	v9 =	vadd.f32 v47, v36;
	v10 =	vunpack.i.u.bf16.f32 v58;
	p0 =	slt.u32 s29, $0x18;
	v8 =	vld.idx.msk [tilespmem:v33+s2+$0x0], $0xffff  }
0x233: {  	v21 =	vperm.xlane v48, v13;
	v3 =	vadd.s32 v0, v3;
	v36 =	vunpack.i.l.bf16.f32 v2;
	v11 =	vld.idx.msk [tilespmem:v38+s17+$0x0], $0xffff  }
0x234: {  	v2 =	vunpack.i.u.bf16.f32 v2;
	v47 =	vunpack.i.u.bf16.f32 v4;
	v4 =	vunpack.i.l.bf16.f32 v4;
	v39 =	vld.idx.msk [tilespmem:v39+s10+$0x0], $0xffff  }
0x235: {  	v48 =	vmul.bf16 v53, v59;
	v2 =	vadd.f32 v2, v22;
	v4 =	vadd.f32 v4, v52;
	v38 =	vld.idx.msk [tilespmem:v38+s10+$0x0], $0xffff  }
0x236: {  	v23 =	vadd.f32 v36, v23;
	v50 =	vadd.s32 v0, v21;
	v36 =	vadd.f32 v5, v9;
	v22 =	vld.idx.msk [tilespmem:v54+s16+$0x0], $0xffff  }
0x237: {  	v21 =	vadd.f32 v10, v1;
	v10 =	vadd.f32 v55, v43;
	v5 =	vunpack.i.u.bf16.f32 v48;
	v9 =	vld.idx.msk [tilespmem:v35+s17+$0x0], $0xffff  }
0x238: {  	v24 =	vadd.f32 v57, v24;
	v1 =	vperm.xlane v30, v16;
	v46 =	vadd.f32 v5, v46;
	v5 =	vld.idx.msk [tilespmem:v7+s10+$0x0], $0xffff  }
0x239: {  	v51 =	vadd.f32 v49, v51;
	v30 =	vmul.bf16 v56, v40;
	v40 =	vld.idx.msk [tilespmem:v41+s16+$0x0], $0xffff  }
0x23a: {  	v1 =	vadd.s32 v0, v1;
	v6 =	vmul.bf16 v6, v34;
	v39 =	vmul.bf16 v39, v45;
	v31 =	vld.idx.msk [tilespmem:v31+s16+$0x0], $0xffff  }
0x23b: {  	v32 =	vadd.f32 v47, v32;
	v34 =	vunpack.i.l.bf16.f32 v30;
	v41 =	vld.idx.msk [tilespmem:v50+s17+$0x0], $0xffff  }
0x23c: {  	v45 =	vunpack.i.u.bf16.f32 v6;
	v43 =	vunpack.i.u.bf16.f32 v39;
	v11 =	vmul.bf16 v11, v22;
	v47 =	vld.idx.msk [tilespmem:v29+s2+$0x0], $0xffff  }
0x23d: {  	v6 =	vunpack.i.l.bf16.f32 v6;
	v38 =	vmul.bf16 v38, v44;
	v39 =	vunpack.i.l.bf16.f32 v39;
	v33 =	vld.idx.msk [tilespmem:v33+s16+$0x0], $0xffff  }
0x23e: {  	v44 =	vunpack.i.u.bf16.f32 v11;
	v11 =	vunpack.i.l.bf16.f32 v11;
	v5 =	vmul.bf16 v5, v8;
	v7 =	vld.idx.msk [tilespmem:v7+s17+$0x0], $0xffff  }
0x23f: {  	v22 =	vadd.f32 v43, v2;
	v2 =	vadd.f32 v45, v20;
	v20 =	vunpack.i.l.bf16.f32 v38;
	v8 =	vld [tilespmem:s26+$0xFFFFFFF0]  }
0x240: {  	v6 =	vadd.f32 v6, v19;
	v42 =	vadd.f32 v20, v42;
	v19 =	vunpack.i.u.bf16.f32 v5;
	v43 =	vld [tilespmem:s28+$0xFFFFFFF0]  }
0x241: {  	v45 =	vmul.bf16 v25, v31;
	v5 =	vunpack.i.l.bf16.f32 v5;
	v20 =	vadd.f32 v19, v2;
	v25 =	vld.idx.msk [tilespmem:v50+s10+$0x0], $0xffff  }
0x242: {  	v23 =	vadd.f32 v39, v23;
	v19 =	vadd.f32 v5, v6;
	v5 =	vmul.bf16 v9, v40;
	v2 =	vld.idx.msk [tilespmem:v35+s10+$0x0], $0xffff  }
0x243: {  	v28 =	vadd.f32 v44, v28;
	v9 =	vunpack.i.l.bf16.f32 v48;
	v6 =	vunpack.i.l.bf16.f32 v45;
	v35 =	vld.idx.msk [tilespmem:v3+s10+$0x0], $0xffff  }
0x244: {  	v24 =	vadd.f32 v34, v24;
	v7 =	vmul.bf16 v7, v33;
	v31 =	vperm.xlane v8, v13;
	v44 =	vld.idx.msk [tilespmem:v29+s16+$0x0], $0xffff  }
0x245: {  	v30 =	vunpack.i.u.bf16.f32 v30;
	v33 =	vperm.xlane v8, v14;
	v29 =	vperm.xlane v43, v13;
	v3 =	vld.idx.msk [tilespmem:v3+s17+$0x0], $0xffff  }
0x246: {  	v26 =	vadd.f32 v30, v26;
	v34 =	vperm.xlane v8, v16;
	v8 =	vperm.xlane v8, v18  }
0x247: {  	v25 =	vmul.bf16 v25, v47;
	v55 =	vadd.s32 v0, v29;
	v29 =	vperm.xlane v43, v18  }
0x248: {  	v39 =	vperm.xlane v43, v16;
	v8 =	vadd.s32 v0, v8;
	v27 =	vmul.bf16 v2, v27;
	v30 =	vld [tilespmem:s26+$0x0]  }
0x249: {  	v2 =	vperm.xlane v43, v14;
	v50 =	vadd.s32 v0, v29;
	v29 =	vunpack.i.l.bf16.f32 v25;
	v49 =	vld.idx.msk [tilespmem:v1+s16+$0x0], $0xffff  }
0x24a: {  	v56 =	vadd.s32 v0, v34;
	v47 =	vunpack.i.u.bf16.f32 v38;
	v39 =	vadd.s32 v0, v39;
	v57 =	vld.idx.msk [tilespmem:v1+s2+$0x0], $0xffff  }
0x24b: {  	v31 =	vadd.s32 v0, v31;
	v38 =	vadd.s32 v0, v2;
	v2 =	vunpack.i.u.bf16.f32 v25;
	v48 =	vld [tilespmem:s28+$0x0]  }
0x24c: {  	v63 =	vunpack.i.u.bf16.f32 v5;
	v1 =	vunpack.i.u.bf16.f32 v45;
	v32 =	vadd.f32 v2, v32;
	v25 =	vld.idx.msk [tilespmem:v55+s17+$0x0], $0xffff  }
0x24d: {  	v12 =	vunpack.i.l.bf16.f32 v27;
	v52 =	vadd.f32 v29, v4;
	v34 =	vld.idx.msk [tilespmem:v8+s2+$0x0], $0xffff;
	v2 =	vperm.xlane v30, v13  }
0x24e: {  	v43 =	vadd.f32 v11, v10;
	v59 =	vperm.xlane v30, v18;
	v45 =	vperm.xlane v30, v14;
	v53 =	vld.idx.msk [tilespmem:v50+s17+$0x0], $0xffff  }
0x24f: {  	v54 =	vadd.s32 v0, v33;
	v58 =	vmul.bf16 v41, v44;
	v40 =	vld.idx.msk [tilespmem:v56+s16+$0x0], $0xffff;
	v29 =	vadd.s32 v0, v2  }
0x250: {  	v10 =	vmul.bf16 v3, v49;
	v41 =	vadd.s32 v0, v45;
	v2 =	vmul.bf16 v35, v57;
	v4 =	vld.idx.msk [tilespmem:v31+s2+$0x0], $0xffff  }
0x251: {  	v49 =	vunpack.i.l.bf16.f32 v58;
	v33 =	vadd.s32 v0, v59;
	v3 =	vperm.xlane v48, v16;
	v45 =	vld.idx.msk [tilespmem:v56+s2+$0x0], $0xffff  }
.Ltmp8:
0x252: {  	v61 =	vunpack.i.l.bf16.f32 v7;
	v11 =	vunpack.i.u.bf16.f32 v10;
	v60 =	vld.idx.msk [tilespmem:v55+s10+$0x0], $0xffff;
	v55 =	vunpack.i.l.bf16.f32 v5;
	(pc) =	sbr.rel @p0 .LBB2_14-.Ltmp8, $4  }
0x253: {  	v26 =	vadd.f32 v11, v26;
	v5 =	vunpack.i.u.bf16.f32 v7;
	v59 =	vld.idx.msk [tilespmem:v8+s16+$0x0], $0xffff;
	v8 =	vperm.xlane v48, v14  }
0x254: {  	v51 =	vadd.f32 v6, v51;
	v62 =	vperm.xlane v48, v18;
	v46 =	vadd.f32 v5, v46;
	v44 =	vld.idx.msk [tilespmem:v54+s2+$0x0], $0xffff  }
0x255: {  	v37 =	vadd.f32 v9, v37;
	v57 =	vunpack.i.l.bf16.f32 v10;
	v5 =	vunpack.i.u.bf16.f32 v27;
	v56 =	vld.idx.msk [tilespmem:v39+s17+$0x0], $0xffff  }
0x256: {  	v28 =	vadd.f32 v63, v28;
	v42 =	vadd.f32 v12, v42;
	v35 =	vadd.s32 v0, v8;
	v27 =	vld.idx.msk [tilespmem:v41+s2+$0x0], $0xffff  }
0x257: {  	_ =	sdelay $0x3  }
0x258: {  	v6 =	vld.idx.msk [tilespmem:v50+s10+$0x0], $0xffff  }
0x259: {  	v7 =	vadd.s32 v0, v62;
	v1 =	vadd.f32 v1, v21;
	v4 =	vmul.bf16 v60, v4;
	v8 =	vld.idx.msk [tilespmem:v33+s2+$0x0], $0xffff  }
0x25a: {  	v9 =	vadd.f32 v61, v37;
	v10 =	vadd.f32 v47, v36;
	v11 =	vunpack.i.u.bf16.f32 v58;
	v12 =	vld.idx.msk [tilespmem:v38+s17+$0x0], $0xffff  }
0x25b: {  	v50 =	vperm.xlane v48, v13;
	v3 =	vadd.s32 v0, v3;
	v60 =	vld.idx.msk [tilespmem:v39+s10+$0x0], $0xffff;
	v61 =	vunpack.i.l.bf16.f32 v2  }
0x25c: {  	v2 =	vunpack.i.u.bf16.f32 v2;
	v62 =	vld.idx.msk [tilespmem:v38+s10+$0x0], $0xffff;
	v30 =	vperm.xlane v30, v16;
	v24 =	vadd.f32 v57, v24  }
0x25d: {  	v63 =	vld.idx.msk [tilespmem:v54+s16+$0x0], $0xffff;
	v47 =	vmul.bf16 v53, v59;
	v2 =	vadd.f32 v2, v22;
	v23 =	vadd.f32 v61, v23  }
0x25e: {  	v31 =	vld.idx.msk [tilespmem:v31+s16+$0x0], $0xffff;
	v53 =	vadd.f32 v49, v51;
	v58 =	vunpack.i.l.bf16.f32 v4;
	v21 =	vadd.s32 v0, v50  }
0x25f: {  	v54 =	vld.idx.msk [tilespmem:v29+s2+$0x0], $0xffff;
	v4 =	vunpack.i.u.bf16.f32 v4;
	v5 =	vadd.f32 v5, v10;
	v1 =	vadd.f32 v11, v1  }
0x260: {  	v48 =	vld.idx.msk [tilespmem:v33+s16+$0x0], $0xffff;
	v11 =	vadd.f32 v55, v43;
	v30 =	vadd.s32 v0, v30;
	v36 =	vadd.f32 v58, v52  }
0x261: {  	v50 =	vunpack.i.u.bf16.f32 v47;
	v40 =	vmul.bf16 v56, v40;
	v4 =	vadd.f32 v4, v32;
	v52 =	vld.idx.msk [tilespmem:v7+s10+$0x0], $0xffff  }
0x262: {  	v39 =	vadd.f32 v50, v46;
	v37 =	vmul.bf16 v60, v45;
	v6 =	vmul.bf16 v6, v34;
	v60 =	vld.idx.msk [tilespmem:v3+s10+$0x0], $0xffff  }
0x263: {  	v56 =	vunpack.i.l.bf16.f32 v40;
	v12 =	vmul.bf16 v12, v63;
	v38 =	vmul.bf16 v62, v44;
	v7 =	vld.idx.msk [tilespmem:v7+s17+$0x0], $0xffff  }
0x264: {  	v55 =	vld.idx.msk [tilespmem:v21+s10+$0x0], $0xffff;
	v57 =	vunpack.i.u.bf16.f32 v37;
	v58 =	vunpack.i.u.bf16.f32 v6;
	v6 =	vunpack.i.l.bf16.f32 v6  }
0x265: {  	v37 =	vunpack.i.l.bf16.f32 v37;
	v6 =	vadd.f32 v6, v19;
	v19 =	vmul.bf16 v25, v31;
	v31 =	vld.idx.msk [tilespmem:v30+s2+$0x0], $0xffff  }
0x266: {  	v29 =	vld.idx.msk [tilespmem:v29+s16+$0x0], $0xffff;
	v44 =	vunpack.i.u.bf16.f32 v12;
	v59 =	vunpack.i.l.bf16.f32 v38;
	v2 =	vadd.f32 v57, v2  }
0x267: {  	v21 =	vld.idx.msk [tilespmem:v21+s17+$0x0], $0xffff;
	v20 =	vadd.f32 v58, v20;
	v22 =	vadd.f32 v59, v42;
	v8 =	vmul.bf16 v52, v8  }
0x268: {  	v63 =	vunpack.i.l.bf16.f32 v19;
	v19 =	vunpack.i.u.bf16.f32 v19;
	v7 =	vmul.bf16 v7, v48  }
0x269: {  	v49 =	vld.idx.msk [tilespmem:v35+s10+$0x0], $0xffff;
	v1 =	vadd.f32 v19, v1;
	v19 =	vadd.f32 v56, v24;
	v61 =	vmul.bf16 v55, v54  }
0x26a: {  	v10 =	vld.idx.msk [tilespmem:v35+s17+$0x0], $0xffff;
	v62 =	vunpack.i.u.bf16.f32 v8;
	v8 =	vunpack.i.l.bf16.f32 v8;
	v31 =	vmul.bf16 v60, v31  }
0x26b: {  	v3 =	vld.idx.msk [tilespmem:v3+s17+$0x0], $0xffff;
	v56 =	vadd.f32 v8, v6;
	v60 =	vunpack.i.l.bf16.f32 v7;
	v7 =	vunpack.i.u.bf16.f32 v7  }
0x26c: {  	v30 =	vld.idx.msk [tilespmem:v30+s16+$0x0], $0xffff;
	v21 =	vmul.bf16 v21, v29;
	v25 =	vunpack.i.l.bf16.f32 v61;
	v7 =	vadd.f32 v7, v39  }
0x26d: {  	v34 =	vld.idx.msk [tilespmem:v41+s16+$0x0], $0xffff;
	v29 =	vadd.f32 v63, v53;
	v45 =	vunpack.i.u.bf16.f32 v61;
	v25 =	vadd.f32 v25, v36;
	[tilespmem:s25+$0x11590] =	vst v56  }
0x26e: {  	v23 =	vadd.f32 v37, v23;
	v50 =	vunpack.i.l.bf16.f32 v21;
	v4 =	vadd.f32 v45, v4;
	[tilespmem:s25+$0x115C0] =	vst v7  }
0x26f: {  	v59 =	vmul.bf16 v49, v27;
	v21 =	vunpack.i.u.bf16.f32 v21;
	v51 =	vadd.f32 v50, v29;
	[tilespmem:s25+$0x11510] =	vst v25  }
0x270: {  	v53 =	vunpack.i.u.bf16.f32 v40;
	v52 =	vunpack.i.l.bf16.f32 v31;
	v1 =	vadd.f32 v21, v1;
	[tilespmem:s25+$0x11530] =	vst v4  }
0x271: {  	v3 =	vmul.bf16 v3, v30;
	v54 =	vunpack.i.u.bf16.f32 v31;
	v23 =	vadd.f32 v52, v23;
	[tilespmem:s25+$0x11520] =	vst v51  }
0x272: {  	v58 =	vmul.bf16 v10, v34;
	v2 =	vadd.f32 v54, v2;
	v4 =	vadd.f32 v53, v26;
	[tilespmem:s25+$0x11540] =	vst v1  }
0x273: {  	v55 =	vunpack.i.l.bf16.f32 v3;
	v3 =	vunpack.i.u.bf16.f32 v3;
	v1 =	vadd.f32 v62, v20;
	[tilespmem:s25+$0x11550] =	vst v23  }
0x274: {  	v61 =	vunpack.i.l.bf16.f32 v59;
	v20 =	vunpack.i.l.bf16.f32 v47;
	[tilespmem:s25+$0x11570] =	vst v2;
	v3 =	vadd.f32 v3, v4  }
0x275: {  	v19 =	vadd.f32 v55, v19;
	v2 =	vunpack.i.l.bf16.f32 v12;
	v57 =	vadd.f32 v20, v9;
	[tilespmem:s25+$0x115B0] =	vst v1  }
0x276: {  	s24 =	sadd.s32 $0x1, s24;
	v1 =	vadd.f32 v2, v11;
	v4 =	vadd.f32 v61, v22;
	[tilespmem:s25+$0x11580] =	vst v3;
	v3 =	vunpack.i.u.bf16.f32 v38  }
0x277: {  	p0 =	sne.s32 s24, $0x4;
	v63 =	vunpack.i.l.bf16.f32 v58;
	[tilespmem:s25+$0x11560] =	vst v19;
	v6 =	vadd.f32 v60, v57;
	v3 =	vadd.f32 v3, v5  }
.Ltmp9:
0x278: {  	v62 =	vadd.f32 v44, v28;
	v2 =	vunpack.i.u.bf16.f32 v59;
	v1 =	vadd.f32 v63, v1;
	[tilespmem:s25+$0x115D0] =	vst v4;
	(pc) =	sbr.rel @p0 .LBB2_2-.Ltmp9, $4  }
.Ltmp10:
0x279: {  	[tilespmem:s25+$0x115A0] =	vst v6;
	v2 =	vadd.f32 v2, v3;
	v3 =	vunpack.i.u.bf16.f32 v58;
	(pc) =	sbr.rel @!p0 .LBB2_16-.Ltmp10, $4  }
0x27a: {  	[tilespmem:s25+$0x115E0] =	vst v1;
	v3 =	vadd.f32 v3, v62  }
0x27b: {  	v28 =	vld [tilespmem:$0x1FFF0];
	[tilespmem:s25+$0x115F0] =	vst v2  }
0x27c: {  	v13 =	vimm.s32 $0x2;
	v16 =	vimm.s32 $0x3;
	[tilespmem:s25+$0x11600] =	vst v3  }
0x27d: {  	_ = 	snop  }
.LBB2_5:
.Ltmp11:
0x27e: {  	(pc) =	sbr.rel .LBB2_9-.Ltmp11, $4  }
0x27f: {  	v46 =	vimm.f32 $0.0e+00  }
0x280: {  	v43 =	vimm.f32 $0.0e+00;
	v49 =	vimm.f32 $0.0e+00;
	v57 =	vimm.f32 $0.0e+00  }
0x281: {  	v37 =	vimm.f32 $0.0e+00;
	v22 =	vimm.f32 $0.0e+00;
	v23 =	vimm.f32 $0.0e+00  }
0x282: {  	v51 =	vimm.f32 $0.0e+00;
	v34 =	vimm.f32 $0.0e+00;
	v32 =	vimm.f32 $0.0e+00  }
.LBB2_7:
.Ltmp12:
0x283: {  	(pc) =	sbr.rel .LBB2_9-.Ltmp12, $2  }
0x284: {  	_ =	sdelay $0x2  }
0x285: {  	v46 =	vimm.f32 $0.0e+00;
	v43 =	vimm.f32 $0.0e+00  }
.LBB2_16:
0x286: {  	s24 =	simm.s32 $0x0  }
0x287: {  	[hbm4b:s7+s24] =	stream.linear.scatter [tilespmem:s18], [sflag:$0x5], $0x1000, $0x38;
	[tilespmem:$0x13210] =	vst v63  }
0x288: {  	_ =	swait.ge [sflag:s19], $0x680  }
0x289: {  	[sflag:s19] =	ssyncset.done $0x0  }
0x28a: {  	s25 =	simm.s32 $0x0;
	[sflag:s19] =	ssyncadd.s32 $0xFFFFF980  }
.LBB2_17:
0x28b: {  	s0 =	smul.u32 $0x1A0, s25;
	_ =	sdelay $0x1  }
0x28c: {  	s1 =	simm.s32 $0x1;
	v19 =	vadd.s32 s0, v28  }
0x28d: {  	v1 =	vadd.s32 s1, v19;
	_ =	sdelay $0x4  }
0x28e: {  	v3 =	vld.idx.msk [tilespmem:v1+s12+$0x0], $0xffff  }
0x28f: {  	v1 =	vld [tilespmem:$0x1FFE0];
	_ =	sdelay $0x1  }
0x290: {  	s26 =	simm.s32 $0x3  }
0x291: {  	v2 =	vadd.s32 s26, v19;
	_ =	sdelay $0x1  }
0x292: {  	v4 =	vld.idx.msk [tilespmem:v19+s12+$0x0], $0xffff;
	v1 =	vadd.s32 s0, v1  }
0x293: {  	v5 =	vadd.s32 s24, v1;
	_ =	sdelay $0x1  }
0x294: {  	v7 =	vld.idx.msk [tilespmem:v2+s12+$0x0], $0xffff  }
0x295: {  	v6 =	vcvt.s32.f32 v3  }
0x296: {  	s1 =	simm.s32 $0x5;
	v8 =	vcvt.s32.f32 v4  }
0x297: {  	s26 =	simm.s32 $0x2;
	v2 =	vld.idx.msk [tilespmem:v5+s12+$0x0], $0xffff;
	v5 =	vmul.f32 $1.000000050e-03, v6;
	v6 =	vadd.s32 s1, v19  }
0x298: {  	v8 =	vmul.f32 $1.000000050e-03, v8;
	v9 =	vadd.s32 s26, v1  }
0x299: {  	v10 =	vcvt.s32.f32 v7;
	v5 =	vtrunc.f32 v5  }
0x29a: {  	s26 =	simm.s32 $0x7;
	v8 =	vtrunc.f32 v8;
	v5 =	vcvt.f32.s32 v5  }
0x29b: {  	v62 =	vadd.s32 s26, v19;
	v8 =	vcvt.f32.s32 v8  }
0x29c: {  	s1 =	simm.s32 $0x4;
	v11 =	vcvt.s32.f32 v2;
	v12 =	vmul.u32 $0xFFFFFC18, v5;
	v20 =	vld.idx.msk [tilespmem:v6+s12+$0x0], $0xffff;
	v6 =	vmul.f32 $1.000000050e-03, v10  }
0x29d: {  	v61 =	vmul.u32 $0xFFFFFC18, v8;
	v23 =	vld.idx.msk [tilespmem:v9+s12+$0x0], $0xffff;
	v22 =	vadd.s32 s1, v1;
	v5 =	vmul.u32 $0x21, v5  }
0x29e: {  	v11 =	vmul.f32 $1.000000050e-03, v11;
	v3 =	vadd.s32 v3, v12;
	v6 =	vtrunc.f32 v6  }
0x29f: {  	s26 =	simm.s32 $0x10EE0;
	v4 =	vadd.s32 v4, v61;
	v12 =	vmul.u32 $0x21, v3;
	v6 =	vcvt.f32.s32 v6  }
0x2a0: {  	s28 =	simm.s32 $0x11080;
	v8 =	vmul.u32 $0x21, v8;
	v10 =	vmul.u32 $0x21, v4;
	[tilespmem:s26+$0x0] =	vst v5;
	v3 =	vtrunc.f32 v11  }
0x2a1: {  	s1 =	simm.s32 $0x6;
	v3 =	vcvt.f32.s32 v3;
	[tilespmem:s28+$0x0] =	vst v12;
	v63 =	vcvt.s32.f32 v20;
	v12 =	vmul.u32 $0xFFFFFC18, v6  }
0x2a2: {  	s31 =	simm.s32 $0xA;
	s30 =	simm.s32 $0x10EE0;
	v21 =	vld.idx.msk [tilespmem:v62+s12+$0x0], $0xffff;
	[tilespmem:s26+$0xFFFFFFF0] =	vst v8;
	v4 =	vadd.s32 s1, v1;
	v25 =	vcvt.s32.f32 v23;
	v24 =	vmul.u32 $0x21, v6  }
0x2a3: {  	s29 =	simm.s32 $0x11080;
	s0 =	simm.s32 $0x8;
	s1 =	simm.s32 $0x9;
	v22 =	vld.idx.msk [tilespmem:v22+s12+$0x0], $0xffff;
	[tilespmem:s28+$0xFFFFFFF0] =	vst v10;
	v5 =	vmul.u32 $0xFFFFFC18, v3;
	v26 =	vmul.f32 $1.000000050e-03, v63;
	v27 =	vadd.s32 v7, v12  }
.LBB2_18:
0x2a4: {  	p0 =	slt.u32 s31, $0x18;
	v6 =	vadd.s32 s1, v19;
	v7 =	vmul.f32 $1.000000050e-03, v25;
	v8 =	vmul.u32 $0x21, v27;
	s30 =	sadd.s32 $0x20, s30  }
0x2a5: {  	v5 =	vadd.s32 v2, v5;
	v11 =	vmul.u32 $0x21, v3;
	s29 =	sadd.s32 $0x20, s29;
	v2 =	vmovc v23;
	v9 =	vtrunc.f32 v26;
	[tilespmem:s30+$0x0] =	vst v24  }
.Ltmp13:
0x2a6: {  	v5 =	vmul.u32 $0x21, v5;
	v3 =	vtrunc.f32 v7;
	v7 =	vcvt.f32.s32 v9;
	[tilespmem:s29+$0x0] =	vst v8;
	(pc) =	sbr.rel @p0 .LBB2_18-.Ltmp13, $4  }
0x2a7: {  	v3 =	vcvt.f32.s32 v3;
	[tilespmem:s30+$0xFFFFFFF0] =	vst v11  }
0x2a8: {  	v8 =	vcvt.s32.f32 v21;
	v10 =	vmov v21;
	v9 =	vmul.u32 $0xFFFFFC18, v7;
	[tilespmem:s29+$0xFFFFFFF0] =	vst v5  }
0x2a9: {  	v11 =	vadd.s32 s0, v1;
	s0 =	smov.u32 s31;
	v25 =	vcvt.s32.f32 v22;
	v23 =	vmovc v22;
	v21 =	vld.idx.msk [tilespmem:v6+s12+$0x0], $0xffff;
	v5 =	vmul.u32 $0xFFFFFC18, v3  }
0x2aa: {  	s31 =	sadd.s32 $0x2, s31;
	s1 =	sadd.s32 $0x1, s0;
	v24 =	vmul.u32 $0x21, v7;
	v26 =	vmul.f32 $1.000000050e-03, v8;
	v22 =	vld.idx.msk [tilespmem:v4+s12+$0x0], $0xffff;
	v27 =	vadd.s32 v20, v9;
	v4 =	vmovc v11;
	v20 =	vmovc v10  }
0x2ab: {  	v1 =	vadd.s32 s1, v19;
	_ =	sdelay $0x1  }
0x2ac: {  	v6 =	vmul.f32 $1.000000050e-03, v25;
	v8 =	vmul.u32 $0x21, v27;
	v7 =	vtrunc.f32 v26  }
0x2ad: {  	v2 =	vadd.s32 v2, v5;
	v7 =	vcvt.f32.s32 v7;
	v9 =	vcvt.s32.f32 v21  }
0x2ae: {  	v4 =	vld.idx.msk [tilespmem:v4+s12+$0x0], $0xffff;
	v3 =	vmul.u32 $0x21, v3;
	v5 =	vtrunc.f32 v6;
	v6 =	vcvt.s32.f32 v22  }
0x2af: {  	s0 =	sadd.s32 $0x20, s30;
	v2 =	vmul.u32 $0x21, v2;
	v5 =	vcvt.f32.s32 v5;
	v1 =	vld.idx.msk [tilespmem:v1+s12+$0x0], $0xffff;
	v9 =	vmul.f32 $1.000000050e-03, v9  }
0x2b0: {  	s31 =	sadd.s32 $0x20, s29;
	[tilespmem:s0+$0x0] =	vst v24;
	v10 =	vmul.u32 $0xFFFFFC18, v7;
	v7 =	vmul.u32 $0x21, v7;
	v6 =	vmul.f32 $1.000000050e-03, v6  }
0x2b1: {  	[tilespmem:s31+$0x0] =	vst v8;
	v11 =	vmul.u32 $0xFFFFFC18, v5;
	v5 =	vmul.u32 $0x21, v5;
	v9 =	vtrunc.f32 v9  }
0x2b2: {  	[tilespmem:s0+$0xFFFFFFF0] =	vst v3;
	v10 =	vadd.s32 v20, v10;
	v6 =	vtrunc.f32 v6;
	v9 =	vcvt.f32.s32 v9  }
0x2b3: {  	s0 =	sadd.s32 $0x20, s0;
	[tilespmem:s31+$0xFFFFFFF0] =	vst v2;
	v3 =	vmul.u32 $0x21, v10;
	v10 =	vcvt.s32.f32 v4;
	v6 =	vcvt.f32.s32 v6  }
0x2b4: {  	s1 =	sadd.s32 $0x20, s31;
	[tilespmem:s0+$0x0] =	vst v7;
	v2 =	vadd.s32 v23, v11;
	v8 =	vcvt.s32.f32 v1;
	v7 =	vmul.u32 $0xFFFFFC18, v9  }
0x2b5: {  	v2 =	vmul.u32 $0x21, v2;
	[tilespmem:s1+$0x0] =	vst v3;
	v10 =	vmul.f32 $1.000000050e-03, v10;
	v3 =	vmul.u32 $0xFFFFFC18, v6  }
0x2b6: {  	[tilespmem:s0+$0xFFFFFFF0] =	vst v5;
	v6 =	vmul.u32 $0x21, v6;
	v8 =	vmul.f32 $1.000000050e-03, v8;
	v5 =	vadd.s32 v21, v7  }
0x2b7: {  	s0 =	sadd.s32 $0x20, s0;
	[tilespmem:s1+$0xFFFFFFF0] =	vst v2;
	v7 =	vmul.u32 $0x21, v9;
	v2 =	vmul.u32 $0x21, v5;
	v5 =	vtrunc.f32 v10  }
0x2b8: {  	v3 =	vadd.s32 v22, v3;
	[tilespmem:s0+$0xFFFFFFF0] =	vst v6;
	v8 =	vtrunc.f32 v8;
	v5 =	vcvt.f32.s32 v5  }
0x2b9: {  	s1 =	sadd.s32 $0x20, s1;
	[tilespmem:s0+$0x0] =	vst v7;
	v3 =	vmul.u32 $0x21, v3;
	v8 =	vcvt.f32.s32 v8  }
0x2ba: {  	[tilespmem:s1+$0x0] =	vst v2;
	v2 =	vmul.u32 $0xFFFFFC18, v5  }
0x2bb: {  	[tilespmem:s1+$0xFFFFFFF0] =	vst v3;
	v3 =	vmul.u32 $0x21, v5;
	v7 =	vmul.u32 $0xFFFFFC18, v8  }
0x2bc: {  	s0 =	sadd.s32 $0x20, s0;
	v6 =	vmul.u32 $0x21, v8;
	v2 =	vadd.s32 v4, v2  }
0x2bd: {  	[tilespmem:s0+$0xFFFFFFF0] =	vst v3;
	v1 =	vadd.s32 v1, v7;
	v2 =	vmul.u32 $0x21, v2  }
0x2be: {  	s1 =	sadd.s32 $0x20, s1;
	[tilespmem:s0+$0x0] =	vst v6;
	v1 =	vmul.u32 $0x21, v1  }
0x2bf: {  	[tilespmem:s1+$0xFFFFFFF0] =	vst v2  }
0x2c0: {  	[tilespmem:s1+$0x0] =	vst v1  }
0x2c1: {  	v1 =	vld [tilespmem:s28+$0xFFFFFFF0]  }
0x2c2: {  	v2 =	vld [tilespmem:s26+$0xFFFFFFF0];
	_ =	sdelay $0x2  }
0x2c3: {  	v8 =	vimm.s32 $0x0  }
0x2c4: {  	v3 =	vperm.xlane v1, v8  }
0x2c5: {  	v4 =	vperm.xlane v2, v13  }
0x2c6: {  	v5 =	vperm.xlane v1, v13;
	v3 =	vadd.s32 v0, v3  }
0x2c7: {  	v6 =	vperm.xlane v2, v17;
	v4 =	vadd.s32 v0, v4  }
0x2c8: {  	v7 =	vperm.xlane v2, v8;
	v42 =	vadd.s32 v0, v5  }
0x2c9: {  	v26 =	vld [tilespmem:s26+$0x0];
	v5 =	vadd.s32 v0, v6  }
0x2ca: {  	v44 =	vld [tilespmem:s28+$0x0];
	v25 =	vadd.s32 v0, v7  }
0x2cb: {  	v20 =	vld.idx.msk [tilespmem:v3+s17+$0x0], $0xffff  }
0x2cc: {  	v2 =	vperm.xlane v2, v16;
	v30 =	vld.idx.msk [tilespmem:v4+s2+$0x0], $0xffff  }
0x2cd: {  	v6 =	vperm.xlane v1, v17;
	v45 =	vld.idx.msk [tilespmem:v42+s17+$0x0], $0xffff  }
0x2ce: {  	v7 =	vperm.xlane v26, v16;
	v47 =	vadd.s32 v0, v2;
	v36 =	vld.idx.msk [tilespmem:v5+s16+$0x0], $0xffff  }
0x2cf: {  	v40 =	vadd.s32 v0, v6;
	v56 =	vld.idx.msk [tilespmem:v25+s2+$0x0], $0xffff  }
0x2d0: {  	p1 =	por $0x1, $0x1;
	v35 =	vadd.s32 v0, v7;
	v41 =	vld.idx.msk [tilespmem:v5+s2+$0x0], $0xffff  }
.Ltmp14:
0x2d1: {  	v63 =	vld.idx.msk [tilespmem:v3+s10+$0x0], $0xffff;
	(pc) =	sbr.rel @!p1 .LBB2_20-.Ltmp14, $4  }
0x2d2: {  	v1 =	vperm.xlane v1, v16;
	v2 =	vperm.xlane v26, v8;
	v55 =	vld.idx.msk [tilespmem:v4+s16+$0x0], $0xffff  }
0x2d3: {  	v19 =	vimm.f32 $0.0e+00;
	v3 =	vperm.xlane v26, v13;
	v4 =	vperm.xlane v44, v16;
	v39 =	vld.idx.msk [tilespmem:v47+s2+$0x0], $0xffff  }
0x2d4: {  	v58 =	vperm.xlane v44, v17;
	v38 =	vadd.s32 v0, v1;
	v24 =	vadd.s32 v0, v2;
	v52 =	vld.idx.msk [tilespmem:v40+s17+$0x0], $0xffff  }
0x2d5: {  	p0 =	por $0x0, $0x0;
	v5 =	vperm.xlane v44, v13;
	v29 =	vadd.s32 v0, v3;
	v27 =	vadd.s32 v0, v4;
	v21 =	vld.idx.msk [tilespmem:v35+s2+$0x0], $0xffff  }
0x2d6: {  	_ =	sdelay $0x3  }
0x2d7: {  	v1 =	vld.idx.msk [tilespmem:v42+s10+$0x0], $0xffff  }
0x2d8: {  	v3 =	vld.idx.msk [tilespmem:v29+s2+$0x0], $0xffff  }
0x2d9: {  	v4 =	vmul.bf16 v63, v56;
	v6 =	vld.idx.msk [tilespmem:v38+s17+$0x0], $0xffff;
	v7 =	vperm.xlane v44, v8;
	v17 =	vimm.s32 $0x3  }
0x2da: {  	v16 =	vimm.s32 $0x2;
	v15 =	vimm.s32 $0x1;
	v14 =	vimm.s32 $0x0;
	v10 =	vld.idx.msk [tilespmem:v47+s16+$0x0], $0xffff  }
0x2db: {  	v11 =	vadd.s32 v0, v58;
	v12 =	vld.idx.msk [tilespmem:v38+s10+$0x0], $0xffff;
	v2 =	vadd.s32 v0, v5;
	v9 =	vmul.bf16 v45, v55  }
0x2dc: {  	s28 =	simm.s32 $0x110A0;
	v5 =	vld.idx.msk [tilespmem:v40+s10+$0x0], $0xffff;
	v23 =	vperm.xlane v26, v15;
	v54 =	vunpack.i.l.bf16.f32 v4;
	v4 =	vunpack.i.u.bf16.f32 v4  }
0x2dd: {  	v37 =	vld [tilespmem:s28+$0xFFFFFFF0];
	v7 =	vadd.s32 v0, v7;
	v8 =	vadd.f32 v54, v19;
	v22 =	vunpack.i.u.bf16.f32 v9  }
0x2de: {  	v32 =	vld.idx.msk [tilespmem:v27+s17+$0x0], $0xffff;
	v36 =	vmul.bf16 v52, v36;
	v4 =	vadd.f32 v4, v19;
	v9 =	vunpack.i.l.bf16.f32 v9  }
0x2df: {  	v58 =	vld.idx.msk [tilespmem:v24+s2+$0x0], $0xffff;
	v34 =	vadd.f32 v22, v19;
	v1 =	vmul.bf16 v1, v30;
	v30 =	vadd.s32 v0, v23  }
0x2e0: {  	v22 =	vld.idx.msk [tilespmem:v25+s16+$0x0], $0xffff;
	v25 =	vunpack.i.l.bf16.f32 v36;
	v6 =	vmul.bf16 v6, v10;
	v59 =	vunpack.i.u.bf16.f32 v36  }
0x2e1: {  	v12 =	vmul.bf16 v12, v39;
	v26 =	vld.idx.msk [tilespmem:v2+s10+$0x0], $0xffff;
	v5 =	vmul.bf16 v5, v41;
	v48 =	vadd.f32 v59, v19  }
0x2e2: {  	v61 =	vld.idx.msk [tilespmem:v24+s16+$0x0], $0xffff;
	v24 =	vperm.xlane v37, v16;
	v62 =	vperm.xlane v37, v15;
	v56 =	vunpack.i.u.bf16.f32 v1  }
0x2e3: {  	v29 =	vld.idx.msk [tilespmem:v29+s16+$0x0], $0xffff;
	v1 =	vunpack.i.l.bf16.f32 v1;
	v57 =	vunpack.i.u.bf16.f32 v6;
	v6 =	vunpack.i.l.bf16.f32 v6  }
0x2e4: {  	v2 =	vld.idx.msk [tilespmem:v2+s17+$0x0], $0xffff;
	v53 =	vunpack.i.u.bf16.f32 v12;
	v23 =	vunpack.i.u.bf16.f32 v5;
	v10 =	vadd.f32 v56, v19  }
0x2e5: {  	v33 =	vld.idx.msk [tilespmem:v35+s16+$0x0], $0xffff;
	s26 =	simm.s32 $0x10F00;
	v5 =	vunpack.i.l.bf16.f32 v5;
	v1 =	vadd.f32 v1, v19;
	v46 =	vadd.f32 v57, v19  }
0x2e6: {  	v42 =	vadd.s32 v0, v24;
	v28 =	vadd.f32 v23, v19;
	v3 =	vmul.bf16 v26, v3;
	v26 =	vld [tilespmem:s26+$0xFFFFFFF0]  }
0x2e7: {  	v23 =	vunpack.i.l.bf16.f32 v12;
	v20 =	vmul.bf16 v20, v22;
	v31 =	vadd.f32 v5, v19  }
0x2e8: {  	v5 =	vld.idx.msk [tilespmem:v27+s10+$0x0], $0xffff;
	v43 =	vadd.f32 v23, v19;
	v23 =	vunpack.i.u.bf16.f32 v3;
	v3 =	vunpack.i.l.bf16.f32 v3  }
0x2e9: {  	v44 =	vld [tilespmem:s28+$0x0];
	v2 =	vmul.bf16 v2, v29;
	v22 =	vadd.f32 v23, v10;
	v23 =	vadd.f32 v3, v1  }
0x2ea: {  	v54 =	vld.idx.msk [tilespmem:v30+s16+$0x0], $0xffff;
	v3 =	vmul.bf16 v32, v33;
	v33 =	vadd.f32 v25, v19;
	v25 =	vperm.xlane v37, v14  }
0x2eb: {  	v40 =	vadd.s32 v0, v62;
	v1 =	vld.idx.msk [tilespmem:v7+s10+$0x0], $0xffff;
	v27 =	vperm.xlane v26, v14;
	v29 =	vperm.xlane v26, v17  }
0x2ec: {  	v50 =	vadd.f32 v6, v19;
	v32 =	vld.idx.msk [tilespmem:v11+s10+$0x0], $0xffff;
	v60 =	vperm.xlane v26, v15;
	v26 =	vperm.xlane v26, v16  }
0x2ed: {  	v11 =	vld.idx.msk [tilespmem:v11+s17+$0x0], $0xffff;
	v21 =	vmul.bf16 v5, v21;
	v5 =	vperm.xlane v37, v17;
	v51 =	vadd.s32 v0, v25  }
0x2ee: {  	v39 =	vunpack.i.l.bf16.f32 v20;
	v59 =	vunpack.i.u.bf16.f32 v20;
	v52 =	vadd.s32 v0, v26;
	v26 =	vld [tilespmem:s26+$0x0]  }
0x2ef: {  	v63 =	vld.idx.msk [tilespmem:v30+s2+$0x0], $0xffff;
	v62 =	vadd.f32 v39, v19;
	v38 =	vadd.s32 v0, v5;
	v55 =	vadd.s32 v0, v60  }
0x2f0: {  	v7 =	vld.idx.msk [tilespmem:v7+s17+$0x0], $0xffff;
	v12 =	vunpack.i.u.bf16.f32 v3;
	v25 =	vadd.s32 v0, v27;
	v1 =	vmul.bf16 v1, v58  }
0x2f1: {  	v45 =	vld.idx.msk [tilespmem:v42+s17+$0x0], $0xffff;
	v47 =	vadd.s32 v0, v29;
	v60 =	vunpack.i.l.bf16.f32 v3;
	v3 =	vunpack.i.u.bf16.f32 v21  }
0x2f2: {  	v6 =	vmul.bf16 v11, v54;
	v24 =	vunpack.i.l.bf16.f32 v1;
	v1 =	vunpack.i.u.bf16.f32 v1;
	v20 =	vld.idx.msk [tilespmem:v51+s17+$0x0], $0xffff  }
0x2f3: {  	v58 =	vperm.xlane v44, v15;
	v37 =	vadd.f32 v1, v4;
	v1 =	vperm.xlane v26, v14;
	v30 =	vld.idx.msk [tilespmem:v52+s2+$0x0], $0xffff  }
0x2f4: {  	v49 =	vadd.f32 v24, v8;
	v4 =	vperm.xlane v26, v16;
	v5 =	vperm.xlane v26, v17;
	v36 =	vld.idx.msk [tilespmem:v55+s16+$0x0], $0xffff  }
0x2f5: {  	v8 =	vunpack.i.l.bf16.f32 v21;
	v56 =	vld.idx.msk [tilespmem:v25+s2+$0x0], $0xffff;
	v24 =	vadd.s32 v0, v1;
	v1 =	vmul.bf16 v7, v61  }
0x2f6: {  	p1 =	por $0x1, $0x1;
	v41 =	vld.idx.msk [tilespmem:v55+s2+$0x0], $0xffff;
	v35 =	vadd.s32 v0, v5;
	v61 =	vmul.bf16 v32, v63;
	v29 =	vadd.s32 v0, v4  }
.Ltmp15:
0x2f7: {  	v55 =	vld.idx.msk [tilespmem:v52+s16+$0x0], $0xffff;
	v5 =	vunpack.i.u.bf16.f32 v6;
	v4 =	vunpack.i.l.bf16.f32 v2;
	v7 =	vperm.xlane v44, v17;
	(pc) =	sbr.rel @!p1 .LBB2_22-.Ltmp15, $4  }
0x2f8: {  	v63 =	vld.idx.msk [tilespmem:v51+s10+$0x0], $0xffff;
	v2 =	vunpack.i.u.bf16.f32 v2;
	v51 =	vadd.f32 v8, v43;
	v43 =	vimm.f32 $0.0e+00  }
0x2f9: {  	v39 =	vld.idx.msk [tilespmem:v47+s2+$0x0], $0xffff;
	v32 =	vadd.f32 v5, v48;
	v5 =	vperm.xlane v44, v16;
	v57 =	vadd.f32 v2, v34  }
0x2fa: {  	v52 =	vld.idx.msk [tilespmem:v40+s17+$0x0], $0xffff;
	v48 =	vadd.f32 v9, v19;
	v2 =	vunpack.i.l.bf16.f32 v6;
	v34 =	vadd.f32 v12, v46  }
0x2fb: {  	s29 =	simm.s32 $0x2;
	p0 =	por $0x1, $0x1;
	v46 =	vimm.f32 $0.0e+00;
	v54 =	vunpack.i.l.bf16.f32 v1;
	v27 =	vadd.s32 v0, v7;
	v21 =	vld.idx.msk [tilespmem:v35+s2+$0x0], $0xffff  }
.LBB2_23:
0x2fc: {  	s29 =	sadd.s32 $0x2, s29;
	v6 =	vld.idx.msk [tilespmem:v42+s10+$0x0], $0xffff;
	v5 =	vadd.s32 v0, v5;
	s26 =	sadd.s32 $0x20, s26;
	s28 =	sadd.s32 $0x20, s28;
	v7 =	vadd.f32 v59, v46;
	v48 =	vadd.f32 v4, v48  }
0x2fd: {  	v4 =	vmul.bf16 v63, v56;
	v9 =	vadd.f32 v53, v43;
	v1 =	vunpack.i.u.bf16.f32 v1;
	p1 =	slt.u32 s29, $0x18;
	v8 =	vld.idx.msk [tilespmem:v29+s2+$0x0], $0xffff  }
0x2fe: {  	v11 =	vperm.xlane v44, v14;
	v12 =	vadd.s32 v0, v58;
	v42 =	vunpack.i.l.bf16.f32 v61;
	v10 =	vld.idx.msk [tilespmem:v38+s17+$0x0], $0xffff  }
0x2ff: {  	v43 =	vunpack.i.u.bf16.f32 v61;
	v44 =	vunpack.i.u.bf16.f32 v4;
	v4 =	vunpack.i.l.bf16.f32 v4;
	v40 =	vld.idx.msk [tilespmem:v40+s10+$0x0], $0xffff  }
0x300: {  	v45 =	vmul.bf16 v45, v55;
	v28 =	vadd.f32 v43, v28;
	v4 =	vadd.f32 v4, v49;
	v38 =	vld.idx.msk [tilespmem:v38+s10+$0x0], $0xffff  }
0x301: {  	v31 =	vadd.f32 v42, v31;
	v11 =	vadd.s32 v0, v11;
	v43 =	vadd.f32 v3, v9;
	v47 =	vld.idx.msk [tilespmem:v47+s16+$0x0], $0xffff  }
0x302: {  	v46 =	vadd.f32 v1, v7;
	v1 =	vadd.f32 v60, v50;
	v3 =	vunpack.i.u.bf16.f32 v45;
	v9 =	vld.idx.msk [tilespmem:v27+s17+$0x0], $0xffff  }
0x303: {  	v2 =	vadd.f32 v2, v33;
	v57 =	vadd.f32 v3, v57;
	v3 =	vperm.xlane v26, v15;
	v7 =	vld.idx.msk [tilespmem:v5+s10+$0x0], $0xffff  }
0x304: {  	v26 =	vmul.bf16 v52, v36;
	v52 =	vadd.f32 v54, v62;
	v33 =	vld.idx.msk [tilespmem:v35+s16+$0x0], $0xffff  }
0x305: {  	v6 =	vmul.bf16 v6, v30;
	v3 =	vadd.s32 v0, v3;
	v35 =	vmul.bf16 v40, v41;
	v25 =	vld.idx.msk [tilespmem:v25+s16+$0x0], $0xffff  }
0x306: {  	v30 =	vadd.f32 v44, v37;
	v36 =	vunpack.i.l.bf16.f32 v26;
	v41 =	vld.idx.msk [tilespmem:v11+s17+$0x0], $0xffff  }
0x307: {  	v40 =	vunpack.i.u.bf16.f32 v6;
	v37 =	vunpack.i.u.bf16.f32 v35;
	v10 =	vmul.bf16 v10, v47;
	v42 =	vld.idx.msk [tilespmem:v24+s2+$0x0], $0xffff  }
0x308: {  	v6 =	vunpack.i.l.bf16.f32 v6;
	v38 =	vmul.bf16 v38, v39;
	v35 =	vunpack.i.l.bf16.f32 v35;
	v29 =	vld.idx.msk [tilespmem:v29+s16+$0x0], $0xffff  }
0x309: {  	v39 =	vunpack.i.u.bf16.f32 v10;
	v10 =	vunpack.i.l.bf16.f32 v10;
	v7 =	vmul.bf16 v7, v8;
	v5 =	vld.idx.msk [tilespmem:v5+s17+$0x0], $0xffff  }
0x30a: {  	v22 =	vadd.f32 v40, v22;
	v28 =	vadd.f32 v37, v28;
	v37 =	vunpack.i.l.bf16.f32 v38;
	v8 =	vld [tilespmem:s26+$0xFFFFFFF0]  }
0x30b: {  	v6 =	vadd.f32 v6, v23;
	v51 =	vadd.f32 v37, v51;
	v23 =	vunpack.i.u.bf16.f32 v7;
	v40 =	vld [tilespmem:s28+$0xFFFFFFF0]  }
0x30c: {  	v37 =	vmul.bf16 v20, v25;
	v7 =	vunpack.i.l.bf16.f32 v7;
	v22 =	vadd.f32 v23, v22;
	v11 =	vld.idx.msk [tilespmem:v11+s10+$0x0], $0xffff  }
0x30d: {  	v31 =	vadd.f32 v35, v31;
	v23 =	vadd.f32 v7, v6;
	v7 =	vmul.bf16 v9, v33;
	v6 =	vld.idx.msk [tilespmem:v27+s10+$0x0], $0xffff  }
0x30e: {  	v34 =	vadd.f32 v39, v34;
	v9 =	vunpack.i.l.bf16.f32 v37;
	v27 =	vunpack.i.l.bf16.f32 v45;
	v39 =	vld.idx.msk [tilespmem:v12+s10+$0x0], $0xffff  }
0x30f: {  	v33 =	vadd.f32 v36, v2;
	v5 =	vmul.bf16 v5, v29;
	v20 =	vperm.xlane v8, v14;
	v2 =	vld.idx.msk [tilespmem:v24+s16+$0x0], $0xffff  }
0x310: {  	v25 =	vunpack.i.u.bf16.f32 v26;
	v29 =	vperm.xlane v8, v17;
	v24 =	vperm.xlane v40, v14;
	v12 =	vld.idx.msk [tilespmem:v12+s17+$0x0], $0xffff  }
0x311: {  	v32 =	vadd.f32 v25, v32;
	v35 =	vperm.xlane v8, v15;
	v8 =	vperm.xlane v8, v16  }
0x312: {  	v11 =	vmul.bf16 v11, v42;
	v55 =	vadd.s32 v0, v24;
	v24 =	vperm.xlane v40, v16  }
0x313: {  	v25 =	vperm.xlane v40, v15;
	v8 =	vadd.s32 v0, v8;
	v6 =	vmul.bf16 v6, v21;
	v26 =	vld [tilespmem:s26+$0x0]  }
0x314: {  	v21 =	vperm.xlane v40, v17;
	v42 =	vadd.s32 v0, v24;
	v24 =	vunpack.i.l.bf16.f32 v11;
	v54 =	vld.idx.msk [tilespmem:v3+s16+$0x0], $0xffff  }
0x315: {  	v53 =	vunpack.i.u.bf16.f32 v38;
	v58 =	vadd.s32 v0, v35;
	v40 =	vadd.s32 v0, v25;
	v3 =	vld.idx.msk [tilespmem:v3+s2+$0x0], $0xffff  }
0x316: {  	v25 =	vadd.s32 v0, v20;
	v38 =	vadd.s32 v0, v21;
	v11 =	vunpack.i.u.bf16.f32 v11;
	v44 =	vld [tilespmem:s28+$0x0]  }
0x317: {  	v59 =	vunpack.i.u.bf16.f32 v37;
	v37 =	vadd.f32 v11, v30;
	v11 =	vunpack.i.u.bf16.f32 v7;
	v20 =	vld.idx.msk [tilespmem:v55+s17+$0x0], $0xffff  }
0x318: {  	v13 =	vunpack.i.l.bf16.f32 v6;
	v49 =	vadd.f32 v24, v4;
	v30 =	vld.idx.msk [tilespmem:v8+s2+$0x0], $0xffff;
	v21 =	vperm.xlane v26, v14  }
0x319: {  	v50 =	vadd.f32 v10, v1;
	v4 =	vperm.xlane v26, v16;
	v35 =	vperm.xlane v26, v17;
	v45 =	vld.idx.msk [tilespmem:v42+s17+$0x0], $0xffff  }
0x31a: {  	v47 =	vadd.s32 v0, v29;
	v1 =	vmul.bf16 v41, v2;
	v36 =	vld.idx.msk [tilespmem:v58+s16+$0x0], $0xffff;
	v24 =	vadd.s32 v0, v21  }
0x31b: {  	v2 =	vmul.bf16 v12, v54;
	v35 =	vadd.s32 v0, v35;
	v61 =	vmul.bf16 v39, v3;
	v56 =	vld.idx.msk [tilespmem:v25+s2+$0x0], $0xffff  }
0x31c: {  	v54 =	vunpack.i.l.bf16.f32 v1;
	v29 =	vadd.s32 v0, v4;
	v41 =	vld.idx.msk [tilespmem:v58+s2+$0x0], $0xffff;
	v58 =	vperm.xlane v44, v15  }
.Ltmp16:
0x31d: {  	v60 =	vunpack.i.l.bf16.f32 v7;
	v4 =	vunpack.i.l.bf16.f32 v5;
	v3 =	vunpack.i.u.bf16.f32 v2;
	v63 =	vld.idx.msk [tilespmem:v55+s10+$0x0], $0xffff;
	(pc) =	sbr.rel @p1 .LBB2_23-.Ltmp16, $4  }
0x31e: {  	v7 =	vperm.xlane v44, v17;
	v32 =	vadd.f32 v3, v32;
	v3 =	vunpack.i.u.bf16.f32 v5;
	v55 =	vld.idx.msk [tilespmem:v8+s16+$0x0], $0xffff  }
0x31f: {  	v62 =	vadd.f32 v9, v52;
	v5 =	vperm.xlane v44, v16;
	v57 =	vadd.f32 v3, v57;
	v39 =	vld.idx.msk [tilespmem:v47+s2+$0x0], $0xffff  }
0x320: {  	v48 =	vadd.f32 v27, v48;
	v2 =	vunpack.i.l.bf16.f32 v2;
	v3 =	vunpack.i.u.bf16.f32 v6;
	v52 =	vld.idx.msk [tilespmem:v40+s17+$0x0], $0xffff  }
0x321: {  	v51 =	vadd.f32 v13, v51;
	v34 =	vadd.f32 v11, v34;
	v27 =	vadd.s32 v0, v7;
	v21 =	vld.idx.msk [tilespmem:v35+s2+$0x0], $0xffff  }
0x322: {  	v17 =	vimm.s32 $0x1  }
.LBB2_25:
0x323: {  	_ = 	snop  }
0x324: {  	v5 =	vadd.s32 v0, v5;
	v6 =	vadd.f32 @p0 v59, v46;
	v4 =	vadd.f32 @p0 v4, v48  }
0x325: {  	v7 =	vmul.bf16 v63, v56;
	v8 =	vadd.f32 @p0 v53, v43;
	v1 =	vunpack.i.u.bf16.f32 @p0 v1  }
0x326: {  	v10 =	vimm.s32 $0x0;
	v11 =	vadd.s32 v0, v58;
	v13 =	vunpack.i.l.bf16.f32 @p0 v61  }
0x327: {  	v9 =	vld.idx.msk [tilespmem:v42+s10+$0x0], $0xffff;
	v43 =	vunpack.i.u.bf16.f32 @p0 v61;
	v26 =	vperm.xlane v26, v17;
	v2 =	vadd.f32 @p0 v2, v33  }
0x328: {  	v12 =	vld.idx.msk [tilespmem:v38+s17+$0x0], $0xffff;
	v10 =	vperm.xlane v44, v10;
	v44 =	vmul.bf16 v45, v55;
	v28 =	vadd.f32 @p0 v43, v28  }
0x329: {  	v40 =	vld.idx.msk [tilespmem:v40+s10+$0x0], $0xffff;
	v13 =	vadd.f32 @p0 v13, v31;
	v58 =	vunpack.i.u.bf16.f32 v7;
	v3 =	vadd.f32 @p0 v3, v8  }
0x32a: {  	v7 =	vunpack.i.l.bf16.f32 v7;
	v1 =	vadd.f32 @p0 v1, v6;
	v6 =	vld.idx.msk [tilespmem:v38+s10+$0x0], $0xffff;
	v38 =	vadd.f32 @p0 v60, v50  }
0x32b: {  	v59 =	vld.idx.msk [tilespmem:v47+s16+$0x0], $0xffff;
	v48 =	vmul.bf16 v52, v36;
	v36 =	vadd.f32 @p0 v54, v62;
	v26 =	vadd.s32 v0, v26  }
0x32c: {  	v25 =	vld.idx.msk [tilespmem:v25+s16+$0x0], $0xffff;
	v2 =	vpsel p0, v2, v19;
	v4 =	vpsel p0, v4, v19;
	v7 =	vadd.f32 v7, v49  }
0x32d: {  	v53 =	vld.idx.msk [tilespmem:v24+s2+$0x0], $0xffff;
	v10 =	vadd.s32 v0, v10;
	v61 =	vunpack.i.u.bf16.f32 v44;
	v28 =	vpsel p0, v28, v19  }
0x32e: {  	v35 =	vld.idx.msk [tilespmem:v35+s16+$0x0], $0xffff;
	v13 =	vpsel p0, v13, v19;
	v8 =	vadd.f32 v61, v57;
	v50 =	vunpack.i.l.bf16.f32 v48  }
0x32f: {  	v31 =	vld.idx.msk [tilespmem:v29+s2+$0x0], $0xffff;
	v61 =	vunpack.i.l.bf16.f32 v44;
	v1 =	vpsel p0, v1, v19;
	v3 =	vpsel p0, v3, v19  }
0x330: {  	v63 =	vld.idx.msk [tilespmem:v5+s10+$0x0], $0xffff;
	v40 =	vmul.bf16 v40, v41;
	v9 =	vmul.bf16 v9, v30;
	v30 =	vadd.f32 v58, v37  }
0x331: {  	v24 =	vld.idx.msk [tilespmem:v24+s16+$0x0], $0xffff;
	v12 =	vmul.bf16 v12, v59;
	v20 =	vmul.bf16 v20, v25;
	v2 =	vadd.f32 v50, v2  }
0x332: {  	v49 =	vld.idx.msk [tilespmem:v27+s17+$0x0], $0xffff;
	v4 =	vadd.f32 v61, v4;
	v41 =	vunpack.i.u.bf16.f32 v40;
	v52 =	vunpack.i.u.bf16.f32 v9  }
0x333: {  	v40 =	vunpack.i.l.bf16.f32 v40;
	v9 =	vunpack.i.l.bf16.f32 v9;
	v6 =	vmul.bf16 v6, v39;
	v55 =	vld.idx.msk [tilespmem:v10+s10+$0x0], $0xffff  }
0x334: {  	v54 =	vunpack.i.u.bf16.f32 v12;
	v12 =	vunpack.i.l.bf16.f32 v12;
	v60 =	vunpack.i.l.bf16.f32 v20;
	v10 =	vld.idx.msk [tilespmem:v10+s17+$0x0], $0xffff  }
0x335: {  	v59 =	vld.idx.msk [tilespmem:v26+s2+$0x0], $0xffff;
	v28 =	vadd.f32 v41, v28;
	v22 =	vadd.f32 v52, v22;
	v31 =	vmul.bf16 v63, v31  }
0x336: {  	v26 =	vld.idx.msk [tilespmem:v26+s16+$0x0], $0xffff;
	v20 =	vunpack.i.u.bf16.f32 v20;
	v9 =	vadd.f32 v9, v23;
	v13 =	vadd.f32 v40, v13  }
0x337: {  	v1 =	vadd.f32 v20, v1;
	v57 =	vunpack.i.u.bf16.f32 v31;
	v25 =	vunpack.i.l.bf16.f32 v31;
	v31 =	vld.idx.msk [tilespmem:v11+s10+$0x0], $0xffff  }
0x338: {  	v41 =	vunpack.i.u.bf16.f32 v48;
	v42 =	vmul.bf16 v49, v35;
	v11 =	vld.idx.msk [tilespmem:v11+s17+$0x0], $0xffff;
	v58 =	vmul.bf16 v55, v53  }
0x339: {  	s0 =	sshll.u32 s25, $0xA;
	v29 =	vld.idx.msk [tilespmem:v29+s16+$0x0], $0xffff;
	v10 =	vmul.bf16 v10, v24;
	v24 =	vpsel p0, v36, v19;
	v9 =	vadd.f32 v25, v9  }
0x33a: {  	s26 =	sand.u32 $0x3FFFFC00, s0;
	v5 =	vld.idx.msk [tilespmem:v5+s17+$0x0], $0xffff;
	v22 =	vadd.f32 v57, v22;
	v24 =	vadd.f32 v60, v24;
	v62 =	vunpack.i.l.bf16.f32 v58  }
0x33b: {  	v27 =	vld.idx.msk [tilespmem:v27+s10+$0x0], $0xffff;
	v40 =	vunpack.i.u.bf16.f32 v58;
	v63 =	vunpack.i.l.bf16.f32 v10;
	[tilespmem:s26+$0x12290] =	vst v9;
	v7 =	vadd.f32 v62, v7  }
0x33c: {  	v10 =	vunpack.i.u.bf16.f32 v10;
	[tilespmem:s26+$0x122B0] =	vst v22;
	v30 =	vadd.f32 v40, v30;
	v31 =	vmul.bf16 v31, v59  }
0x33d: {  	v56 =	vunpack.i.l.bf16.f32 v6;
	v1 =	vadd.f32 v10, v1;
	[tilespmem:s26+$0x12210] =	vst v7;
	v7 =	vmul.bf16 v11, v26  }
0x33e: {  	v20 =	vadd.f32 v63, v24;
	v10 =	vadd.f32 v41, v32;
	[tilespmem:s26+$0x12230] =	vst v30;
	v40 =	vunpack.i.l.bf16.f32 v31  }
0x33f: {  	[tilespmem:s26+$0x12240] =	vst v1;
	v1 =	vmul.bf16 v5, v29;
	v11 =	vadd.f32 v40, v13;
	v13 =	vunpack.i.l.bf16.f32 v7  }
0x340: {  	v23 =	vadd.f32 v56, v51;
	[tilespmem:s26+$0x12220] =	vst v20;
	v5 =	vunpack.i.u.bf16.f32 v7;
	v2 =	vadd.f32 v13, v2  }
0x341: {  	v24 =	vunpack.i.u.bf16.f32 v31;
	v44 =	vunpack.i.l.bf16.f32 v1;
	v5 =	vadd.f32 v5, v10;
	[tilespmem:s26+$0x12250] =	vst v11  }
0x342: {  	v7 =	vmul.bf16 v27, v21;
	v1 =	vunpack.i.u.bf16.f32 v1;
	v4 =	vadd.f32 v44, v4;
	[tilespmem:s26+$0x12260] =	vst v2  }
0x343: {  	v20 =	vadd.f32 v24, v28;
	v1 =	vadd.f32 v1, v8;
	v2 =	vunpack.i.u.bf16.f32 v6;
	[tilespmem:s26+$0x12280] =	vst v5  }
0x344: {  	v6 =	vunpack.i.l.bf16.f32 v7;
	v5 =	vpsel p0, v38, v19;
	[tilespmem:s26+$0x122A0] =	vst v4;
	v4 =	vadd.f32 v54, v34  }
0x345: {  	[tilespmem:s26+$0x122C0] =	vst v1;
	v1 =	vunpack.i.u.bf16.f32 v42;
	v2 =	vadd.f32 v2, v3;
	v6 =	vadd.f32 v6, v23  }
0x346: {  	[tilespmem:s26+$0x12270] =	vst v20;
	v3 =	vadd.f32 v12, v5;
	v5 =	vunpack.i.u.bf16.f32 v7;
	v1 =	vadd.f32 v1, v4  }
0x347: {  	v7 =	vunpack.i.l.bf16.f32 v42;
	v2 =	vadd.f32 v5, v2;
	[tilespmem:s26+$0x122D0] =	vst v6  }
0x348: {  	v3 =	vadd.f32 v7, v3;
	[tilespmem:s26+$0x12300] =	vst v1  }
0x349: {  	[tilespmem:s26+$0x122F0] =	vst v2  }
0x34a: {  	s31 =	simm.s32 $0x11080;
	[tilespmem:s26+$0x122E0] =	vst v3  }
0x34b: {  	s1 =	simm.s32 $0x10EE0;
	v1 =	vld [tilespmem:s31+$0xFFFFFFF0]  }
0x34c: {  	v2 =	vld [tilespmem:s1+$0xFFFFFFF0];
	_ =	sdelay $0x2  }
0x34d: {  	v16 =	vimm.s32 $0x4  }
0x34e: {  	v5 =	vimm.s32 $0x6;
	v3 =	vperm.xlane v1, v16  }
0x34f: {  	v4 =	vperm.xlane v2, v5  }
0x350: {  	v18 =	vimm.s32 $0x5;
	v5 =	vperm.xlane v1, v5;
	v3 =	vadd.s32 v0, v3  }
0x351: {  	v6 =	vperm.xlane v2, v18;
	v4 =	vadd.s32 v0, v4  }
0x352: {  	v7 =	vperm.xlane v2, v16;
	v5 =	vadd.s32 v0, v5  }
0x353: {  	v45 =	vld [tilespmem:s1+$0x0];
	v6 =	vadd.s32 v0, v6  }
0x354: {  	v9 =	vld [tilespmem:s31+$0x0];
	v7 =	vadd.s32 v0, v7  }
0x355: {  	v15 =	vimm.s32 $0x7;
	v46 =	vld.idx.msk [tilespmem:v3+s17+$0x0], $0xffff  }
0x356: {  	v2 =	vperm.xlane v2, v15;
	v47 =	vld.idx.msk [tilespmem:v4+s2+$0x0], $0xffff  }
0x357: {  	v12 =	vperm.xlane v1, v18;
	v13 =	vld.idx.msk [tilespmem:v5+s17+$0x0], $0xffff  }
0x358: {  	v2 =	vadd.s32 v0, v2;
	v20 =	vld.idx.msk [tilespmem:v6+s16+$0x0], $0xffff  }
0x359: {  	v1 =	vperm.xlane v1, v15;
	v12 =	vadd.s32 v0, v12;
	v22 =	vld.idx.msk [tilespmem:v7+s2+$0x0], $0xffff  }
0x35a: {  	v6 =	vld.idx.msk [tilespmem:v6+s2+$0x0], $0xffff  }
0x35b: {  	v1 =	vadd.s32 v0, v1;
	v3 =	vld.idx.msk [tilespmem:v3+s10+$0x0], $0xffff  }
0x35c: {  	v4 =	vld.idx.msk [tilespmem:v4+s16+$0x0], $0xffff  }
0x35d: {  	v27 =	vperm.xlane v45, v15;
	v23 =	vld.idx.msk [tilespmem:v2+s2+$0x0], $0xffff  }
0x35e: {  	v25 =	vld.idx.msk [tilespmem:v12+s17+$0x0], $0xffff  }
0x35f: {  	v27 =	vadd.s32 v0, v27;
	v5 =	vld.idx.msk [tilespmem:v5+s10+$0x0], $0xffff  }
0x360: {  	v24 =	vperm.xlane v9, v15;
	v30 =	vld.idx.msk [tilespmem:v1+s17+$0x0], $0xffff  }
0x361: {  	v12 =	vld.idx.msk [tilespmem:v12+s10+$0x0], $0xffff  }
0x362: {  	v14 =	vimm.s32 $0x6;
	v24 =	vadd.s32 v0, v24;
	v2 =	vld.idx.msk [tilespmem:v2+s16+$0x0], $0xffff  }
0x363: {  	v21 =	vperm.xlane v45, v14;
	v1 =	vld.idx.msk [tilespmem:v1+s10+$0x0], $0xffff  }
0x364: {  	v26 =	vperm.xlane v9, v14;
	v29 =	vperm.xlane v45, v16;
	v49 =	vld.idx.msk [tilespmem:v27+s16+$0x0], $0xffff  }
0x365: {  	v31 =	vperm.xlane v9, v18;
	v9 =	vperm.xlane v9, v16;
	v21 =	vadd.s32 v0, v21;
	v7 =	vld.idx.msk [tilespmem:v7+s16+$0x0], $0xffff  }
0x366: {  	v8 =	vperm.xlane v45, v18;
	v26 =	vadd.s32 v0, v26;
	v27 =	vld.idx.msk [tilespmem:v27+s2+$0x0], $0xffff  }
0x367: {  	v29 =	vadd.s32 v0, v29;
	v9 =	vadd.s32 v0, v9;
	v53 =	vld.idx.msk [tilespmem:v24+s10+$0x0], $0xffff  }
0x368: {  	v8 =	vadd.s32 v0, v8;
	v3 =	vmul.bf16 v3, v22;
	v4 =	vmul.bf16 v13, v4  }
0x369: {  	v13 =	vadd.s32 v0, v31;
	v25 =	vmul.bf16 v25, v20;
	v6 =	vmul.bf16 v12, v6  }
0x36a: {  	v28 =	vld.idx.msk [tilespmem:v21+s2+$0x0], $0xffff;
	v5 =	vmul.bf16 v5, v47;
	v2 =	vmul.bf16 v30, v2;
	v31 =	vunpack.i.u.bf16.f32 v4  }
0x36b: {  	v1 =	vmul.bf16 v1, v23;
	v7 =	vmul.bf16 v46, v7;
	v35 =	vadd.f32 v31, v19;
	v31 =	vld.idx.msk [tilespmem:v26+s10+$0x0], $0xffff  }
0x36c: {  	v27 =	vmul.bf16 v53, v27;
	v22 =	vunpack.i.u.bf16.f32 v3;
	v3 =	vunpack.i.l.bf16.f32 v3  }
0x36d: {  	v48 =	vld.idx.msk [tilespmem:v24+s17+$0x0], $0xffff;
	v12 =	vunpack.i.l.bf16.f32 v25;
	v20 =	vunpack.i.u.bf16.f32 v6;
	v30 =	vunpack.i.u.bf16.f32 v5  }
0x36e: {  	v50 =	vld.idx.msk [tilespmem:v21+s16+$0x0], $0xffff;
	v6 =	vunpack.i.l.bf16.f32 v6;
	v5 =	vunpack.i.l.bf16.f32 v5;
	v51 =	vunpack.i.u.bf16.f32 v2  }
0x36f: {  	s28 =	simm.s32 $0x10F00;
	v2 =	vunpack.i.l.bf16.f32 v2;
	v23 =	vunpack.i.l.bf16.f32 v1;
	v37 =	vunpack.i.l.bf16.f32 v7;
	v26 =	vld.idx.msk [tilespmem:v26+s17+$0x0], $0xffff  }
0x370: {  	s29 =	simm.s32 $0x110A0;
	v56 =	vunpack.i.l.bf16.f32 v4;
	v3 =	vadd.f32 v3, v19;
	v21 =	vmul.bf16 v31, v28;
	v28 =	vld [tilespmem:s28+$0xFFFFFFF0]  }
0x371: {  	v25 =	vunpack.i.u.bf16.f32 v25;
	v11 =	vadd.f32 v22, v19;
	v22 =	vadd.f32 v20, v19;
	v31 =	vld [tilespmem:s29+$0xFFFFFFF0]  }
0x372: {  	v52 =	vld.idx.msk [tilespmem:v29+s2+$0x0], $0xffff;
	v47 =	vunpack.i.u.bf16.f32 v1;
	v20 =	vadd.f32 v30, v19;
	v5 =	vadd.f32 v5, v19  }
0x373: {  	v60 =	vld.idx.msk [tilespmem:v29+s16+$0x0], $0xffff;
	v1 =	vunpack.i.u.bf16.f32 v7;
	v42 =	vadd.f32 v23, v19;
	v36 =	vadd.f32 v51, v19  }
0x374: {  	v62 =	vld.idx.msk [tilespmem:v8+s16+$0x0], $0xffff;
	v7 =	vunpack.i.l.bf16.f32 v27;
	v24 =	vadd.f32 v12, v19;
	v44 =	vadd.f32 v25, v19  }
0x375: {  	v8 =	vld.idx.msk [tilespmem:v8+s2+$0x0], $0xffff;
	v12 =	vmul.bf16 v26, v50;
	v23 =	vunpack.i.u.bf16.f32 v21;
	v4 =	vperm.xlane v28, v16  }
0x376: {  	v33 =	vld.idx.msk [tilespmem:v13+s10+$0x0], $0xffff;
	v30 =	vunpack.i.l.bf16.f32 v21;
	v26 =	vperm.xlane v31, v16;
	v58 =	vperm.xlane v28, v15  }
0x377: {  	v13 =	vld.idx.msk [tilespmem:v13+s17+$0x0], $0xffff;
	v21 =	vadd.f32 v23, v20;
	v59 =	vperm.xlane v28, v18;
	v28 =	vperm.xlane v28, v14  }
0x378: {  	v23 =	vadd.f32 v6, v19;
	v6 =	vld.idx.msk [tilespmem:v9+s10+$0x0], $0xffff;
	v25 =	vperm.xlane v31, v14;
	v26 =	vadd.s32 v0, v26  }
0x379: {  	v43 =	vadd.f32 v2, v19;
	v20 =	vadd.f32 v30, v5;
	v30 =	vld [tilespmem:s28+$0x0];
	v28 =	vadd.s32 v0, v28  }
0x37a: {  	v5 =	vmul.bf16 v48, v49;
	v9 =	vld.idx.msk [tilespmem:v9+s17+$0x0], $0xffff;
	v61 =	vperm.xlane v31, v18;
	v50 =	vadd.s32 v0, v25  }
0x37b: {  	v42 =	vadd.f32 v7, v42;
	v48 =	vld [tilespmem:s29+$0x0];
	v25 =	vperm.xlane v31, v15;
	v63 =	vadd.s32 v0, v59  }
0x37c: {  	v2 =	vmul.bf16 v33, v8;
	v55 =	vunpack.i.l.bf16.f32 v5;
	v39 =	vadd.s32 v0, v61  }
0x37d: {  	v31 =	vadd.s32 v0, v4;
	v6 =	vmul.bf16 v6, v52;
	v38 =	vadd.s32 v0, v25;
	v25 =	vld.idx.msk [tilespmem:v26+s17+$0x0], $0xffff  }
0x37e: {  	v54 =	vadd.s32 v0, v58;
	v61 =	vunpack.i.l.bf16.f32 v12;
	v49 =	vperm.xlane v30, v14;
	v34 =	vld.idx.msk [tilespmem:v28+s2+$0x0], $0xffff  }
0x37f: {  	v58 =	vmul.bf16 v9, v60;
	v9 =	vmul.bf16 v13, v62;
	v29 =	vunpack.i.l.bf16.f32 v6;
	v53 =	vld.idx.msk [tilespmem:v50+s17+$0x0], $0xffff  }
0x380: {  	v10 =	vperm.xlane v48, v15;
	v52 =	vadd.f32 v29, v3;
	v3 =	vperm.xlane v30, v15;
	v40 =	vld.idx.msk [tilespmem:v63+s16+$0x0], $0xffff  }
0x381: {  	v62 =	vperm.xlane v48, v14;
	v4 =	vunpack.i.u.bf16.f32 v6;
	v6 =	vunpack.i.u.bf16.f32 v5;
	v45 =	vld.idx.msk [tilespmem:v63+s2+$0x0], $0xffff  }
0x382: {  	v32 =	vadd.f32 v4, v11;
	v4 =	vperm.xlane v30, v16;
	v60 =	vld.idx.msk [tilespmem:v26+s10+$0x0], $0xffff;
	v41 =	vadd.s32 v0, v3  }
0x383: {  	v33 =	vadd.s32 v0, v49;
	v49 =	vunpack.i.l.bf16.f32 v58;
	v51 =	vunpack.i.u.bf16.f32 v9;
	v59 =	vld.idx.msk [tilespmem:v28+s16+$0x0], $0xffff  }
0x384: {  	v5 =	vunpack.i.u.bf16.f32 v12;
	v57 =	vunpack.i.l.bf16.f32 v9;
	v29 =	vadd.s32 v0, v4;
	v4 =	vld.idx.msk [tilespmem:v31+s2+$0x0], $0xffff  }
0x385: {  	v46 =	vadd.f32 v5, v35;
	v5 =	vunpack.i.u.bf16.f32 v27;
	v26 =	vadd.f32 v51, v44;
	v44 =	vld.idx.msk [tilespmem:v54+s2+$0x0], $0xffff  }
0x386: {  	v35 =	vadd.s32 v0, v10;
	v51 =	vadd.f32 v37, v19;
	v37 =	vadd.f32 v56, v19;
	v56 =	vld.idx.msk [tilespmem:v39+s17+$0x0], $0xffff  }
0x387: {  	s30 =	simm.s32 $0x2;
	v28 =	vadd.f32 v6, v36;
	v36 =	vimm.f32 $0.0e+00;
	v3 =	vperm.xlane v48, v18;
	v27 =	vld.idx.msk [tilespmem:v41+s2+$0x0], $0xffff  }
.LBB2_26:
0x388: {  	s30 =	sadd.s32 $0x2, s30;
	v6 =	vld.idx.msk [tilespmem:v50+s10+$0x0], $0xffff;
	v7 =	vadd.s32 v0, v62;
	s28 =	sadd.s32 $0x20, s28;
	s29 =	sadd.s32 $0x20, s29;
	v1 =	vadd.f32 v1, v19;
	v37 =	vadd.f32 v61, v37  }
0x389: {  	v4 =	vmul.bf16 v60, v4;
	v9 =	vadd.f32 v47, v36;
	v10 =	vunpack.i.u.bf16.f32 v58;
	p0 =	slt.u32 s30, $0x18;
	v8 =	vld.idx.msk [tilespmem:v33+s2+$0x0], $0xffff  }
0x38a: {  	v12 =	vperm.xlane v48, v16;
	v3 =	vadd.s32 v0, v3;
	v13 =	vunpack.i.l.bf16.f32 v2;
	v11 =	vld.idx.msk [tilespmem:v38+s17+$0x0], $0xffff  }
0x38b: {  	v2 =	vunpack.i.u.bf16.f32 v2;
	v47 =	vunpack.i.u.bf16.f32 v4;
	v4 =	vunpack.i.l.bf16.f32 v4;
	v39 =	vld.idx.msk [tilespmem:v39+s10+$0x0], $0xffff  }
0x38c: {  	v48 =	vmul.bf16 v53, v59;
	v2 =	vadd.f32 v2, v22;
	v4 =	vadd.f32 v4, v52;
	v38 =	vld.idx.msk [tilespmem:v38+s10+$0x0], $0xffff  }
0x38d: {  	v13 =	vadd.f32 v13, v23;
	v12 =	vadd.s32 v0, v12;
	v36 =	vadd.f32 v5, v9;
	v22 =	vld.idx.msk [tilespmem:v54+s16+$0x0], $0xffff  }
0x38e: {  	v19 =	vadd.f32 v10, v1;
	v10 =	vadd.f32 v55, v43;
	v5 =	vunpack.i.u.bf16.f32 v48;
	v9 =	vld.idx.msk [tilespmem:v35+s17+$0x0], $0xffff  }
0x38f: {  	v24 =	vadd.f32 v57, v24;
	v1 =	vperm.xlane v30, v18;
	v46 =	vadd.f32 v5, v46;
	v5 =	vld.idx.msk [tilespmem:v7+s10+$0x0], $0xffff  }
0x390: {  	v51 =	vadd.f32 v49, v51;
	v30 =	vmul.bf16 v56, v40;
	v40 =	vld.idx.msk [tilespmem:v41+s16+$0x0], $0xffff  }
0x391: {  	v1 =	vadd.s32 v0, v1;
	v6 =	vmul.bf16 v6, v34;
	v23 =	vld.idx.msk [tilespmem:v31+s16+$0x0], $0xffff;
	v31 =	vmul.bf16 v39, v45  }
0x392: {  	v32 =	vadd.f32 v47, v32;
	v34 =	vunpack.i.l.bf16.f32 v30;
	v41 =	vld.idx.msk [tilespmem:v12+s17+$0x0], $0xffff  }
0x393: {  	v43 =	vunpack.i.u.bf16.f32 v6;
	v11 =	vmul.bf16 v11, v22;
	v39 =	vunpack.i.u.bf16.f32 v31;
	v45 =	vld.idx.msk [tilespmem:v29+s2+$0x0], $0xffff  }
0x394: {  	v6 =	vunpack.i.l.bf16.f32 v6;
	v38 =	vmul.bf16 v38, v44;
	v31 =	vunpack.i.l.bf16.f32 v31;
	v33 =	vld.idx.msk [tilespmem:v33+s16+$0x0], $0xffff  }
0x395: {  	v44 =	vunpack.i.u.bf16.f32 v11;
	v11 =	vunpack.i.l.bf16.f32 v11;
	v5 =	vmul.bf16 v5, v8;
	v7 =	vld.idx.msk [tilespmem:v7+s17+$0x0], $0xffff  }
0x396: {  	v22 =	vadd.f32 v39, v2;
	v2 =	vadd.f32 v43, v21;
	v21 =	vunpack.i.l.bf16.f32 v38;
	v8 =	vld [tilespmem:s28+$0xFFFFFFF0]  }
0x397: {  	v6 =	vadd.f32 v6, v20;
	v42 =	vadd.f32 v21, v42;
	v20 =	vunpack.i.u.bf16.f32 v5;
	v39 =	vld [tilespmem:s29+$0xFFFFFFF0]  }
0x398: {  	v43 =	vmul.bf16 v25, v23;
	v5 =	vunpack.i.l.bf16.f32 v5;
	v21 =	vadd.f32 v20, v2;
	v12 =	vld.idx.msk [tilespmem:v12+s10+$0x0], $0xffff  }
0x399: {  	v23 =	vadd.f32 v31, v13;
	v20 =	vadd.f32 v5, v6;
	v5 =	vmul.bf16 v9, v40;
	v2 =	vld.idx.msk [tilespmem:v35+s10+$0x0], $0xffff  }
0x39a: {  	v13 =	vadd.f32 v44, v28;
	v9 =	vunpack.i.l.bf16.f32 v48;
	v6 =	vunpack.i.l.bf16.f32 v43;
	v28 =	vld.idx.msk [tilespmem:v3+s10+$0x0], $0xffff  }
0x39b: {  	v24 =	vadd.f32 v34, v24;
	v7 =	vmul.bf16 v7, v33;
	v25 =	vperm.xlane v8, v16;
	v35 =	vld.idx.msk [tilespmem:v29+s16+$0x0], $0xffff  }
0x39c: {  	v30 =	vunpack.i.u.bf16.f32 v30;
	v33 =	vperm.xlane v8, v15;
	v29 =	vperm.xlane v39, v16;
	v3 =	vld.idx.msk [tilespmem:v3+s17+$0x0], $0xffff  }
0x39d: {  	v26 =	vadd.f32 v30, v26;
	v31 =	vperm.xlane v8, v18;
	v8 =	vperm.xlane v8, v14  }
0x39e: {  	v12 =	vmul.bf16 v12, v45;
	v44 =	vadd.s32 v0, v29;
	v29 =	vperm.xlane v39, v14  }
0x39f: {  	v34 =	vperm.xlane v39, v18;
	v8 =	vadd.s32 v0, v8;
	v27 =	vmul.bf16 v2, v27;
	v30 =	vld [tilespmem:s28+$0x0]  }
0x3a0: {  	v2 =	vperm.xlane v39, v15;
	v50 =	vadd.s32 v0, v29;
	v29 =	vunpack.i.l.bf16.f32 v12;
	v45 =	vld.idx.msk [tilespmem:v1+s16+$0x0], $0xffff  }
0x3a1: {  	v47 =	vunpack.i.u.bf16.f32 v38;
	v49 =	vadd.s32 v0, v31;
	v39 =	vadd.s32 v0, v34;
	v55 =	vld.idx.msk [tilespmem:v1+s2+$0x0], $0xffff  }
0x3a2: {  	v31 =	vadd.s32 v0, v25;
	v38 =	vadd.s32 v0, v2;
	v2 =	vunpack.i.u.bf16.f32 v12;
	v48 =	vld [tilespmem:s29+$0x0]  }
0x3a3: {  	v12 =	vunpack.i.u.bf16.f32 v5;
	v1 =	vunpack.i.u.bf16.f32 v43;
	v32 =	vadd.f32 v2, v32;
	v25 =	vld.idx.msk [tilespmem:v44+s17+$0x0], $0xffff  }
0x3a4: {  	v63 =	vunpack.i.l.bf16.f32 v27;
	v52 =	vadd.f32 v29, v4;
	v34 =	vld.idx.msk [tilespmem:v8+s2+$0x0], $0xffff;
	v2 =	vperm.xlane v30, v16  }
0x3a5: {  	v43 =	vadd.f32 v11, v10;
	v56 =	vperm.xlane v30, v14;
	v57 =	vperm.xlane v30, v15;
	v53 =	vld.idx.msk [tilespmem:v50+s17+$0x0], $0xffff  }
0x3a6: {  	v54 =	vadd.s32 v0, v33;
	v58 =	vmul.bf16 v41, v35;
	v40 =	vld.idx.msk [tilespmem:v49+s16+$0x0], $0xffff;
	v29 =	vadd.s32 v0, v2  }
0x3a7: {  	v10 =	vmul.bf16 v3, v45;
	v41 =	vadd.s32 v0, v57;
	v2 =	vmul.bf16 v28, v55;
	v4 =	vld.idx.msk [tilespmem:v31+s2+$0x0], $0xffff  }
0x3a8: {  	v33 =	vadd.s32 v0, v56;
	v3 =	vperm.xlane v48, v18;
	v45 =	vld.idx.msk [tilespmem:v49+s2+$0x0], $0xffff;
	v49 =	vunpack.i.l.bf16.f32 v58  }
.Ltmp17:
0x3a9: {  	v61 =	vunpack.i.l.bf16.f32 v7;
	v55 =	vunpack.i.l.bf16.f32 v5;
	v11 =	vunpack.i.u.bf16.f32 v10;
	v60 =	vld.idx.msk [tilespmem:v44+s10+$0x0], $0xffff;
	(pc) =	sbr.rel @p0 .LBB2_26-.Ltmp17, $4  }
0x3aa: {  	v5 =	vunpack.i.u.bf16.f32 v7;
	v26 =	vadd.f32 v11, v26;
	v59 =	vld.idx.msk [tilespmem:v8+s16+$0x0], $0xffff;
	v8 =	vperm.xlane v48, v15  }
0x3ab: {  	v51 =	vadd.f32 v6, v51;
	v62 =	vperm.xlane v48, v14;
	v46 =	vadd.f32 v5, v46;
	v44 =	vld.idx.msk [tilespmem:v54+s2+$0x0], $0xffff  }
0x3ac: {  	v37 =	vadd.f32 v9, v37;
	v57 =	vunpack.i.l.bf16.f32 v10;
	v5 =	vunpack.i.u.bf16.f32 v27;
	v56 =	vld.idx.msk [tilespmem:v39+s17+$0x0], $0xffff  }
0x3ad: {  	v42 =	vadd.f32 v63, v42;
	v28 =	vadd.f32 v12, v13;
	v35 =	vadd.s32 v0, v8;
	v27 =	vld.idx.msk [tilespmem:v41+s2+$0x0], $0xffff  }
0x3ae: {  	_ =	sdelay $0x3  }
0x3af: {  	v6 =	vld.idx.msk [tilespmem:v50+s10+$0x0], $0xffff  }
0x3b0: {  	v7 =	vadd.s32 v0, v62;
	v1 =	vadd.f32 v1, v19;
	v4 =	vmul.bf16 v60, v4;
	v8 =	vld.idx.msk [tilespmem:v33+s2+$0x0], $0xffff  }
0x3b1: {  	v9 =	vadd.f32 v61, v37;
	v10 =	vadd.f32 v47, v36;
	v11 =	vunpack.i.u.bf16.f32 v58;
	v12 =	vld.idx.msk [tilespmem:v38+s17+$0x0], $0xffff  }
0x3b2: {  	v13 =	vperm.xlane v48, v16;
	v3 =	vadd.s32 v0, v3;
	v63 =	vld.idx.msk [tilespmem:v39+s10+$0x0], $0xffff;
	v48 =	vunpack.i.l.bf16.f32 v2  }
0x3b3: {  	v2 =	vunpack.i.u.bf16.f32 v2;
	v50 =	vld.idx.msk [tilespmem:v38+s10+$0x0], $0xffff;
	v30 =	vperm.xlane v30, v18;
	v24 =	vadd.f32 v57, v24  }
0x3b4: {  	v31 =	vld.idx.msk [tilespmem:v31+s16+$0x0], $0xffff;
	v2 =	vadd.f32 v2, v22;
	v23 =	vadd.f32 v48, v23;
	v19 =	vunpack.i.l.bf16.f32 v4  }
0x3b5: {  	v22 =	vld.idx.msk [tilespmem:v54+s16+$0x0], $0xffff;
	v13 =	vadd.s32 v0, v13;
	v4 =	vunpack.i.u.bf16.f32 v4;
	v5 =	vadd.f32 v5, v10  }
0x3b6: {  	v57 =	vld.idx.msk [tilespmem:v29+s2+$0x0], $0xffff;
	v1 =	vadd.f32 v11, v1;
	v11 =	vadd.f32 v55, v43;
	v30 =	vadd.s32 v0, v30  }
0x3b7: {  	v29 =	vld.idx.msk [tilespmem:v29+s16+$0x0], $0xffff;
	v19 =	vadd.f32 v19, v52;
	v52 =	vmul.bf16 v53, v59;
	v40 =	vmul.bf16 v56, v40  }
0x3b8: {  	v56 =	vadd.f32 v49, v51;
	v4 =	vadd.f32 v4, v32;
	v55 =	vld.idx.msk [tilespmem:v7+s10+$0x0], $0xffff;
	v36 =	vmul.bf16 v63, v45  }
0x3b9: {  	v54 =	vunpack.i.u.bf16.f32 v52;
	v6 =	vmul.bf16 v6, v34;
	v38 =	vmul.bf16 v50, v44;
	v50 =	vld.idx.msk [tilespmem:v33+s16+$0x0], $0xffff  }
0x3ba: {  	v60 =	vunpack.i.l.bf16.f32 v40;
	v7 =	vld.idx.msk [tilespmem:v7+s17+$0x0], $0xffff;
	v37 =	vadd.f32 v54, v46;
	v12 =	vmul.bf16 v12, v22  }
0x3bb: {  	v58 =	vld.idx.msk [tilespmem:v13+s10+$0x0], $0xffff;
	v61 =	vunpack.i.u.bf16.f32 v36;
	v22 =	vunpack.i.u.bf16.f32 v6;
	v36 =	vunpack.i.l.bf16.f32 v36  }
0x3bc: {  	v13 =	vld.idx.msk [tilespmem:v13+s17+$0x0], $0xffff;
	v6 =	vunpack.i.l.bf16.f32 v6;
	v2 =	vadd.f32 v61, v2;
	v21 =	vadd.f32 v22, v21  }
0x3bd: {  	v63 =	vld.idx.msk [tilespmem:v3+s10+$0x0], $0xffff;
	v22 =	vunpack.i.l.bf16.f32 v38;
	v6 =	vadd.f32 v6, v20;
	v20 =	vmul.bf16 v25, v31  }
0x3be: {  	v62 =	vunpack.i.u.bf16.f32 v12;
	v31 =	vld.idx.msk [tilespmem:v30+s2+$0x0], $0xffff;
	v23 =	vadd.f32 v36, v23;
	v22 =	vadd.f32 v22, v42  }
0x3bf: {  	v48 =	vunpack.i.l.bf16.f32 v20;
	v20 =	vunpack.i.u.bf16.f32 v20;
	v7 =	vmul.bf16 v7, v50  }
0x3c0: {  	v3 =	vld.idx.msk [tilespmem:v3+s17+$0x0], $0xffff;
	v8 =	vmul.bf16 v55, v8;
	v1 =	vadd.f32 v20, v1;
	v25 =	vmul.bf16 v58, v57  }
0x3c1: {  	v30 =	vld.idx.msk [tilespmem:v30+s16+$0x0], $0xffff;
	v13 =	vmul.bf16 v13, v29;
	v54 =	vunpack.i.l.bf16.f32 v7;
	v7 =	vunpack.i.u.bf16.f32 v7  }
0x3c2: {  	v53 =	vld.idx.msk [tilespmem:v35+s17+$0x0], $0xffff;
	v7 =	vadd.f32 v7, v37;
	v49 =	vunpack.i.u.bf16.f32 v25;
	v25 =	vunpack.i.l.bf16.f32 v25  }
0x3c3: {  	v59 =	vld.idx.msk [tilespmem:v41+s16+$0x0], $0xffff;
	v20 =	vadd.f32 v60, v24;
	v31 =	vmul.bf16 v63, v31;
	v19 =	vadd.f32 v25, v19  }
0x3c4: {  	v29 =	vld.idx.msk [tilespmem:v35+s10+$0x0], $0xffff;
	v51 =	vunpack.i.l.bf16.f32 v13;
	v13 =	vunpack.i.u.bf16.f32 v13;
	v4 =	vadd.f32 v49, v4;
	[tilespmem:s26+$0x123C0] =	vst v7  }
0x3c5: {  	v25 =	vadd.f32 v48, v56;
	v1 =	vadd.f32 v13, v1;
	v13 =	vunpack.i.u.bf16.f32 v31;
	[tilespmem:s26+$0x12310] =	vst v19  }
0x3c6: {  	v47 =	vunpack.i.u.bf16.f32 v8;
	v3 =	vmul.bf16 v3, v30;
	v2 =	vadd.f32 v13, v2;
	[tilespmem:s26+$0x12330] =	vst v4  }
0x3c7: {  	v24 =	vadd.f32 v51, v25;
	v19 =	vunpack.i.l.bf16.f32 v31;
	v4 =	vunpack.i.u.bf16.f32 v40;
	[tilespmem:s26+$0x12340] =	vst v1  }
0x3c8: {  	v8 =	vunpack.i.l.bf16.f32 v8;
	v19 =	vadd.f32 v19, v23;
	v4 =	vadd.f32 v4, v26;
	[tilespmem:s26+$0x12370] =	vst v2  }
0x3c9: {  	v1 =	vadd.f32 v47, v21;
	v23 =	vunpack.i.l.bf16.f32 v3;
	v3 =	vunpack.i.u.bf16.f32 v3;
	[tilespmem:s26+$0x12320] =	vst v24  }
0x3ca: {  	[tilespmem:s26+$0x12350] =	vst v19;
	v19 =	vunpack.i.l.bf16.f32 v52;
	v3 =	vadd.f32 v3, v4;
	v4 =	vadd.f32 v8, v6  }
0x3cb: {  	[tilespmem:s26+$0x123B0] =	vst v1;
	v52 =	vmul.bf16 v53, v59;
	v53 =	vmul.bf16 v29, v27;
	v6 =	vadd.f32 v19, v9  }
0x3cc: {  	v2 =	vunpack.i.l.bf16.f32 v12;
	v13 =	vadd.f32 v23, v20;
	[tilespmem:s26+$0x12380] =	vst v3;
	v3 =	vunpack.i.u.bf16.f32 v38  }
0x3cd: {  	[tilespmem:s26+$0x12390] =	vst v4;
	v4 =	vunpack.i.l.bf16.f32 v53;
	v6 =	vadd.f32 v54, v6;
	v3 =	vadd.f32 v3, v5  }
0x3ce: {  	v1 =	vadd.f32 v2, v11;
	[tilespmem:s26+$0x12360] =	vst v13;
	v2 =	vunpack.i.u.bf16.f32 v53;
	v4 =	vadd.f32 v4, v22  }
0x3cf: {  	v5 =	vadd.f32 v62, v28;
	[tilespmem:s26+$0x123A0] =	vst v6;
	v6 =	vunpack.i.l.bf16.f32 v52;
	v2 =	vadd.f32 v2, v3  }
0x3d0: {  	v3 =	vunpack.i.u.bf16.f32 v52;
	[tilespmem:s26+$0x123D0] =	vst v4;
	v1 =	vadd.f32 v6, v1  }
0x3d1: {  	v3 =	vadd.f32 v3, v5;
	[tilespmem:s26+$0x123F0] =	vst v2  }
0x3d2: {  	[tilespmem:s26+$0x123E0] =	vst v1  }
0x3d3: {  	s0 =	simm.s32 $0x11080;
	[tilespmem:s26+$0x12400] =	vst v3  }
0x3d4: {  	s1 =	simm.s32 $0x10EE0;
	v1 =	vld [tilespmem:s0+$0xFFFFFFF0]  }
0x3d5: {  	v2 =	vld [tilespmem:s1+$0xFFFFFFF0];
	_ =	sdelay $0x2  }
0x3d6: {  	v15 =	vimm.s32 $0x8  }
0x3d7: {  	v18 =	vimm.s32 $0xA;
	v3 =	vperm.xlane v1, v15  }
0x3d8: {  	v4 =	vperm.xlane v2, v18  }
0x3d9: {  	v14 =	vimm.s32 $0x9;
	v5 =	vperm.xlane v1, v18;
	v3 =	vadd.s32 v0, v3  }
0x3da: {  	v6 =	vperm.xlane v2, v14;
	v4 =	vadd.s32 v0, v4  }
0x3db: {  	v55 =	vld [tilespmem:s1+$0x0];
	v7 =	vperm.xlane v2, v15;
	v5 =	vadd.s32 v0, v5  }
0x3dc: {  	s29 =	simm.s32 $0x110A0;
	v56 =	vld [tilespmem:s0+$0x0];
	v6 =	vadd.s32 v0, v6  }
0x3dd: {  	v48 =	vld [tilespmem:s29+$0x0];
	v7 =	vadd.s32 v0, v7  }
0x3de: {  	v16 =	vimm.s32 $0xB;
	v57 =	vld.idx.msk [tilespmem:v3+s17+$0x0], $0xffff  }
0x3df: {  	v2 =	vperm.xlane v2, v16;
	v58 =	vld.idx.msk [tilespmem:v4+s2+$0x0], $0xffff  }
0x3e0: {  	v12 =	vperm.xlane v1, v14;
	v13 =	vld.idx.msk [tilespmem:v5+s17+$0x0], $0xffff  }
0x3e1: {  	v2 =	vadd.s32 v0, v2;
	v19 =	vld.idx.msk [tilespmem:v6+s16+$0x0], $0xffff  }
0x3e2: {  	v1 =	vperm.xlane v1, v16;
	v12 =	vadd.s32 v0, v12;
	v22 =	vld.idx.msk [tilespmem:v7+s2+$0x0], $0xffff  }
0x3e3: {  	v6 =	vld.idx.msk [tilespmem:v6+s2+$0x0], $0xffff  }
0x3e4: {  	v1 =	vadd.s32 v0, v1;
	v3 =	vld.idx.msk [tilespmem:v3+s10+$0x0], $0xffff  }
0x3e5: {  	v4 =	vld.idx.msk [tilespmem:v4+s16+$0x0], $0xffff  }
0x3e6: {  	v23 =	vld.idx.msk [tilespmem:v2+s2+$0x0], $0xffff  }
0x3e7: {  	v20 =	vperm.xlane v55, v18;
	v24 =	vld.idx.msk [tilespmem:v12+s17+$0x0], $0xffff  }
0x3e8: {  	v21 =	vperm.xlane v56, v16;
	v5 =	vld.idx.msk [tilespmem:v5+s10+$0x0], $0xffff  }
0x3e9: {  	v25 =	vperm.xlane v56, v18;
	v20 =	vadd.s32 v0, v20;
	v30 =	vld.idx.msk [tilespmem:v1+s17+$0x0], $0xffff  }
0x3ea: {  	v26 =	vperm.xlane v55, v16;
	v29 =	vperm.xlane v55, v15;
	v27 =	vadd.s32 v0, v21;
	v12 =	vld.idx.msk [tilespmem:v12+s10+$0x0], $0xffff  }
0x3eb: {  	v31 =	vperm.xlane v56, v14;
	v9 =	vperm.xlane v56, v15;
	v2 =	vld.idx.msk [tilespmem:v2+s16+$0x0], $0xffff  }
0x3ec: {  	v8 =	vperm.xlane v55, v14;
	v10 =	vperm.xlane v48, v16;
	v25 =	vadd.s32 v0, v25;
	v1 =	vld.idx.msk [tilespmem:v1+s10+$0x0], $0xffff  }
0x3ed: {  	v21 =	vimm.f32 $0.0e+00;
	v26 =	vadd.s32 v0, v26;
	v29 =	vadd.s32 v0, v29;
	v7 =	vld.idx.msk [tilespmem:v7+s16+$0x0], $0xffff  }
0x3ee: {  	v9 =	vadd.s32 v0, v9;
	v8 =	vadd.s32 v0, v8;
	v28 =	vld.idx.msk [tilespmem:v20+s2+$0x0], $0xffff;
	v4 =	vmul.bf16 v13, v4  }
0x3ef: {  	v59 =	vld.idx.msk [tilespmem:v27+s17+$0x0], $0xffff;
	v3 =	vmul.bf16 v3, v22;
	v13 =	vadd.s32 v0, v31;
	v60 =	vmul.bf16 v24, v19  }
0x3f0: {  	v61 =	vld.idx.msk [tilespmem:v20+s16+$0x0], $0xffff;
	v6 =	vmul.bf16 v12, v6;
	v5 =	vmul.bf16 v5, v58;
	v31 =	vunpack.i.u.bf16.f32 v4  }
0x3f1: {  	v2 =	vmul.bf16 v30, v2;
	v1 =	vmul.bf16 v1, v23;
	v35 =	vadd.f32 v31, v21;
	v31 =	vld.idx.msk [tilespmem:v25+s10+$0x0], $0xffff  }
0x3f2: {  	v27 =	vld.idx.msk [tilespmem:v27+s10+$0x0], $0xffff;
	v7 =	vmul.bf16 v57, v7;
	v22 =	vunpack.i.u.bf16.f32 v3;
	v3 =	vunpack.i.l.bf16.f32 v3  }
0x3f3: {  	v24 =	vld.idx.msk [tilespmem:v26+s16+$0x0], $0xffff;
	v12 =	vunpack.i.l.bf16.f32 v60;
	v19 =	vunpack.i.u.bf16.f32 v6;
	v30 =	vunpack.i.u.bf16.f32 v5  }
0x3f4: {  	v26 =	vld.idx.msk [tilespmem:v26+s2+$0x0], $0xffff;
	v6 =	vunpack.i.l.bf16.f32 v6;
	v5 =	vunpack.i.l.bf16.f32 v5;
	v62 =	vunpack.i.u.bf16.f32 v2  }
0x3f5: {  	s28 =	simm.s32 $0x10F00;
	v2 =	vunpack.i.l.bf16.f32 v2;
	v23 =	vunpack.i.l.bf16.f32 v1;
	v37 =	vunpack.i.l.bf16.f32 v7;
	v25 =	vld.idx.msk [tilespmem:v25+s17+$0x0], $0xffff  }
0x3f6: {  	v56 =	vunpack.i.l.bf16.f32 v4;
	v11 =	vadd.f32 v22, v21;
	v20 =	vmul.bf16 v31, v28;
	v28 =	vld [tilespmem:s28+$0xFFFFFFF0]  }
0x3f7: {  	v47 =	vunpack.i.u.bf16.f32 v1;
	v22 =	vadd.f32 v19, v21;
	v19 =	vadd.f32 v30, v21;
	v31 =	vld [tilespmem:s29+$0xFFFFFFF0]  }
0x3f8: {  	v1 =	vunpack.i.u.bf16.f32 v7;
	v5 =	vadd.f32 v5, v21;
	v42 =	vadd.f32 v23, v21  }
0x3f9: {  	v63 =	vld.idx.msk [tilespmem:v29+s2+$0x0], $0xffff;
	v27 =	vmul.bf16 v27, v26;
	v23 =	vunpack.i.u.bf16.f32 v20;
	v30 =	vunpack.i.l.bf16.f32 v20  }
0x3fa: {  	v44 =	vld.idx.msk [tilespmem:v13+s10+$0x0], $0xffff;
	v20 =	vadd.f32 v23, v19;
	v19 =	vadd.f32 v30, v5;
	v5 =	vmul.bf16 v59, v24  }
0x3fb: {  	v13 =	vld.idx.msk [tilespmem:v13+s17+$0x0], $0xffff;
	v24 =	vadd.f32 v12, v21;
	v12 =	vmul.bf16 v25, v61;
	v4 =	vperm.xlane v28, v15  }
0x3fc: {  	v23 =	vadd.f32 v6, v21;
	v6 =	vld.idx.msk [tilespmem:v9+s10+$0x0], $0xffff;
	v25 =	vperm.xlane v31, v15;
	v57 =	vperm.xlane v28, v16  }
0x3fd: {  	v3 =	vadd.f32 v3, v21;
	v9 =	vld.idx.msk [tilespmem:v9+s17+$0x0], $0xffff;
	v58 =	vperm.xlane v28, v14;
	v28 =	vperm.xlane v28, v18  }
0x3fe: {  	v36 =	vadd.f32 v62, v21;
	v59 =	vld.idx.msk [tilespmem:v29+s16+$0x0], $0xffff;
	v29 =	vperm.xlane v31, v18;
	v51 =	vadd.s32 v0, v25  }
0x3ff: {  	v43 =	vadd.f32 v2, v21;
	v7 =	vunpack.i.l.bf16.f32 v27;
	v61 =	vld.idx.msk [tilespmem:v8+s16+$0x0], $0xffff;
	v28 =	vadd.s32 v0, v28  }
0x400: {  	v30 =	vunpack.i.u.bf16.f32 v60;
	v8 =	vld.idx.msk [tilespmem:v8+s2+$0x0], $0xffff;
	v60 =	vperm.xlane v31, v14;
	v50 =	vadd.s32 v0, v29  }
0x401: {  	v46 =	vadd.f32 v30, v21;
	v30 =	vld [tilespmem:s28+$0x0];
	v25 =	vperm.xlane v31, v16;
	v62 =	vadd.s32 v0, v58  }
0x402: {  	v42 =	vadd.f32 v7, v42;
	v55 =	vunpack.i.l.bf16.f32 v5;
	v39 =	vadd.s32 v0, v60  }
0x403: {  	v31 =	vadd.s32 v0, v4;
	v6 =	vmul.bf16 v6, v63;
	v38 =	vadd.s32 v0, v25;
	v25 =	vld.idx.msk [tilespmem:v51+s17+$0x0], $0xffff  }
0x404: {  	v54 =	vadd.s32 v0, v57;
	v58 =	vmul.bf16 v9, v59;
	v9 =	vmul.bf16 v13, v61;
	v34 =	vld.idx.msk [tilespmem:v28+s2+$0x0], $0xffff  }
0x405: {  	v2 =	vmul.bf16 v44, v8;
	v61 =	vunpack.i.l.bf16.f32 v12;
	v26 =	vunpack.i.l.bf16.f32 v6;
	v53 =	vld.idx.msk [tilespmem:v50+s17+$0x0], $0xffff  }
0x406: {  	v63 =	vperm.xlane v30, v18;
	v52 =	vadd.f32 v26, v3;
	v3 =	vperm.xlane v30, v16;
	v40 =	vld.idx.msk [tilespmem:v62+s16+$0x0], $0xffff  }
0x407: {  	v4 =	vunpack.i.u.bf16.f32 v6;
	v6 =	vunpack.i.u.bf16.f32 v5;
	v49 =	vunpack.i.l.bf16.f32 v58;
	v45 =	vld.idx.msk [tilespmem:v62+s2+$0x0], $0xffff  }
0x408: {  	v32 =	vadd.f32 v4, v11;
	v4 =	vperm.xlane v30, v15;
	v60 =	vld.idx.msk [tilespmem:v51+s10+$0x0], $0xffff;
	v41 =	vadd.s32 v0, v3  }
0x409: {  	v44 =	vunpack.i.u.bf16.f32 v9;
	v5 =	vunpack.i.u.bf16.f32 v12;
	v57 =	vunpack.i.l.bf16.f32 v9;
	v59 =	vld.idx.msk [tilespmem:v28+s16+$0x0], $0xffff  }
0x40a: {  	v33 =	vadd.s32 v0, v63;
	v26 =	vadd.f32 v44, v46;
	v29 =	vadd.s32 v0, v4;
	v4 =	vld.idx.msk [tilespmem:v31+s2+$0x0], $0xffff  }
0x40b: {  	v46 =	vadd.f32 v5, v35;
	v5 =	vunpack.i.u.bf16.f32 v27;
	v35 =	vadd.s32 v0, v10;
	v44 =	vld.idx.msk [tilespmem:v54+s2+$0x0], $0xffff  }
0x40c: {  	v51 =	vadd.f32 v37, v21;
	v62 =	vperm.xlane v48, v18;
	v37 =	vadd.f32 v56, v21;
	v56 =	vld.idx.msk [tilespmem:v39+s17+$0x0], $0xffff  }
0x40d: {  	s30 =	simm.s32 $0x2;
	v28 =	vadd.f32 v6, v36;
	v36 =	vimm.f32 $0.0e+00;
	v3 =	vperm.xlane v48, v14;
	v27 =	vld.idx.msk [tilespmem:v41+s2+$0x0], $0xffff  }
.LBB2_28:
0x40e: {  	s30 =	sadd.s32 $0x2, s30;
	v6 =	vld.idx.msk [tilespmem:v50+s10+$0x0], $0xffff;
	v7 =	vadd.s32 v0, v62;
	s28 =	sadd.s32 $0x20, s28;
	s29 =	sadd.s32 $0x20, s29;
	v1 =	vadd.f32 v1, v21;
	v37 =	vadd.f32 v61, v37  }
0x40f: {  	v4 =	vmul.bf16 v60, v4;
	v9 =	vadd.f32 v47, v36;
	v10 =	vunpack.i.u.bf16.f32 v58;
	p0 =	slt.u32 s30, $0x18;
	v8 =	vld.idx.msk [tilespmem:v33+s2+$0x0], $0xffff  }
0x410: {  	v12 =	vperm.xlane v48, v15;
	v3 =	vadd.s32 v0, v3;
	v13 =	vunpack.i.l.bf16.f32 v2;
	v11 =	vld.idx.msk [tilespmem:v38+s17+$0x0], $0xffff  }
0x411: {  	v2 =	vunpack.i.u.bf16.f32 v2;
	v47 =	vunpack.i.u.bf16.f32 v4;
	v4 =	vunpack.i.l.bf16.f32 v4;
	v39 =	vld.idx.msk [tilespmem:v39+s10+$0x0], $0xffff  }
0x412: {  	v48 =	vmul.bf16 v53, v59;
	v2 =	vadd.f32 v2, v22;
	v4 =	vadd.f32 v4, v52;
	v38 =	vld.idx.msk [tilespmem:v38+s10+$0x0], $0xffff  }
0x413: {  	v13 =	vadd.f32 v13, v23;
	v12 =	vadd.s32 v0, v12;
	v36 =	vadd.f32 v5, v9;
	v22 =	vld.idx.msk [tilespmem:v54+s16+$0x0], $0xffff  }
0x414: {  	v21 =	vadd.f32 v10, v1;
	v10 =	vadd.f32 v55, v43;
	v5 =	vunpack.i.u.bf16.f32 v48;
	v9 =	vld.idx.msk [tilespmem:v35+s17+$0x0], $0xffff  }
0x415: {  	v24 =	vadd.f32 v57, v24;
	v1 =	vperm.xlane v30, v14;
	v46 =	vadd.f32 v5, v46;
	v5 =	vld.idx.msk [tilespmem:v7+s10+$0x0], $0xffff  }
0x416: {  	v51 =	vadd.f32 v49, v51;
	v30 =	vmul.bf16 v56, v40;
	v40 =	vld.idx.msk [tilespmem:v41+s16+$0x0], $0xffff  }
0x417: {  	v1 =	vadd.s32 v0, v1;
	v6 =	vmul.bf16 v6, v34;
	v23 =	vld.idx.msk [tilespmem:v31+s16+$0x0], $0xffff;
	v31 =	vmul.bf16 v39, v45  }
0x418: {  	v32 =	vadd.f32 v47, v32;
	v34 =	vunpack.i.l.bf16.f32 v30;
	v41 =	vld.idx.msk [tilespmem:v12+s17+$0x0], $0xffff  }
0x419: {  	v43 =	vunpack.i.u.bf16.f32 v6;
	v11 =	vmul.bf16 v11, v22;
	v39 =	vunpack.i.u.bf16.f32 v31;
	v45 =	vld.idx.msk [tilespmem:v29+s2+$0x0], $0xffff  }
0x41a: {  	v6 =	vunpack.i.l.bf16.f32 v6;
	v38 =	vmul.bf16 v38, v44;
	v31 =	vunpack.i.l.bf16.f32 v31;
	v33 =	vld.idx.msk [tilespmem:v33+s16+$0x0], $0xffff  }
0x41b: {  	v44 =	vunpack.i.u.bf16.f32 v11;
	v11 =	vunpack.i.l.bf16.f32 v11;
	v5 =	vmul.bf16 v5, v8;
	v7 =	vld.idx.msk [tilespmem:v7+s17+$0x0], $0xffff  }
0x41c: {  	v22 =	vadd.f32 v39, v2;
	v2 =	vadd.f32 v43, v20;
	v20 =	vunpack.i.l.bf16.f32 v38;
	v8 =	vld [tilespmem:s28+$0xFFFFFFF0]  }
0x41d: {  	v6 =	vadd.f32 v6, v19;
	v42 =	vadd.f32 v20, v42;
	v19 =	vunpack.i.u.bf16.f32 v5;
	v39 =	vld [tilespmem:s29+$0xFFFFFFF0]  }
0x41e: {  	v43 =	vmul.bf16 v25, v23;
	v5 =	vunpack.i.l.bf16.f32 v5;
	v20 =	vadd.f32 v19, v2;
	v12 =	vld.idx.msk [tilespmem:v12+s10+$0x0], $0xffff  }
0x41f: {  	v23 =	vadd.f32 v31, v13;
	v19 =	vadd.f32 v5, v6;
	v5 =	vmul.bf16 v9, v40;
	v2 =	vld.idx.msk [tilespmem:v35+s10+$0x0], $0xffff  }
0x420: {  	v13 =	vadd.f32 v44, v28;
	v9 =	vunpack.i.l.bf16.f32 v48;
	v6 =	vunpack.i.l.bf16.f32 v43;
	v28 =	vld.idx.msk [tilespmem:v3+s10+$0x0], $0xffff  }
0x421: {  	v24 =	vadd.f32 v34, v24;
	v7 =	vmul.bf16 v7, v33;
	v25 =	vperm.xlane v8, v15;
	v35 =	vld.idx.msk [tilespmem:v29+s16+$0x0], $0xffff  }
0x422: {  	v30 =	vunpack.i.u.bf16.f32 v30;
	v33 =	vperm.xlane v8, v16;
	v29 =	vperm.xlane v39, v15;
	v3 =	vld.idx.msk [tilespmem:v3+s17+$0x0], $0xffff  }
0x423: {  	v26 =	vadd.f32 v30, v26;
	v31 =	vperm.xlane v8, v14;
	v8 =	vperm.xlane v8, v18  }
0x424: {  	v12 =	vmul.bf16 v12, v45;
	v44 =	vadd.s32 v0, v29;
	v29 =	vperm.xlane v39, v18  }
0x425: {  	v34 =	vperm.xlane v39, v14;
	v8 =	vadd.s32 v0, v8;
	v27 =	vmul.bf16 v2, v27;
	v30 =	vld [tilespmem:s28+$0x0]  }
0x426: {  	v2 =	vperm.xlane v39, v16;
	v50 =	vadd.s32 v0, v29;
	v29 =	vunpack.i.l.bf16.f32 v12;
	v45 =	vld.idx.msk [tilespmem:v1+s16+$0x0], $0xffff  }
0x427: {  	v47 =	vunpack.i.u.bf16.f32 v38;
	v49 =	vadd.s32 v0, v31;
	v39 =	vadd.s32 v0, v34;
	v55 =	vld.idx.msk [tilespmem:v1+s2+$0x0], $0xffff  }
0x428: {  	v31 =	vadd.s32 v0, v25;
	v38 =	vadd.s32 v0, v2;
	v2 =	vunpack.i.u.bf16.f32 v12;
	v48 =	vld [tilespmem:s29+$0x0]  }
0x429: {  	v12 =	vunpack.i.u.bf16.f32 v5;
	v1 =	vunpack.i.u.bf16.f32 v43;
	v32 =	vadd.f32 v2, v32;
	v25 =	vld.idx.msk [tilespmem:v44+s17+$0x0], $0xffff  }
0x42a: {  	v63 =	vunpack.i.l.bf16.f32 v27;
	v52 =	vadd.f32 v29, v4;
	v34 =	vld.idx.msk [tilespmem:v8+s2+$0x0], $0xffff;
	v2 =	vperm.xlane v30, v15  }
0x42b: {  	v43 =	vadd.f32 v11, v10;
	v56 =	vperm.xlane v30, v18;
	v57 =	vperm.xlane v30, v16;
	v53 =	vld.idx.msk [tilespmem:v50+s17+$0x0], $0xffff  }
0x42c: {  	v54 =	vadd.s32 v0, v33;
	v58 =	vmul.bf16 v41, v35;
	v40 =	vld.idx.msk [tilespmem:v49+s16+$0x0], $0xffff;
	v29 =	vadd.s32 v0, v2  }
0x42d: {  	v10 =	vmul.bf16 v3, v45;
	v41 =	vadd.s32 v0, v57;
	v2 =	vmul.bf16 v28, v55;
	v4 =	vld.idx.msk [tilespmem:v31+s2+$0x0], $0xffff  }
0x42e: {  	v33 =	vadd.s32 v0, v56;
	v3 =	vperm.xlane v48, v14;
	v45 =	vld.idx.msk [tilespmem:v49+s2+$0x0], $0xffff;
	v49 =	vunpack.i.l.bf16.f32 v58  }
.Ltmp18:
0x42f: {  	v61 =	vunpack.i.l.bf16.f32 v7;
	v55 =	vunpack.i.l.bf16.f32 v5;
	v11 =	vunpack.i.u.bf16.f32 v10;
	v60 =	vld.idx.msk [tilespmem:v44+s10+$0x0], $0xffff;
	(pc) =	sbr.rel @p0 .LBB2_28-.Ltmp18, $4  }
0x430: {  	v5 =	vunpack.i.u.bf16.f32 v7;
	v26 =	vadd.f32 v11, v26;
	v59 =	vld.idx.msk [tilespmem:v8+s16+$0x0], $0xffff;
	v8 =	vperm.xlane v48, v16  }
0x431: {  	v51 =	vadd.f32 v6, v51;
	v62 =	vperm.xlane v48, v18;
	v46 =	vadd.f32 v5, v46;
	v44 =	vld.idx.msk [tilespmem:v54+s2+$0x0], $0xffff  }
0x432: {  	v37 =	vadd.f32 v9, v37;
	v57 =	vunpack.i.l.bf16.f32 v10;
	v5 =	vunpack.i.u.bf16.f32 v27;
	v56 =	vld.idx.msk [tilespmem:v39+s17+$0x0], $0xffff  }
0x433: {  	v42 =	vadd.f32 v63, v42;
	v28 =	vadd.f32 v12, v13;
	v35 =	vadd.s32 v0, v8;
	v27 =	vld.idx.msk [tilespmem:v41+s2+$0x0], $0xffff  }
0x434: {  	_ =	sdelay $0x3  }
0x435: {  	v6 =	vld.idx.msk [tilespmem:v50+s10+$0x0], $0xffff  }
0x436: {  	v7 =	vadd.s32 v0, v62;
	v1 =	vadd.f32 v1, v21;
	v4 =	vmul.bf16 v60, v4;
	v8 =	vld.idx.msk [tilespmem:v33+s2+$0x0], $0xffff  }
0x437: {  	v9 =	vadd.f32 v61, v37;
	v10 =	vadd.f32 v47, v36;
	v11 =	vunpack.i.u.bf16.f32 v58;
	v12 =	vld.idx.msk [tilespmem:v38+s17+$0x0], $0xffff  }
0x438: {  	v13 =	vperm.xlane v48, v15;
	v3 =	vadd.s32 v0, v3;
	v63 =	vld.idx.msk [tilespmem:v39+s10+$0x0], $0xffff;
	v48 =	vunpack.i.l.bf16.f32 v2  }
0x439: {  	v2 =	vunpack.i.u.bf16.f32 v2;
	v50 =	vld.idx.msk [tilespmem:v38+s10+$0x0], $0xffff;
	v30 =	vperm.xlane v30, v14;
	v24 =	vadd.f32 v57, v24  }
0x43a: {  	v31 =	vld.idx.msk [tilespmem:v31+s16+$0x0], $0xffff;
	v2 =	vadd.f32 v2, v22;
	v23 =	vadd.f32 v48, v23;
	v21 =	vunpack.i.l.bf16.f32 v4  }
0x43b: {  	v22 =	vld.idx.msk [tilespmem:v54+s16+$0x0], $0xffff;
	v13 =	vadd.s32 v0, v13;
	v4 =	vunpack.i.u.bf16.f32 v4;
	v5 =	vadd.f32 v5, v10  }
0x43c: {  	v57 =	vld.idx.msk [tilespmem:v29+s2+$0x0], $0xffff;
	v1 =	vadd.f32 v11, v1;
	v11 =	vadd.f32 v55, v43;
	v30 =	vadd.s32 v0, v30  }
0x43d: {  	v29 =	vld.idx.msk [tilespmem:v29+s16+$0x0], $0xffff;
	v21 =	vadd.f32 v21, v52;
	v52 =	vmul.bf16 v53, v59;
	v40 =	vmul.bf16 v56, v40  }
0x43e: {  	v56 =	vadd.f32 v49, v51;
	v4 =	vadd.f32 v4, v32;
	v55 =	vld.idx.msk [tilespmem:v7+s10+$0x0], $0xffff;
	v36 =	vmul.bf16 v63, v45  }
0x43f: {  	v54 =	vunpack.i.u.bf16.f32 v52;
	v6 =	vmul.bf16 v6, v34;
	v38 =	vmul.bf16 v50, v44;
	v50 =	vld.idx.msk [tilespmem:v33+s16+$0x0], $0xffff  }
0x440: {  	v60 =	vunpack.i.l.bf16.f32 v40;
	v7 =	vld.idx.msk [tilespmem:v7+s17+$0x0], $0xffff;
	v37 =	vadd.f32 v54, v46;
	v12 =	vmul.bf16 v12, v22  }
0x441: {  	v58 =	vld.idx.msk [tilespmem:v13+s10+$0x0], $0xffff;
	v61 =	vunpack.i.u.bf16.f32 v36;
	v22 =	vunpack.i.u.bf16.f32 v6;
	v36 =	vunpack.i.l.bf16.f32 v36  }
0x442: {  	v13 =	vld.idx.msk [tilespmem:v13+s17+$0x0], $0xffff;
	v6 =	vunpack.i.l.bf16.f32 v6;
	v62 =	vunpack.i.u.bf16.f32 v12;
	v2 =	vadd.f32 v61, v2  }
0x443: {  	v63 =	vld.idx.msk [tilespmem:v3+s10+$0x0], $0xffff;
	v20 =	vadd.f32 v22, v20;
	v6 =	vadd.f32 v6, v19;
	v19 =	vmul.bf16 v25, v31  }
0x444: {  	v22 =	vunpack.i.l.bf16.f32 v38;
	v31 =	vld.idx.msk [tilespmem:v30+s2+$0x0], $0xffff;
	v23 =	vadd.f32 v36, v23;
	v8 =	vmul.bf16 v55, v8  }
0x445: {  	v48 =	vunpack.i.l.bf16.f32 v19;
	v19 =	vunpack.i.u.bf16.f32 v19;
	v7 =	vmul.bf16 v7, v50  }
0x446: {  	v3 =	vld.idx.msk [tilespmem:v3+s17+$0x0], $0xffff;
	v1 =	vadd.f32 v19, v1;
	v19 =	vadd.f32 v60, v24;
	v25 =	vmul.bf16 v58, v57  }
0x447: {  	v30 =	vld.idx.msk [tilespmem:v30+s16+$0x0], $0xffff;
	v13 =	vmul.bf16 v13, v29;
	v54 =	vunpack.i.l.bf16.f32 v7;
	v7 =	vunpack.i.u.bf16.f32 v7  }
0x448: {  	v53 =	vld.idx.msk [tilespmem:v35+s17+$0x0], $0xffff;
	v7 =	vadd.f32 v7, v37;
	v49 =	vunpack.i.u.bf16.f32 v25;
	v25 =	vunpack.i.l.bf16.f32 v25  }
0x449: {  	v59 =	vld.idx.msk [tilespmem:v41+s16+$0x0], $0xffff;
	v31 =	vmul.bf16 v63, v31;
	v51 =	vunpack.i.l.bf16.f32 v13;
	v21 =	vadd.f32 v25, v21  }
0x44a: {  	v29 =	vld.idx.msk [tilespmem:v35+s10+$0x0], $0xffff;
	v13 =	vunpack.i.u.bf16.f32 v13;
	v4 =	vadd.f32 v49, v4;
	v25 =	vadd.f32 v48, v56;
	[tilespmem:s26+$0x124C0] =	vst v7  }
0x44b: {  	v47 =	vunpack.i.u.bf16.f32 v8;
	v1 =	vadd.f32 v13, v1;
	v13 =	vunpack.i.u.bf16.f32 v31;
	[tilespmem:s26+$0x12410] =	vst v21  }
0x44c: {  	v3 =	vmul.bf16 v3, v30;
	v2 =	vadd.f32 v13, v2;
	v24 =	vadd.f32 v51, v25;
	[tilespmem:s26+$0x12430] =	vst v4  }
0x44d: {  	v21 =	vunpack.i.l.bf16.f32 v31;
	v4 =	vunpack.i.u.bf16.f32 v40;
	[tilespmem:s26+$0x12440] =	vst v1;
	v1 =	vadd.f32 v47, v20  }
0x44e: {  	v21 =	vadd.f32 v21, v23;
	v4 =	vadd.f32 v4, v26;
	v23 =	vunpack.i.l.bf16.f32 v3;
	[tilespmem:s26+$0x12470] =	vst v2  }
0x44f: {  	v8 =	vunpack.i.l.bf16.f32 v8;
	v3 =	vunpack.i.u.bf16.f32 v3;
	[tilespmem:s26+$0x12420] =	vst v24;
	v13 =	vadd.f32 v23, v19  }
0x450: {  	v19 =	vunpack.i.l.bf16.f32 v52;
	v52 =	vmul.bf16 v53, v59;
	[tilespmem:s26+$0x124B0] =	vst v1;
	v3 =	vadd.f32 v3, v4  }
0x451: {  	v53 =	vmul.bf16 v29, v27;
	[tilespmem:s26+$0x12450] =	vst v21;
	v4 =	vadd.f32 v8, v6;
	v6 =	vadd.f32 v19, v9  }
0x452: {  	v22 =	vadd.f32 v22, v42;
	v2 =	vunpack.i.l.bf16.f32 v12;
	[tilespmem:s26+$0x12480] =	vst v3;
	v3 =	vunpack.i.u.bf16.f32 v38  }
0x453: {  	v6 =	vadd.f32 v54, v6;
	[tilespmem:s26+$0x12490] =	vst v4;
	v4 =	vunpack.i.l.bf16.f32 v53;
	v3 =	vadd.f32 v3, v5  }
0x454: {  	v1 =	vadd.f32 v2, v11;
	[tilespmem:s26+$0x12460] =	vst v13;
	v2 =	vunpack.i.u.bf16.f32 v53;
	v4 =	vadd.f32 v4, v22  }
0x455: {  	v5 =	vadd.f32 v62, v28;
	[tilespmem:s26+$0x124A0] =	vst v6;
	v6 =	vunpack.i.l.bf16.f32 v52;
	v2 =	vadd.f32 v2, v3  }
0x456: {  	v3 =	vunpack.i.u.bf16.f32 v52;
	v1 =	vadd.f32 v6, v1;
	[tilespmem:s26+$0x124D0] =	vst v4  }
0x457: {  	v3 =	vadd.f32 v3, v5;
	[tilespmem:s26+$0x124F0] =	vst v2  }
0x458: {  	[tilespmem:s26+$0x124E0] =	vst v1  }
0x459: {  	s0 =	simm.s32 $0x11080;
	[tilespmem:s26+$0x12500] =	vst v3  }
0x45a: {  	s1 =	simm.s32 $0x10EE0;
	v1 =	vld [tilespmem:s0+$0xFFFFFFF0]  }
0x45b: {  	v2 =	vld [tilespmem:s1+$0xFFFFFFF0];
	_ =	sdelay $0x2  }
0x45c: {  	v16 =	vimm.s32 $0xC  }
0x45d: {  	v14 =	vimm.s32 $0xE;
	v3 =	vperm.xlane v1, v16  }
0x45e: {  	v4 =	vperm.xlane v2, v14  }
0x45f: {  	v18 =	vimm.s32 $0xD;
	v5 =	vperm.xlane v1, v14;
	v3 =	vadd.s32 v0, v3  }
0x460: {  	v6 =	vperm.xlane v2, v18;
	v4 =	vadd.s32 v0, v4  }
0x461: {  	v55 =	vld [tilespmem:s1+$0x0];
	v7 =	vperm.xlane v2, v16;
	v5 =	vadd.s32 v0, v5  }
0x462: {  	s29 =	simm.s32 $0x110A0;
	v56 =	vld [tilespmem:s0+$0x0];
	v6 =	vadd.s32 v0, v6  }
0x463: {  	v48 =	vld [tilespmem:s29+$0x0];
	v7 =	vadd.s32 v0, v7  }
0x464: {  	v17 =	vimm.s32 $0xF;
	v57 =	vld.idx.msk [tilespmem:v3+s17+$0x0], $0xffff  }
0x465: {  	v2 =	vperm.xlane v2, v17;
	v58 =	vld.idx.msk [tilespmem:v4+s2+$0x0], $0xffff  }
0x466: {  	v12 =	vperm.xlane v1, v18;
	v13 =	vld.idx.msk [tilespmem:v5+s17+$0x0], $0xffff  }
0x467: {  	v2 =	vadd.s32 v0, v2;
	v19 =	vld.idx.msk [tilespmem:v6+s16+$0x0], $0xffff  }
0x468: {  	v1 =	vperm.xlane v1, v17;
	v12 =	vadd.s32 v0, v12;
	v22 =	vld.idx.msk [tilespmem:v7+s2+$0x0], $0xffff  }
0x469: {  	v6 =	vld.idx.msk [tilespmem:v6+s2+$0x0], $0xffff  }
0x46a: {  	v1 =	vadd.s32 v0, v1;
	v3 =	vld.idx.msk [tilespmem:v3+s10+$0x0], $0xffff  }
0x46b: {  	v4 =	vld.idx.msk [tilespmem:v4+s16+$0x0], $0xffff  }
0x46c: {  	v23 =	vld.idx.msk [tilespmem:v2+s2+$0x0], $0xffff  }
0x46d: {  	v20 =	vperm.xlane v55, v14;
	v24 =	vld.idx.msk [tilespmem:v12+s17+$0x0], $0xffff  }
0x46e: {  	v21 =	vperm.xlane v56, v17;
	v5 =	vld.idx.msk [tilespmem:v5+s10+$0x0], $0xffff  }
0x46f: {  	v25 =	vperm.xlane v56, v14;
	v20 =	vadd.s32 v0, v20;
	v30 =	vld.idx.msk [tilespmem:v1+s17+$0x0], $0xffff  }
0x470: {  	v26 =	vperm.xlane v55, v17;
	v29 =	vperm.xlane v55, v16;
	v27 =	vadd.s32 v0, v21;
	v12 =	vld.idx.msk [tilespmem:v12+s10+$0x0], $0xffff  }
0x471: {  	v31 =	vperm.xlane v56, v18;
	v9 =	vperm.xlane v56, v16;
	v2 =	vld.idx.msk [tilespmem:v2+s16+$0x0], $0xffff  }
0x472: {  	v8 =	vperm.xlane v55, v18;
	v10 =	vperm.xlane v48, v17;
	v25 =	vadd.s32 v0, v25;
	v1 =	vld.idx.msk [tilespmem:v1+s10+$0x0], $0xffff  }
0x473: {  	v21 =	vimm.f32 $0.0e+00;
	v26 =	vadd.s32 v0, v26;
	v29 =	vadd.s32 v0, v29;
	v7 =	vld.idx.msk [tilespmem:v7+s16+$0x0], $0xffff  }
0x474: {  	v9 =	vadd.s32 v0, v9;
	v8 =	vadd.s32 v0, v8;
	v28 =	vld.idx.msk [tilespmem:v20+s2+$0x0], $0xffff;
	v4 =	vmul.bf16 v13, v4  }
0x475: {  	v59 =	vld.idx.msk [tilespmem:v27+s17+$0x0], $0xffff;
	v3 =	vmul.bf16 v3, v22;
	v13 =	vadd.s32 v0, v31;
	v60 =	vmul.bf16 v24, v19  }
0x476: {  	v61 =	vld.idx.msk [tilespmem:v20+s16+$0x0], $0xffff;
	v6 =	vmul.bf16 v12, v6;
	v5 =	vmul.bf16 v5, v58;
	v31 =	vunpack.i.u.bf16.f32 v4  }
0x477: {  	v2 =	vmul.bf16 v30, v2;
	v1 =	vmul.bf16 v1, v23;
	v35 =	vadd.f32 v31, v21;
	v31 =	vld.idx.msk [tilespmem:v25+s10+$0x0], $0xffff  }
0x478: {  	v27 =	vld.idx.msk [tilespmem:v27+s10+$0x0], $0xffff;
	v7 =	vmul.bf16 v57, v7;
	v22 =	vunpack.i.u.bf16.f32 v3;
	v3 =	vunpack.i.l.bf16.f32 v3  }
0x479: {  	v24 =	vld.idx.msk [tilespmem:v26+s16+$0x0], $0xffff;
	v12 =	vunpack.i.l.bf16.f32 v60;
	v19 =	vunpack.i.u.bf16.f32 v6;
	v30 =	vunpack.i.u.bf16.f32 v5  }
0x47a: {  	v26 =	vld.idx.msk [tilespmem:v26+s2+$0x0], $0xffff;
	v6 =	vunpack.i.l.bf16.f32 v6;
	v5 =	vunpack.i.l.bf16.f32 v5;
	v62 =	vunpack.i.u.bf16.f32 v2  }
0x47b: {  	s28 =	simm.s32 $0x10F00;
	v2 =	vunpack.i.l.bf16.f32 v2;
	v23 =	vunpack.i.l.bf16.f32 v1;
	v37 =	vunpack.i.l.bf16.f32 v7;
	v25 =	vld.idx.msk [tilespmem:v25+s17+$0x0], $0xffff  }
0x47c: {  	v56 =	vunpack.i.l.bf16.f32 v4;
	v11 =	vadd.f32 v22, v21;
	v20 =	vmul.bf16 v31, v28;
	v28 =	vld [tilespmem:s28+$0xFFFFFFF0]  }
0x47d: {  	v47 =	vunpack.i.u.bf16.f32 v1;
	v22 =	vadd.f32 v19, v21;
	v19 =	vadd.f32 v30, v21;
	v31 =	vld [tilespmem:s29+$0xFFFFFFF0]  }
0x47e: {  	v1 =	vunpack.i.u.bf16.f32 v7;
	v5 =	vadd.f32 v5, v21;
	v42 =	vadd.f32 v23, v21  }
0x47f: {  	v63 =	vld.idx.msk [tilespmem:v29+s2+$0x0], $0xffff;
	v27 =	vmul.bf16 v27, v26;
	v23 =	vunpack.i.u.bf16.f32 v20;
	v30 =	vunpack.i.l.bf16.f32 v20  }
0x480: {  	v44 =	vld.idx.msk [tilespmem:v13+s10+$0x0], $0xffff;
	v20 =	vadd.f32 v23, v19;
	v19 =	vadd.f32 v30, v5;
	v5 =	vmul.bf16 v59, v24  }
0x481: {  	v13 =	vld.idx.msk [tilespmem:v13+s17+$0x0], $0xffff;
	v24 =	vadd.f32 v12, v21;
	v12 =	vmul.bf16 v25, v61;
	v4 =	vperm.xlane v28, v16  }
0x482: {  	v23 =	vadd.f32 v6, v21;
	v6 =	vld.idx.msk [tilespmem:v9+s10+$0x0], $0xffff;
	v25 =	vperm.xlane v31, v16;
	v57 =	vperm.xlane v28, v17  }
0x483: {  	v3 =	vadd.f32 v3, v21;
	v9 =	vld.idx.msk [tilespmem:v9+s17+$0x0], $0xffff;
	v58 =	vperm.xlane v28, v18;
	v28 =	vperm.xlane v28, v14  }
0x484: {  	v36 =	vadd.f32 v62, v21;
	v59 =	vld.idx.msk [tilespmem:v29+s16+$0x0], $0xffff;
	v29 =	vperm.xlane v31, v14;
	v51 =	vadd.s32 v0, v25  }
0x485: {  	v43 =	vadd.f32 v2, v21;
	v7 =	vunpack.i.l.bf16.f32 v27;
	v61 =	vld.idx.msk [tilespmem:v8+s16+$0x0], $0xffff;
	v28 =	vadd.s32 v0, v28  }
0x486: {  	v30 =	vunpack.i.u.bf16.f32 v60;
	v8 =	vld.idx.msk [tilespmem:v8+s2+$0x0], $0xffff;
	v60 =	vperm.xlane v31, v18;
	v50 =	vadd.s32 v0, v29  }
0x487: {  	v46 =	vadd.f32 v30, v21;
	v30 =	vld [tilespmem:s28+$0x0];
	v25 =	vperm.xlane v31, v17;
	v62 =	vadd.s32 v0, v58  }
0x488: {  	v42 =	vadd.f32 v7, v42;
	v55 =	vunpack.i.l.bf16.f32 v5;
	v39 =	vadd.s32 v0, v60  }
0x489: {  	v31 =	vadd.s32 v0, v4;
	v6 =	vmul.bf16 v6, v63;
	v38 =	vadd.s32 v0, v25;
	v25 =	vld.idx.msk [tilespmem:v51+s17+$0x0], $0xffff  }
0x48a: {  	v54 =	vadd.s32 v0, v57;
	v58 =	vmul.bf16 v9, v59;
	v9 =	vmul.bf16 v13, v61;
	v34 =	vld.idx.msk [tilespmem:v28+s2+$0x0], $0xffff  }
0x48b: {  	v2 =	vmul.bf16 v44, v8;
	v61 =	vunpack.i.l.bf16.f32 v12;
	v26 =	vunpack.i.l.bf16.f32 v6;
	v53 =	vld.idx.msk [tilespmem:v50+s17+$0x0], $0xffff  }
0x48c: {  	v63 =	vperm.xlane v30, v14;
	v52 =	vadd.f32 v26, v3;
	v3 =	vperm.xlane v30, v17;
	v40 =	vld.idx.msk [tilespmem:v62+s16+$0x0], $0xffff  }
0x48d: {  	v4 =	vunpack.i.u.bf16.f32 v6;
	v6 =	vunpack.i.u.bf16.f32 v5;
	v49 =	vunpack.i.l.bf16.f32 v58;
	v45 =	vld.idx.msk [tilespmem:v62+s2+$0x0], $0xffff  }
0x48e: {  	v32 =	vadd.f32 v4, v11;
	v4 =	vperm.xlane v30, v16;
	v60 =	vld.idx.msk [tilespmem:v51+s10+$0x0], $0xffff;
	v41 =	vadd.s32 v0, v3  }
0x48f: {  	v44 =	vunpack.i.u.bf16.f32 v9;
	v5 =	vunpack.i.u.bf16.f32 v12;
	v57 =	vunpack.i.l.bf16.f32 v9;
	v59 =	vld.idx.msk [tilespmem:v28+s16+$0x0], $0xffff  }
0x490: {  	v33 =	vadd.s32 v0, v63;
	v26 =	vadd.f32 v44, v46;
	v29 =	vadd.s32 v0, v4;
	v4 =	vld.idx.msk [tilespmem:v31+s2+$0x0], $0xffff  }
0x491: {  	v46 =	vadd.f32 v5, v35;
	v5 =	vunpack.i.u.bf16.f32 v27;
	v35 =	vadd.s32 v0, v10;
	v44 =	vld.idx.msk [tilespmem:v54+s2+$0x0], $0xffff  }
0x492: {  	v51 =	vadd.f32 v37, v21;
	v62 =	vperm.xlane v48, v14;
	v37 =	vadd.f32 v56, v21;
	v56 =	vld.idx.msk [tilespmem:v39+s17+$0x0], $0xffff  }
0x493: {  	s30 =	simm.s32 $0x2;
	v28 =	vadd.f32 v6, v36;
	v36 =	vimm.f32 $0.0e+00;
	v3 =	vperm.xlane v48, v18;
	v27 =	vld.idx.msk [tilespmem:v41+s2+$0x0], $0xffff  }
.LBB2_30:
0x494: {  	s30 =	sadd.s32 $0x2, s30;
	v6 =	vld.idx.msk [tilespmem:v50+s10+$0x0], $0xffff;
	v7 =	vadd.s32 v0, v62;
	s28 =	sadd.s32 $0x20, s28;
	s29 =	sadd.s32 $0x20, s29;
	v1 =	vadd.f32 v1, v21;
	v37 =	vadd.f32 v61, v37  }
0x495: {  	v4 =	vmul.bf16 v60, v4;
	v9 =	vadd.f32 v47, v36;
	v10 =	vunpack.i.u.bf16.f32 v58;
	p0 =	slt.u32 s30, $0x18;
	v8 =	vld.idx.msk [tilespmem:v33+s2+$0x0], $0xffff  }
0x496: {  	v12 =	vperm.xlane v48, v16;
	v3 =	vadd.s32 v0, v3;
	v13 =	vunpack.i.l.bf16.f32 v2;
	v11 =	vld.idx.msk [tilespmem:v38+s17+$0x0], $0xffff  }
0x497: {  	v2 =	vunpack.i.u.bf16.f32 v2;
	v47 =	vunpack.i.u.bf16.f32 v4;
	v4 =	vunpack.i.l.bf16.f32 v4;
	v39 =	vld.idx.msk [tilespmem:v39+s10+$0x0], $0xffff  }
0x498: {  	v48 =	vmul.bf16 v53, v59;
	v2 =	vadd.f32 v2, v22;
	v4 =	vadd.f32 v4, v52;
	v38 =	vld.idx.msk [tilespmem:v38+s10+$0x0], $0xffff  }
0x499: {  	v13 =	vadd.f32 v13, v23;
	v12 =	vadd.s32 v0, v12;
	v36 =	vadd.f32 v5, v9;
	v22 =	vld.idx.msk [tilespmem:v54+s16+$0x0], $0xffff  }
0x49a: {  	v21 =	vadd.f32 v10, v1;
	v10 =	vadd.f32 v55, v43;
	v5 =	vunpack.i.u.bf16.f32 v48;
	v9 =	vld.idx.msk [tilespmem:v35+s17+$0x0], $0xffff  }
0x49b: {  	v24 =	vadd.f32 v57, v24;
	v1 =	vperm.xlane v30, v18;
	v46 =	vadd.f32 v5, v46;
	v5 =	vld.idx.msk [tilespmem:v7+s10+$0x0], $0xffff  }
0x49c: {  	v51 =	vadd.f32 v49, v51;
	v30 =	vmul.bf16 v56, v40;
	v40 =	vld.idx.msk [tilespmem:v41+s16+$0x0], $0xffff  }
0x49d: {  	v1 =	vadd.s32 v0, v1;
	v6 =	vmul.bf16 v6, v34;
	v23 =	vld.idx.msk [tilespmem:v31+s16+$0x0], $0xffff;
	v31 =	vmul.bf16 v39, v45  }
0x49e: {  	v32 =	vadd.f32 v47, v32;
	v34 =	vunpack.i.l.bf16.f32 v30;
	v41 =	vld.idx.msk [tilespmem:v12+s17+$0x0], $0xffff  }
0x49f: {  	v43 =	vunpack.i.u.bf16.f32 v6;
	v11 =	vmul.bf16 v11, v22;
	v39 =	vunpack.i.u.bf16.f32 v31;
	v45 =	vld.idx.msk [tilespmem:v29+s2+$0x0], $0xffff  }
0x4a0: {  	v6 =	vunpack.i.l.bf16.f32 v6;
	v38 =	vmul.bf16 v38, v44;
	v31 =	vunpack.i.l.bf16.f32 v31;
	v33 =	vld.idx.msk [tilespmem:v33+s16+$0x0], $0xffff  }
0x4a1: {  	v44 =	vunpack.i.u.bf16.f32 v11;
	v11 =	vunpack.i.l.bf16.f32 v11;
	v5 =	vmul.bf16 v5, v8;
	v7 =	vld.idx.msk [tilespmem:v7+s17+$0x0], $0xffff  }
0x4a2: {  	v22 =	vadd.f32 v39, v2;
	v2 =	vadd.f32 v43, v20;
	v20 =	vunpack.i.l.bf16.f32 v38;
	v8 =	vld [tilespmem:s28+$0xFFFFFFF0]  }
0x4a3: {  	v6 =	vadd.f32 v6, v19;
	v42 =	vadd.f32 v20, v42;
	v19 =	vunpack.i.u.bf16.f32 v5;
	v39 =	vld [tilespmem:s29+$0xFFFFFFF0]  }
0x4a4: {  	v43 =	vmul.bf16 v25, v23;
	v5 =	vunpack.i.l.bf16.f32 v5;
	v20 =	vadd.f32 v19, v2;
	v12 =	vld.idx.msk [tilespmem:v12+s10+$0x0], $0xffff  }
0x4a5: {  	v23 =	vadd.f32 v31, v13;
	v19 =	vadd.f32 v5, v6;
	v5 =	vmul.bf16 v9, v40;
	v2 =	vld.idx.msk [tilespmem:v35+s10+$0x0], $0xffff  }
0x4a6: {  	v13 =	vadd.f32 v44, v28;
	v9 =	vunpack.i.l.bf16.f32 v48;
	v6 =	vunpack.i.l.bf16.f32 v43;
	v28 =	vld.idx.msk [tilespmem:v3+s10+$0x0], $0xffff  }
0x4a7: {  	v24 =	vadd.f32 v34, v24;
	v7 =	vmul.bf16 v7, v33;
	v25 =	vperm.xlane v8, v16;
	v35 =	vld.idx.msk [tilespmem:v29+s16+$0x0], $0xffff  }
0x4a8: {  	v30 =	vunpack.i.u.bf16.f32 v30;
	v33 =	vperm.xlane v8, v17;
	v29 =	vperm.xlane v39, v16;
	v3 =	vld.idx.msk [tilespmem:v3+s17+$0x0], $0xffff  }
0x4a9: {  	v26 =	vadd.f32 v30, v26;
	v31 =	vperm.xlane v8, v18;
	v8 =	vperm.xlane v8, v14  }
0x4aa: {  	v12 =	vmul.bf16 v12, v45;
	v44 =	vadd.s32 v0, v29;
	v29 =	vperm.xlane v39, v14  }
0x4ab: {  	v34 =	vperm.xlane v39, v18;
	v8 =	vadd.s32 v0, v8;
	v27 =	vmul.bf16 v2, v27;
	v30 =	vld [tilespmem:s28+$0x0]  }
0x4ac: {  	v2 =	vperm.xlane v39, v17;
	v50 =	vadd.s32 v0, v29;
	v29 =	vunpack.i.l.bf16.f32 v12;
	v45 =	vld.idx.msk [tilespmem:v1+s16+$0x0], $0xffff  }
0x4ad: {  	v47 =	vunpack.i.u.bf16.f32 v38;
	v49 =	vadd.s32 v0, v31;
	v39 =	vadd.s32 v0, v34;
	v55 =	vld.idx.msk [tilespmem:v1+s2+$0x0], $0xffff  }
0x4ae: {  	v31 =	vadd.s32 v0, v25;
	v38 =	vadd.s32 v0, v2;
	v2 =	vunpack.i.u.bf16.f32 v12;
	v48 =	vld [tilespmem:s29+$0x0]  }
0x4af: {  	v12 =	vunpack.i.u.bf16.f32 v5;
	v1 =	vunpack.i.u.bf16.f32 v43;
	v32 =	vadd.f32 v2, v32;
	v25 =	vld.idx.msk [tilespmem:v44+s17+$0x0], $0xffff  }
0x4b0: {  	v63 =	vunpack.i.l.bf16.f32 v27;
	v52 =	vadd.f32 v29, v4;
	v34 =	vld.idx.msk [tilespmem:v8+s2+$0x0], $0xffff;
	v2 =	vperm.xlane v30, v16  }
0x4b1: {  	v43 =	vadd.f32 v11, v10;
	v56 =	vperm.xlane v30, v14;
	v57 =	vperm.xlane v30, v17;
	v53 =	vld.idx.msk [tilespmem:v50+s17+$0x0], $0xffff  }
0x4b2: {  	v54 =	vadd.s32 v0, v33;
	v58 =	vmul.bf16 v41, v35;
	v40 =	vld.idx.msk [tilespmem:v49+s16+$0x0], $0xffff;
	v29 =	vadd.s32 v0, v2  }
0x4b3: {  	v10 =	vmul.bf16 v3, v45;
	v41 =	vadd.s32 v0, v57;
	v2 =	vmul.bf16 v28, v55;
	v4 =	vld.idx.msk [tilespmem:v31+s2+$0x0], $0xffff  }
0x4b4: {  	v33 =	vadd.s32 v0, v56;
	v3 =	vperm.xlane v48, v18;
	v45 =	vld.idx.msk [tilespmem:v49+s2+$0x0], $0xffff;
	v49 =	vunpack.i.l.bf16.f32 v58  }
.Ltmp19:
0x4b5: {  	v61 =	vunpack.i.l.bf16.f32 v7;
	v55 =	vunpack.i.l.bf16.f32 v5;
	v11 =	vunpack.i.u.bf16.f32 v10;
	v60 =	vld.idx.msk [tilespmem:v44+s10+$0x0], $0xffff;
	(pc) =	sbr.rel @p0 .LBB2_30-.Ltmp19, $4  }
0x4b6: {  	v5 =	vunpack.i.u.bf16.f32 v7;
	v26 =	vadd.f32 v11, v26;
	v59 =	vld.idx.msk [tilespmem:v8+s16+$0x0], $0xffff;
	v8 =	vperm.xlane v48, v17  }
0x4b7: {  	v51 =	vadd.f32 v6, v51;
	v62 =	vperm.xlane v48, v14;
	v46 =	vadd.f32 v5, v46;
	v44 =	vld.idx.msk [tilespmem:v54+s2+$0x0], $0xffff  }
0x4b8: {  	v37 =	vadd.f32 v9, v37;
	v57 =	vunpack.i.l.bf16.f32 v10;
	v5 =	vunpack.i.u.bf16.f32 v27;
	v56 =	vld.idx.msk [tilespmem:v39+s17+$0x0], $0xffff  }
0x4b9: {  	v42 =	vadd.f32 v63, v42;
	v28 =	vadd.f32 v12, v13;
	v35 =	vadd.s32 v0, v8;
	v27 =	vld.idx.msk [tilespmem:v41+s2+$0x0], $0xffff  }
0x4ba: {  	_ =	sdelay $0x3  }
0x4bb: {  	v6 =	vld.idx.msk [tilespmem:v50+s10+$0x0], $0xffff;
	v7 =	vadd.s32 v0, v62;
	v1 =	vadd.f32 v1, v21;
	v4 =	vmul.bf16 v60, v4  }
0x4bc: {  	v8 =	vld.idx.msk [tilespmem:v33+s2+$0x0], $0xffff;
	v9 =	vadd.f32 v61, v37;
	v10 =	vadd.f32 v47, v36;
	v11 =	vunpack.i.u.bf16.f32 v58  }
0x4bd: {  	v12 =	vld.idx.msk [tilespmem:v38+s17+$0x0], $0xffff;
	v13 =	vperm.xlane v48, v16;
	v3 =	vadd.s32 v0, v3;
	v48 =	vunpack.i.l.bf16.f32 v2  }
0x4be: {  	v63 =	vld.idx.msk [tilespmem:v39+s10+$0x0], $0xffff;
	v2 =	vunpack.i.u.bf16.f32 v2;
	v30 =	vperm.xlane v30, v18;
	v24 =	vadd.f32 v57, v24  }
0x4bf: {  	v50 =	vld.idx.msk [tilespmem:v38+s10+$0x0], $0xffff;
	v39 =	vmul.bf16 v53, v59;
	v2 =	vadd.f32 v2, v22;
	v23 =	vadd.f32 v48, v23  }
0x4c0: {  	v31 =	vld.idx.msk [tilespmem:v31+s16+$0x0], $0xffff;
	v62 =	vunpack.i.l.bf16.f32 v4;
	v13 =	vadd.s32 v0, v13;
	v1 =	vadd.f32 v11, v1  }
0x4c1: {  	v4 =	vunpack.i.u.bf16.f32 v4;
	v11 =	vadd.f32 v55, v43;
	v55 =	vadd.f32 v49, v51;
	v49 =	vld.idx.msk [tilespmem:v33+s16+$0x0], $0xffff  }
0x4c2: {  	v5 =	vadd.f32 v5, v10;
	v30 =	vadd.s32 v0, v30;
	v21 =	vadd.f32 v62, v52;
	v52 =	vld.idx.msk [tilespmem:v54+s16+$0x0], $0xffff  }
0x4c3: {  	v53 =	vunpack.i.u.bf16.f32 v39;
	v40 =	vmul.bf16 v56, v40;
	v56 =	vld.idx.msk [tilespmem:v29+s2+$0x0], $0xffff;
	v36 =	vmul.bf16 v63, v45  }
0x4c4: {  	v4 =	vadd.f32 v4, v32;
	v29 =	vld.idx.msk [tilespmem:v29+s16+$0x0], $0xffff;
	v37 =	vadd.f32 v53, v46;
	v6 =	vmul.bf16 v6, v34  }
0x4c5: {  	v54 =	vld.idx.msk [tilespmem:v7+s10+$0x0], $0xffff;
	v58 =	vunpack.i.l.bf16.f32 v40;
	v38 =	vmul.bf16 v50, v44;
	v59 =	vunpack.i.u.bf16.f32 v36  }
0x4c6: {  	v7 =	vld.idx.msk [tilespmem:v7+s17+$0x0], $0xffff;
	v60 =	vunpack.i.u.bf16.f32 v6;
	v36 =	vunpack.i.l.bf16.f32 v36;
	v6 =	vunpack.i.l.bf16.f32 v6  }
0x4c7: {  	v57 =	vld.idx.msk [tilespmem:v13+s10+$0x0], $0xffff;
	v61 =	vunpack.i.l.bf16.f32 v38;
	v12 =	vmul.bf16 v12, v52;
	v2 =	vadd.f32 v59, v2  }
0x4c8: {  	v62 =	vld.idx.msk [tilespmem:v3+s10+$0x0], $0xffff;
	v20 =	vadd.f32 v60, v20;
	v6 =	vadd.f32 v6, v19;
	v19 =	vmul.bf16 v25, v31  }
0x4c9: {  	v13 =	vld.idx.msk [tilespmem:v13+s17+$0x0], $0xffff;
	v22 =	vadd.f32 v61, v42;
	v23 =	vadd.f32 v36, v23;
	v44 =	vunpack.i.u.bf16.f32 v12  }
0x4ca: {  	v3 =	vld.idx.msk [tilespmem:v3+s17+$0x0], $0xffff;
	v8 =	vmul.bf16 v54, v8;
	v47 =	vunpack.i.l.bf16.f32 v19;
	v19 =	vunpack.i.u.bf16.f32 v19  }
0x4cb: {  	v31 =	vld.idx.msk [tilespmem:v30+s2+$0x0], $0xffff;
	v54 =	vunpack.i.u.bf16.f32 v40;
	v7 =	vmul.bf16 v7, v49;
	v50 =	vadd.f32 v47, v55  }
0x4cc: {  	v30 =	vld.idx.msk [tilespmem:v30+s16+$0x0], $0xffff;
	v63 =	vmul.bf16 v57, v56;
	v45 =	vunpack.i.u.bf16.f32 v8;
	v8 =	vunpack.i.l.bf16.f32 v8  }
0x4cd: {  	v10 =	vld.idx.msk [tilespmem:v35+s17+$0x0], $0xffff;
	v60 =	vunpack.i.l.bf16.f32 v7;
	v7 =	vunpack.i.u.bf16.f32 v7;
	v56 =	vadd.f32 v8, v6  }
0x4ce: {  	v34 =	vld.idx.msk [tilespmem:v41+s16+$0x0], $0xffff;
	v13 =	vmul.bf16 v13, v29;
	v7 =	vadd.f32 v7, v37;
	v25 =	vunpack.i.l.bf16.f32 v63  }
0x4cf: {  	v1 =	vadd.f32 v19, v1;
	v29 =	vld.idx.msk [tilespmem:v35+s10+$0x0], $0xffff;
	v48 =	vunpack.i.u.bf16.f32 v63;
	v21 =	vadd.f32 v25, v21;
	[tilespmem:s26+$0x12590] =	vst v56  }
0x4d0: {  	v31 =	vmul.bf16 v62, v31;
	v51 =	vunpack.i.l.bf16.f32 v13;
	v4 =	vadd.f32 v48, v4;
	[tilespmem:s26+$0x125C0] =	vst v7  }
0x4d1: {  	v3 =	vmul.bf16 v3, v30;
	v13 =	vunpack.i.u.bf16.f32 v13;
	v52 =	vadd.f32 v51, v50;
	[tilespmem:s26+$0x12510] =	vst v21  }
0x4d2: {  	v19 =	vadd.f32 v58, v24;
	v1 =	vadd.f32 v13, v1;
	v13 =	vunpack.i.u.bf16.f32 v31;
	[tilespmem:s26+$0x12530] =	vst v4  }
0x4d3: {  	v58 =	vmul.bf16 v10, v34;
	v55 =	vunpack.i.l.bf16.f32 v3;
	v2 =	vadd.f32 v13, v2;
	[tilespmem:s26+$0x12520] =	vst v52  }
0x4d4: {  	v13 =	vadd.f32 v55, v19;
	v19 =	vunpack.i.l.bf16.f32 v39;
	v4 =	vadd.f32 v54, v26;
	[tilespmem:s26+$0x12540] =	vst v1  }
0x4d5: {  	v3 =	vunpack.i.u.bf16.f32 v3;
	v1 =	vadd.f32 v45, v20;
	v57 =	vadd.f32 v19, v9;
	[tilespmem:s26+$0x12570] =	vst v2  }
0x4d6: {  	v53 =	vunpack.i.l.bf16.f32 v31;
	v59 =	vmul.bf16 v29, v27;
	[tilespmem:s26+$0x12560] =	vst v13;
	v3 =	vadd.f32 v3, v4  }
0x4d7: {  	v21 =	vadd.f32 v53, v23;
	v2 =	vunpack.i.l.bf16.f32 v12;
	v6 =	vadd.f32 v60, v57;
	[tilespmem:s26+$0x125B0] =	vst v1  }
0x4d8: {  	s25 =	sadd.s32 $0x1, s25;
	v61 =	vunpack.i.l.bf16.f32 v59;
	v1 =	vadd.f32 v2, v11;
	[tilespmem:s26+$0x12580] =	vst v3;
	v3 =	vunpack.i.u.bf16.f32 v38  }
0x4d9: {  	p0 =	sne.s32 s25, $0x4;
	v63 =	vunpack.i.l.bf16.f32 v58;
	[tilespmem:s26+$0x12550] =	vst v21;
	v4 =	vadd.f32 v61, v22;
	v3 =	vadd.f32 v3, v5  }
.Ltmp20:
0x4da: {  	v62 =	vadd.f32 v44, v28;
	v2 =	vunpack.i.u.bf16.f32 v59;
	[tilespmem:s26+$0x125A0] =	vst v6;
	v1 =	vadd.f32 v63, v1;
	(pc) =	sbr.rel @p0 .LBB2_17-.Ltmp20, $4  }
.Ltmp21:
0x4db: {  	[tilespmem:s26+$0x125D0] =	vst v4;
	v2 =	vadd.f32 v2, v3;
	v3 =	vunpack.i.u.bf16.f32 v58;
	(pc) =	sbr.rel @!p0 .LBB2_32-.Ltmp21, $4  }
0x4dc: {  	[tilespmem:s26+$0x125E0] =	vst v1;
	v3 =	vadd.f32 v3, v62  }
0x4dd: {  	v18 =	vimm.s32 $0xE;
	v14 =	vimm.s32 $0xF;
	v28 =	vld [tilespmem:$0x1FFF0];
	[tilespmem:s26+$0x125F0] =	vst v2  }
0x4de: {  	v17 =	vimm.s32 $0x1;
	v16 =	vimm.s32 $0x3;
	v13 =	vimm.s32 $0x2;
	[tilespmem:s26+$0x12600] =	vst v3  }
0x4df: {  	_ = 	snop  }
.LBB2_20:
.Ltmp22:
0x4e0: {  	(pc) =	sbr.rel .LBB2_25-.Ltmp22, $4  }
0x4e1: {  	v46 =	vimm.f32 $0.0e+00  }
0x4e2: {  	v43 =	vimm.f32 $0.0e+00;
	v49 =	vimm.f32 $0.0e+00;
	v57 =	vimm.f32 $0.0e+00  }
0x4e3: {  	v37 =	vimm.f32 $0.0e+00;
	v22 =	vimm.f32 $0.0e+00;
	v23 =	vimm.f32 $0.0e+00  }
0x4e4: {  	v51 =	vimm.f32 $0.0e+00;
	v34 =	vimm.f32 $0.0e+00;
	v32 =	vimm.f32 $0.0e+00  }
.LBB2_22:
.Ltmp23:
0x4e5: {  	(pc) =	sbr.rel .LBB2_25-.Ltmp23, $2  }
0x4e6: {  	_ =	sdelay $0x2  }
0x4e7: {  	v46 =	vimm.f32 $0.0e+00;
	v43 =	vimm.f32 $0.0e+00;
	v17 =	vimm.s32 $0x1  }
.LBB2_33:
0x4e8: {  	_ =	sfence.sel $0x180000  }
0x4e9: {  	[bflag:$0x0] =	sbarrier.arrive $0xFFFF  }
0x4ea: {  	_ =	strace $0x90000047  }
0x4eb: {  	s0 =	stileid.u32;
	[bflag:$0x2] =	sbarrier.arrive $0xFFFF  }
0x4ec: {  	p0 =	sne.s32 s0, $0x0;
	s0 =	rddreg [dreg:$0x2]  }
0x4ed: {  	s0 =	sadd.s32 @!p0 $0x100000, s0  }
0x4ee: {  	[sflag:s0] =	ssyncadd.tile.s32 @!p0 $0x1;
	_ =	shalt  }
.Lfunc_end2:
_tile_overlayer_lowered:
.L_overlay_start_2:
0x4ef: {  	(tag) =	ssettag $0x2  }
0x4f0: {  	s0 =	rddreg [dreg:$0x0];
	s2 =	stileid.u32  }
0x4f1: {  	s1 =	rddreg [dreg:$0x1];
	p0 =	sne.s32 s2, $0x0  }
0x4f2: {  	s3 =	rddreg [dreg:$0x2];
	[bflag:$0x3] =	sbarrier.arrive $0xFFFF;
	s2 =	simm.s32 @!p0 $0x1C07  }
0x4f3: {  	[timem:s3], [sflag:s2] =	dma.local @!p0 [hbm:s0], s1  }
0x4f4: {  	s0 =	simm.s32 @!p0 $0x7  }
0x4f5: {  	_ =	swait.ge @!p0 [sflag:s0], s1  }
0x4f6: {  	s1 =	ssub.s32 @!p0 $0x0, s1;
	[sflag:s0] =	ssyncset.done @!p0 $0x0  }
0x4f7: {  	[sflag:s0] =	ssyncadd.s32 @!p0 s1  }
0x4f8: {  	[bflag:$0x3] =	sbarrier.arrive $0xFFFF  }
0x4f9: {  	_ =	shalt  }

</sc_bundles>
